<compile_context>
chip_gen: v7x
topology: tpu7x:2x2x1
jax: 0.10.2.dev20260603
libtpu: 0.0.44.dev20260713+nightly
codegen_flags: <defaults>
</compile_context>

<pallas_src>
import functools

import jax
import jax.numpy as jnp
from jax import lax
from jax.experimental import pallas as pl
from jax.experimental.pallas import tpu as pltpu
from jax.experimental.pallas import tpu_sc as plsc

N_NODES = 10000
IN_CH = 128
D = 64
AW = 72
HSW = 40
NP = 10240
EB = 128
NBLK = 82
WPE = EB * NBLK
NW = 32
EP = WPE * NW
RPT = NP // 16

_PERM = [32 * j + 2 * m + o for j in (0, 1) for o in (0, 1) for m in range(16)]


def _leaky(v):
    return jnp.maximum(v, 0.2 * v)



def _packpair(lo, hi):
    ul = jax.lax.bitcast_convert_type(lo, jnp.int32)
    uh = jax.lax.bitcast_convert_type(hi, jnp.int32)
    rl = jax.lax.shift_right_logical(ul + 0x7FFF + ((ul >> 16) & 1), 16)
    rh = (uh + 0x7FFF + ((uh >> 16) & 1)) & jnp.int32(-65536)
    return jax.lax.bitcast_convert_type(rl | rh, jnp.float32)


def _emit_tables(h, a_s, a_d):
    packed = _packpair(h[:, 0:32], h[:, 32:64])
    hs = jnp.concatenate([packed, a_s[:, 0:8]], axis=1)
    adp = _packpair(a_d[:, 0:4], a_d[:, 4:8])
    return hs, adp


def _tc_pre_body(x_ref, w_ref, ams_ref, amd_ref, hs_ref, adp_ref, m_ref):
    h = jnp.dot(x_ref[...], w_ref[...], preferred_element_type=jnp.float32)
    a_s = jnp.dot(h, ams_ref[...], preferred_element_type=jnp.float32)
    a_d = jnp.dot(h, amd_ref[...], preferred_element_type=jnp.float32)
    hs, adp = _emit_tables(h, a_s, a_d)
    zrows = NP - N_NODES
    hs_ref[...] = jnp.concatenate(
        [hs, jnp.zeros((zrows, HSW), jnp.float32)], axis=0)
    adp_ref[...] = jnp.concatenate(
        [adp, jnp.zeros((zrows, 4), jnp.float32)], axis=0)
    m_ref[...] = _leaky(a_s.max(axis=0) + a_d.max(axis=0)).reshape(1, 16)


def _tc_mid_body(a_ref, b_ref, rep_ref, w_ref, ams_ref, amd_ref,
                 hs_ref, adp_ref, m_ref):
    s = a_ref[0, :, 0:D] + a_ref[1, :, 0:D]
    dp = a_ref[0, :, D:D + 8] + a_ref[1, :, D:D + 8]
    d64 = jnp.dot(dp, rep_ref[...], preferred_element_type=jnp.float32) + 1e-16
    x2 = s / d64 + b_ref[...]
    x2 = jnp.where(x2 > 0, x2, jnp.exp(jnp.minimum(x2, 0.0)) - 1.0)
    h = jnp.dot(x2, w_ref[...], preferred_element_type=jnp.float32)
    a_s = jnp.dot(h, ams_ref[...], preferred_element_type=jnp.float32)
    a_d = jnp.dot(h, amd_ref[...], preferred_element_type=jnp.float32)
    hs, adp = _emit_tables(h, a_s, a_d)
    hs_ref[...] = hs
    adp_ref[...] = adp
    m_ref[...] = _leaky(a_s.max(axis=0) + a_d.max(axis=0)).reshape(1, 16)


def _tc_post_body(a_ref, b_ref, up_ref, o_ref):
    s = a_ref[0, :, 0:D] + a_ref[1, :, 0:D]
    dp = a_ref[0, :, D:D + 1] + a_ref[1, :, D:D + 1]
    o = s / (dp + 1e-16) + b_ref[...]
    z = o - jnp.max(o, axis=1, keepdims=True)
    z = z - jnp.log(jnp.sum(jnp.exp(z), axis=1, keepdims=True))
    res = jnp.dot(z, up_ref[...], preferred_element_type=jnp.float32)
    o_ref[...] = res[0:N_NODES, :]


def _tc_pre(x, W, ams16, amd16):
    return pl.pallas_call(
        _tc_pre_body,
        out_shape=(
            jax.ShapeDtypeStruct((NP, HSW), jnp.float32),
            jax.ShapeDtypeStruct((NP, 4), jnp.float32),
            jax.ShapeDtypeStruct((1, 16), jnp.float32),
        ),
    )(x, W, ams16, amd16)


def _tc_mid(acc, b, rep, W, ams16, amd16):
    return pl.pallas_call(
        _tc_mid_body,
        out_shape=(
            jax.ShapeDtypeStruct((NP, HSW), jnp.float32),
            jax.ShapeDtypeStruct((NP, 4), jnp.float32),
            jax.ShapeDtypeStruct((1, 16), jnp.float32),
        ),
    )(acc, b, rep, W, ams16, amd16)


def _tc_post(acc, b, up):
    return pl.pallas_call(
        _tc_post_body,
        out_shape=jax.ShapeDtypeStruct((N_NODES, D), jnp.float32),
    )(acc, b, up)



def _sc_body(hs_hbm, ad_hbm, m_hbm, src_hbm, dst_hbm, acc_hbm,
             sidx, didx, adt, hsr, mb, mv, zb, acc_s, gsem, ssem):
    core = lax.axis_index("c")
    sub = lax.axis_index("s")
    wid = sub * 2 + core
    zvec = jnp.zeros((16,), jnp.float32)

    pltpu.async_copy(m_hbm, mv, ssem)
    pltpu.async_copy(ad_hbm, adt, ssem)
    pltpu.async_copy(src_hbm.at[pl.ds(wid * NBLK, NBLK)], sidx, ssem)

    def zfill(r, _):
        for c in (0, 16, 32, 48, 56):
            zb[r, pl.ds(c, 16)] = zvec
        return 0
    lax.fori_loop(0, 32, zfill, 0)

    rbase = sub * RPT

    def zcopy(g, _):
        pltpu.async_copy(zb, acc_s.at[pl.ds(rbase + 32 * g, 32)], gsem)
        return 0
    lax.fori_loop(0, RPT // 32, zcopy, 0)

    def zdrain(g, _):
        pltpu.make_async_copy(zb, acc_s.at[pl.ds(rbase, 32)], gsem).wait()
        return 0
    lax.fori_loop(0, RPT // 32, zdrain, 0)
    pltpu.make_async_copy(m_hbm, mv, ssem).wait()
    pltpu.make_async_copy(ad_hbm, adt, ssem).wait()
    pltpu.make_async_copy(src_hbm.at[pl.ds(0, NBLK)], sidx, ssem).wait()
    plsc.subcore_barrier()

    mvec = mv[...]
    it = lax.broadcasted_iota(jnp.int32, (16,), 0)
    it4 = it // 4
    it3 = it & 3
    ma = jnp.take_along_axis(mvec, it3, axis=0)
    mb4 = jnp.take_along_axis(mvec, it3 + 4, axis=0)

    def issue_gather(g, buf, buf3):
        pltpu.async_copy(dst_hbm.at[wid * NBLK + g], didx.at[buf3], gsem)
        pltpu.async_copy(hs_hbm.at[sidx.at[g]], hsr.at[buf], gsem)

    def wait_gather(buf, buf3):
        pltpu.make_async_copy(dst_hbm.at[0], didx.at[buf3], gsem).wait()
        pltpu.make_async_copy(hs_hbm.at[sidx.at[0]], hsr.at[buf], gsem).wait()

    def wait_scatter(buf):
        pltpu.make_async_copy(acc_hbm.at[0, pl.ds(0, EB)], mb.at[buf],
                              ssem).wait()

    issue_gather(0, 0, 0)

    def blk(g, _):
        cur = lax.rem(g, 2)
        nxt = lax.rem(g + 1, 2)
        cur3 = lax.rem(g, 3)
        nxt3 = lax.rem(g + 1, 3)
        wait_gather(cur, cur3)

        @pl.when(g >= 2)
        def _():
            wait_scatter(cur)

        @pl.when(g + 1 < NBLK)
        def _():
            issue_gather(g + 1, nxt, nxt3)

        bi = it - it + cur

        def grp(gi, _):
            dvec = didx[cur3, pl.ds(16 * gi, 16)]
            for m in range(4):
                rows = 16 * gi + 4 * m + it4
                asl = plsc.load_gather(hsr, [bi, rows, 32 + it3])
                ash = plsc.load_gather(hsr, [bi, rows, 36 + it3])
                drow = jnp.take_along_axis(dvec, 4 * m + it4, axis=0)
                wv = plsc.load_gather(
                    adt, [drow >> 1, (drow & 1) * 4 + it3])
                adl, adh = plsc.unpack(plsc.bitcast(wv, jnp.bfloat16),
                                       format=plsc.PackFormat.INTERLEAVED)
                sa = asl + adl
                sb = ash + adh
                pa = jnp.exp(jnp.maximum(sa, 0.2 * sa) - ma)
                pb = jnp.exp(jnp.maximum(sb, 0.2 * sb) - mb4)
                plsc.store_scatter(mb, [bi, rows, D + it3], pa)
                plsc.store_scatter(mb, [bi, rows, D + 4 + it3], pb)
                for ii in range(4):
                    i = 16 * gi + 4 * m + ii
                    for j in range(2):
                        w = hsr[cur, i, pl.ds(16 * j, 16)]
                        hv = plsc.bitcast(w, jnp.bfloat16)
                        av, bv = plsc.unpack(
                            hv, format=plsc.PackFormat.INTERLEAVED)
                        pj = jnp.take_along_axis(pa if j == 0 else pb,
                                                 4 * ii + it4, axis=0)
                        mb[cur, i, pl.ds(32 * j, 16)] = av * pj
                        mb[cur, i, pl.ds(32 * j + 16, 16)] = bv * pj
            return 0
        lax.fori_loop(0, EB // 16, grp, 0)

        pltpu.async_copy(mb.at[cur], acc_s.at[didx.at[cur3]], ssem, add=True)
        return 0
    lax.fori_loop(0, NBLK, blk, 0)

    wait_scatter(0)
    wait_scatter(1)
    plsc.subcore_barrier()

    pltpu.sync_copy(acc_s.at[pl.ds(rbase, RPT)],
                    acc_hbm.at[core, pl.ds(rbase, RPT)])


def _sc_edge_pass(hs, ad16, m16, src2d, dst2d):
    mesh = plsc.VectorSubcoreMesh(core_axis_name="c", subcore_axis_name="s",
                                  num_cores=2, num_subcores=16)
    f = functools.partial(
        pl.kernel,
        out_type=jax.ShapeDtypeStruct((2, NP, AW), jnp.float32),
        mesh=mesh,
        compiler_params=pltpu.CompilerParams(
            use_tc_tiling_on_sc=False, needs_layout_passes=False),
        scratch_types=[
            pltpu.VMEM((NBLK, EB), jnp.int32),
            pltpu.VMEM((3, EB), jnp.int32),
            pltpu.VMEM((NP // 2, 8), jnp.float32),
            pltpu.VMEM((2, EB, HSW), jnp.float32),
            pltpu.VMEM((2, EB, AW), jnp.float32),
            pltpu.VMEM((16,), jnp.float32),
            pltpu.VMEM((32, AW), jnp.float32),
            pltpu.VMEM_SHARED((NP, AW), jnp.float32),
            pltpu.SemaphoreType.DMA,
            pltpu.SemaphoreType.DMA,
        ],
    )(_sc_body)
    return f(hs, ad16, m16, src2d, dst2d)



def _attmat16(att, heads, feat):
    d = heads * feat
    rows = jnp.arange(d)
    if heads == 8:
        base = jnp.zeros((d, 8), jnp.float32).at[
            rows, rows // feat].set(att.reshape(d))
    else:
        base = att.reshape(d, 1) * jnp.ones((1, 8), jnp.float32)
    return jnp.concatenate([base, base], axis=1)


_EPERM = [2 * m for m in range(32)] + [2 * m + 1 for m in range(32)]


def kernel(x, edge_index, edge_weight, W1, att_src1, att_dst1, b1,
           W2, att_src2, att_dst2, b2):
    n = x.shape[0]
    loop = jnp.arange(n, dtype=edge_index.dtype)
    npad = EP - edge_index.shape[1] - n
    padv = jnp.full((npad,), n, edge_index.dtype)
    src2d = jnp.concatenate([edge_index[0], loop, padv]).reshape(-1, EB)
    dst2d = jnp.concatenate([edge_index[1], loop, padv]).reshape(-1, EB)

    perm = jnp.array(_PERM, jnp.int32)
    eperm = jnp.array(_EPERM, jnp.int32)
    w1e = W1[:, eperm]
    ams1 = _attmat16(att_src1, 8, 8)[eperm, :]
    amd1 = _attmat16(att_dst1, 8, 8)[eperm, :]
    ams2 = _attmat16(att_src2, 1, 64)[eperm, :]
    amd2 = _attmat16(att_dst2, 1, 64)[eperm, :]
    rep8p = jnp.zeros((8, D), jnp.float32).at[perm // 8, jnp.arange(D)].set(1.0)
    up = jnp.zeros((D, D), jnp.float32).at[jnp.arange(D), perm].set(1.0)
    b1p = b1[perm].reshape(1, D)
    b2p = b2[perm].reshape(1, D)
    w2pe = W2[perm, :][:, eperm]

    hs1, adp1, m1 = _tc_pre(x, w1e, ams1, amd1)
    acc1 = _sc_edge_pass(hs1, adp1.reshape(NP // 2, 8), m1.reshape(16),
                         src2d, dst2d)
    hs2, adp2, m2 = _tc_mid(acc1, b1p, rep8p, w2pe, ams2, amd2)
    acc2 = _sc_edge_pass(hs2, adp2.reshape(NP // 2, 8), m2.reshape(16),
                         src2d, dst2d)
    return _tc_post(acc2, b2p, up)

# --- scband reference (transcript-rebuilt; emitter-appended) ---
"""Pipeline reference for scband-gat-10471130267749 (READ-ONLY COPY).

The authoritative reference and input builder live on the scoring server;
editing this copy changes nothing except your own understanding.
"""

import jax, jax.numpy as jnp
import numpy as np

N = 10000
E = 320000
IN_CH = 128
OUT_CH = 64
H1 = 8
F1 = 8


def setup_inputs(seed: int = 0):
    key = jax.random.key(seed)
    ks = jax.random.split(key, 12)
    x = jax.random.normal(ks[0], (N, IN_CH), dtype=jnp.float32)
    edge_index = jax.random.randint(ks[1], (2, E), 0, N, dtype=jnp.int32)
    edge_weight = jax.random.uniform(ks[2], (E,), dtype=jnp.float32)
    W1 = jax.random.normal(ks[3], (IN_CH, H1 * F1), dtype=jnp.float32) * 0.1
    att_src1 = jax.random.normal(ks[4], (H1, F1), dtype=jnp.float32) * 0.1
    att_dst1 = jax.random.normal(ks[5], (H1, F1), dtype=jnp.float32) * 0.1
    b1 = jnp.zeros((H1 * F1,), dtype=jnp.float32)
    W2 = jax.random.normal(ks[6], (H1 * F1, OUT_CH), dtype=jnp.float32) * 0.1
    att_src2 = jax.random.normal(ks[7], (1, OUT_CH), dtype=jnp.float32) * 0.1
    att_dst2 = jax.random.normal(ks[8], (1, OUT_CH), dtype=jnp.float32) * 0.1
    b2 = jnp.zeros((OUT_CH,), dtype=jnp.float32)
    return {"x": x, "edge_index": edge_index, "edge_weight": edge_weight,
            "W1": W1, "att_src1": att_src1, "att_dst1": att_dst1, "b1": b1,
            "W2": W2, "att_src2": att_src2, "att_dst2": att_dst2, "b2": b2}


def gat_conv(x, src, dst, W, a_src, a_dst, b, heads, out_ch, concat, n):
    # Linear transform, reshape to [N, H, F']
    h = (x @ W).reshape(n, heads, out_ch)
    # Per-node attention logits
    alpha_src = (h * a_src[None, :, :]).sum(-1)  # [N, H]
    alpha_dst = (h * a_dst[None, :, :]).sum(-1)  # [N, H]
    # Edge logits: message flows src -> dst, softmax grouped by dst
    e = alpha_src[src] + alpha_dst[dst]          # [E, H]
    e = jax.nn.leaky_relu(e, 0.2)
    e_max = jax.lax.stop_gradient(jax.ops.segment_max(e, dst, num_segments=n))
    e_max = jnp.where(jnp.isfinite(e_max), e_max, 0.0)
    e_exp = jnp.exp(e - e_max[dst])
    denom = jax.ops.segment_sum(e_exp, dst, num_segments=n)
    alpha = e_exp / (denom[dst] + 1e-16)
    # Weighted aggregation (attention dropout is identity at eval)
    msg = h[src] * alpha[:, :, None]             # [E, H, F']
    out = jax.ops.segment_sum(msg, dst, num_segments=n)  # [N, H, F']
    if concat:
        out = out.reshape(n, heads * out_ch)
    else:
        out = out.mean(axis=1)
    return out + b


def reference(x, edge_index, edge_weight, W1, att_src1, att_dst1, b1, W2, att_src2, att_dst2, b2):
    # Eval mode: F.dropout is identity. edge_weight is accepted but unused by the
    # original forward (GATConv is called with (x, edge_index) only).
    n = x.shape[0]
    loop = jnp.arange(n, dtype=edge_index.dtype)
    src = jnp.concatenate([edge_index[0], loop])  # add_self_loops=True (PyG default)
    dst = jnp.concatenate([edge_index[1], loop])
    h1 = gat_conv(x, src, dst, W1, att_src1, att_dst1, b1, H1, F1, True, n)
    h1 = jax.nn.elu(h1)
    out = gat_conv(h1, src, dst, W2, att_src2, att_dst2, b2, 1, OUT_CH, False, n)
    return jax.nn.log_softmax(out, axis=-1)

if __name__ == "__main__":
    import jax
    _d = setup_inputs()
    print(jax.jit(kernel)(*tuple(_d.values())))

</pallas_src>

<mosaic_0001>
#map = affine_map<(d0, d1) -> (0, 0)>
#map1 = affine_map<(d0, d1) -> (0)>
#map2 = affine_map<(d0, d1) -> (0, 0, 0)>
module attributes {stable_mosaic.version = 14 : i64} {
  func.func @_sc_body(%arg0: i32, %arg1: i32, %arg2: memref<10240x40xf32, #tpu.memory_space<hbm>>, %arg3: memref<5120x8xf32, #tpu.memory_space<hbm>>, %arg4: memref<16xf32, #tpu.memory_space<hbm>>, %arg5: memref<2624x128xi32, #tpu.memory_space<hbm>>, %arg6: memref<2624x128xi32, #tpu.memory_space<hbm>>, %arg7: memref<2x10240x72xf32, #tpu.memory_space<hbm>>, %arg8: memref<82x128xi32, #tpu.memory_space<vmem>>, %arg9: memref<3x128xi32, #tpu.memory_space<vmem>>, %arg10: memref<5120x8xf32, #tpu.memory_space<vmem>>, %arg11: memref<2x128x40xf32, #tpu.memory_space<vmem>>, %arg12: memref<2x128x72xf32, #tpu.memory_space<vmem>>, %arg13: memref<16xf32, #tpu.memory_space<vmem>>, %arg14: memref<32x72xf32, #tpu.memory_space<vmem>>, %arg15: memref<10240x72xf32, #tpu.memory_space<vmem_shared>>, %arg16: memref<!tpu.dma_semaphore, #tpu.memory_space<semaphore_mem>>, %arg17: memref<!tpu.dma_semaphore, #tpu.memory_space<semaphore_mem>>) attributes {dimension_semantics = [#tpu.dimension_semantics<core_parallel>, #tpu.dimension_semantics<subcore_parallel>], iteration_bounds = array<i64: 2, 16>, scalar_prefetch = 0 : i64, scratch_operands = 10 : i64, tpu.core_type = #tpu.core_type<sc_vector_subcore>, window_params = [{transform_indices = #map}, {transform_indices = #map}, {transform_indices = #map1}, {transform_indices = #map}, {transform_indices = #map}, {transform_indices = #map2}]} {
    %mul3A = arith.constant 2 : i32
    %mul3A_0 = arith.muli %arg1, %mul3A : i32
    %add3A = arith.addi %mul3A_0, %arg0 : i32
    %broadcast_in_dim3A = arith.constant 0.000000e+00 : f32
    %broadcast_in_dim3A_1 = vector.broadcast %broadcast_in_dim3A : f32 to vector<16xf32>
    tpu.enqueue_dma source(%arg4 : memref<16xf32, #tpu.memory_space<hbm>>) target(%arg13 : memref<16xf32, #tpu.memory_space<vmem>>) target_semaphore(%arg17 : memref<!tpu.dma_semaphore, #tpu.memory_space<semaphore_mem>>)
    tpu.enqueue_dma source(%arg3 : memref<5120x8xf32, #tpu.memory_space<hbm>>) target(%arg10 : memref<5120x8xf32, #tpu.memory_space<vmem>>) target_semaphore(%arg17 : memref<!tpu.dma_semaphore, #tpu.memory_space<semaphore_mem>>)
    %mul3A_2 = arith.constant 82 : i32
    %mul3A_3 = arith.muli %add3A, %mul3A_2 : i32
    %dma_start3A = arith.constant 0 : i32
    %dma_start3A_4 = tpu.memref_slice %arg5[%mul3A_3, %dma_start3A] : memref<2624x128xi32, #tpu.memory_space<hbm>> -> memref<82x128xi32, #tpu.memory_space<hbm>>
    %dma_start3A_5 = arith.constant 0 : i32
    %dma_start3A_6 = tpu.memref_slice %arg5[%mul3A_3, %dma_start3A_5] : memref<2624x128xi32, #tpu.memory_space<hbm>> -> memref<82x128xi32, #tpu.memory_space<hbm>>
    tpu.enqueue_dma source(%dma_start3A_6 : memref<82x128xi32, #tpu.memory_space<hbm>>) target(%arg8 : memref<82x128xi32, #tpu.memory_space<vmem>>) target_semaphore(%arg17 : memref<!tpu.dma_semaphore, #tpu.memory_space<semaphore_mem>>)
    %scan3A = arith.constant 0 : i32
    %scan3A_7 = arith.constant 0 : i32
    %scan3A_8 = arith.constant 32 : i32
    %scan3A_9 = arith.addi %scan3A_7, %scan3A_8 : i32
    %scan3A_10 = arith.constant 1 : i32
    %scan3A_11 = scf.for %scan3A_154 = %scan3A_7 to %scan3A_9 step %scan3A_10 iter_args(%scan3A_155 = %scan3A) -> (i32)  : i32 {
      %swap3A = arith.index_cast %scan3A_154 : i32 to index
      %swap3A_156 = arith.constant 0 : index
      %swap3A_157 = tpu.vector_load %arg14[%swap3A, %swap3A_156] {strides = array<i32>} : memref<32x72xf32, #tpu.memory_space<vmem>>, vector<16xf32>,
      tpu.vector_store %arg14[%swap3A, %swap3A_156], %broadcast_in_dim3A_1 {strides = array<i32>} : memref<32x72xf32, #tpu.memory_space<vmem>>, vector<16xf32>,
      %swap3A_158 = arith.index_cast %scan3A_154 : i32 to index
      %swap3A_159 = arith.constant 16 : index
      %swap3A_160 = tpu.vector_load %arg14[%swap3A_158, %swap3A_159] {strides = array<i32>} : memref<32x72xf32, #tpu.memory_space<vmem>>, vector<16xf32>,
      tpu.vector_store %arg14[%swap3A_158, %swap3A_159], %broadcast_in_dim3A_1 {strides = array<i32>} : memref<32x72xf32, #tpu.memory_space<vmem>>, vector<16xf32>,
      %swap3A_161 = arith.index_cast %scan3A_154 : i32 to index
      %swap3A_162 = arith.constant 32 : index
      %swap3A_163 = tpu.vector_load %arg14[%swap3A_161, %swap3A_162] {strides = array<i32>} : memref<32x72xf32, #tpu.memory_space<vmem>>, vector<16xf32>,
      tpu.vector_store %arg14[%swap3A_161, %swap3A_162], %broadcast_in_dim3A_1 {strides = array<i32>} : memref<32x72xf32, #tpu.memory_space<vmem>>, vector<16xf32>,
      %swap3A_164 = arith.index_cast %scan3A_154 : i32 to index
      %swap3A_165 = arith.constant 48 : index
      %swap3A_166 = tpu.vector_load %arg14[%swap3A_164, %swap3A_165] {strides = array<i32>} : memref<32x72xf32, #tpu.memory_space<vmem>>, vector<16xf32>,
      tpu.vector_store %arg14[%swap3A_164, %swap3A_165], %broadcast_in_dim3A_1 {strides = array<i32>} : memref<32x72xf32, #tpu.memory_space<vmem>>, vector<16xf32>,
      %swap3A_167 = arith.index_cast %scan3A_154 : i32 to index
      %swap3A_168 = arith.constant 56 : index
      %swap3A_169 = tpu.vector_load %arg14[%swap3A_167, %swap3A_168] {strides = array<i32>} : memref<32x72xf32, #tpu.memory_space<vmem>>, vector<16xf32>,
      tpu.vector_store %arg14[%swap3A_167, %swap3A_168], %broadcast_in_dim3A_1 {strides = array<i32>} : memref<32x72xf32, #tpu.memory_space<vmem>>, vector<16xf32>,
      %scan3A_170 = arith.constant 0 : i32
      scf.yield %scan3A_170 : i32
    }
    %scan3A_12 = arith.constant 32 : i32
    %mul3A_13 = arith.constant 640 : i32
    %mul3A_14 = arith.muli %arg1, %mul3A_13 : i32
    %scan3A_15 = arith.constant 0 : i32
    %scan3A_16 = arith.constant 0 : i32
    %scan3A_17 = arith.constant 20 : i32
    %scan3A_18 = arith.addi %scan3A_16, %scan3A_17 : i32
    %scan3A_19 = arith.constant 1 : i32
    %scan3A_20 = scf.for %scan3A_154 = %scan3A_16 to %scan3A_18 step %scan3A_19 iter_args(%scan3A_155 = %scan3A_15) -> (i32)  : i32 {
      %mul3A_156 = arith.constant 32 : i32
      %mul3A_157 = arith.muli %mul3A_156, %scan3A_154 : i32
      %add3A_158 = arith.addi %mul3A_14, %mul3A_157 : i32
      %dma_start3A_159 = arith.constant 0 : i32
      %dma_start3A_160 = tpu.memref_slice %arg15[%add3A_158, %dma_start3A_159] : memref<10240x72xf32, #tpu.memory_space<vmem_shared>> -> memref<32x72xf32, #tpu.memory_space<vmem_shared>>
      %dma_start3A_161 = arith.constant 0 : i32
      %dma_start3A_162 = tpu.memref_slice %arg15[%add3A_158, %dma_start3A_161] : memref<10240x72xf32, #tpu.memory_space<vmem_shared>> -> memref<32x72xf32, #tpu.memory_space<vmem_shared>>
      tpu.enqueue_dma source(%arg14 : memref<32x72xf32, #tpu.memory_space<vmem>>) target(%dma_start3A_162 : memref<32x72xf32, #tpu.memory_space<vmem_shared>>) target_semaphore(%arg16 : memref<!tpu.dma_semaphore, #tpu.memory_space<semaphore_mem>>)
      %scan3A_163 = arith.constant 0 : i32
      scf.yield %scan3A_163 : i32
    }
    %scan3A_21 = arith.constant 20 : i32
    %scan3A_22 = arith.constant 0 : i32
    %scan3A_23 = arith.constant 0 : i32
    %scan3A_24 = arith.constant 20 : i32
    %scan3A_25 = arith.addi %scan3A_23, %scan3A_24 : i32
    %scan3A_26 = arith.constant 1 : i32
    %scan3A_27 = scf.for %scan3A_154 = %scan3A_23 to %scan3A_25 step %scan3A_26 iter_args(%scan3A_155 = %scan3A_22) -> (i32)  : i32 {
      %dma_wait3A_156 = arith.constant 0 : i32
      %dma_wait3A_157 = tpu.memref_slice %arg15[%mul3A_14, %dma_wait3A_156] : memref<10240x72xf32, #tpu.memory_space<vmem_shared>> -> memref<32x72xf32, #tpu.memory_space<vmem_shared>>
      %dma_wait3A_158 = arith.constant 0 : i32
      %dma_wait3A_159 = tpu.memref_slice %arg15[%mul3A_14, %dma_wait3A_158] : memref<10240x72xf32, #tpu.memory_space<vmem_shared>> -> memref<32x72xf32, #tpu.memory_space<vmem_shared>>
      tpu.wait_dma2 semaphore(%arg16 : memref<!tpu.dma_semaphore, #tpu.memory_space<semaphore_mem>>) src(%arg14 : memref<32x72xf32, #tpu.memory_space<vmem>>) dst(%dma_wait3A_159 : memref<32x72xf32, #tpu.memory_space<vmem_shared>>)
      %scan3A_160 = arith.constant 0 : i32
      scf.yield %scan3A_160 : i32
    }
    %scan3A_28 = arith.constant 20 : i32
    tpu.wait_dma2 semaphore(%arg17 : memref<!tpu.dma_semaphore, #tpu.memory_space<semaphore_mem>>) src(%arg4 : memref<16xf32, #tpu.memory_space<hbm>>) dst(%arg13 : memref<16xf32, #tpu.memory_space<vmem>>)
    tpu.wait_dma2 semaphore(%arg17 : memref<!tpu.dma_semaphore, #tpu.memory_space<semaphore_mem>>) src(%arg3 : memref<5120x8xf32, #tpu.memory_space<hbm>>) dst(%arg10 : memref<5120x8xf32, #tpu.memory_space<vmem>>)
    %dma_wait3A = arith.constant 0 : i32
    %dma_wait3A_29 = arith.constant 0 : i32
    %dma_wait3A_30 = tpu.memref_slice %arg5[%dma_wait3A, %dma_wait3A_29] : memref<2624x128xi32, #tpu.memory_space<hbm>> -> memref<82x128xi32, #tpu.memory_space<hbm>>
    %dma_wait3A_31 = arith.constant 0 : i32
    %dma_wait3A_32 = arith.constant 0 : i32
    %dma_wait3A_33 = tpu.memref_slice %arg5[%dma_wait3A_31, %dma_wait3A_32] : memref<2624x128xi32, #tpu.memory_space<hbm>> -> memref<82x128xi32, #tpu.memory_space<hbm>>
    tpu.wait_dma2 semaphore(%arg17 : memref<!tpu.dma_semaphore, #tpu.memory_space<semaphore_mem>>) src(%dma_wait3A_33 : memref<82x128xi32, #tpu.memory_space<hbm>>) dst(%arg8 : memref<82x128xi32, #tpu.memory_space<vmem>>)
    %barrier3A = arith.constant 0 : index
    tpu.barrier barrier_id(%barrier3A)
    %get3A = arith.constant 0 : index
    %get3A_34 = tpu.vector_load %arg13[%get3A] {strides = array<i32>} : memref<16xf32, #tpu.memory_space<vmem>>, vector<16xf32>,
    %iota3A = tpu.iota {dimensions = array<i32: 0>} : vector<16xi32>
    %jit3A = arith.constant 4 : i32
    %div3A = vector.broadcast %jit3A : i32 to vector<16xi32>
    %div3A_35 = arith.divsi %iota3A, %div3A : vector<16xi32>
    %sign3A = arith.constant 0 : i32
    %sign3A_36 = vector.broadcast %sign3A : i32 to vector<16xi32>
    %sign3A_37 = arith.cmpi sgt, %iota3A, %sign3A_36 : vector<16xi32>
    %sign3A_38 = arith.extui %sign3A_37 : vector<16xi1> to vector<16xi32>
    %sign3A_39 = arith.constant 0 : i32
    %sign3A_40 = vector.broadcast %sign3A_39 : i32 to vector<16xi32>
    %sign3A_41 = arith.cmpi slt, %iota3A, %sign3A_40 : vector<16xi32>
    %sign3A_42 = arith.extui %sign3A_41 : vector<16xi1> to vector<16xi32>
    %sign3A_43 = arith.subi %sign3A_38, %sign3A_42 : vector<16xi32>
    %sign3A_44 = arith.constant 0 : i32
    %sign3A_45 = arith.cmpi sgt, %jit3A, %sign3A_44 : i32
    %sign3A_46 = arith.extui %sign3A_45 : i1 to i32
    %sign3A_47 = arith.constant 0 : i32
    %sign3A_48 = arith.cmpi slt, %jit3A, %sign3A_47 : i32
    %sign3A_49 = arith.extui %sign3A_48 : i1 to i32
    %sign3A_50 = arith.subi %sign3A_46, %sign3A_49 : i32
    %ne3A = vector.broadcast %sign3A_50 : i32 to vector<16xi32>
    %ne3A_51 = arith.cmpi ne, %sign3A_43, %ne3A : vector<16xi32>
    %rem3A = vector.broadcast %jit3A : i32 to vector<16xi32>
    %rem3A_52 = arith.remsi %iota3A, %rem3A : vector<16xi32>
    %ne3A_53 = arith.constant 0 : i32
    %ne3A_54 = vector.broadcast %ne3A_53 : i32 to vector<16xi32>
    %ne3A_55 = arith.cmpi ne, %rem3A_52, %ne3A_54 : vector<16xi32>
    %and3A = arith.andi %ne3A_51, %ne3A_55 : vector<16xi1>
    %sub3A = arith.constant 1 : i32
    %sub3A_56 = vector.broadcast %sub3A : i32 to vector<16xi32>
    %sub3A_57 = arith.subi %div3A_35, %sub3A_56 : vector<16xi32>
    %select_n3A = arith.select %and3A, %sub3A_57, %div3A_35 : vector<16xi1>, vector<16xi32>
    %and3A_58 = arith.constant 3 : i32
    %and3A_59 = vector.broadcast %and3A_58 : i32 to vector<16xi32>
    %and3A_60 = arith.andi %iota3A, %and3A_59 : vector<16xi32>
    %lt3A = arith.constant 0 : i32
    %lt3A_61 = vector.broadcast %lt3A : i32 to vector<16xi32>
    %lt3A_62 = arith.cmpi slt, %and3A_60, %lt3A_61 : vector<16xi32>
    %add3A_63 = arith.constant 16 : i32
    %add3A_64 = vector.broadcast %add3A_63 : i32 to vector<16xi32>
    %add3A_65 = arith.addi %and3A_60, %add3A_64 : vector<16xi32>
    %select_n3A_66 = arith.select %lt3A_62, %add3A_65, %and3A_60 : vector<16xi1>, vector<16xi32>
    %reshape3A = vector.shape_cast %select_n3A_66 : vector<16xi32> to vector<16x1xi32>
    %gather3A = vector.shape_cast %reshape3A : vector<16x1xi32> to vector<16xi32>
    %gather3A_67 = tpu.dynamic_gather %get3A_34[%gather3A] in [0] : vector<16xf32>, vector<16xi32> -> vector<16xf32>
    %add3A_68 = arith.constant 4 : i32
    %add3A_69 = vector.broadcast %add3A_68 : i32 to vector<16xi32>
    %add3A_70 = arith.addi %and3A_60, %add3A_69 : vector<16xi32>
    %lt3A_71 = arith.constant 0 : i32
    %lt3A_72 = vector.broadcast %lt3A_71 : i32 to vector<16xi32>
    %lt3A_73 = arith.cmpi slt, %add3A_70, %lt3A_72 : vector<16xi32>
    %add3A_74 = arith.constant 16 : i32
    %add3A_75 = vector.broadcast %add3A_74 : i32 to vector<16xi32>
    %add3A_76 = arith.addi %add3A_70, %add3A_75 : vector<16xi32>
    %select_n3A_77 = arith.select %lt3A_73, %add3A_76, %add3A_70 : vector<16xi1>, vector<16xi32>
    %reshape3A_78 = vector.shape_cast %select_n3A_77 : vector<16xi32> to vector<16x1xi32>
    %gather3A_79 = vector.shape_cast %reshape3A_78 : vector<16x1xi32> to vector<16xi32>
    %gather3A_80 = tpu.dynamic_gather %get3A_34[%gather3A_79] in [0] : vector<16xf32>, vector<16xi32> -> vector<16xf32>
    %mul3A_81 = arith.constant 82 : i32
    %mul3A_82 = arith.muli %add3A, %mul3A_81 : i32
    %add3A_83 = arith.constant 0 : i32
    %add3A_84 = arith.addi %mul3A_82, %add3A_83 : i32
    %dma_start3A_85 = arith.constant 0 : i32
    %dma_start3A_86 = arith.constant 0 : i32
    %dma_start3A_87 = tpu.memref_slice %arg9[%dma_start3A_85, %dma_start3A_86] : memref<3x128xi32, #tpu.memory_space<vmem>> -> memref<1x128xi32, #tpu.memory_space<vmem>>
    %dma_start3A_88 = tpu.memref_squeeze %dma_start3A_87 : memref<1x128xi32, #tpu.memory_space<vmem>> -> memref<128xi32, #tpu.memory_space<vmem>>
    %dma_start3A_89 = arith.constant 0 : i32
    %dma_start3A_90 = tpu.memref_slice %arg6[%add3A_84, %dma_start3A_89] : memref<2624x128xi32, #tpu.memory_space<hbm>> -> memref<1x128xi32, #tpu.memory_space<hbm>>
    %dma_start3A_91 = tpu.memref_squeeze %dma_start3A_90 : memref<1x128xi32, #tpu.memory_space<hbm>> -> memref<128xi32, #tpu.memory_space<hbm>>
    %dma_start3A_92 = arith.constant 0 : i32
    %dma_start3A_93 = tpu.memref_slice %arg9[%dma_start3A_85, %dma_start3A_92] : memref<3x128xi32, #tpu.memory_space<vmem>> -> memref<1x128xi32, #tpu.memory_space<vmem>>
    %dma_start3A_94 = tpu.memref_squeeze %dma_start3A_93 : memref<1x128xi32, #tpu.memory_space<vmem>> -> memref<128xi32, #tpu.memory_space<vmem>>
    %dma_start3A_95 = arith.constant 0 : i32
    %dma_start3A_96 = tpu.memref_slice %arg6[%add3A_84, %dma_start3A_95] : memref<2624x128xi32, #tpu.memory_space<hbm>> -> memref<1x128xi32, #tpu.memory_space<hbm>>
    %dma_start3A_97 = tpu.memref_squeeze %dma_start3A_96 : memref<1x128xi32, #tpu.memory_space<hbm>> -> memref<128xi32, #tpu.memory_space<hbm>>
    tpu.enqueue_dma source(%dma_start3A_97 : memref<128xi32, #tpu.memory_space<hbm>>) target(%dma_start3A_94 : memref<128xi32, #tpu.memory_space<vmem>>) target_semaphore(%arg16 : memref<!tpu.dma_semaphore, #tpu.memory_space<semaphore_mem>>)
    %dma_start3A_98 = arith.constant 0 : i32
    %dma_start3A_99 = arith.constant 0 : i32
    %dma_start3A_100 = arith.constant 0 : i32
    %dma_start3A_101 = arith.constant 0 : i32
    %dma_start3A_102 = tpu.memref_slice %arg11[%dma_start3A_99, %dma_start3A_100, %dma_start3A_101] : memref<2x128x40xf32, #tpu.memory_space<vmem>> -> memref<1x128x40xf32, #tpu.memory_space<vmem>>
    %dma_start3A_103 = tpu.memref_squeeze %dma_start3A_102 : memref<1x128x40xf32, #tpu.memory_space<vmem>> -> memref<128x40xf32, #tpu.memory_space<vmem>>
    %dma_start3A_104 = arith.constant 0 : i32
    %dma_start3A_105 = tpu.memref_slice %arg8[%dma_start3A_98, %dma_start3A_104] : memref<82x128xi32, #tpu.memory_space<vmem>> -> memref<1x128xi32, #tpu.memory_space<vmem>>
    %dma_start3A_106 = tpu.memref_squeeze %dma_start3A_105 : memref<1x128xi32, #tpu.memory_space<vmem>> -> memref<128xi32, #tpu.memory_space<vmem>>
    %dma_start3A_107 = arith.constant 0 : i32
    %dma_start3A_108 = arith.constant 0 : i32
    %dma_start3A_109 = tpu.memref_slice %arg2[%dma_start3A_107, %dma_start3A_108] : memref<10240x40xf32, #tpu.memory_space<hbm>> -> memref<10240x40xf32, #tpu.memory_space<hbm>>
    tpu.enqueue_indirect_dma source(%dma_start3A_109 : memref<10240x40xf32, #tpu.memory_space<hbm>>) target(%dma_start3A_103 : memref<128x40xf32, #tpu.memory_space<vmem>>) offsets(%dma_start3A_106 : memref<128xi32, #tpu.memory_space<vmem>>) semaphore(%arg16 : memref<!tpu.dma_semaphore, #tpu.memory_space<semaphore_mem>>)
    %scan3A_110 = arith.constant 0 : i32
    %scan3A_111 = arith.constant 0 : i32
    %scan3A_112 = arith.constant 82 : i32
    %scan3A_113 = arith.addi %scan3A_111, %scan3A_112 : i32
    %scan3A_114 = arith.constant 1 : i32
    %scan3A_115 = scf.for %scan3A_154 = %scan3A_111 to %scan3A_113 step %scan3A_114 iter_args(%scan3A_155 = %scan3A_110) -> (i32)  : i32 {
      %rem3A_156 = arith.constant 2 : i32
      %rem3A_157 = arith.remsi %scan3A_154, %rem3A_156 : i32
      %add3A_158 = arith.constant 1 : i32
      %add3A_159 = arith.addi %scan3A_154, %add3A_158 : i32
      %rem3A_160 = arith.constant 2 : i32
      %rem3A_161 = arith.remsi %add3A_159, %rem3A_160 : i32
      %rem3A_162 = arith.constant 3 : i32
      %rem3A_163 = arith.remsi %scan3A_154, %rem3A_162 : i32
      %add3A_164 = arith.constant 1 : i32
      %add3A_165 = arith.addi %scan3A_154, %add3A_164 : i32
      %rem3A_166 = arith.constant 3 : i32
      %rem3A_167 = arith.remsi %add3A_165, %rem3A_166 : i32
      %dma_wait3A_168 = arith.constant 0 : i32
      %dma_wait3A_169 = arith.constant 0 : i32
      %dma_wait3A_170 = tpu.memref_slice %arg9[%rem3A_163, %dma_wait3A_169] : memref<3x128xi32, #tpu.memory_space<vmem>> -> memref<1x128xi32, #tpu.memory_space<vmem>>
      %dma_wait3A_171 = tpu.memref_squeeze %dma_wait3A_170 : memref<1x128xi32, #tpu.memory_space<vmem>> -> memref<128xi32, #tpu.memory_space<vmem>>
      %dma_wait3A_172 = arith.constant 0 : i32
      %dma_wait3A_173 = tpu.memref_slice %arg6[%dma_wait3A_168, %dma_wait3A_172] : memref<2624x128xi32, #tpu.memory_space<hbm>> -> memref<1x128xi32, #tpu.memory_space<hbm>>
      %dma_wait3A_174 = tpu.memref_squeeze %dma_wait3A_173 : memref<1x128xi32, #tpu.memory_space<hbm>> -> memref<128xi32, #tpu.memory_space<hbm>>
      %dma_wait3A_175 = arith.constant 0 : i32
      %dma_wait3A_176 = tpu.memref_slice %arg9[%rem3A_163, %dma_wait3A_175] : memref<3x128xi32, #tpu.memory_space<vmem>> -> memref<1x128xi32, #tpu.memory_space<vmem>>
      %dma_wait3A_177 = tpu.memref_squeeze %dma_wait3A_176 : memref<1x128xi32, #tpu.memory_space<vmem>> -> memref<128xi32, #tpu.memory_space<vmem>>
      %dma_wait3A_178 = arith.constant 0 : i32
      %dma_wait3A_179 = tpu.memref_slice %arg6[%dma_wait3A_168, %dma_wait3A_178] : memref<2624x128xi32, #tpu.memory_space<hbm>> -> memref<1x128xi32, #tpu.memory_space<hbm>>
      %dma_wait3A_180 = tpu.memref_squeeze %dma_wait3A_179 : memref<1x128xi32, #tpu.memory_space<hbm>> -> memref<128xi32, #tpu.memory_space<hbm>>
      tpu.wait_dma2 semaphore(%arg16 : memref<!tpu.dma_semaphore, #tpu.memory_space<semaphore_mem>>) src(%dma_wait3A_180 : memref<128xi32, #tpu.memory_space<hbm>>) dst(%dma_wait3A_177 : memref<128xi32, #tpu.memory_space<vmem>>)
      %dma_wait3A_181 = arith.constant 0 : i32
      %dma_wait3A_182 = arith.constant 0 : i32
      %dma_wait3A_183 = arith.constant 0 : i32
      %dma_wait3A_184 = tpu.memref_slice %arg11[%rem3A_157, %dma_wait3A_182, %dma_wait3A_183] : memref<2x128x40xf32, #tpu.memory_space<vmem>> -> memref<1x128x40xf32, #tpu.memory_space<vmem>>
      %dma_wait3A_185 = tpu.memref_squeeze %dma_wait3A_184 : memref<1x128x40xf32, #tpu.memory_space<vmem>> -> memref<128x40xf32, #tpu.memory_space<vmem>>
      %dma_wait3A_186 = arith.constant 0 : i32
      %dma_wait3A_187 = tpu.memref_slice %arg8[%dma_wait3A_181, %dma_wait3A_186] : memref<82x128xi32, #tpu.memory_space<vmem>> -> memref<1x128xi32, #tpu.memory_space<vmem>>
      %dma_wait3A_188 = tpu.memref_squeeze %dma_wait3A_187 : memref<1x128xi32, #tpu.memory_space<vmem>> -> memref<128xi32, #tpu.memory_space<vmem>>
      %dma_wait3A_189 = arith.constant 0 : i32
      %dma_wait3A_190 = arith.constant 0 : i32
      %dma_wait3A_191 = tpu.memref_slice %arg2[%dma_wait3A_189, %dma_wait3A_190] : memref<10240x40xf32, #tpu.memory_space<hbm>> -> memref<10240x40xf32, #tpu.memory_space<hbm>>
      tpu.wait_indirect_dma semaphore(%arg16 : memref<!tpu.dma_semaphore, #tpu.memory_space<semaphore_mem>>) src(%dma_wait3A_191 : memref<10240x40xf32, #tpu.memory_space<hbm>>) dst(%dma_wait3A_185 : memref<128x40xf32, #tpu.memory_space<vmem>>)
      %ge3A = arith.constant 2 : i32
      %ge3A_192 = arith.cmpi sge, %scan3A_154, %ge3A : i32
      %convert_element_type3A = arith.extui %ge3A_192 : i1 to i32
      %cond3A = arith.constant 0 : i32
      %cond3A_193 = arith.cmpi ne, %convert_element_type3A, %cond3A : i32
      scf.if %cond3A_193 {
        %dma_wait3A_222 = arith.constant 0 : i32
        %dma_wait3A_223 = arith.constant 0 : i32
        %dma_wait3A_224 = arith.constant 0 : i32
        %dma_wait3A_225 = tpu.memref_slice %arg12[%rem3A_157, %dma_wait3A_223, %dma_wait3A_224] : memref<2x128x72xf32, #tpu.memory_space<vmem>> -> memref<1x128x72xf32, #tpu.memory_space<vmem>>
        %dma_wait3A_226 = tpu.memref_squeeze %dma_wait3A_225 : memref<1x128x72xf32, #tpu.memory_space<vmem>> -> memref<128x72xf32, #tpu.memory_space<vmem>>
        %dma_wait3A_227 = arith.constant 0 : i32
        %dma_wait3A_228 = arith.constant 0 : i32
        %dma_wait3A_229 = tpu.memref_slice %arg7[%dma_wait3A_222, %dma_wait3A_227, %dma_wait3A_228] : memref<2x10240x72xf32, #tpu.memory_space<hbm>> -> memref<1x128x72xf32, #tpu.memory_space<hbm>>
        %dma_wait3A_230 = tpu.memref_squeeze %dma_wait3A_229 : memref<1x128x72xf32, #tpu.memory_space<hbm>> -> memref<128x72xf32, #tpu.memory_space<hbm>>
        %dma_wait3A_231 = arith.constant 0 : i32
        %dma_wait3A_232 = arith.constant 0 : i32
        %dma_wait3A_233 = tpu.memref_slice %arg12[%rem3A_157, %dma_wait3A_231, %dma_wait3A_232] : memref<2x128x72xf32, #tpu.memory_space<vmem>> -> memref<1x128x72xf32, #tpu.memory_space<vmem>>
        %dma_wait3A_234 = tpu.memref_squeeze %dma_wait3A_233 : memref<1x128x72xf32, #tpu.memory_space<vmem>> -> memref<128x72xf32, #tpu.memory_space<vmem>>
        %dma_wait3A_235 = arith.constant 0 : i32
        %dma_wait3A_236 = arith.constant 0 : i32
        %dma_wait3A_237 = tpu.memref_slice %arg7[%dma_wait3A_222, %dma_wait3A_235, %dma_wait3A_236] : memref<2x10240x72xf32, #tpu.memory_space<hbm>> -> memref<1x128x72xf32, #tpu.memory_space<hbm>>
        %dma_wait3A_238 = tpu.memref_squeeze %dma_wait3A_237 : memref<1x128x72xf32, #tpu.memory_space<hbm>> -> memref<128x72xf32, #tpu.memory_space<hbm>>
        tpu.wait_dma2 semaphore(%arg17 : memref<!tpu.dma_semaphore, #tpu.memory_space<semaphore_mem>>) src(%dma_wait3A_238 : memref<128x72xf32, #tpu.memory_space<hbm>>) dst(%dma_wait3A_234 : memref<128x72xf32, #tpu.memory_space<vmem>>)
      } else {
      }
      %add3A_194 = arith.constant 1 : i32
      %add3A_195 = arith.addi %scan3A_154, %add3A_194 : i32
      %lt3A_196 = arith.constant 82 : i32
      %lt3A_197 = arith.cmpi slt, %add3A_195, %lt3A_196 : i32
      %convert_element_type3A_198 = arith.extui %lt3A_197 : i1 to i32
      %cond3A_199 = arith.constant 0 : i32
      %cond3A_200 = arith.cmpi ne, %convert_element_type3A_198, %cond3A_199 : i32
      scf.if %cond3A_200 {
        %add3A_222 = arith.constant 1 : i32
        %add3A_223 = arith.addi %scan3A_154, %add3A_222 : i32
        %mul3A_224 = arith.constant 82 : i32
        %mul3A_225 = arith.muli %add3A, %mul3A_224 : i32
        %add3A_226 = arith.addi %mul3A_225, %add3A_223 : i32
        %dma_start3A_227 = arith.constant 0 : i32
        %dma_start3A_228 = tpu.memref_slice %arg9[%rem3A_167, %dma_start3A_227] : memref<3x128xi32, #tpu.memory_space<vmem>> -> memref<1x128xi32, #tpu.memory_space<vmem>>
        %dma_start3A_229 = tpu.memref_squeeze %dma_start3A_228 : memref<1x128xi32, #tpu.memory_space<vmem>> -> memref<128xi32, #tpu.memory_space<vmem>>
        %dma_start3A_230 = arith.constant 0 : i32
        %dma_start3A_231 = tpu.memref_slice %arg6[%add3A_226, %dma_start3A_230] : memref<2624x128xi32, #tpu.memory_space<hbm>> -> memref<1x128xi32, #tpu.memory_space<hbm>>
        %dma_start3A_232 = tpu.memref_squeeze %dma_start3A_231 : memref<1x128xi32, #tpu.memory_space<hbm>> -> memref<128xi32, #tpu.memory_space<hbm>>
        %dma_start3A_233 = arith.constant 0 : i32
        %dma_start3A_234 = tpu.memref_slice %arg9[%rem3A_167, %dma_start3A_233] : memref<3x128xi32, #tpu.memory_space<vmem>> -> memref<1x128xi32, #tpu.memory_space<vmem>>
        %dma_start3A_235 = tpu.memref_squeeze %dma_start3A_234 : memref<1x128xi32, #tpu.memory_space<vmem>> -> memref<128xi32, #tpu.memory_space<vmem>>
        %dma_start3A_236 = arith.constant 0 : i32
        %dma_start3A_237 = tpu.memref_slice %arg6[%add3A_226, %dma_start3A_236] : memref<2624x128xi32, #tpu.memory_space<hbm>> -> memref<1x128xi32, #tpu.memory_space<hbm>>
        %dma_start3A_238 = tpu.memref_squeeze %dma_start3A_237 : memref<1x128xi32, #tpu.memory_space<hbm>> -> memref<128xi32, #tpu.memory_space<hbm>>
        tpu.enqueue_dma source(%dma_start3A_238 : memref<128xi32, #tpu.memory_space<hbm>>) target(%dma_start3A_235 : memref<128xi32, #tpu.memory_space<vmem>>) target_semaphore(%arg16 : memref<!tpu.dma_semaphore, #tpu.memory_space<semaphore_mem>>)
        %dma_start3A_239 = arith.constant 0 : i32
        %dma_start3A_240 = arith.constant 0 : i32
        %dma_start3A_241 = tpu.memref_slice %arg11[%rem3A_161, %dma_start3A_239, %dma_start3A_240] : memref<2x128x40xf32, #tpu.memory_space<vmem>> -> memref<1x128x40xf32, #tpu.memory_space<vmem>>
        %dma_start3A_242 = tpu.memref_squeeze %dma_start3A_241 : memref<1x128x40xf32, #tpu.memory_space<vmem>> -> memref<128x40xf32, #tpu.memory_space<vmem>>
        %dma_start3A_243 = arith.constant 0 : i32
        %dma_start3A_244 = tpu.memref_slice %arg8[%add3A_223, %dma_start3A_243] : memref<82x128xi32, #tpu.memory_space<vmem>> -> memref<1x128xi32, #tpu.memory_space<vmem>>
        %dma_start3A_245 = tpu.memref_squeeze %dma_start3A_244 : memref<1x128xi32, #tpu.memory_space<vmem>> -> memref<128xi32, #tpu.memory_space<vmem>>
        %dma_start3A_246 = arith.constant 0 : i32
        %dma_start3A_247 = arith.constant 0 : i32
        %dma_start3A_248 = tpu.memref_slice %arg2[%dma_start3A_246, %dma_start3A_247] : memref<10240x40xf32, #tpu.memory_space<hbm>> -> memref<10240x40xf32, #tpu.memory_space<hbm>>
        tpu.enqueue_indirect_dma source(%dma_start3A_248 : memref<10240x40xf32, #tpu.memory_space<hbm>>) target(%dma_start3A_242 : memref<128x40xf32, #tpu.memory_space<vmem>>) offsets(%dma_start3A_245 : memref<128xi32, #tpu.memory_space<vmem>>) semaphore(%arg16 : memref<!tpu.dma_semaphore, #tpu.memory_space<semaphore_mem>>)
      } else {
      }
      %sub3A_201 = arith.subi %iota3A, %iota3A : vector<16xi32>
      %add3A_202 = vector.broadcast %rem3A_157 : i32 to vector<16xi32>
      %add3A_203 = arith.addi %sub3A_201, %add3A_202 : vector<16xi32>
      %scan3A_204 = arith.constant 0 : i32
      %scan3A_205 = arith.constant 0 : i32
      %scan3A_206 = arith.constant 8 : i32
      %scan3A_207 = arith.addi %scan3A_205, %scan3A_206 : i32
      %scan3A_208 = arith.constant 1 : i32
      %scan3A_209 = scf.for %scan3A_222 = %scan3A_205 to %scan3A_207 step %scan3A_208 iter_args(%scan3A_223 = %scan3A_204) -> (i32)  : i32 {
        %mul3A_224 = arith.constant 16 : i32
        %mul3A_225 = arith.muli %mul3A_224, %scan3A_222 : i32
        %get3A_226 = arith.index_cast %rem3A_163 : i32 to index
        %get3A_227 = arith.index_cast %mul3A_225 : i32 to index
        %get3A_228 = tpu.vector_load %arg9[%get3A_226, %get3A_227] {strides = array<i32>} : memref<3x128xi32, #tpu.memory_space<vmem>>, vector<16xi32>,
        %mul3A_229 = arith.constant 16 : i32
        %mul3A_230 = arith.muli %mul3A_229, %scan3A_222 : i32
        %add3A_231 = arith.constant 0 : i32
        %add3A_232 = arith.addi %mul3A_230, %add3A_231 : i32
        %add3A_233 = vector.broadcast %add3A_232 : i32 to vector<16xi32>
        %add3A_234 = arith.addi %add3A_233, %select_n3A : vector<16xi32>
        %add3A_235 = arith.constant 32 : i32
        %add3A_236 = vector.broadcast %add3A_235 : i32 to vector<16xi32>
        %add3A_237 = arith.addi %add3A_236, %and3A_60 : vector<16xi32>
        %gather3A_238 = tpu.vector_load_idx %arg11[%add3A_203, %add3A_234, %add3A_237] : memref<2x128x40xf32, #tpu.memory_space<vmem>>[vector<16xi32>, vector<16xi32>, vector<16xi32>], vector<16xf32>,
        %add3A_239 = arith.constant 36 : i32
        %add3A_240 = vector.broadcast %add3A_239 : i32 to vector<16xi32>
        %add3A_241 = arith.addi %add3A_240, %and3A_60 : vector<16xi32>
        %gather3A_242 = tpu.vector_load_idx %arg11[%add3A_203, %add3A_234, %add3A_241] : memref<2x128x40xf32, #tpu.memory_space<vmem>>[vector<16xi32>, vector<16xi32>, vector<16xi32>], vector<16xf32>,
        %add3A_243 = arith.constant 0 : i32
        %add3A_244 = vector.broadcast %add3A_243 : i32 to vector<16xi32>
        %add3A_245 = arith.addi %add3A_244, %select_n3A : vector<16xi32>
        %lt3A_246 = arith.constant 0 : i32
        %lt3A_247 = vector.broadcast %lt3A_246 : i32 to vector<16xi32>
        %lt3A_248 = arith.cmpi slt, %add3A_245, %lt3A_247 : vector<16xi32>
        %add3A_249 = arith.constant 16 : i32
        %add3A_250 = vector.broadcast %add3A_249 : i32 to vector<16xi32>
        %add3A_251 = arith.addi %add3A_245, %add3A_250 : vector<16xi32>
        %select_n3A_252 = arith.select %lt3A_248, %add3A_251, %add3A_245 : vector<16xi1>, vector<16xi32>
        %reshape3A_253 = vector.shape_cast %select_n3A_252 : vector<16xi32> to vector<16x1xi32>
        %gather3A_254 = vector.shape_cast %reshape3A_253 : vector<16x1xi32> to vector<16xi32>
        %gather3A_255 = tpu.dynamic_gather %get3A_228[%gather3A_254] in [0] : vector<16xi32>, vector<16xi32> -> vector<16xi32>
        %shift_right_arithmetic3A = arith.constant 1 : i32
        %shift_right_arithmetic3A_256 = vector.broadcast %shift_right_arithmetic3A : i32 to vector<16xi32>
        %shift_right_arithmetic3A_257 = arith.shrsi %gather3A_255, %shift_right_arithmetic3A_256 : vector<16xi32>
        %and3A_258 = arith.constant 1 : i32
        %and3A_259 = vector.broadcast %and3A_258 : i32 to vector<16xi32>
        %and3A_260 = arith.andi %gather3A_255, %and3A_259 : vector<16xi32>
        %mul3A_261 = arith.constant 4 : i32
        %mul3A_262 = vector.broadcast %mul3A_261 : i32 to vector<16xi32>
        %mul3A_263 = arith.muli %and3A_260, %mul3A_262 : vector<16xi32>
        %add3A_264 = arith.addi %mul3A_263, %and3A_60 : vector<16xi32>
        %gather3A_265 = tpu.vector_load_idx %arg10[%shift_right_arithmetic3A_257, %add3A_264] : memref<5120x8xf32, #tpu.memory_space<vmem>>[vector<16xi32>, vector<16xi32>], vector<16xf32>,
        %bitcast3A = vector.bitcast %gather3A_265 : vector<16xf32> to vector<32xbf16>
        %unpack3A = tpu.unpack_subelements %bitcast3A, 0 {pack_format = #tpu.pack_format<interleaved>} : vector<32xbf16> -> vector<16xf32>
        %unpack3A_266 = tpu.unpack_subelements %bitcast3A, 1 {pack_format = #tpu.pack_format<interleaved>} : vector<32xbf16> -> vector<16xf32>
        %add3A_267 = arith.addf %gather3A_238, %unpack3A : vector<16xf32>
        %add3A_268 = arith.addf %gather3A_242, %unpack3A_266 : vector<16xf32>
        %mul3A_269 = arith.constant 2.000000e-01 : f32
        %mul3A_270 = vector.broadcast %mul3A_269 : f32 to vector<16xf32>
        %mul3A_271 = arith.mulf %mul3A_270, %add3A_267 : vector<16xf32>
        %max3A = arith.maximumf %add3A_267, %mul3A_271 : vector<16xf32>
        %sub3A_272 = arith.subf %max3A, %gather3A_67 : vector<16xf32>
        %exp3A = math.exp %sub3A_272 : vector<16xf32>
        %mul3A_273 = arith.constant 2.000000e-01 : f32
        %mul3A_274 = vector.broadcast %mul3A_273 : f32 to vector<16xf32>
        %mul3A_275 = arith.mulf %mul3A_274, %add3A_268 : vector<16xf32>
        %max3A_276 = arith.maximumf %add3A_268, %mul3A_275 : vector<16xf32>
        %sub3A_277 = arith.subf %max3A_276, %gather3A_80 : vector<16xf32>
        %exp3A_278 = math.exp %sub3A_277 : vector<16xf32>
        %add3A_279 = arith.constant 64 : i32
        %add3A_280 = vector.broadcast %add3A_279 : i32 to vector<16xi32>
        %add3A_281 = arith.addi %add3A_280, %and3A_60 : vector<16xi32>
        tpu.vector_store_idx %arg12[%add3A_203, %add3A_234, %add3A_281], %exp3A : memref<2x128x72xf32, #tpu.memory_space<vmem>>[vector<16xi32>, vector<16xi32>, vector<16xi32>], vector<16xf32>,
        %add3A_282 = arith.constant 68 : i32
        %add3A_283 = vector.broadcast %add3A_282 : i32 to vector<16xi32>
        %add3A_284 = arith.addi %add3A_283, %and3A_60 : vector<16xi32>
        tpu.vector_store_idx %arg12[%add3A_203, %add3A_234, %add3A_284], %exp3A_278 : memref<2x128x72xf32, #tpu.memory_space<vmem>>[vector<16xi32>, vector<16xi32>, vector<16xi32>], vector<16xf32>,
        %mul3A_285 = arith.constant 16 : i32
        %mul3A_286 = arith.muli %mul3A_285, %scan3A_222 : i32
        %add3A_287 = arith.constant 0 : i32
        %add3A_288 = arith.addi %mul3A_286, %add3A_287 : i32
        %add3A_289 = arith.constant 0 : i32
        %add3A_290 = arith.addi %add3A_288, %add3A_289 : i32
        %get3A_291 = arith.index_cast %rem3A_157 : i32 to index
        %get3A_292 = arith.index_cast %add3A_290 : i32 to index
        %get3A_293 = arith.constant 0 : index
        %get3A_294 = tpu.vector_load %arg11[%get3A_291, %get3A_292, %get3A_293] {strides = array<i32>} : memref<2x128x40xf32, #tpu.memory_space<vmem>>, vector<16xf32>,
        %bitcast3A_295 = vector.bitcast %get3A_294 : vector<16xf32> to vector<32xbf16>
        %unpack3A_296 = tpu.unpack_subelements %bitcast3A_295, 0 {pack_format = #tpu.pack_format<interleaved>} : vector<32xbf16> -> vector<16xf32>
        %unpack3A_297 = tpu.unpack_subelements %bitcast3A_295, 1 {pack_format = #tpu.pack_format<interleaved>} : vector<32xbf16> -> vector<16xf32>
        %add3A_298 = arith.constant 0 : i32
        %add3A_299 = vector.broadcast %add3A_298 : i32 to vector<16xi32>
        %add3A_300 = arith.addi %add3A_299, %select_n3A : vector<16xi32>
        %lt3A_301 = arith.constant 0 : i32
        %lt3A_302 = vector.broadcast %lt3A_301 : i32 to vector<16xi32>
        %lt3A_303 = arith.cmpi slt, %add3A_300, %lt3A_302 : vector<16xi32>
        %add3A_304 = arith.constant 16 : i32
        %add3A_305 = vector.broadcast %add3A_304 : i32 to vector<16xi32>
        %add3A_306 = arith.addi %add3A_300, %add3A_305 : vector<16xi32>
        %select_n3A_307 = arith.select %lt3A_303, %add3A_306, %add3A_300 : vector<16xi1>, vector<16xi32>
        %reshape3A_308 = vector.shape_cast %select_n3A_307 : vector<16xi32> to vector<16x1xi32>
        %gather3A_309 = vector.shape_cast %reshape3A_308 : vector<16x1xi32> to vector<16xi32>
        %gather3A_310 = tpu.dynamic_gather %exp3A[%gather3A_309] in [0] : vector<16xf32>, vector<16xi32> -> vector<16xf32>
        %mul3A_311 = arith.mulf %unpack3A_296, %gather3A_310 : vector<16xf32>
        %swap3A = arith.index_cast %rem3A_157 : i32 to index
        %swap3A_312 = arith.index_cast %add3A_290 : i32 to index
        %swap3A_313 = arith.constant 0 : index
        %swap3A_314 = tpu.vector_load %arg12[%swap3A, %swap3A_312, %swap3A_313] {strides = array<i32>} : memref<2x128x72xf32, #tpu.memory_space<vmem>>, vector<16xf32>,
        tpu.vector_store %arg12[%swap3A, %swap3A_312, %swap3A_313], %mul3A_311 {strides = array<i32>} : memref<2x128x72xf32, #tpu.memory_space<vmem>>, vector<16xf32>,
        %mul3A_315 = arith.mulf %unpack3A_297, %gather3A_310 : vector<16xf32>
        %swap3A_316 = arith.index_cast %rem3A_157 : i32 to index
        %swap3A_317 = arith.index_cast %add3A_290 : i32 to index
        %swap3A_318 = arith.constant 16 : index
        %swap3A_319 = tpu.vector_load %arg12[%swap3A_316, %swap3A_317, %swap3A_318] {strides = array<i32>} : memref<2x128x72xf32, #tpu.memory_space<vmem>>, vector<16xf32>,
        tpu.vector_store %arg12[%swap3A_316, %swap3A_317, %swap3A_318], %mul3A_315 {strides = array<i32>} : memref<2x128x72xf32, #tpu.memory_space<vmem>>, vector<16xf32>,
        %get3A_320 = arith.index_cast %rem3A_157 : i32 to index
        %get3A_321 = arith.index_cast %add3A_290 : i32 to index
        %get3A_322 = arith.constant 16 : index
        %get3A_323 = tpu.vector_load %arg11[%get3A_320, %get3A_321, %get3A_322] {strides = array<i32>} : memref<2x128x40xf32, #tpu.memory_space<vmem>>, vector<16xf32>,
        %bitcast3A_324 = vector.bitcast %get3A_323 : vector<16xf32> to vector<32xbf16>
        %unpack3A_325 = tpu.unpack_subelements %bitcast3A_324, 0 {pack_format = #tpu.pack_format<interleaved>} : vector<32xbf16> -> vector<16xf32>
        %unpack3A_326 = tpu.unpack_subelements %bitcast3A_324, 1 {pack_format = #tpu.pack_format<interleaved>} : vector<32xbf16> -> vector<16xf32>
        %add3A_327 = arith.constant 0 : i32
        %add3A_328 = vector.broadcast %add3A_327 : i32 to vector<16xi32>
        %add3A_329 = arith.addi %add3A_328, %select_n3A : vector<16xi32>
        %lt3A_330 = arith.constant 0 : i32
        %lt3A_331 = vector.broadcast %lt3A_330 : i32 to vector<16xi32>
        %lt3A_332 = arith.cmpi slt, %add3A_329, %lt3A_331 : vector<16xi32>
        %add3A_333 = arith.constant 16 : i32
        %add3A_334 = vector.broadcast %add3A_333 : i32 to vector<16xi32>
        %add3A_335 = arith.addi %add3A_329, %add3A_334 : vector<16xi32>
        %select_n3A_336 = arith.select %lt3A_332, %add3A_335, %add3A_329 : vector<16xi1>, vector<16xi32>
        %reshape3A_337 = vector.shape_cast %select_n3A_336 : vector<16xi32> to vector<16x1xi32>
        %gather3A_338 = vector.shape_cast %reshape3A_337 : vector<16x1xi32> to vector<16xi32>
        %gather3A_339 = tpu.dynamic_gather %exp3A_278[%gather3A_338] in [0] : vector<16xf32>, vector<16xi32> -> vector<16xf32>
        %mul3A_340 = arith.mulf %unpack3A_325, %gather3A_339 : vector<16xf32>
        %swap3A_341 = arith.index_cast %rem3A_157 : i32 to index
        %swap3A_342 = arith.index_cast %add3A_290 : i32 to index
        %swap3A_343 = arith.constant 32 : index
        %swap3A_344 = tpu.vector_load %arg12[%swap3A_341, %swap3A_342, %swap3A_343] {strides = array<i32>} : memref<2x128x72xf32, #tpu.memory_space<vmem>>, vector<16xf32>,
        tpu.vector_store %arg12[%swap3A_341, %swap3A_342, %swap3A_343], %mul3A_340 {strides = array<i32>} : memref<2x128x72xf32, #tpu.memory_space<vmem>>, vector<16xf32>,
        %mul3A_345 = arith.mulf %unpack3A_326, %gather3A_339 : vector<16xf32>
        %swap3A_346 = arith.index_cast %rem3A_157 : i32 to index
        %swap3A_347 = arith.index_cast %add3A_290 : i32 to index
        %swap3A_348 = arith.constant 48 : index
        %swap3A_349 = tpu.vector_load %arg12[%swap3A_346, %swap3A_347, %swap3A_348] {strides = array<i32>} : memref<2x128x72xf32, #tpu.memory_space<vmem>>, vector<16xf32>,
        tpu.vector_store %arg12[%swap3A_346, %swap3A_347, %swap3A_348], %mul3A_345 {strides = array<i32>} : memref<2x128x72xf32, #tpu.memory_space<vmem>>, vector<16xf32>,
        %mul3A_350 = arith.constant 16 : i32
        %mul3A_351 = arith.muli %mul3A_350, %scan3A_222 : i32
        %add3A_352 = arith.constant 0 : i32
        %add3A_353 = arith.addi %mul3A_351, %add3A_352 : i32
        %add3A_354 = arith.constant 1 : i32
        %add3A_355 = arith.addi %add3A_353, %add3A_354 : i32
        %get3A_356 = arith.index_cast %rem3A_157 : i32 to index
        %get3A_357 = arith.index_cast %add3A_355 : i32 to index
        %get3A_358 = arith.constant 0 : index
        %get3A_359 = tpu.vector_load %arg11[%get3A_356, %get3A_357, %get3A_358] {strides = array<i32>} : memref<2x128x40xf32, #tpu.memory_space<vmem>>, vector<16xf32>,
        %bitcast3A_360 = vector.bitcast %get3A_359 : vector<16xf32> to vector<32xbf16>
        %unpack3A_361 = tpu.unpack_subelements %bitcast3A_360, 0 {pack_format = #tpu.pack_format<interleaved>} : vector<32xbf16> -> vector<16xf32>
        %unpack3A_362 = tpu.unpack_subelements %bitcast3A_360, 1 {pack_format = #tpu.pack_format<interleaved>} : vector<32xbf16> -> vector<16xf32>
        %add3A_363 = arith.constant 4 : i32
        %add3A_364 = vector.broadcast %add3A_363 : i32 to vector<16xi32>
        %add3A_365 = arith.addi %add3A_364, %select_n3A : vector<16xi32>
        %lt3A_366 = arith.constant 0 : i32
        %lt3A_367 = vector.broadcast %lt3A_366 : i32 to vector<16xi32>
        %lt3A_368 = arith.cmpi slt, %add3A_365, %lt3A_367 : vector<16xi32>
        %add3A_369 = arith.constant 16 : i32
        %add3A_370 = vector.broadcast %add3A_369 : i32 to vector<16xi32>
        %add3A_371 = arith.addi %add3A_365, %add3A_370 : vector<16xi32>
        %select_n3A_372 = arith.select %lt3A_368, %add3A_371, %add3A_365 : vector<16xi1>, vector<16xi32>
        %reshape3A_373 = vector.shape_cast %select_n3A_372 : vector<16xi32> to vector<16x1xi32>
        %gather3A_374 = vector.shape_cast %reshape3A_373 : vector<16x1xi32> to vector<16xi32>
        %gather3A_375 = tpu.dynamic_gather %exp3A[%gather3A_374] in [0] : vector<16xf32>, vector<16xi32> -> vector<16xf32>
        %mul3A_376 = arith.mulf %unpack3A_361, %gather3A_375 : vector<16xf32>
        %swap3A_377 = arith.index_cast %rem3A_157 : i32 to index
        %swap3A_378 = arith.index_cast %add3A_355 : i32 to index
        %swap3A_379 = arith.constant 0 : index
        %swap3A_380 = tpu.vector_load %arg12[%swap3A_377, %swap3A_378, %swap3A_379] {strides = array<i32>} : memref<2x128x72xf32, #tpu.memory_space<vmem>>, vector<16xf32>,
        tpu.vector_store %arg12[%swap3A_377, %swap3A_378, %swap3A_379], %mul3A_376 {strides = array<i32>} : memref<2x128x72xf32, #tpu.memory_space<vmem>>, vector<16xf32>,
        %mul3A_381 = arith.mulf %unpack3A_362, %gather3A_375 : vector<16xf32>
        %swap3A_382 = arith.index_cast %rem3A_157 : i32 to index
        %swap3A_383 = arith.index_cast %add3A_355 : i32 to index
        %swap3A_384 = arith.constant 16 : index
        %swap3A_385 = tpu.vector_load %arg12[%swap3A_382, %swap3A_383, %swap3A_384] {strides = array<i32>} : memref<2x128x72xf32, #tpu.memory_space<vmem>>, vector<16xf32>,
        tpu.vector_store %arg12[%swap3A_382, %swap3A_383, %swap3A_384], %mul3A_381 {strides = array<i32>} : memref<2x128x72xf32, #tpu.memory_space<vmem>>, vector<16xf32>,
        %get3A_386 = arith.index_cast %rem3A_157 : i32 to index
        %get3A_387 = arith.index_cast %add3A_355 : i32 to index
        %get3A_388 = arith.constant 16 : index
        %get3A_389 = tpu.vector_load %arg11[%get3A_386, %get3A_387, %get3A_388] {strides = array<i32>} : memref<2x128x40xf32, #tpu.memory_space<vmem>>, vector<16xf32>,
        %bitcast3A_390 = vector.bitcast %get3A_389 : vector<16xf32> to vector<32xbf16>
        %unpack3A_391 = tpu.unpack_subelements %bitcast3A_390, 0 {pack_format = #tpu.pack_format<interleaved>} : vector<32xbf16> -> vector<16xf32>
        %unpack3A_392 = tpu.unpack_subelements %bitcast3A_390, 1 {pack_format = #tpu.pack_format<interleaved>} : vector<32xbf16> -> vector<16xf32>
        %add3A_393 = arith.constant 4 : i32
        %add3A_394 = vector.broadcast %add3A_393 : i32 to vector<16xi32>
        %add3A_395 = arith.addi %add3A_394, %select_n3A : vector<16xi32>
        %lt3A_396 = arith.constant 0 : i32
        %lt3A_397 = vector.broadcast %lt3A_396 : i32 to vector<16xi32>
        %lt3A_398 = arith.cmpi slt, %add3A_395, %lt3A_397 : vector<16xi32>
        %add3A_399 = arith.constant 16 : i32
        %add3A_400 = vector.broadcast %add3A_399 : i32 to vector<16xi32>
        %add3A_401 = arith.addi %add3A_395, %add3A_400 : vector<16xi32>
        %select_n3A_402 = arith.select %lt3A_398, %add3A_401, %add3A_395 : vector<16xi1>, vector<16xi32>
        %reshape3A_403 = vector.shape_cast %select_n3A_402 : vector<16xi32> to vector<16x1xi32>
        %gather3A_404 = vector.shape_cast %reshape3A_403 : vector<16x1xi32> to vector<16xi32>
        %gather3A_405 = tpu.dynamic_gather %exp3A_278[%gather3A_404] in [0] : vector<16xf32>, vector<16xi32> -> vector<16xf32>
        %mul3A_406 = arith.mulf %unpack3A_391, %gather3A_405 : vector<16xf32>
        %swap3A_407 = arith.index_cast %rem3A_157 : i32 to index
        %swap3A_408 = arith.index_cast %add3A_355 : i32 to index
        %swap3A_409 = arith.constant 32 : index
        %swap3A_410 = tpu.vector_load %arg12[%swap3A_407, %swap3A_408, %swap3A_409] {strides = array<i32>} : memref<2x128x72xf32, #tpu.memory_space<vmem>>, vector<16xf32>,
        tpu.vector_store %arg12[%swap3A_407, %swap3A_408, %swap3A_409], %mul3A_406 {strides = array<i32>} : memref<2x128x72xf32, #tpu.memory_space<vmem>>, vector<16xf32>,
        %mul3A_411 = arith.mulf %unpack3A_392, %gather3A_405 : vector<16xf32>
        %swap3A_412 = arith.index_cast %rem3A_157 : i32 to index
        %swap3A_413 = arith.index_cast %add3A_355 : i32 to index
        %swap3A_414 = arith.constant 48 : index
        %swap3A_415 = tpu.vector_load %arg12[%swap3A_412, %swap3A_413, %swap3A_414] {strides = array<i32>} : memref<2x128x72xf32, #tpu.memory_space<vmem>>, vector<16xf32>,
        tpu.vector_store %arg12[%swap3A_412, %swap3A_413, %swap3A_414], %mul3A_411 {strides = array<i32>} : memref<2x128x72xf32, #tpu.memory_space<vmem>>, vector<16xf32>,
        %mul3A_416 = arith.constant 16 : i32
        %mul3A_417 = arith.muli %mul3A_416, %scan3A_222 : i32
        %add3A_418 = arith.constant 0 : i32
        %add3A_419 = arith.addi %mul3A_417, %add3A_418 : i32
        %add3A_420 = arith.constant 2 : i32
        %add3A_421 = arith.addi %add3A_419, %add3A_420 : i32
        %get3A_422 = arith.index_cast %rem3A_157 : i32 to index
        %get3A_423 = arith.index_cast %add3A_421 : i32 to index
        %get3A_424 = arith.constant 0 : index
        %get3A_425 = tpu.vector_load %arg11[%get3A_422, %get3A_423, %get3A_424] {strides = array<i32>} : memref<2x128x40xf32, #tpu.memory_space<vmem>>, vector<16xf32>,
        %bitcast3A_426 = vector.bitcast %get3A_425 : vector<16xf32> to vector<32xbf16>
        %unpack3A_427 = tpu.unpack_subelements %bitcast3A_426, 0 {pack_format = #tpu.pack_format<interleaved>} : vector<32xbf16> -> vector<16xf32>
        %unpack3A_428 = tpu.unpack_subelements %bitcast3A_426, 1 {pack_format = #tpu.pack_format<interleaved>} : vector<32xbf16> -> vector<16xf32>
        %add3A_429 = arith.constant 8 : i32
        %add3A_430 = vector.broadcast %add3A_429 : i32 to vector<16xi32>
        %add3A_431 = arith.addi %add3A_430, %select_n3A : vector<16xi32>
        %lt3A_432 = arith.constant 0 : i32
        %lt3A_433 = vector.broadcast %lt3A_432 : i32 to vector<16xi32>
        %lt3A_434 = arith.cmpi slt, %add3A_431, %lt3A_433 : vector<16xi32>
        %add3A_435 = arith.constant 16 : i32
        %add3A_436 = vector.broadcast %add3A_435 : i32 to vector<16xi32>
        %add3A_437 = arith.addi %add3A_431, %add3A_436 : vector<16xi32>
        %select_n3A_438 = arith.select %lt3A_434, %add3A_437, %add3A_431 : vector<16xi1>, vector<16xi32>
        %reshape3A_439 = vector.shape_cast %select_n3A_438 : vector<16xi32> to vector<16x1xi32>
        %gather3A_440 = vector.shape_cast %reshape3A_439 : vector<16x1xi32> to vector<16xi32>
        %gather3A_441 = tpu.dynamic_gather %exp3A[%gather3A_440] in [0] : vector<16xf32>, vector<16xi32> -> vector<16xf32>
        %mul3A_442 = arith.mulf %unpack3A_427, %gather3A_441 : vector<16xf32>
        %swap3A_443 = arith.index_cast %rem3A_157 : i32 to index
        %swap3A_444 = arith.index_cast %add3A_421 : i32 to index
        %swap3A_445 = arith.constant 0 : index
        %swap3A_446 = tpu.vector_load %arg12[%swap3A_443, %swap3A_444, %swap3A_445] {strides = array<i32>} : memref<2x128x72xf32, #tpu.memory_space<vmem>>, vector<16xf32>,
        tpu.vector_store %arg12[%swap3A_443, %swap3A_444, %swap3A_445], %mul3A_442 {strides = array<i32>} : memref<2x128x72xf32, #tpu.memory_space<vmem>>, vector<16xf32>,
        %mul3A_447 = arith.mulf %unpack3A_428, %gather3A_441 : vector<16xf32>
        %swap3A_448 = arith.index_cast %rem3A_157 : i32 to index
        %swap3A_449 = arith.index_cast %add3A_421 : i32 to index
        %swap3A_450 = arith.constant 16 : index
        %swap3A_451 = tpu.vector_load %arg12[%swap3A_448, %swap3A_449, %swap3A_450] {strides = array<i32>} : memref<2x128x72xf32, #tpu.memory_space<vmem>>, vector<16xf32>,
        tpu.vector_store %arg12[%swap3A_448, %swap3A_449, %swap3A_450], %mul3A_447 {strides = array<i32>} : memref<2x128x72xf32, #tpu.memory_space<vmem>>, vector<16xf32>,
        %get3A_452 = arith.index_cast %rem3A_157 : i32 to index
        %get3A_453 = arith.index_cast %add3A_421 : i32 to index
        %get3A_454 = arith.constant 16 : index
        %get3A_455 = tpu.vector_load %arg11[%get3A_452, %get3A_453, %get3A_454] {strides = array<i32>} : memref<2x128x40xf32, #tpu.memory_space<vmem>>, vector<16xf32>,
        %bitcast3A_456 = vector.bitcast %get3A_455 : vector<16xf32> to vector<32xbf16>
        %unpack3A_457 = tpu.unpack_subelements %bitcast3A_456, 0 {pack_format = #tpu.pack_format<interleaved>} : vector<32xbf16> -> vector<16xf32>
        %unpack3A_458 = tpu.unpack_subelements %bitcast3A_456, 1 {pack_format = #tpu.pack_format<interleaved>} : vector<32xbf16> -> vector<16xf32>
        %add3A_459 = arith.constant 8 : i32
        %add3A_460 = vector.broadcast %add3A_459 : i32 to vector<16xi32>
        %add3A_461 = arith.addi %add3A_460, %select_n3A : vector<16xi32>
        %lt3A_462 = arith.constant 0 : i32
        %lt3A_463 = vector.broadcast %lt3A_462 : i32 to vector<16xi32>
        %lt3A_464 = arith.cmpi slt, %add3A_461, %lt3A_463 : vector<16xi32>
        %add3A_465 = arith.constant 16 : i32
        %add3A_466 = vector.broadcast %add3A_465 : i32 to vector<16xi32>
        %add3A_467 = arith.addi %add3A_461, %add3A_466 : vector<16xi32>
        %select_n3A_468 = arith.select %lt3A_464, %add3A_467, %add3A_461 : vector<16xi1>, vector<16xi32>
        %reshape3A_469 = vector.shape_cast %select_n3A_468 : vector<16xi32> to vector<16x1xi32>
        %gather3A_470 = vector.shape_cast %reshape3A_469 : vector<16x1xi32> to vector<16xi32>
        %gather3A_471 = tpu.dynamic_gather %exp3A_278[%gather3A_470] in [0] : vector<16xf32>, vector<16xi32> -> vector<16xf32>
        %mul3A_472 = arith.mulf %unpack3A_457, %gather3A_471 : vector<16xf32>
        %swap3A_473 = arith.index_cast %rem3A_157 : i32 to index
        %swap3A_474 = arith.index_cast %add3A_421 : i32 to index
        %swap3A_475 = arith.constant 32 : index
        %swap3A_476 = tpu.vector_load %arg12[%swap3A_473, %swap3A_474, %swap3A_475] {strides = array<i32>} : memref<2x128x72xf32, #tpu.memory_space<vmem>>, vector<16xf32>,
        tpu.vector_store %arg12[%swap3A_473, %swap3A_474, %swap3A_475], %mul3A_472 {strides = array<i32>} : memref<2x128x72xf32, #tpu.memory_space<vmem>>, vector<16xf32>,
        %mul3A_477 = arith.mulf %unpack3A_458, %gather3A_471 : vector<16xf32>
        %swap3A_478 = arith.index_cast %rem3A_157 : i32 to index
        %swap3A_479 = arith.index_cast %add3A_421 : i32 to index
        %swap3A_480 = arith.constant 48 : index
        %swap3A_481 = tpu.vector_load %arg12[%swap3A_478, %swap3A_479, %swap3A_480] {strides = array<i32>} : memref<2x128x72xf32, #tpu.memory_space<vmem>>, vector<16xf32>,
        tpu.vector_store %arg12[%swap3A_478, %swap3A_479, %swap3A_480], %mul3A_477 {strides = array<i32>} : memref<2x128x72xf32, #tpu.memory_space<vmem>>, vector<16xf32>,
        %mul3A_482 = arith.constant 16 : i32
        %mul3A_483 = arith.muli %mul3A_482, %scan3A_222 : i32
        %add3A_484 = arith.constant 0 : i32
        %add3A_485 = arith.addi %mul3A_483, %add3A_484 : i32
        %add3A_486 = arith.constant 3 : i32
        %add3A_487 = arith.addi %add3A_485, %add3A_486 : i32
        %get3A_488 = arith.index_cast %rem3A_157 : i32 to index
        %get3A_489 = arith.index_cast %add3A_487 : i32 to index
        %get3A_490 = arith.constant 0 : index
        %get3A_491 = tpu.vector_load %arg11[%get3A_488, %get3A_489, %get3A_490] {strides = array<i32>} : memref<2x128x40xf32, #tpu.memory_space<vmem>>, vector<16xf32>,
        %bitcast3A_492 = vector.bitcast %get3A_491 : vector<16xf32> to vector<32xbf16>
        %unpack3A_493 = tpu.unpack_subelements %bitcast3A_492, 0 {pack_format = #tpu.pack_format<interleaved>} : vector<32xbf16> -> vector<16xf32>
        %unpack3A_494 = tpu.unpack_subelements %bitcast3A_492, 1 {pack_format = #tpu.pack_format<interleaved>} : vector<32xbf16> -> vector<16xf32>
        %add3A_495 = arith.constant 12 : i32
        %add3A_496 = vector.broadcast %add3A_495 : i32 to vector<16xi32>
        %add3A_497 = arith.addi %add3A_496, %select_n3A : vector<16xi32>
        %lt3A_498 = arith.constant 0 : i32
        %lt3A_499 = vector.broadcast %lt3A_498 : i32 to vector<16xi32>
        %lt3A_500 = arith.cmpi slt, %add3A_497, %lt3A_499 : vector<16xi32>
        %add3A_501 = arith.constant 16 : i32
        %add3A_502 = vector.broadcast %add3A_501 : i32 to vector<16xi32>
        %add3A_503 = arith.addi %add3A_497, %add3A_502 : vector<16xi32>
        %select_n3A_504 = arith.select %lt3A_500, %add3A_503, %add3A_497 : vector<16xi1>, vector<16xi32>
        %reshape3A_505 = vector.shape_cast %select_n3A_504 : vector<16xi32> to vector<16x1xi32>
        %gather3A_506 = vector.shape_cast %reshape3A_505 : vector<16x1xi32> to vector<16xi32>
        %gather3A_507 = tpu.dynamic_gather %exp3A[%gather3A_506] in [0] : vector<16xf32>, vector<16xi32> -> vector<16xf32>
        %mul3A_508 = arith.mulf %unpack3A_493, %gather3A_507 : vector<16xf32>
        %swap3A_509 = arith.index_cast %rem3A_157 : i32 to index
        %swap3A_510 = arith.index_cast %add3A_487 : i32 to index
        %swap3A_511 = arith.constant 0 : index
        %swap3A_512 = tpu.vector_load %arg12[%swap3A_509, %swap3A_510, %swap3A_511] {strides = array<i32>} : memref<2x128x72xf32, #tpu.memory_space<vmem>>, vector<16xf32>,
        tpu.vector_store %arg12[%swap3A_509, %swap3A_510, %swap3A_511], %mul3A_508 {strides = array<i32>} : memref<2x128x72xf32, #tpu.memory_space<vmem>>, vector<16xf32>,
        %mul3A_513 = arith.mulf %unpack3A_494, %gather3A_507 : vector<16xf32>
        %swap3A_514 = arith.index_cast %rem3A_157 : i32 to index
        %swap3A_515 = arith.index_cast %add3A_487 : i32 to index
        %swap3A_516 = arith.constant 16 : index
        %swap3A_517 = tpu.vector_load %arg12[%swap3A_514, %swap3A_515, %swap3A_516] {strides = array<i32>} : memref<2x128x72xf32, #tpu.memory_space<vmem>>, vector<16xf32>,
        tpu.vector_store %arg12[%swap3A_514, %swap3A_515, %swap3A_516], %mul3A_513 {strides = array<i32>} : memref<2x128x72xf32, #tpu.memory_space<vmem>>, vector<16xf32>,
        %get3A_518 = arith.index_cast %rem3A_157 : i32 to index
        %get3A_519 = arith.index_cast %add3A_487 : i32 to index
        %get3A_520 = arith.constant 16 : index
        %get3A_521 = tpu.vector_load %arg11[%get3A_518, %get3A_519, %get3A_520] {strides = array<i32>} : memref<2x128x40xf32, #tpu.memory_space<vmem>>, vector<16xf32>,
        %bitcast3A_522 = vector.bitcast %get3A_521 : vector<16xf32> to vector<32xbf16>
        %unpack3A_523 = tpu.unpack_subelements %bitcast3A_522, 0 {pack_format = #tpu.pack_format<interleaved>} : vector<32xbf16> -> vector<16xf32>
        %unpack3A_524 = tpu.unpack_subelements %bitcast3A_522, 1 {pack_format = #tpu.pack_format<interleaved>} : vector<32xbf16> -> vector<16xf32>
        %add3A_525 = arith.constant 12 : i32
        %add3A_526 = vector.broadcast %add3A_525 : i32 to vector<16xi32>
        %add3A_527 = arith.addi %add3A_526, %select_n3A : vector<16xi32>
        %lt3A_528 = arith.constant 0 : i32
        %lt3A_529 = vector.broadcast %lt3A_528 : i32 to vector<16xi32>
        %lt3A_530 = arith.cmpi slt, %add3A_527, %lt3A_529 : vector<16xi32>
        %add3A_531 = arith.constant 16 : i32
        %add3A_532 = vector.broadcast %add3A_531 : i32 to vector<16xi32>
        %add3A_533 = arith.addi %add3A_527, %add3A_532 : vector<16xi32>
        %select_n3A_534 = arith.select %lt3A_530, %add3A_533, %add3A_527 : vector<16xi1>, vector<16xi32>
        %reshape3A_535 = vector.shape_cast %select_n3A_534 : vector<16xi32> to vector<16x1xi32>
        %gather3A_536 = vector.shape_cast %reshape3A_535 : vector<16x1xi32> to vector<16xi32>
        %gather3A_537 = tpu.dynamic_gather %exp3A_278[%gather3A_536] in [0] : vector<16xf32>, vector<16xi32> -> vector<16xf32>
        %mul3A_538 = arith.mulf %unpack3A_523, %gather3A_537 : vector<16xf32>
        %swap3A_539 = arith.index_cast %rem3A_157 : i32 to index
        %swap3A_540 = arith.index_cast %add3A_487 : i32 to index
        %swap3A_541 = arith.constant 32 : index
        %swap3A_542 = tpu.vector_load %arg12[%swap3A_539, %swap3A_540, %swap3A_541] {strides = array<i32>} : memref<2x128x72xf32, #tpu.memory_space<vmem>>, vector<16xf32>,
        tpu.vector_store %arg12[%swap3A_539, %swap3A_540, %swap3A_541], %mul3A_538 {strides = array<i32>} : memref<2x128x72xf32, #tpu.memory_space<vmem>>, vector<16xf32>,
        %mul3A_543 = arith.mulf %unpack3A_524, %gather3A_537 : vector<16xf32>
        %swap3A_544 = arith.index_cast %rem3A_157 : i32 to index
        %swap3A_545 = arith.index_cast %add3A_487 : i32 to index
        %swap3A_546 = arith.constant 48 : index
        %swap3A_547 = tpu.vector_load %arg12[%swap3A_544, %swap3A_545, %swap3A_546] {strides = array<i32>} : memref<2x128x72xf32, #tpu.memory_space<vmem>>, vector<16xf32>,
        tpu.vector_store %arg12[%swap3A_544, %swap3A_545, %swap3A_546], %mul3A_543 {strides = array<i32>} : memref<2x128x72xf32, #tpu.memory_space<vmem>>, vector<16xf32>,
        %mul3A_548 = arith.constant 16 : i32
        %mul3A_549 = arith.muli %mul3A_548, %scan3A_222 : i32
        %add3A_550 = arith.constant 4 : i32
        %add3A_551 = arith.addi %mul3A_549, %add3A_550 : i32
        %add3A_552 = vector.broadcast %add3A_551 : i32 to vector<16xi32>
        %add3A_553 = arith.addi %add3A_552, %select_n3A : vector<16xi32>
        %add3A_554 = arith.constant 32 : i32
        %add3A_555 = vector.broadcast %add3A_554 : i32 to vector<16xi32>
        %add3A_556 = arith.addi %add3A_555, %and3A_60 : vector<16xi32>
        %gather3A_557 = tpu.vector_load_idx %arg11[%add3A_203, %add3A_553, %add3A_556] : memref<2x128x40xf32, #tpu.memory_space<vmem>>[vector<16xi32>, vector<16xi32>, vector<16xi32>], vector<16xf32>,
        %add3A_558 = arith.constant 36 : i32
        %add3A_559 = vector.broadcast %add3A_558 : i32 to vector<16xi32>
        %add3A_560 = arith.addi %add3A_559, %and3A_60 : vector<16xi32>
        %gather3A_561 = tpu.vector_load_idx %arg11[%add3A_203, %add3A_553, %add3A_560] : memref<2x128x40xf32, #tpu.memory_space<vmem>>[vector<16xi32>, vector<16xi32>, vector<16xi32>], vector<16xf32>,
        %add3A_562 = arith.constant 4 : i32
        %add3A_563 = vector.broadcast %add3A_562 : i32 to vector<16xi32>
        %add3A_564 = arith.addi %add3A_563, %select_n3A : vector<16xi32>
        %lt3A_565 = arith.constant 0 : i32
        %lt3A_566 = vector.broadcast %lt3A_565 : i32 to vector<16xi32>
        %lt3A_567 = arith.cmpi slt, %add3A_564, %lt3A_566 : vector<16xi32>
        %add3A_568 = arith.constant 16 : i32
        %add3A_569 = vector.broadcast %add3A_568 : i32 to vector<16xi32>
        %add3A_570 = arith.addi %add3A_564, %add3A_569 : vector<16xi32>
        %select_n3A_571 = arith.select %lt3A_567, %add3A_570, %add3A_564 : vector<16xi1>, vector<16xi32>
        %reshape3A_572 = vector.shape_cast %select_n3A_571 : vector<16xi32> to vector<16x1xi32>
        %gather3A_573 = vector.shape_cast %reshape3A_572 : vector<16x1xi32> to vector<16xi32>
        %gather3A_574 = tpu.dynamic_gather %get3A_228[%gather3A_573] in [0] : vector<16xi32>, vector<16xi32> -> vector<16xi32>
        %shift_right_arithmetic3A_575 = arith.constant 1 : i32
        %shift_right_arithmetic3A_576 = vector.broadcast %shift_right_arithmetic3A_575 : i32 to vector<16xi32>
        %shift_right_arithmetic3A_577 = arith.shrsi %gather3A_574, %shift_right_arithmetic3A_576 : vector<16xi32>
        %and3A_578 = arith.constant 1 : i32
        %and3A_579 = vector.broadcast %and3A_578 : i32 to vector<16xi32>
        %and3A_580 = arith.andi %gather3A_574, %and3A_579 : vector<16xi32>
        %mul3A_581 = arith.constant 4 : i32
        %mul3A_582 = vector.broadcast %mul3A_581 : i32 to vector<16xi32>
        %mul3A_583 = arith.muli %and3A_580, %mul3A_582 : vector<16xi32>
        %add3A_584 = arith.addi %mul3A_583, %and3A_60 : vector<16xi32>
        %gather3A_585 = tpu.vector_load_idx %arg10[%shift_right_arithmetic3A_577, %add3A_584] : memref<5120x8xf32, #tpu.memory_space<vmem>>[vector<16xi32>, vector<16xi32>], vector<16xf32>,
        %bitcast3A_586 = vector.bitcast %gather3A_585 : vector<16xf32> to vector<32xbf16>
        %unpack3A_587 = tpu.unpack_subelements %bitcast3A_586, 0 {pack_format = #tpu.pack_format<interleaved>} : vector<32xbf16> -> vector<16xf32>
        %unpack3A_588 = tpu.unpack_subelements %bitcast3A_586, 1 {pack_format = #tpu.pack_format<interleaved>} : vector<32xbf16> -> vector<16xf32>
        %add3A_589 = arith.addf %gather3A_557, %unpack3A_587 : vector<16xf32>
        %add3A_590 = arith.addf %gather3A_561, %unpack3A_588 : vector<16xf32>
        %mul3A_591 = arith.constant 2.000000e-01 : f32
        %mul3A_592 = vector.broadcast %mul3A_591 : f32 to vector<16xf32>
        %mul3A_593 = arith.mulf %mul3A_592, %add3A_589 : vector<16xf32>
        %max3A_594 = arith.maximumf %add3A_589, %mul3A_593 : vector<16xf32>
        %sub3A_595 = arith.subf %max3A_594, %gather3A_67 : vector<16xf32>
        %exp3A_596 = math.exp %sub3A_595 : vector<16xf32>
        %mul3A_597 = arith.constant 2.000000e-01 : f32
        %mul3A_598 = vector.broadcast %mul3A_597 : f32 to vector<16xf32>
        %mul3A_599 = arith.mulf %mul3A_598, %add3A_590 : vector<16xf32>
        %max3A_600 = arith.maximumf %add3A_590, %mul3A_599 : vector<16xf32>
        %sub3A_601 = arith.subf %max3A_600, %gather3A_80 : vector<16xf32>
        %exp3A_602 = math.exp %sub3A_601 : vector<16xf32>
        %add3A_603 = arith.constant 64 : i32
        %add3A_604 = vector.broadcast %add3A_603 : i32 to vector<16xi32>
        %add3A_605 = arith.addi %add3A_604, %and3A_60 : vector<16xi32>
        tpu.vector_store_idx %arg12[%add3A_203, %add3A_553, %add3A_605], %exp3A_596 : memref<2x128x72xf32, #tpu.memory_space<vmem>>[vector<16xi32>, vector<16xi32>, vector<16xi32>], vector<16xf32>,
        %add3A_606 = arith.constant 68 : i32
        %add3A_607 = vector.broadcast %add3A_606 : i32 to vector<16xi32>
        %add3A_608 = arith.addi %add3A_607, %and3A_60 : vector<16xi32>
        tpu.vector_store_idx %arg12[%add3A_203, %add3A_553, %add3A_608], %exp3A_602 : memref<2x128x72xf32, #tpu.memory_space<vmem>>[vector<16xi32>, vector<16xi32>, vector<16xi32>], vector<16xf32>,
        %mul3A_609 = arith.constant 16 : i32
        %mul3A_610 = arith.muli %mul3A_609, %scan3A_222 : i32
        %add3A_611 = arith.constant 4 : i32
        %add3A_612 = arith.addi %mul3A_610, %add3A_611 : i32
        %add3A_613 = arith.constant 0 : i32
        %add3A_614 = arith.addi %add3A_612, %add3A_613 : i32
        %get3A_615 = arith.index_cast %rem3A_157 : i32 to index
        %get3A_616 = arith.index_cast %add3A_614 : i32 to index
        %get3A_617 = arith.constant 0 : index
        %get3A_618 = tpu.vector_load %arg11[%get3A_615, %get3A_616, %get3A_617] {strides = array<i32>} : memref<2x128x40xf32, #tpu.memory_space<vmem>>, vector<16xf32>,
        %bitcast3A_619 = vector.bitcast %get3A_618 : vector<16xf32> to vector<32xbf16>
        %unpack3A_620 = tpu.unpack_subelements %bitcast3A_619, 0 {pack_format = #tpu.pack_format<interleaved>} : vector<32xbf16> -> vector<16xf32>
        %unpack3A_621 = tpu.unpack_subelements %bitcast3A_619, 1 {pack_format = #tpu.pack_format<interleaved>} : vector<32xbf16> -> vector<16xf32>
        %add3A_622 = arith.constant 0 : i32
        %add3A_623 = vector.broadcast %add3A_622 : i32 to vector<16xi32>
        %add3A_624 = arith.addi %add3A_623, %select_n3A : vector<16xi32>
        %lt3A_625 = arith.constant 0 : i32
        %lt3A_626 = vector.broadcast %lt3A_625 : i32 to vector<16xi32>
        %lt3A_627 = arith.cmpi slt, %add3A_624, %lt3A_626 : vector<16xi32>
        %add3A_628 = arith.constant 16 : i32
        %add3A_629 = vector.broadcast %add3A_628 : i32 to vector<16xi32>
        %add3A_630 = arith.addi %add3A_624, %add3A_629 : vector<16xi32>
        %select_n3A_631 = arith.select %lt3A_627, %add3A_630, %add3A_624 : vector<16xi1>, vector<16xi32>
        %reshape3A_632 = vector.shape_cast %select_n3A_631 : vector<16xi32> to vector<16x1xi32>
        %gather3A_633 = vector.shape_cast %reshape3A_632 : vector<16x1xi32> to vector<16xi32>
        %gather3A_634 = tpu.dynamic_gather %exp3A_596[%gather3A_633] in [0] : vector<16xf32>, vector<16xi32> -> vector<16xf32>
        %mul3A_635 = arith.mulf %unpack3A_620, %gather3A_634 : vector<16xf32>
        %swap3A_636 = arith.index_cast %rem3A_157 : i32 to index
        %swap3A_637 = arith.index_cast %add3A_614 : i32 to index
        %swap3A_638 = arith.constant 0 : index
        %swap3A_639 = tpu.vector_load %arg12[%swap3A_636, %swap3A_637, %swap3A_638] {strides = array<i32>} : memref<2x128x72xf32, #tpu.memory_space<vmem>>, vector<16xf32>,
        tpu.vector_store %arg12[%swap3A_636, %swap3A_637, %swap3A_638], %mul3A_635 {strides = array<i32>} : memref<2x128x72xf32, #tpu.memory_space<vmem>>, vector<16xf32>,
        %mul3A_640 = arith.mulf %unpack3A_621, %gather3A_634 : vector<16xf32>
        %swap3A_641 = arith.index_cast %rem3A_157 : i32 to index
        %swap3A_642 = arith.index_cast %add3A_614 : i32 to index
        %swap3A_643 = arith.constant 16 : index
        %swap3A_644 = tpu.vector_load %arg12[%swap3A_641, %swap3A_642, %swap3A_643] {strides = array<i32>} : memref<2x128x72xf32, #tpu.memory_space<vmem>>, vector<16xf32>,
        tpu.vector_store %arg12[%swap3A_641, %swap3A_642, %swap3A_643], %mul3A_640 {strides = array<i32>} : memref<2x128x72xf32, #tpu.memory_space<vmem>>, vector<16xf32>,
        %get3A_645 = arith.index_cast %rem3A_157 : i32 to index
        %get3A_646 = arith.index_cast %add3A_614 : i32 to index
        %get3A_647 = arith.constant 16 : index
        %get3A_648 = tpu.vector_load %arg11[%get3A_645, %get3A_646, %get3A_647] {strides = array<i32>} : memref<2x128x40xf32, #tpu.memory_space<vmem>>, vector<16xf32>,
        %bitcast3A_649 = vector.bitcast %get3A_648 : vector<16xf32> to vector<32xbf16>
        %unpack3A_650 = tpu.unpack_subelements %bitcast3A_649, 0 {pack_format = #tpu.pack_format<interleaved>} : vector<32xbf16> -> vector<16xf32>
        %unpack3A_651 = tpu.unpack_subelements %bitcast3A_649, 1 {pack_format = #tpu.pack_format<interleaved>} : vector<32xbf16> -> vector<16xf32>
        %add3A_652 = arith.constant 0 : i32
        %add3A_653 = vector.broadcast %add3A_652 : i32 to vector<16xi32>
        %add3A_654 = arith.addi %add3A_653, %select_n3A : vector<16xi32>
        %lt3A_655 = arith.constant 0 : i32
        %lt3A_656 = vector.broadcast %lt3A_655 : i32 to vector<16xi32>
        %lt3A_657 = arith.cmpi slt, %add3A_654, %lt3A_656 : vector<16xi32>
        %add3A_658 = arith.constant 16 : i32
        %add3A_659 = vector.broadcast %add3A_658 : i32 to vector<16xi32>
        %add3A_660 = arith.addi %add3A_654, %add3A_659 : vector<16xi32>
        %select_n3A_661 = arith.select %lt3A_657, %add3A_660, %add3A_654 : vector<16xi1>, vector<16xi32>
        %reshape3A_662 = vector.shape_cast %select_n3A_661 : vector<16xi32> to vector<16x1xi32>
        %gather3A_663 = vector.shape_cast %reshape3A_662 : vector<16x1xi32> to vector<16xi32>
        %gather3A_664 = tpu.dynamic_gather %exp3A_602[%gather3A_663] in [0] : vector<16xf32>, vector<16xi32> -> vector<16xf32>
        %mul3A_665 = arith.mulf %unpack3A_650, %gather3A_664 : vector<16xf32>
        %swap3A_666 = arith.index_cast %rem3A_157 : i32 to index
        %swap3A_667 = arith.index_cast %add3A_614 : i32 to index
        %swap3A_668 = arith.constant 32 : index
        %swap3A_669 = tpu.vector_load %arg12[%swap3A_666, %swap3A_667, %swap3A_668] {strides = array<i32>} : memref<2x128x72xf32, #tpu.memory_space<vmem>>, vector<16xf32>,
        tpu.vector_store %arg12[%swap3A_666, %swap3A_667, %swap3A_668], %mul3A_665 {strides = array<i32>} : memref<2x128x72xf32, #tpu.memory_space<vmem>>, vector<16xf32>,
        %mul3A_670 = arith.mulf %unpack3A_651, %gather3A_664 : vector<16xf32>
        %swap3A_671 = arith.index_cast %rem3A_157 : i32 to index
        %swap3A_672 = arith.index_cast %add3A_614 : i32 to index
        %swap3A_673 = arith.constant 48 : index
        %swap3A_674 = tpu.vector_load %arg12[%swap3A_671, %swap3A_672, %swap3A_673] {strides = array<i32>} : memref<2x128x72xf32, #tpu.memory_space<vmem>>, vector<16xf32>,
        tpu.vector_store %arg12[%swap3A_671, %swap3A_672, %swap3A_673], %mul3A_670 {strides = array<i32>} : memref<2x128x72xf32, #tpu.memory_space<vmem>>, vector<16xf32>,
        %mul3A_675 = arith.constant 16 : i32
        %mul3A_676 = arith.muli %mul3A_675, %scan3A_222 : i32
        %add3A_677 = arith.constant 4 : i32
        %add3A_678 = arith.addi %mul3A_676, %add3A_677 : i32
        %add3A_679 = arith.constant 1 : i32
        %add3A_680 = arith.addi %add3A_678, %add3A_679 : i32
        %get3A_681 = arith.index_cast %rem3A_157 : i32 to index
        %get3A_682 = arith.index_cast %add3A_680 : i32 to index
        %get3A_683 = arith.constant 0 : index
        %get3A_684 = tpu.vector_load %arg11[%get3A_681, %get3A_682, %get3A_683] {strides = array<i32>} : memref<2x128x40xf32, #tpu.memory_space<vmem>>, vector<16xf32>,
        %bitcast3A_685 = vector.bitcast %get3A_684 : vector<16xf32> to vector<32xbf16>
        %unpack3A_686 = tpu.unpack_subelements %bitcast3A_685, 0 {pack_format = #tpu.pack_format<interleaved>} : vector<32xbf16> -> vector<16xf32>
        %unpack3A_687 = tpu.unpack_subelements %bitcast3A_685, 1 {pack_format = #tpu.pack_format<interleaved>} : vector<32xbf16> -> vector<16xf32>
        %add3A_688 = arith.constant 4 : i32
        %add3A_689 = vector.broadcast %add3A_688 : i32 to vector<16xi32>
        %add3A_690 = arith.addi %add3A_689, %select_n3A : vector<16xi32>
        %lt3A_691 = arith.constant 0 : i32
        %lt3A_692 = vector.broadcast %lt3A_691 : i32 to vector<16xi32>
        %lt3A_693 = arith.cmpi slt, %add3A_690, %lt3A_692 : vector<16xi32>
        %add3A_694 = arith.constant 16 : i32
        %add3A_695 = vector.broadcast %add3A_694 : i32 to vector<16xi32>
        %add3A_696 = arith.addi %add3A_690, %add3A_695 : vector<16xi32>
        %select_n3A_697 = arith.select %lt3A_693, %add3A_696, %add3A_690 : vector<16xi1>, vector<16xi32>
        %reshape3A_698 = vector.shape_cast %select_n3A_697 : vector<16xi32> to vector<16x1xi32>
        %gather3A_699 = vector.shape_cast %reshape3A_698 : vector<16x1xi32> to vector<16xi32>
        %gather3A_700 = tpu.dynamic_gather %exp3A_596[%gather3A_699] in [0] : vector<16xf32>, vector<16xi32> -> vector<16xf32>
        %mul3A_701 = arith.mulf %unpack3A_686, %gather3A_700 : vector<16xf32>
        %swap3A_702 = arith.index_cast %rem3A_157 : i32 to index
        %swap3A_703 = arith.index_cast %add3A_680 : i32 to index
        %swap3A_704 = arith.constant 0 : index
        %swap3A_705 = tpu.vector_load %arg12[%swap3A_702, %swap3A_703, %swap3A_704] {strides = array<i32>} : memref<2x128x72xf32, #tpu.memory_space<vmem>>, vector<16xf32>,
        tpu.vector_store %arg12[%swap3A_702, %swap3A_703, %swap3A_704], %mul3A_701 {strides = array<i32>} : memref<2x128x72xf32, #tpu.memory_space<vmem>>, vector<16xf32>,
        %mul3A_706 = arith.mulf %unpack3A_687, %gather3A_700 : vector<16xf32>
        %swap3A_707 = arith.index_cast %rem3A_157 : i32 to index
        %swap3A_708 = arith.index_cast %add3A_680 : i32 to index
        %swap3A_709 = arith.constant 16 : index
        %swap3A_710 = tpu.vector_load %arg12[%swap3A_707, %swap3A_708, %swap3A_709] {strides = array<i32>} : memref<2x128x72xf32, #tpu.memory_space<vmem>>, vector<16xf32>,
        tpu.vector_store %arg12[%swap3A_707, %swap3A_708, %swap3A_709], %mul3A_706 {strides = array<i32>} : memref<2x128x72xf32, #tpu.memory_space<vmem>>, vector<16xf32>,
        %get3A_711 = arith.index_cast %rem3A_157 : i32 to index
        %get3A_712 = arith.index_cast %add3A_680 : i32 to index
        %get3A_713 = arith.constant 16 : index
        %get3A_714 = tpu.vector_load %arg11[%get3A_711, %get3A_712, %get3A_713] {strides = array<i32>} : memref<2x128x40xf32, #tpu.memory_space<vmem>>, vector<16xf32>,
        %bitcast3A_715 = vector.bitcast %get3A_714 : vector<16xf32> to vector<32xbf16>
        %unpack3A_716 = tpu.unpack_subelements %bitcast3A_715, 0 {pack_format = #tpu.pack_format<interleaved>} : vector<32xbf16> -> vector<16xf32>
        %unpack3A_717 = tpu.unpack_subelements %bitcast3A_715, 1 {pack_format = #tpu.pack_format<interleaved>} : vector<32xbf16> -> vector<16xf32>
        %add3A_718 = arith.constant 4 : i32
        %add3A_719 = vector.broadcast %add3A_718 : i32 to vector<16xi32>
        %add3A_720 = arith.addi %add3A_719, %select_n3A : vector<16xi32>
        %lt3A_721 = arith.constant 0 : i32
        %lt3A_722 = vector.broadcast %lt3A_721 : i32 to vector<16xi32>
        %lt3A_723 = arith.cmpi slt, %add3A_720, %lt3A_722 : vector<16xi32>
        %add3A_724 = arith.constant 16 : i32
        %add3A_725 = vector.broadcast %add3A_724 : i32 to vector<16xi32>
        %add3A_726 = arith.addi %add3A_720, %add3A_725 : vector<16xi32>
        %select_n3A_727 = arith.select %lt3A_723, %add3A_726, %add3A_720 : vector<16xi1>, vector<16xi32>
        %reshape3A_728 = vector.shape_cast %select_n3A_727 : vector<16xi32> to vector<16x1xi32>
        %gather3A_729 = vector.shape_cast %reshape3A_728 : vector<16x1xi32> to vector<16xi32>
        %gather3A_730 = tpu.dynamic_gather %exp3A_602[%gather3A_729] in [0] : vector<16xf32>, vector<16xi32> -> vector<16xf32>
        %mul3A_731 = arith.mulf %unpack3A_716, %gather3A_730 : vector<16xf32>
        %swap3A_732 = arith.index_cast %rem3A_157 : i32 to index
        %swap3A_733 = arith.index_cast %add3A_680 : i32 to index
        %swap3A_734 = arith.constant 32 : index
        %swap3A_735 = tpu.vector_load %arg12[%swap3A_732, %swap3A_733, %swap3A_734] {strides = array<i32>} : memref<2x128x72xf32, #tpu.memory_space<vmem>>, vector<16xf32>,
        tpu.vector_store %arg12[%swap3A_732, %swap3A_733, %swap3A_734], %mul3A_731 {strides = array<i32>} : memref<2x128x72xf32, #tpu.memory_space<vmem>>, vector<16xf32>,
        %mul3A_736 = arith.mulf %unpack3A_717, %gather3A_730 : vector<16xf32>
        %swap3A_737 = arith.index_cast %rem3A_157 : i32 to index
        %swap3A_738 = arith.index_cast %add3A_680 : i32 to index
        %swap3A_739 = arith.constant 48 : index
        %swap3A_740 = tpu.vector_load %arg12[%swap3A_737, %swap3A_738, %swap3A_739] {strides = array<i32>} : memref<2x128x72xf32, #tpu.memory_space<vmem>>, vector<16xf32>,
        tpu.vector_store %arg12[%swap3A_737, %swap3A_738, %swap3A_739], %mul3A_736 {strides = array<i32>} : memref<2x128x72xf32, #tpu.memory_space<vmem>>, vector<16xf32>,
        %mul3A_741 = arith.constant 16 : i32
        %mul3A_742 = arith.muli %mul3A_741, %scan3A_222 : i32
        %add3A_743 = arith.constant 4 : i32
        %add3A_744 = arith.addi %mul3A_742, %add3A_743 : i32
        %add3A_745 = arith.constant 2 : i32
        %add3A_746 = arith.addi %add3A_744, %add3A_745 : i32
        %get3A_747 = arith.index_cast %rem3A_157 : i32 to index
        %get3A_748 = arith.index_cast %add3A_746 : i32 to index
        %get3A_749 = arith.constant 0 : index
        %get3A_750 = tpu.vector_load %arg11[%get3A_747, %get3A_748, %get3A_749] {strides = array<i32>} : memref<2x128x40xf32, #tpu.memory_space<vmem>>, vector<16xf32>,
        %bitcast3A_751 = vector.bitcast %get3A_750 : vector<16xf32> to vector<32xbf16>
        %unpack3A_752 = tpu.unpack_subelements %bitcast3A_751, 0 {pack_format = #tpu.pack_format<interleaved>} : vector<32xbf16> -> vector<16xf32>
        %unpack3A_753 = tpu.unpack_subelements %bitcast3A_751, 1 {pack_format = #tpu.pack_format<interleaved>} : vector<32xbf16> -> vector<16xf32>
        %add3A_754 = arith.constant 8 : i32
        %add3A_755 = vector.broadcast %add3A_754 : i32 to vector<16xi32>
        %add3A_756 = arith.addi %add3A_755, %select_n3A : vector<16xi32>
        %lt3A_757 = arith.constant 0 : i32
        %lt3A_758 = vector.broadcast %lt3A_757 : i32 to vector<16xi32>
        %lt3A_759 = arith.cmpi slt, %add3A_756, %lt3A_758 : vector<16xi32>
        %add3A_760 = arith.constant 16 : i32
        %add3A_761 = vector.broadcast %add3A_760 : i32 to vector<16xi32>
        %add3A_762 = arith.addi %add3A_756, %add3A_761 : vector<16xi32>
        %select_n3A_763 = arith.select %lt3A_759, %add3A_762, %add3A_756 : vector<16xi1>, vector<16xi32>
        %reshape3A_764 = vector.shape_cast %select_n3A_763 : vector<16xi32> to vector<16x1xi32>
        %gather3A_765 = vector.shape_cast %reshape3A_764 : vector<16x1xi32> to vector<16xi32>
        %gather3A_766 = tpu.dynamic_gather %exp3A_596[%gather3A_765] in [0] : vector<16xf32>, vector<16xi32> -> vector<16xf32>
        %mul3A_767 = arith.mulf %unpack3A_752, %gather3A_766 : vector<16xf32>
        %swap3A_768 = arith.index_cast %rem3A_157 : i32 to index
        %swap3A_769 = arith.index_cast %add3A_746 : i32 to index
        %swap3A_770 = arith.constant 0 : index
        %swap3A_771 = tpu.vector_load %arg12[%swap3A_768, %swap3A_769, %swap3A_770] {strides = array<i32>} : memref<2x128x72xf32, #tpu.memory_space<vmem>>, vector<16xf32>,
        tpu.vector_store %arg12[%swap3A_768, %swap3A_769, %swap3A_770], %mul3A_767 {strides = array<i32>} : memref<2x128x72xf32, #tpu.memory_space<vmem>>, vector<16xf32>,
        %mul3A_772 = arith.mulf %unpack3A_753, %gather3A_766 : vector<16xf32>
        %swap3A_773 = arith.index_cast %rem3A_157 : i32 to index
        %swap3A_774 = arith.index_cast %add3A_746 : i32 to index
        %swap3A_775 = arith.constant 16 : index
        %swap3A_776 = tpu.vector_load %arg12[%swap3A_773, %swap3A_774, %swap3A_775] {strides = array<i32>} : memref<2x128x72xf32, #tpu.memory_space<vmem>>, vector<16xf32>,
        tpu.vector_store %arg12[%swap3A_773, %swap3A_774, %swap3A_775], %mul3A_772 {strides = array<i32>} : memref<2x128x72xf32, #tpu.memory_space<vmem>>, vector<16xf32>,
        %get3A_777 = arith.index_cast %rem3A_157 : i32 to index
        %get3A_778 = arith.index_cast %add3A_746 : i32 to index
        %get3A_779 = arith.constant 16 : index
        %get3A_780 = tpu.vector_load %arg11[%get3A_777, %get3A_778, %get3A_779] {strides = array<i32>} : memref<2x128x40xf32, #tpu.memory_space<vmem>>, vector<16xf32>,
        %bitcast3A_781 = vector.bitcast %get3A_780 : vector<16xf32> to vector<32xbf16>
        %unpack3A_782 = tpu.unpack_subelements %bitcast3A_781, 0 {pack_format = #tpu.pack_format<interleaved>} : vector<32xbf16> -> vector<16xf32>
        %unpack3A_783 = tpu.unpack_subelements %bitcast3A_781, 1 {pack_format = #tpu.pack_format<interleaved>} : vector<32xbf16> -> vector<16xf32>
        %add3A_784 = arith.constant 8 : i32
        %add3A_785 = vector.broadcast %add3A_784 : i32 to vector<16xi32>
        %add3A_786 = arith.addi %add3A_785, %select_n3A : vector<16xi32>
        %lt3A_787 = arith.constant 0 : i32
        %lt3A_788 = vector.broadcast %lt3A_787 : i32 to vector<16xi32>
        %lt3A_789 = arith.cmpi slt, %add3A_786, %lt3A_788 : vector<16xi32>
        %add3A_790 = arith.constant 16 : i32
        %add3A_791 = vector.broadcast %add3A_790 : i32 to vector<16xi32>
        %add3A_792 = arith.addi %add3A_786, %add3A_791 : vector<16xi32>
        %select_n3A_793 = arith.select %lt3A_789, %add3A_792, %add3A_786 : vector<16xi1>, vector<16xi32>
        %reshape3A_794 = vector.shape_cast %select_n3A_793 : vector<16xi32> to vector<16x1xi32>
        %gather3A_795 = vector.shape_cast %reshape3A_794 : vector<16x1xi32> to vector<16xi32>
        %gather3A_796 = tpu.dynamic_gather %exp3A_602[%gather3A_795] in [0] : vector<16xf32>, vector<16xi32> -> vector<16xf32>
        %mul3A_797 = arith.mulf %unpack3A_782, %gather3A_796 : vector<16xf32>
        %swap3A_798 = arith.index_cast %rem3A_157 : i32 to index
        %swap3A_799 = arith.index_cast %add3A_746 : i32 to index
        %swap3A_800 = arith.constant 32 : index
        %swap3A_801 = tpu.vector_load %arg12[%swap3A_798, %swap3A_799, %swap3A_800] {strides = array<i32>} : memref<2x128x72xf32, #tpu.memory_space<vmem>>, vector<16xf32>,
        tpu.vector_store %arg12[%swap3A_798, %swap3A_799, %swap3A_800], %mul3A_797 {strides = array<i32>} : memref<2x128x72xf32, #tpu.memory_space<vmem>>, vector<16xf32>,
        %mul3A_802 = arith.mulf %unpack3A_783, %gather3A_796 : vector<16xf32>
        %swap3A_803 = arith.index_cast %rem3A_157 : i32 to index
        %swap3A_804 = arith.index_cast %add3A_746 : i32 to index
        %swap3A_805 = arith.constant 48 : index
        %swap3A_806 = tpu.vector_load %arg12[%swap3A_803, %swap3A_804, %swap3A_805] {strides = array<i32>} : memref<2x128x72xf32, #tpu.memory_space<vmem>>, vector<16xf32>,
        tpu.vector_store %arg12[%swap3A_803, %swap3A_804, %swap3A_805], %mul3A_802 {strides = array<i32>} : memref<2x128x72xf32, #tpu.memory_space<vmem>>, vector<16xf32>,
        %mul3A_807 = arith.constant 16 : i32
        %mul3A_808 = arith.muli %mul3A_807, %scan3A_222 : i32
        %add3A_809 = arith.constant 4 : i32
        %add3A_810 = arith.addi %mul3A_808, %add3A_809 : i32
        %add3A_811 = arith.constant 3 : i32
        %add3A_812 = arith.addi %add3A_810, %add3A_811 : i32
        %get3A_813 = arith.index_cast %rem3A_157 : i32 to index
        %get3A_814 = arith.index_cast %add3A_812 : i32 to index
        %get3A_815 = arith.constant 0 : index
        %get3A_816 = tpu.vector_load %arg11[%get3A_813, %get3A_814, %get3A_815] {strides = array<i32>} : memref<2x128x40xf32, #tpu.memory_space<vmem>>, vector<16xf32>,
        %bitcast3A_817 = vector.bitcast %get3A_816 : vector<16xf32> to vector<32xbf16>
        %unpack3A_818 = tpu.unpack_subelements %bitcast3A_817, 0 {pack_format = #tpu.pack_format<interleaved>} : vector<32xbf16> -> vector<16xf32>
        %unpack3A_819 = tpu.unpack_subelements %bitcast3A_817, 1 {pack_format = #tpu.pack_format<interleaved>} : vector<32xbf16> -> vector<16xf32>
        %add3A_820 = arith.constant 12 : i32
        %add3A_821 = vector.broadcast %add3A_820 : i32 to vector<16xi32>
        %add3A_822 = arith.addi %add3A_821, %select_n3A : vector<16xi32>
        %lt3A_823 = arith.constant 0 : i32
        %lt3A_824 = vector.broadcast %lt3A_823 : i32 to vector<16xi32>
        %lt3A_825 = arith.cmpi slt, %add3A_822, %lt3A_824 : vector<16xi32>
        %add3A_826 = arith.constant 16 : i32
        %add3A_827 = vector.broadcast %add3A_826 : i32 to vector<16xi32>
        %add3A_828 = arith.addi %add3A_822, %add3A_827 : vector<16xi32>
        %select_n3A_829 = arith.select %lt3A_825, %add3A_828, %add3A_822 : vector<16xi1>, vector<16xi32>
        %reshape3A_830 = vector.shape_cast %select_n3A_829 : vector<16xi32> to vector<16x1xi32>
        %gather3A_831 = vector.shape_cast %reshape3A_830 : vector<16x1xi32> to vector<16xi32>
        %gather3A_832 = tpu.dynamic_gather %exp3A_596[%gather3A_831] in [0] : vector<16xf32>, vector<16xi32> -> vector<16xf32>
        %mul3A_833 = arith.mulf %unpack3A_818, %gather3A_832 : vector<16xf32>
        %swap3A_834 = arith.index_cast %rem3A_157 : i32 to index
        %swap3A_835 = arith.index_cast %add3A_812 : i32 to index
        %swap3A_836 = arith.constant 0 : index
        %swap3A_837 = tpu.vector_load %arg12[%swap3A_834, %swap3A_835, %swap3A_836] {strides = array<i32>} : memref<2x128x72xf32, #tpu.memory_space<vmem>>, vector<16xf32>,
        tpu.vector_store %arg12[%swap3A_834, %swap3A_835, %swap3A_836], %mul3A_833 {strides = array<i32>} : memref<2x128x72xf32, #tpu.memory_space<vmem>>, vector<16xf32>,
        %mul3A_838 = arith.mulf %unpack3A_819, %gather3A_832 : vector<16xf32>
        %swap3A_839 = arith.index_cast %rem3A_157 : i32 to index
        %swap3A_840 = arith.index_cast %add3A_812 : i32 to index
        %swap3A_841 = arith.constant 16 : index
        %swap3A_842 = tpu.vector_load %arg12[%swap3A_839, %swap3A_840, %swap3A_841] {strides = array<i32>} : memref<2x128x72xf32, #tpu.memory_space<vmem>>, vector<16xf32>,
        tpu.vector_store %arg12[%swap3A_839, %swap3A_840, %swap3A_841], %mul3A_838 {strides = array<i32>} : memref<2x128x72xf32, #tpu.memory_space<vmem>>, vector<16xf32>,
        %get3A_843 = arith.index_cast %rem3A_157 : i32 to index
        %get3A_844 = arith.index_cast %add3A_812 : i32 to index
        %get3A_845 = arith.constant 16 : index
        %get3A_846 = tpu.vector_load %arg11[%get3A_843, %get3A_844, %get3A_845] {strides = array<i32>} : memref<2x128x40xf32, #tpu.memory_space<vmem>>, vector<16xf32>,
        %bitcast3A_847 = vector.bitcast %get3A_846 : vector<16xf32> to vector<32xbf16>
        %unpack3A_848 = tpu.unpack_subelements %bitcast3A_847, 0 {pack_format = #tpu.pack_format<interleaved>} : vector<32xbf16> -> vector<16xf32>
        %unpack3A_849 = tpu.unpack_subelements %bitcast3A_847, 1 {pack_format = #tpu.pack_format<interleaved>} : vector<32xbf16> -> vector<16xf32>
        %add3A_850 = arith.constant 12 : i32
        %add3A_851 = vector.broadcast %add3A_850 : i32 to vector<16xi32>
        %add3A_852 = arith.addi %add3A_851, %select_n3A : vector<16xi32>
        %lt3A_853 = arith.constant 0 : i32
        %lt3A_854 = vector.broadcast %lt3A_853 : i32 to vector<16xi32>
        %lt3A_855 = arith.cmpi slt, %add3A_852, %lt3A_854 : vector<16xi32>
        %add3A_856 = arith.constant 16 : i32
        %add3A_857 = vector.broadcast %add3A_856 : i32 to vector<16xi32>
        %add3A_858 = arith.addi %add3A_852, %add3A_857 : vector<16xi32>
        %select_n3A_859 = arith.select %lt3A_855, %add3A_858, %add3A_852 : vector<16xi1>, vector<16xi32>
        %reshape3A_860 = vector.shape_cast %select_n3A_859 : vector<16xi32> to vector<16x1xi32>
        %gather3A_861 = vector.shape_cast %reshape3A_860 : vector<16x1xi32> to vector<16xi32>
        %gather3A_862 = tpu.dynamic_gather %exp3A_602[%gather3A_861] in [0] : vector<16xf32>, vector<16xi32> -> vector<16xf32>
        %mul3A_863 = arith.mulf %unpack3A_848, %gather3A_862 : vector<16xf32>
        %swap3A_864 = arith.index_cast %rem3A_157 : i32 to index
        %swap3A_865 = arith.index_cast %add3A_812 : i32 to index
        %swap3A_866 = arith.constant 32 : index
        %swap3A_867 = tpu.vector_load %arg12[%swap3A_864, %swap3A_865, %swap3A_866] {strides = array<i32>} : memref<2x128x72xf32, #tpu.memory_space<vmem>>, vector<16xf32>,
        tpu.vector_store %arg12[%swap3A_864, %swap3A_865, %swap3A_866], %mul3A_863 {strides = array<i32>} : memref<2x128x72xf32, #tpu.memory_space<vmem>>, vector<16xf32>,
        %mul3A_868 = arith.mulf %unpack3A_849, %gather3A_862 : vector<16xf32>
        %swap3A_869 = arith.index_cast %rem3A_157 : i32 to index
        %swap3A_870 = arith.index_cast %add3A_812 : i32 to index
        %swap3A_871 = arith.constant 48 : index
        %swap3A_872 = tpu.vector_load %arg12[%swap3A_869, %swap3A_870, %swap3A_871] {strides = array<i32>} : memref<2x128x72xf32, #tpu.memory_space<vmem>>, vector<16xf32>,
        tpu.vector_store %arg12[%swap3A_869, %swap3A_870, %swap3A_871], %mul3A_868 {strides = array<i32>} : memref<2x128x72xf32, #tpu.memory_space<vmem>>, vector<16xf32>,
        %mul3A_873 = arith.constant 16 : i32
        %mul3A_874 = arith.muli %mul3A_873, %scan3A_222 : i32
        %add3A_875 = arith.constant 8 : i32
        %add3A_876 = arith.addi %mul3A_874, %add3A_875 : i32
        %add3A_877 = vector.broadcast %add3A_876 : i32 to vector<16xi32>
        %add3A_878 = arith.addi %add3A_877, %select_n3A : vector<16xi32>
        %add3A_879 = arith.constant 32 : i32
        %add3A_880 = vector.broadcast %add3A_879 : i32 to vector<16xi32>
        %add3A_881 = arith.addi %add3A_880, %and3A_60 : vector<16xi32>
        %gather3A_882 = tpu.vector_load_idx %arg11[%add3A_203, %add3A_878, %add3A_881] : memref<2x128x40xf32, #tpu.memory_space<vmem>>[vector<16xi32>, vector<16xi32>, vector<16xi32>], vector<16xf32>,
        %add3A_883 = arith.constant 36 : i32
        %add3A_884 = vector.broadcast %add3A_883 : i32 to vector<16xi32>
        %add3A_885 = arith.addi %add3A_884, %and3A_60 : vector<16xi32>
        %gather3A_886 = tpu.vector_load_idx %arg11[%add3A_203, %add3A_878, %add3A_885] : memref<2x128x40xf32, #tpu.memory_space<vmem>>[vector<16xi32>, vector<16xi32>, vector<16xi32>], vector<16xf32>,
        %add3A_887 = arith.constant 8 : i32
        %add3A_888 = vector.broadcast %add3A_887 : i32 to vector<16xi32>
        %add3A_889 = arith.addi %add3A_888, %select_n3A : vector<16xi32>
        %lt3A_890 = arith.constant 0 : i32
        %lt3A_891 = vector.broadcast %lt3A_890 : i32 to vector<16xi32>
        %lt3A_892 = arith.cmpi slt, %add3A_889, %lt3A_891 : vector<16xi32>
        %add3A_893 = arith.constant 16 : i32
        %add3A_894 = vector.broadcast %add3A_893 : i32 to vector<16xi32>
        %add3A_895 = arith.addi %add3A_889, %add3A_894 : vector<16xi32>
        %select_n3A_896 = arith.select %lt3A_892, %add3A_895, %add3A_889 : vector<16xi1>, vector<16xi32>
        %reshape3A_897 = vector.shape_cast %select_n3A_896 : vector<16xi32> to vector<16x1xi32>
        %gather3A_898 = vector.shape_cast %reshape3A_897 : vector<16x1xi32> to vector<16xi32>
        %gather3A_899 = tpu.dynamic_gather %get3A_228[%gather3A_898] in [0] : vector<16xi32>, vector<16xi32> -> vector<16xi32>
        %shift_right_arithmetic3A_900 = arith.constant 1 : i32
        %shift_right_arithmetic3A_901 = vector.broadcast %shift_right_arithmetic3A_900 : i32 to vector<16xi32>
        %shift_right_arithmetic3A_902 = arith.shrsi %gather3A_899, %shift_right_arithmetic3A_901 : vector<16xi32>
        %and3A_903 = arith.constant 1 : i32
        %and3A_904 = vector.broadcast %and3A_903 : i32 to vector<16xi32>
        %and3A_905 = arith.andi %gather3A_899, %and3A_904 : vector<16xi32>
        %mul3A_906 = arith.constant 4 : i32
        %mul3A_907 = vector.broadcast %mul3A_906 : i32 to vector<16xi32>
        %mul3A_908 = arith.muli %and3A_905, %mul3A_907 : vector<16xi32>
        %add3A_909 = arith.addi %mul3A_908, %and3A_60 : vector<16xi32>
        %gather3A_910 = tpu.vector_load_idx %arg10[%shift_right_arithmetic3A_902, %add3A_909] : memref<5120x8xf32, #tpu.memory_space<vmem>>[vector<16xi32>, vector<16xi32>], vector<16xf32>,
        %bitcast3A_911 = vector.bitcast %gather3A_910 : vector<16xf32> to vector<32xbf16>
        %unpack3A_912 = tpu.unpack_subelements %bitcast3A_911, 0 {pack_format = #tpu.pack_format<interleaved>} : vector<32xbf16> -> vector<16xf32>
        %unpack3A_913 = tpu.unpack_subelements %bitcast3A_911, 1 {pack_format = #tpu.pack_format<interleaved>} : vector<32xbf16> -> vector<16xf32>
        %add3A_914 = arith.addf %gather3A_882, %unpack3A_912 : vector<16xf32>
        %add3A_915 = arith.addf %gather3A_886, %unpack3A_913 : vector<16xf32>
        %mul3A_916 = arith.constant 2.000000e-01 : f32
        %mul3A_917 = vector.broadcast %mul3A_916 : f32 to vector<16xf32>
        %mul3A_918 = arith.mulf %mul3A_917, %add3A_914 : vector<16xf32>
        %max3A_919 = arith.maximumf %add3A_914, %mul3A_918 : vector<16xf32>
        %sub3A_920 = arith.subf %max3A_919, %gather3A_67 : vector<16xf32>
        %exp3A_921 = math.exp %sub3A_920 : vector<16xf32>
        %mul3A_922 = arith.constant 2.000000e-01 : f32
        %mul3A_923 = vector.broadcast %mul3A_922 : f32 to vector<16xf32>
        %mul3A_924 = arith.mulf %mul3A_923, %add3A_915 : vector<16xf32>
        %max3A_925 = arith.maximumf %add3A_915, %mul3A_924 : vector<16xf32>
        %sub3A_926 = arith.subf %max3A_925, %gather3A_80 : vector<16xf32>
        %exp3A_927 = math.exp %sub3A_926 : vector<16xf32>
        %add3A_928 = arith.constant 64 : i32
        %add3A_929 = vector.broadcast %add3A_928 : i32 to vector<16xi32>
        %add3A_930 = arith.addi %add3A_929, %and3A_60 : vector<16xi32>
        tpu.vector_store_idx %arg12[%add3A_203, %add3A_878, %add3A_930], %exp3A_921 : memref<2x128x72xf32, #tpu.memory_space<vmem>>[vector<16xi32>, vector<16xi32>, vector<16xi32>], vector<16xf32>,
        %add3A_931 = arith.constant 68 : i32
        %add3A_932 = vector.broadcast %add3A_931 : i32 to vector<16xi32>
        %add3A_933 = arith.addi %add3A_932, %and3A_60 : vector<16xi32>
        tpu.vector_store_idx %arg12[%add3A_203, %add3A_878, %add3A_933], %exp3A_927 : memref<2x128x72xf32, #tpu.memory_space<vmem>>[vector<16xi32>, vector<16xi32>, vector<16xi32>], vector<16xf32>,
        %mul3A_934 = arith.constant 16 : i32
        %mul3A_935 = arith.muli %mul3A_934, %scan3A_222 : i32
        %add3A_936 = arith.constant 8 : i32
        %add3A_937 = arith.addi %mul3A_935, %add3A_936 : i32
        %add3A_938 = arith.constant 0 : i32
        %add3A_939 = arith.addi %add3A_937, %add3A_938 : i32
        %get3A_940 = arith.index_cast %rem3A_157 : i32 to index
        %get3A_941 = arith.index_cast %add3A_939 : i32 to index
        %get3A_942 = arith.constant 0 : index
        %get3A_943 = tpu.vector_load %arg11[%get3A_940, %get3A_941, %get3A_942] {strides = array<i32>} : memref<2x128x40xf32, #tpu.memory_space<vmem>>, vector<16xf32>,
        %bitcast3A_944 = vector.bitcast %get3A_943 : vector<16xf32> to vector<32xbf16>
        %unpack3A_945 = tpu.unpack_subelements %bitcast3A_944, 0 {pack_format = #tpu.pack_format<interleaved>} : vector<32xbf16> -> vector<16xf32>
        %unpack3A_946 = tpu.unpack_subelements %bitcast3A_944, 1 {pack_format = #tpu.pack_format<interleaved>} : vector<32xbf16> -> vector<16xf32>
        %add3A_947 = arith.constant 0 : i32
        %add3A_948 = vector.broadcast %add3A_947 : i32 to vector<16xi32>
        %add3A_949 = arith.addi %add3A_948, %select_n3A : vector<16xi32>
        %lt3A_950 = arith.constant 0 : i32
        %lt3A_951 = vector.broadcast %lt3A_950 : i32 to vector<16xi32>
        %lt3A_952 = arith.cmpi slt, %add3A_949, %lt3A_951 : vector<16xi32>
        %add3A_953 = arith.constant 16 : i32
        %add3A_954 = vector.broadcast %add3A_953 : i32 to vector<16xi32>
        %add3A_955 = arith.addi %add3A_949, %add3A_954 : vector<16xi32>
        %select_n3A_956 = arith.select %lt3A_952, %add3A_955, %add3A_949 : vector<16xi1>, vector<16xi32>
        %reshape3A_957 = vector.shape_cast %select_n3A_956 : vector<16xi32> to vector<16x1xi32>
        %gather3A_958 = vector.shape_cast %reshape3A_957 : vector<16x1xi32> to vector<16xi32>
        %gather3A_959 = tpu.dynamic_gather %exp3A_921[%gather3A_958] in [0] : vector<16xf32>, vector<16xi32> -> vector<16xf32>
        %mul3A_960 = arith.mulf %unpack3A_945, %gather3A_959 : vector<16xf32>
        %swap3A_961 = arith.index_cast %rem3A_157 : i32 to index
        %swap3A_962 = arith.index_cast %add3A_939 : i32 to index
        %swap3A_963 = arith.constant 0 : index
        %swap3A_964 = tpu.vector_load %arg12[%swap3A_961, %swap3A_962, %swap3A_963] {strides = array<i32>} : memref<2x128x72xf32, #tpu.memory_space<vmem>>, vector<16xf32>,
        tpu.vector_store %arg12[%swap3A_961, %swap3A_962, %swap3A_963], %mul3A_960 {strides = array<i32>} : memref<2x128x72xf32, #tpu.memory_space<vmem>>, vector<16xf32>,
        %mul3A_965 = arith.mulf %unpack3A_946, %gather3A_959 : vector<16xf32>
        %swap3A_966 = arith.index_cast %rem3A_157 : i32 to index
        %swap3A_967 = arith.index_cast %add3A_939 : i32 to index
        %swap3A_968 = arith.constant 16 : index
        %swap3A_969 = tpu.vector_load %arg12[%swap3A_966, %swap3A_967, %swap3A_968] {strides = array<i32>} : memref<2x128x72xf32, #tpu.memory_space<vmem>>, vector<16xf32>,
        tpu.vector_store %arg12[%swap3A_966, %swap3A_967, %swap3A_968], %mul3A_965 {strides = array<i32>} : memref<2x128x72xf32, #tpu.memory_space<vmem>>, vector<16xf32>,
        %get3A_970 = arith.index_cast %rem3A_157 : i32 to index
        %get3A_971 = arith.index_cast %add3A_939 : i32 to index
        %get3A_972 = arith.constant 16 : index
        %get3A_973 = tpu.vector_load %arg11[%get3A_970, %get3A_971, %get3A_972] {strides = array<i32>} : memref<2x128x40xf32, #tpu.memory_space<vmem>>, vector<16xf32>,
        %bitcast3A_974 = vector.bitcast %get3A_973 : vector<16xf32> to vector<32xbf16>
        %unpack3A_975 = tpu.unpack_subelements %bitcast3A_974, 0 {pack_format = #tpu.pack_format<interleaved>} : vector<32xbf16> -> vector<16xf32>
        %unpack3A_976 = tpu.unpack_subelements %bitcast3A_974, 1 {pack_format = #tpu.pack_format<interleaved>} : vector<32xbf16> -> vector<16xf32>
        %add3A_977 = arith.constant 0 : i32
        %add3A_978 = vector.broadcast %add3A_977 : i32 to vector<16xi32>
        %add3A_979 = arith.addi %add3A_978, %select_n3A : vector<16xi32>
        %lt3A_980 = arith.constant 0 : i32
        %lt3A_981 = vector.broadcast %lt3A_980 : i32 to vector<16xi32>
        %lt3A_982 = arith.cmpi slt, %add3A_979, %lt3A_981 : vector<16xi32>
        %add3A_983 = arith.constant 16 : i32
        %add3A_984 = vector.broadcast %add3A_983 : i32 to vector<16xi32>
        %add3A_985 = arith.addi %add3A_979, %add3A_984 : vector<16xi32>
        %select_n3A_986 = arith.select %lt3A_982, %add3A_985, %add3A_979 : vector<16xi1>, vector<16xi32>
        %reshape3A_987 = vector.shape_cast %select_n3A_986 : vector<16xi32> to vector<16x1xi32>
        %gather3A_988 = vector.shape_cast %reshape3A_987 : vector<16x1xi32> to vector<16xi32>
        %gather3A_989 = tpu.dynamic_gather %exp3A_927[%gather3A_988] in [0] : vector<16xf32>, vector<16xi32> -> vector<16xf32>
        %mul3A_990 = arith.mulf %unpack3A_975, %gather3A_989 : vector<16xf32>
        %swap3A_991 = arith.index_cast %rem3A_157 : i32 to index
        %swap3A_992 = arith.index_cast %add3A_939 : i32 to index
        %swap3A_993 = arith.constant 32 : index
        %swap3A_994 = tpu.vector_load %arg12[%swap3A_991, %swap3A_992, %swap3A_993] {strides = array<i32>} : memref<2x128x72xf32, #tpu.memory_space<vmem>>, vector<16xf32>,
        tpu.vector_store %arg12[%swap3A_991, %swap3A_992, %swap3A_993], %mul3A_990 {strides = array<i32>} : memref<2x128x72xf32, #tpu.memory_space<vmem>>, vector<16xf32>,
        %mul3A_995 = arith.mulf %unpack3A_976, %gather3A_989 : vector<16xf32>
        %swap3A_996 = arith.index_cast %rem3A_157 : i32 to index
        %swap3A_997 = arith.index_cast %add3A_939 : i32 to index
        %swap3A_998 = arith.constant 48 : index
        %swap3A_999 = tpu.vector_load %arg12[%swap3A_996, %swap3A_997, %swap3A_998] {strides = array<i32>} : memref<2x128x72xf32, #tpu.memory_space<vmem>>, vector<16xf32>,
        tpu.vector_store %arg12[%swap3A_996, %swap3A_997, %swap3A_998], %mul3A_995 {strides = array<i32>} : memref<2x128x72xf32, #tpu.memory_space<vmem>>, vector<16xf32>,
        %mul3A_1000 = arith.constant 16 : i32
        %mul3A_1001 = arith.muli %mul3A_1000, %scan3A_222 : i32
        %add3A_1002 = arith.constant 8 : i32
        %add3A_1003 = arith.addi %mul3A_1001, %add3A_1002 : i32
        %add3A_1004 = arith.constant 1 : i32
        %add3A_1005 = arith.addi %add3A_1003, %add3A_1004 : i32
        %get3A_1006 = arith.index_cast %rem3A_157 : i32 to index
        %get3A_1007 = arith.index_cast %add3A_1005 : i32 to index
        %get3A_1008 = arith.constant 0 : index
        %get3A_1009 = tpu.vector_load %arg11[%get3A_1006, %get3A_1007, %get3A_1008] {strides = array<i32>} : memref<2x128x40xf32, #tpu.memory_space<vmem>>, vector<16xf32>,
        %bitcast3A_1010 = vector.bitcast %get3A_1009 : vector<16xf32> to vector<32xbf16>
        %unpack3A_1011 = tpu.unpack_subelements %bitcast3A_1010, 0 {pack_format = #tpu.pack_format<interleaved>} : vector<32xbf16> -> vector<16xf32>
        %unpack3A_1012 = tpu.unpack_subelements %bitcast3A_1010, 1 {pack_format = #tpu.pack_format<interleaved>} : vector<32xbf16> -> vector<16xf32>
        %add3A_1013 = arith.constant 4 : i32
        %add3A_1014 = vector.broadcast %add3A_1013 : i32 to vector<16xi32>
        %add3A_1015 = arith.addi %add3A_1014, %select_n3A : vector<16xi32>
        %lt3A_1016 = arith.constant 0 : i32
        %lt3A_1017 = vector.broadcast %lt3A_1016 : i32 to vector<16xi32>
        %lt3A_1018 = arith.cmpi slt, %add3A_1015, %lt3A_1017 : vector<16xi32>
        %add3A_1019 = arith.constant 16 : i32
        %add3A_1020 = vector.broadcast %add3A_1019 : i32 to vector<16xi32>
        %add3A_1021 = arith.addi %add3A_1015, %add3A_1020 : vector<16xi32>
        %select_n3A_1022 = arith.select %lt3A_1018, %add3A_1021, %add3A_1015 : vector<16xi1>, vector<16xi32>
        %reshape3A_1023 = vector.shape_cast %select_n3A_1022 : vector<16xi32> to vector<16x1xi32>
        %gather3A_1024 = vector.shape_cast %reshape3A_1023 : vector<16x1xi32> to vector<16xi32>
        %gather3A_1025 = tpu.dynamic_gather %exp3A_921[%gather3A_1024] in [0] : vector<16xf32>, vector<16xi32> -> vector<16xf32>
        %mul3A_1026 = arith.mulf %unpack3A_1011, %gather3A_1025 : vector<16xf32>
        %swap3A_1027 = arith.index_cast %rem3A_157 : i32 to index
        %swap3A_1028 = arith.index_cast %add3A_1005 : i32 to index
        %swap3A_1029 = arith.constant 0 : index
        %swap3A_1030 = tpu.vector_load %arg12[%swap3A_1027, %swap3A_1028, %swap3A_1029] {strides = array<i32>} : memref<2x128x72xf32, #tpu.memory_space<vmem>>, vector<16xf32>,
        tpu.vector_store %arg12[%swap3A_1027, %swap3A_1028, %swap3A_1029], %mul3A_1026 {strides = array<i32>} : memref<2x128x72xf32, #tpu.memory_space<vmem>>, vector<16xf32>,
        %mul3A_1031 = arith.mulf %unpack3A_1012, %gather3A_1025 : vector<16xf32>
        %swap3A_1032 = arith.index_cast %rem3A_157 : i32 to index
        %swap3A_1033 = arith.index_cast %add3A_1005 : i32 to index
        %swap3A_1034 = arith.constant 16 : index
        %swap3A_1035 = tpu.vector_load %arg12[%swap3A_1032, %swap3A_1033, %swap3A_1034] {strides = array<i32>} : memref<2x128x72xf32, #tpu.memory_space<vmem>>, vector<16xf32>,
        tpu.vector_store %arg12[%swap3A_1032, %swap3A_1033, %swap3A_1034], %mul3A_1031 {strides = array<i32>} : memref<2x128x72xf32, #tpu.memory_space<vmem>>, vector<16xf32>,
        %get3A_1036 = arith.index_cast %rem3A_157 : i32 to index
        %get3A_1037 = arith.index_cast %add3A_1005 : i32 to index
        %get3A_1038 = arith.constant 16 : index
        %get3A_1039 = tpu.vector_load %arg11[%get3A_1036, %get3A_1037, %get3A_1038] {strides = array<i32>} : memref<2x128x40xf32, #tpu.memory_space<vmem>>, vector<16xf32>,
        %bitcast3A_1040 = vector.bitcast %get3A_1039 : vector<16xf32> to vector<32xbf16>
        %unpack3A_1041 = tpu.unpack_subelements %bitcast3A_1040, 0 {pack_format = #tpu.pack_format<interleaved>} : vector<32xbf16> -> vector<16xf32>
        %unpack3A_1042 = tpu.unpack_subelements %bitcast3A_1040, 1 {pack_format = #tpu.pack_format<interleaved>} : vector<32xbf16> -> vector<16xf32>
        %add3A_1043 = arith.constant 4 : i32
        %add3A_1044 = vector.broadcast %add3A_1043 : i32 to vector<16xi32>
        %add3A_1045 = arith.addi %add3A_1044, %select_n3A : vector<16xi32>
        %lt3A_1046 = arith.constant 0 : i32
        %lt3A_1047 = vector.broadcast %lt3A_1046 : i32 to vector<16xi32>
        %lt3A_1048 = arith.cmpi slt, %add3A_1045, %lt3A_1047 : vector<16xi32>
        %add3A_1049 = arith.constant 16 : i32
        %add3A_1050 = vector.broadcast %add3A_1049 : i32 to vector<16xi32>
        %add3A_1051 = arith.addi %add3A_1045, %add3A_1050 : vector<16xi32>
        %select_n3A_1052 = arith.select %lt3A_1048, %add3A_1051, %add3A_1045 : vector<16xi1>, vector<16xi32>
        %reshape3A_1053 = vector.shape_cast %select_n3A_1052 : vector<16xi32> to vector<16x1xi32>
        %gather3A_1054 = vector.shape_cast %reshape3A_1053 : vector<16x1xi32> to vector<16xi32>
        %gather3A_1055 = tpu.dynamic_gather %exp3A_927[%gather3A_1054] in [0] : vector<16xf32>, vector<16xi32> -> vector<16xf32>
        %mul3A_1056 = arith.mulf %unpack3A_1041, %gather3A_1055 : vector<16xf32>
        %swap3A_1057 = arith.index_cast %rem3A_157 : i32 to index
        %swap3A_1058 = arith.index_cast %add3A_1005 : i32 to index
        %swap3A_1059 = arith.constant 32 : index
        %swap3A_1060 = tpu.vector_load %arg12[%swap3A_1057, %swap3A_1058, %swap3A_1059] {strides = array<i32>} : memref<2x128x72xf32, #tpu.memory_space<vmem>>, vector<16xf32>,
        tpu.vector_store %arg12[%swap3A_1057, %swap3A_1058, %swap3A_1059], %mul3A_1056 {strides = array<i32>} : memref<2x128x72xf32, #tpu.memory_space<vmem>>, vector<16xf32>,
        %mul3A_1061 = arith.mulf %unpack3A_1042, %gather3A_1055 : vector<16xf32>
        %swap3A_1062 = arith.index_cast %rem3A_157 : i32 to index
        %swap3A_1063 = arith.index_cast %add3A_1005 : i32 to index
        %swap3A_1064 = arith.constant 48 : index
        %swap3A_1065 = tpu.vector_load %arg12[%swap3A_1062, %swap3A_1063, %swap3A_1064] {strides = array<i32>} : memref<2x128x72xf32, #tpu.memory_space<vmem>>, vector<16xf32>,
        tpu.vector_store %arg12[%swap3A_1062, %swap3A_1063, %swap3A_1064], %mul3A_1061 {strides = array<i32>} : memref<2x128x72xf32, #tpu.memory_space<vmem>>, vector<16xf32>,
        %mul3A_1066 = arith.constant 16 : i32
        %mul3A_1067 = arith.muli %mul3A_1066, %scan3A_222 : i32
        %add3A_1068 = arith.constant 8 : i32
        %add3A_1069 = arith.addi %mul3A_1067, %add3A_1068 : i32
        %add3A_1070 = arith.constant 2 : i32
        %add3A_1071 = arith.addi %add3A_1069, %add3A_1070 : i32
        %get3A_1072 = arith.index_cast %rem3A_157 : i32 to index
        %get3A_1073 = arith.index_cast %add3A_1071 : i32 to index
        %get3A_1074 = arith.constant 0 : index
        %get3A_1075 = tpu.vector_load %arg11[%get3A_1072, %get3A_1073, %get3A_1074] {strides = array<i32>} : memref<2x128x40xf32, #tpu.memory_space<vmem>>, vector<16xf32>,
        %bitcast3A_1076 = vector.bitcast %get3A_1075 : vector<16xf32> to vector<32xbf16>
        %unpack3A_1077 = tpu.unpack_subelements %bitcast3A_1076, 0 {pack_format = #tpu.pack_format<interleaved>} : vector<32xbf16> -> vector<16xf32>
        %unpack3A_1078 = tpu.unpack_subelements %bitcast3A_1076, 1 {pack_format = #tpu.pack_format<interleaved>} : vector<32xbf16> -> vector<16xf32>
        %add3A_1079 = arith.constant 8 : i32
        %add3A_1080 = vector.broadcast %add3A_1079 : i32 to vector<16xi32>
        %add3A_1081 = arith.addi %add3A_1080, %select_n3A : vector<16xi32>
        %lt3A_1082 = arith.constant 0 : i32
        %lt3A_1083 = vector.broadcast %lt3A_1082 : i32 to vector<16xi32>
        %lt3A_1084 = arith.cmpi slt, %add3A_1081, %lt3A_1083 : vector<16xi32>
        %add3A_1085 = arith.constant 16 : i32
        %add3A_1086 = vector.broadcast %add3A_1085 : i32 to vector<16xi32>
        %add3A_1087 = arith.addi %add3A_1081, %add3A_1086 : vector<16xi32>
        %select_n3A_1088 = arith.select %lt3A_1084, %add3A_1087, %add3A_1081 : vector<16xi1>, vector<16xi32>
        %reshape3A_1089 = vector.shape_cast %select_n3A_1088 : vector<16xi32> to vector<16x1xi32>
        %gather3A_1090 = vector.shape_cast %reshape3A_1089 : vector<16x1xi32> to vector<16xi32>
        %gather3A_1091 = tpu.dynamic_gather %exp3A_921[%gather3A_1090] in [0] : vector<16xf32>, vector<16xi32> -> vector<16xf32>
        %mul3A_1092 = arith.mulf %unpack3A_1077, %gather3A_1091 : vector<16xf32>
        %swap3A_1093 = arith.index_cast %rem3A_157 : i32 to index
        %swap3A_1094 = arith.index_cast %add3A_1071 : i32 to index
        %swap3A_1095 = arith.constant 0 : index
        %swap3A_1096 = tpu.vector_load %arg12[%swap3A_1093, %swap3A_1094, %swap3A_1095] {strides = array<i32>} : memref<2x128x72xf32, #tpu.memory_space<vmem>>, vector<16xf32>,
        tpu.vector_store %arg12[%swap3A_1093, %swap3A_1094, %swap3A_1095], %mul3A_1092 {strides = array<i32>} : memref<2x128x72xf32, #tpu.memory_space<vmem>>, vector<16xf32>,
        %mul3A_1097 = arith.mulf %unpack3A_1078, %gather3A_1091 : vector<16xf32>
        %swap3A_1098 = arith.index_cast %rem3A_157 : i32 to index
        %swap3A_1099 = arith.index_cast %add3A_1071 : i32 to index
        %swap3A_1100 = arith.constant 16 : index
        %swap3A_1101 = tpu.vector_load %arg12[%swap3A_1098, %swap3A_1099, %swap3A_1100] {strides = array<i32>} : memref<2x128x72xf32, #tpu.memory_space<vmem>>, vector<16xf32>,
        tpu.vector_store %arg12[%swap3A_1098, %swap3A_1099, %swap3A_1100], %mul3A_1097 {strides = array<i32>} : memref<2x128x72xf32, #tpu.memory_space<vmem>>, vector<16xf32>,
        %get3A_1102 = arith.index_cast %rem3A_157 : i32 to index
        %get3A_1103 = arith.index_cast %add3A_1071 : i32 to index
        %get3A_1104 = arith.constant 16 : index
        %get3A_1105 = tpu.vector_load %arg11[%get3A_1102, %get3A_1103, %get3A_1104] {strides = array<i32>} : memref<2x128x40xf32, #tpu.memory_space<vmem>>, vector<16xf32>,
        %bitcast3A_1106 = vector.bitcast %get3A_1105 : vector<16xf32> to vector<32xbf16>
        %unpack3A_1107 = tpu.unpack_subelements %bitcast3A_1106, 0 {pack_format = #tpu.pack_format<interleaved>} : vector<32xbf16> -> vector<16xf32>
        %unpack3A_1108 = tpu.unpack_subelements %bitcast3A_1106, 1 {pack_format = #tpu.pack_format<interleaved>} : vector<32xbf16> -> vector<16xf32>
        %add3A_1109 = arith.constant 8 : i32
        %add3A_1110 = vector.broadcast %add3A_1109 : i32 to vector<16xi32>
        %add3A_1111 = arith.addi %add3A_1110, %select_n3A : vector<16xi32>
        %lt3A_1112 = arith.constant 0 : i32
        %lt3A_1113 = vector.broadcast %lt3A_1112 : i32 to vector<16xi32>
        %lt3A_1114 = arith.cmpi slt, %add3A_1111, %lt3A_1113 : vector<16xi32>
        %add3A_1115 = arith.constant 16 : i32
        %add3A_1116 = vector.broadcast %add3A_1115 : i32 to vector<16xi32>
        %add3A_1117 = arith.addi %add3A_1111, %add3A_1116 : vector<16xi32>
        %select_n3A_1118 = arith.select %lt3A_1114, %add3A_1117, %add3A_1111 : vector<16xi1>, vector<16xi32>
        %reshape3A_1119 = vector.shape_cast %select_n3A_1118 : vector<16xi32> to vector<16x1xi32>
        %gather3A_1120 = vector.shape_cast %reshape3A_1119 : vector<16x1xi32> to vector<16xi32>
        %gather3A_1121 = tpu.dynamic_gather %exp3A_927[%gather3A_1120] in [0] : vector<16xf32>, vector<16xi32> -> vector<16xf32>
        %mul3A_1122 = arith.mulf %unpack3A_1107, %gather3A_1121 : vector<16xf32>
        %swap3A_1123 = arith.index_cast %rem3A_157 : i32 to index
        %swap3A_1124 = arith.index_cast %add3A_1071 : i32 to index
        %swap3A_1125 = arith.constant 32 : index
        %swap3A_1126 = tpu.vector_load %arg12[%swap3A_1123, %swap3A_1124, %swap3A_1125] {strides = array<i32>} : memref<2x128x72xf32, #tpu.memory_space<vmem>>, vector<16xf32>,
        tpu.vector_store %arg12[%swap3A_1123, %swap3A_1124, %swap3A_1125], %mul3A_1122 {strides = array<i32>} : memref<2x128x72xf32, #tpu.memory_space<vmem>>, vector<16xf32>,
        %mul3A_1127 = arith.mulf %unpack3A_1108, %gather3A_1121 : vector<16xf32>
        %swap3A_1128 = arith.index_cast %rem3A_157 : i32 to index
        %swap3A_1129 = arith.index_cast %add3A_1071 : i32 to index
        %swap3A_1130 = arith.constant 48 : index
        %swap3A_1131 = tpu.vector_load %arg12[%swap3A_1128, %swap3A_1129, %swap3A_1130] {strides = array<i32>} : memref<2x128x72xf32, #tpu.memory_space<vmem>>, vector<16xf32>,
        tpu.vector_store %arg12[%swap3A_1128, %swap3A_1129, %swap3A_1130], %mul3A_1127 {strides = array<i32>} : memref<2x128x72xf32, #tpu.memory_space<vmem>>, vector<16xf32>,
        %mul3A_1132 = arith.constant 16 : i32
        %mul3A_1133 = arith.muli %mul3A_1132, %scan3A_222 : i32
        %add3A_1134 = arith.constant 8 : i32
        %add3A_1135 = arith.addi %mul3A_1133, %add3A_1134 : i32
        %add3A_1136 = arith.constant 3 : i32
        %add3A_1137 = arith.addi %add3A_1135, %add3A_1136 : i32
        %get3A_1138 = arith.index_cast %rem3A_157 : i32 to index
        %get3A_1139 = arith.index_cast %add3A_1137 : i32 to index
        %get3A_1140 = arith.constant 0 : index
        %get3A_1141 = tpu.vector_load %arg11[%get3A_1138, %get3A_1139, %get3A_1140] {strides = array<i32>} : memref<2x128x40xf32, #tpu.memory_space<vmem>>, vector<16xf32>,
        %bitcast3A_1142 = vector.bitcast %get3A_1141 : vector<16xf32> to vector<32xbf16>
        %unpack3A_1143 = tpu.unpack_subelements %bitcast3A_1142, 0 {pack_format = #tpu.pack_format<interleaved>} : vector<32xbf16> -> vector<16xf32>
        %unpack3A_1144 = tpu.unpack_subelements %bitcast3A_1142, 1 {pack_format = #tpu.pack_format<interleaved>} : vector<32xbf16> -> vector<16xf32>
        %add3A_1145 = arith.constant 12 : i32
        %add3A_1146 = vector.broadcast %add3A_1145 : i32 to vector<16xi32>
        %add3A_1147 = arith.addi %add3A_1146, %select_n3A : vector<16xi32>
        %lt3A_1148 = arith.constant 0 : i32
        %lt3A_1149 = vector.broadcast %lt3A_1148 : i32 to vector<16xi32>
        %lt3A_1150 = arith.cmpi slt, %add3A_1147, %lt3A_1149 : vector<16xi32>
        %add3A_1151 = arith.constant 16 : i32
        %add3A_1152 = vector.broadcast %add3A_1151 : i32 to vector<16xi32>
        %add3A_1153 = arith.addi %add3A_1147, %add3A_1152 : vector<16xi32>
        %select_n3A_1154 = arith.select %lt3A_1150, %add3A_1153, %add3A_1147 : vector<16xi1>, vector<16xi32>
        %reshape3A_1155 = vector.shape_cast %select_n3A_1154 : vector<16xi32> to vector<16x1xi32>
        %gather3A_1156 = vector.shape_cast %reshape3A_1155 : vector<16x1xi32> to vector<16xi32>
        %gather3A_1157 = tpu.dynamic_gather %exp3A_921[%gather3A_1156] in [0] : vector<16xf32>, vector<16xi32> -> vector<16xf32>
        %mul3A_1158 = arith.mulf %unpack3A_1143, %gather3A_1157 : vector<16xf32>
        %swap3A_1159 = arith.index_cast %rem3A_157 : i32 to index
        %swap3A_1160 = arith.index_cast %add3A_1137 : i32 to index
        %swap3A_1161 = arith.constant 0 : index
        %swap3A_1162 = tpu.vector_load %arg12[%swap3A_1159, %swap3A_1160, %swap3A_1161] {strides = array<i32>} : memref<2x128x72xf32, #tpu.memory_space<vmem>>, vector<16xf32>,
        tpu.vector_store %arg12[%swap3A_1159, %swap3A_1160, %swap3A_1161], %mul3A_1158 {strides = array<i32>} : memref<2x128x72xf32, #tpu.memory_space<vmem>>, vector<16xf32>,
        %mul3A_1163 = arith.mulf %unpack3A_1144, %gather3A_1157 : vector<16xf32>
        %swap3A_1164 = arith.index_cast %rem3A_157 : i32 to index
        %swap3A_1165 = arith.index_cast %add3A_1137 : i32 to index
        %swap3A_1166 = arith.constant 16 : index
        %swap3A_1167 = tpu.vector_load %arg12[%swap3A_1164, %swap3A_1165, %swap3A_1166] {strides = array<i32>} : memref<2x128x72xf32, #tpu.memory_space<vmem>>, vector<16xf32>,
        tpu.vector_store %arg12[%swap3A_1164, %swap3A_1165, %swap3A_1166], %mul3A_1163 {strides = array<i32>} : memref<2x128x72xf32, #tpu.memory_space<vmem>>, vector<16xf32>,
        %get3A_1168 = arith.index_cast %rem3A_157 : i32 to index
        %get3A_1169 = arith.index_cast %add3A_1137 : i32 to index
        %get3A_1170 = arith.constant 16 : index
        %get3A_1171 = tpu.vector_load %arg11[%get3A_1168, %get3A_1169, %get3A_1170] {strides = array<i32>} : memref<2x128x40xf32, #tpu.memory_space<vmem>>, vector<16xf32>,
        %bitcast3A_1172 = vector.bitcast %get3A_1171 : vector<16xf32> to vector<32xbf16>
        %unpack3A_1173 = tpu.unpack_subelements %bitcast3A_1172, 0 {pack_format = #tpu.pack_format<interleaved>} : vector<32xbf16> -> vector<16xf32>
        %unpack3A_1174 = tpu.unpack_subelements %bitcast3A_1172, 1 {pack_format = #tpu.pack_format<interleaved>} : vector<32xbf16> -> vector<16xf32>
        %add3A_1175 = arith.constant 12 : i32
        %add3A_1176 = vector.broadcast %add3A_1175 : i32 to vector<16xi32>
        %add3A_1177 = arith.addi %add3A_1176, %select_n3A : vector<16xi32>
        %lt3A_1178 = arith.constant 0 : i32
        %lt3A_1179 = vector.broadcast %lt3A_1178 : i32 to vector<16xi32>
        %lt3A_1180 = arith.cmpi slt, %add3A_1177, %lt3A_1179 : vector<16xi32>
        %add3A_1181 = arith.constant 16 : i32
        %add3A_1182 = vector.broadcast %add3A_1181 : i32 to vector<16xi32>
        %add3A_1183 = arith.addi %add3A_1177, %add3A_1182 : vector<16xi32>
        %select_n3A_1184 = arith.select %lt3A_1180, %add3A_1183, %add3A_1177 : vector<16xi1>, vector<16xi32>
        %reshape3A_1185 = vector.shape_cast %select_n3A_1184 : vector<16xi32> to vector<16x1xi32>
        %gather3A_1186 = vector.shape_cast %reshape3A_1185 : vector<16x1xi32> to vector<16xi32>
        %gather3A_1187 = tpu.dynamic_gather %exp3A_927[%gather3A_1186] in [0] : vector<16xf32>, vector<16xi32> -> vector<16xf32>
        %mul3A_1188 = arith.mulf %unpack3A_1173, %gather3A_1187 : vector<16xf32>
        %swap3A_1189 = arith.index_cast %rem3A_157 : i32 to index
        %swap3A_1190 = arith.index_cast %add3A_1137 : i32 to index
        %swap3A_1191 = arith.constant 32 : index
        %swap3A_1192 = tpu.vector_load %arg12[%swap3A_1189, %swap3A_1190, %swap3A_1191] {strides = array<i32>} : memref<2x128x72xf32, #tpu.memory_space<vmem>>, vector<16xf32>,
        tpu.vector_store %arg12[%swap3A_1189, %swap3A_1190, %swap3A_1191], %mul3A_1188 {strides = array<i32>} : memref<2x128x72xf32, #tpu.memory_space<vmem>>, vector<16xf32>,
        %mul3A_1193 = arith.mulf %unpack3A_1174, %gather3A_1187 : vector<16xf32>
        %swap3A_1194 = arith.index_cast %rem3A_157 : i32 to index
        %swap3A_1195 = arith.index_cast %add3A_1137 : i32 to index
        %swap3A_1196 = arith.constant 48 : index
        %swap3A_1197 = tpu.vector_load %arg12[%swap3A_1194, %swap3A_1195, %swap3A_1196] {strides = array<i32>} : memref<2x128x72xf32, #tpu.memory_space<vmem>>, vector<16xf32>,
        tpu.vector_store %arg12[%swap3A_1194, %swap3A_1195, %swap3A_1196], %mul3A_1193 {strides = array<i32>} : memref<2x128x72xf32, #tpu.memory_space<vmem>>, vector<16xf32>,
        %mul3A_1198 = arith.constant 16 : i32
        %mul3A_1199 = arith.muli %mul3A_1198, %scan3A_222 : i32
        %add3A_1200 = arith.constant 12 : i32
        %add3A_1201 = arith.addi %mul3A_1199, %add3A_1200 : i32
        %add3A_1202 = vector.broadcast %add3A_1201 : i32 to vector<16xi32>
        %add3A_1203 = arith.addi %add3A_1202, %select_n3A : vector<16xi32>
        %add3A_1204 = arith.constant 32 : i32
        %add3A_1205 = vector.broadcast %add3A_1204 : i32 to vector<16xi32>
        %add3A_1206 = arith.addi %add3A_1205, %and3A_60 : vector<16xi32>
        %gather3A_1207 = tpu.vector_load_idx %arg11[%add3A_203, %add3A_1203, %add3A_1206] : memref<2x128x40xf32, #tpu.memory_space<vmem>>[vector<16xi32>, vector<16xi32>, vector<16xi32>], vector<16xf32>,
        %add3A_1208 = arith.constant 36 : i32
        %add3A_1209 = vector.broadcast %add3A_1208 : i32 to vector<16xi32>
        %add3A_1210 = arith.addi %add3A_1209, %and3A_60 : vector<16xi32>
        %gather3A_1211 = tpu.vector_load_idx %arg11[%add3A_203, %add3A_1203, %add3A_1210] : memref<2x128x40xf32, #tpu.memory_space<vmem>>[vector<16xi32>, vector<16xi32>, vector<16xi32>], vector<16xf32>,
        %add3A_1212 = arith.constant 12 : i32
        %add3A_1213 = vector.broadcast %add3A_1212 : i32 to vector<16xi32>
        %add3A_1214 = arith.addi %add3A_1213, %select_n3A : vector<16xi32>
        %lt3A_1215 = arith.constant 0 : i32
        %lt3A_1216 = vector.broadcast %lt3A_1215 : i32 to vector<16xi32>
        %lt3A_1217 = arith.cmpi slt, %add3A_1214, %lt3A_1216 : vector<16xi32>
        %add3A_1218 = arith.constant 16 : i32
        %add3A_1219 = vector.broadcast %add3A_1218 : i32 to vector<16xi32>
        %add3A_1220 = arith.addi %add3A_1214, %add3A_1219 : vector<16xi32>
        %select_n3A_1221 = arith.select %lt3A_1217, %add3A_1220, %add3A_1214 : vector<16xi1>, vector<16xi32>
        %reshape3A_1222 = vector.shape_cast %select_n3A_1221 : vector<16xi32> to vector<16x1xi32>
        %gather3A_1223 = vector.shape_cast %reshape3A_1222 : vector<16x1xi32> to vector<16xi32>
        %gather3A_1224 = tpu.dynamic_gather %get3A_228[%gather3A_1223] in [0] : vector<16xi32>, vector<16xi32> -> vector<16xi32>
        %shift_right_arithmetic3A_1225 = arith.constant 1 : i32
        %shift_right_arithmetic3A_1226 = vector.broadcast %shift_right_arithmetic3A_1225 : i32 to vector<16xi32>
        %shift_right_arithmetic3A_1227 = arith.shrsi %gather3A_1224, %shift_right_arithmetic3A_1226 : vector<16xi32>
        %and3A_1228 = arith.constant 1 : i32
        %and3A_1229 = vector.broadcast %and3A_1228 : i32 to vector<16xi32>
        %and3A_1230 = arith.andi %gather3A_1224, %and3A_1229 : vector<16xi32>
        %mul3A_1231 = arith.constant 4 : i32
        %mul3A_1232 = vector.broadcast %mul3A_1231 : i32 to vector<16xi32>
        %mul3A_1233 = arith.muli %and3A_1230, %mul3A_1232 : vector<16xi32>
        %add3A_1234 = arith.addi %mul3A_1233, %and3A_60 : vector<16xi32>
        %gather3A_1235 = tpu.vector_load_idx %arg10[%shift_right_arithmetic3A_1227, %add3A_1234] : memref<5120x8xf32, #tpu.memory_space<vmem>>[vector<16xi32>, vector<16xi32>], vector<16xf32>,
        %bitcast3A_1236 = vector.bitcast %gather3A_1235 : vector<16xf32> to vector<32xbf16>
        %unpack3A_1237 = tpu.unpack_subelements %bitcast3A_1236, 0 {pack_format = #tpu.pack_format<interleaved>} : vector<32xbf16> -> vector<16xf32>
        %unpack3A_1238 = tpu.unpack_subelements %bitcast3A_1236, 1 {pack_format = #tpu.pack_format<interleaved>} : vector<32xbf16> -> vector<16xf32>
        %add3A_1239 = arith.addf %gather3A_1207, %unpack3A_1237 : vector<16xf32>
        %add3A_1240 = arith.addf %gather3A_1211, %unpack3A_1238 : vector<16xf32>
        %mul3A_1241 = arith.constant 2.000000e-01 : f32
        %mul3A_1242 = vector.broadcast %mul3A_1241 : f32 to vector<16xf32>
        %mul3A_1243 = arith.mulf %mul3A_1242, %add3A_1239 : vector<16xf32>
        %max3A_1244 = arith.maximumf %add3A_1239, %mul3A_1243 : vector<16xf32>
        %sub3A_1245 = arith.subf %max3A_1244, %gather3A_67 : vector<16xf32>
        %exp3A_1246 = math.exp %sub3A_1245 : vector<16xf32>
        %mul3A_1247 = arith.constant 2.000000e-01 : f32
        %mul3A_1248 = vector.broadcast %mul3A_1247 : f32 to vector<16xf32>
        %mul3A_1249 = arith.mulf %mul3A_1248, %add3A_1240 : vector<16xf32>
        %max3A_1250 = arith.maximumf %add3A_1240, %mul3A_1249 : vector<16xf32>
        %sub3A_1251 = arith.subf %max3A_1250, %gather3A_80 : vector<16xf32>
        %exp3A_1252 = math.exp %sub3A_1251 : vector<16xf32>
        %add3A_1253 = arith.constant 64 : i32
        %add3A_1254 = vector.broadcast %add3A_1253 : i32 to vector<16xi32>
        %add3A_1255 = arith.addi %add3A_1254, %and3A_60 : vector<16xi32>
        tpu.vector_store_idx %arg12[%add3A_203, %add3A_1203, %add3A_1255], %exp3A_1246 : memref<2x128x72xf32, #tpu.memory_space<vmem>>[vector<16xi32>, vector<16xi32>, vector<16xi32>], vector<16xf32>,
        %add3A_1256 = arith.constant 68 : i32
        %add3A_1257 = vector.broadcast %add3A_1256 : i32 to vector<16xi32>
        %add3A_1258 = arith.addi %add3A_1257, %and3A_60 : vector<16xi32>
        tpu.vector_store_idx %arg12[%add3A_203, %add3A_1203, %add3A_1258], %exp3A_1252 : memref<2x128x72xf32, #tpu.memory_space<vmem>>[vector<16xi32>, vector<16xi32>, vector<16xi32>], vector<16xf32>,
        %mul3A_1259 = arith.constant 16 : i32
        %mul3A_1260 = arith.muli %mul3A_1259, %scan3A_222 : i32
        %add3A_1261 = arith.constant 12 : i32
        %add3A_1262 = arith.addi %mul3A_1260, %add3A_1261 : i32
        %add3A_1263 = arith.constant 0 : i32
        %add3A_1264 = arith.addi %add3A_1262, %add3A_1263 : i32
        %get3A_1265 = arith.index_cast %rem3A_157 : i32 to index
        %get3A_1266 = arith.index_cast %add3A_1264 : i32 to index
        %get3A_1267 = arith.constant 0 : index
        %get3A_1268 = tpu.vector_load %arg11[%get3A_1265, %get3A_1266, %get3A_1267] {strides = array<i32>} : memref<2x128x40xf32, #tpu.memory_space<vmem>>, vector<16xf32>,
        %bitcast3A_1269 = vector.bitcast %get3A_1268 : vector<16xf32> to vector<32xbf16>
        %unpack3A_1270 = tpu.unpack_subelements %bitcast3A_1269, 0 {pack_format = #tpu.pack_format<interleaved>} : vector<32xbf16> -> vector<16xf32>
        %unpack3A_1271 = tpu.unpack_subelements %bitcast3A_1269, 1 {pack_format = #tpu.pack_format<interleaved>} : vector<32xbf16> -> vector<16xf32>
        %add3A_1272 = arith.constant 0 : i32
        %add3A_1273 = vector.broadcast %add3A_1272 : i32 to vector<16xi32>
        %add3A_1274 = arith.addi %add3A_1273, %select_n3A : vector<16xi32>
        %lt3A_1275 = arith.constant 0 : i32
        %lt3A_1276 = vector.broadcast %lt3A_1275 : i32 to vector<16xi32>
        %lt3A_1277 = arith.cmpi slt, %add3A_1274, %lt3A_1276 : vector<16xi32>
        %add3A_1278 = arith.constant 16 : i32
        %add3A_1279 = vector.broadcast %add3A_1278 : i32 to vector<16xi32>
        %add3A_1280 = arith.addi %add3A_1274, %add3A_1279 : vector<16xi32>
        %select_n3A_1281 = arith.select %lt3A_1277, %add3A_1280, %add3A_1274 : vector<16xi1>, vector<16xi32>
        %reshape3A_1282 = vector.shape_cast %select_n3A_1281 : vector<16xi32> to vector<16x1xi32>
        %gather3A_1283 = vector.shape_cast %reshape3A_1282 : vector<16x1xi32> to vector<16xi32>
        %gather3A_1284 = tpu.dynamic_gather %exp3A_1246[%gather3A_1283] in [0] : vector<16xf32>, vector<16xi32> -> vector<16xf32>
        %mul3A_1285 = arith.mulf %unpack3A_1270, %gather3A_1284 : vector<16xf32>
        %swap3A_1286 = arith.index_cast %rem3A_157 : i32 to index
        %swap3A_1287 = arith.index_cast %add3A_1264 : i32 to index
        %swap3A_1288 = arith.constant 0 : index
        %swap3A_1289 = tpu.vector_load %arg12[%swap3A_1286, %swap3A_1287, %swap3A_1288] {strides = array<i32>} : memref<2x128x72xf32, #tpu.memory_space<vmem>>, vector<16xf32>,
        tpu.vector_store %arg12[%swap3A_1286, %swap3A_1287, %swap3A_1288], %mul3A_1285 {strides = array<i32>} : memref<2x128x72xf32, #tpu.memory_space<vmem>>, vector<16xf32>,
        %mul3A_1290 = arith.mulf %unpack3A_1271, %gather3A_1284 : vector<16xf32>
        %swap3A_1291 = arith.index_cast %rem3A_157 : i32 to index
        %swap3A_1292 = arith.index_cast %add3A_1264 : i32 to index
        %swap3A_1293 = arith.constant 16 : index
        %swap3A_1294 = tpu.vector_load %arg12[%swap3A_1291, %swap3A_1292, %swap3A_1293] {strides = array<i32>} : memref<2x128x72xf32, #tpu.memory_space<vmem>>, vector<16xf32>,
        tpu.vector_store %arg12[%swap3A_1291, %swap3A_1292, %swap3A_1293], %mul3A_1290 {strides = array<i32>} : memref<2x128x72xf32, #tpu.memory_space<vmem>>, vector<16xf32>,
        %get3A_1295 = arith.index_cast %rem3A_157 : i32 to index
        %get3A_1296 = arith.index_cast %add3A_1264 : i32 to index
        %get3A_1297 = arith.constant 16 : index
        %get3A_1298 = tpu.vector_load %arg11[%get3A_1295, %get3A_1296, %get3A_1297] {strides = array<i32>} : memref<2x128x40xf32, #tpu.memory_space<vmem>>, vector<16xf32>,
        %bitcast3A_1299 = vector.bitcast %get3A_1298 : vector<16xf32> to vector<32xbf16>
        %unpack3A_1300 = tpu.unpack_subelements %bitcast3A_1299, 0 {pack_format = #tpu.pack_format<interleaved>} : vector<32xbf16> -> vector<16xf32>
        %unpack3A_1301 = tpu.unpack_subelements %bitcast3A_1299, 1 {pack_format = #tpu.pack_format<interleaved>} : vector<32xbf16> -> vector<16xf32>
        %add3A_1302 = arith.constant 0 : i32
        %add3A_1303 = vector.broadcast %add3A_1302 : i32 to vector<16xi32>
        %add3A_1304 = arith.addi %add3A_1303, %select_n3A : vector<16xi32>
        %lt3A_1305 = arith.constant 0 : i32
        %lt3A_1306 = vector.broadcast %lt3A_1305 : i32 to vector<16xi32>
        %lt3A_1307 = arith.cmpi slt, %add3A_1304, %lt3A_1306 : vector<16xi32>
        %add3A_1308 = arith.constant 16 : i32
        %add3A_1309 = vector.broadcast %add3A_1308 : i32 to vector<16xi32>
        %add3A_1310 = arith.addi %add3A_1304, %add3A_1309 : vector<16xi32>
        %select_n3A_1311 = arith.select %lt3A_1307, %add3A_1310, %add3A_1304 : vector<16xi1>, vector<16xi32>
        %reshape3A_1312 = vector.shape_cast %select_n3A_1311 : vector<16xi32> to vector<16x1xi32>
        %gather3A_1313 = vector.shape_cast %reshape3A_1312 : vector<16x1xi32> to vector<16xi32>
        %gather3A_1314 = tpu.dynamic_gather %exp3A_1252[%gather3A_1313] in [0] : vector<16xf32>, vector<16xi32> -> vector<16xf32>
        %mul3A_1315 = arith.mulf %unpack3A_1300, %gather3A_1314 : vector<16xf32>
        %swap3A_1316 = arith.index_cast %rem3A_157 : i32 to index
        %swap3A_1317 = arith.index_cast %add3A_1264 : i32 to index
        %swap3A_1318 = arith.constant 32 : index
        %swap3A_1319 = tpu.vector_load %arg12[%swap3A_1316, %swap3A_1317, %swap3A_1318] {strides = array<i32>} : memref<2x128x72xf32, #tpu.memory_space<vmem>>, vector<16xf32>,
        tpu.vector_store %arg12[%swap3A_1316, %swap3A_1317, %swap3A_1318], %mul3A_1315 {strides = array<i32>} : memref<2x128x72xf32, #tpu.memory_space<vmem>>, vector<16xf32>,
        %mul3A_1320 = arith.mulf %unpack3A_1301, %gather3A_1314 : vector<16xf32>
        %swap3A_1321 = arith.index_cast %rem3A_157 : i32 to index
        %swap3A_1322 = arith.index_cast %add3A_1264 : i32 to index
        %swap3A_1323 = arith.constant 48 : index
        %swap3A_1324 = tpu.vector_load %arg12[%swap3A_1321, %swap3A_1322, %swap3A_1323] {strides = array<i32>} : memref<2x128x72xf32, #tpu.memory_space<vmem>>, vector<16xf32>,
        tpu.vector_store %arg12[%swap3A_1321, %swap3A_1322, %swap3A_1323], %mul3A_1320 {strides = array<i32>} : memref<2x128x72xf32, #tpu.memory_space<vmem>>, vector<16xf32>,
        %mul3A_1325 = arith.constant 16 : i32
        %mul3A_1326 = arith.muli %mul3A_1325, %scan3A_222 : i32
        %add3A_1327 = arith.constant 12 : i32
        %add3A_1328 = arith.addi %mul3A_1326, %add3A_1327 : i32
        %add3A_1329 = arith.constant 1 : i32
        %add3A_1330 = arith.addi %add3A_1328, %add3A_1329 : i32
        %get3A_1331 = arith.index_cast %rem3A_157 : i32 to index
        %get3A_1332 = arith.index_cast %add3A_1330 : i32 to index
        %get3A_1333 = arith.constant 0 : index
        %get3A_1334 = tpu.vector_load %arg11[%get3A_1331, %get3A_1332, %get3A_1333] {strides = array<i32>} : memref<2x128x40xf32, #tpu.memory_space<vmem>>, vector<16xf32>,
        %bitcast3A_1335 = vector.bitcast %get3A_1334 : vector<16xf32> to vector<32xbf16>
        %unpack3A_1336 = tpu.unpack_subelements %bitcast3A_1335, 0 {pack_format = #tpu.pack_format<interleaved>} : vector<32xbf16> -> vector<16xf32>
        %unpack3A_1337 = tpu.unpack_subelements %bitcast3A_1335, 1 {pack_format = #tpu.pack_format<interleaved>} : vector<32xbf16> -> vector<16xf32>
        %add3A_1338 = arith.constant 4 : i32
        %add3A_1339 = vector.broadcast %add3A_1338 : i32 to vector<16xi32>
        %add3A_1340 = arith.addi %add3A_1339, %select_n3A : vector<16xi32>
        %lt3A_1341 = arith.constant 0 : i32
        %lt3A_1342 = vector.broadcast %lt3A_1341 : i32 to vector<16xi32>
        %lt3A_1343 = arith.cmpi slt, %add3A_1340, %lt3A_1342 : vector<16xi32>
        %add3A_1344 = arith.constant 16 : i32
        %add3A_1345 = vector.broadcast %add3A_1344 : i32 to vector<16xi32>
        %add3A_1346 = arith.addi %add3A_1340, %add3A_1345 : vector<16xi32>
        %select_n3A_1347 = arith.select %lt3A_1343, %add3A_1346, %add3A_1340 : vector<16xi1>, vector<16xi32>
        %reshape3A_1348 = vector.shape_cast %select_n3A_1347 : vector<16xi32> to vector<16x1xi32>
        %gather3A_1349 = vector.shape_cast %reshape3A_1348 : vector<16x1xi32> to vector<16xi32>
        %gather3A_1350 = tpu.dynamic_gather %exp3A_1246[%gather3A_1349] in [0] : vector<16xf32>, vector<16xi32> -> vector<16xf32>
        %mul3A_1351 = arith.mulf %unpack3A_1336, %gather3A_1350 : vector<16xf32>
        %swap3A_1352 = arith.index_cast %rem3A_157 : i32 to index
        %swap3A_1353 = arith.index_cast %add3A_1330 : i32 to index
        %swap3A_1354 = arith.constant 0 : index
        %swap3A_1355 = tpu.vector_load %arg12[%swap3A_1352, %swap3A_1353, %swap3A_1354] {strides = array<i32>} : memref<2x128x72xf32, #tpu.memory_space<vmem>>, vector<16xf32>,
        tpu.vector_store %arg12[%swap3A_1352, %swap3A_1353, %swap3A_1354], %mul3A_1351 {strides = array<i32>} : memref<2x128x72xf32, #tpu.memory_space<vmem>>, vector<16xf32>,
        %mul3A_1356 = arith.mulf %unpack3A_1337, %gather3A_1350 : vector<16xf32>
        %swap3A_1357 = arith.index_cast %rem3A_157 : i32 to index
        %swap3A_1358 = arith.index_cast %add3A_1330 : i32 to index
        %swap3A_1359 = arith.constant 16 : index
        %swap3A_1360 = tpu.vector_load %arg12[%swap3A_1357, %swap3A_1358, %swap3A_1359] {strides = array<i32>} : memref<2x128x72xf32, #tpu.memory_space<vmem>>, vector<16xf32>,
        tpu.vector_store %arg12[%swap3A_1357, %swap3A_1358, %swap3A_1359], %mul3A_1356 {strides = array<i32>} : memref<2x128x72xf32, #tpu.memory_space<vmem>>, vector<16xf32>,
        %get3A_1361 = arith.index_cast %rem3A_157 : i32 to index
        %get3A_1362 = arith.index_cast %add3A_1330 : i32 to index
        %get3A_1363 = arith.constant 16 : index
        %get3A_1364 = tpu.vector_load %arg11[%get3A_1361, %get3A_1362, %get3A_1363] {strides = array<i32>} : memref<2x128x40xf32, #tpu.memory_space<vmem>>, vector<16xf32>,
        %bitcast3A_1365 = vector.bitcast %get3A_1364 : vector<16xf32> to vector<32xbf16>
        %unpack3A_1366 = tpu.unpack_subelements %bitcast3A_1365, 0 {pack_format = #tpu.pack_format<interleaved>} : vector<32xbf16> -> vector<16xf32>
        %unpack3A_1367 = tpu.unpack_subelements %bitcast3A_1365, 1 {pack_format = #tpu.pack_format<interleaved>} : vector<32xbf16> -> vector<16xf32>
        %add3A_1368 = arith.constant 4 : i32
        %add3A_1369 = vector.broadcast %add3A_1368 : i32 to vector<16xi32>
        %add3A_1370 = arith.addi %add3A_1369, %select_n3A : vector<16xi32>
        %lt3A_1371 = arith.constant 0 : i32
        %lt3A_1372 = vector.broadcast %lt3A_1371 : i32 to vector<16xi32>
        %lt3A_1373 = arith.cmpi slt, %add3A_1370, %lt3A_1372 : vector<16xi32>
        %add3A_1374 = arith.constant 16 : i32
        %add3A_1375 = vector.broadcast %add3A_1374 : i32 to vector<16xi32>
        %add3A_1376 = arith.addi %add3A_1370, %add3A_1375 : vector<16xi32>
        %select_n3A_1377 = arith.select %lt3A_1373, %add3A_1376, %add3A_1370 : vector<16xi1>, vector<16xi32>
        %reshape3A_1378 = vector.shape_cast %select_n3A_1377 : vector<16xi32> to vector<16x1xi32>
        %gather3A_1379 = vector.shape_cast %reshape3A_1378 : vector<16x1xi32> to vector<16xi32>
        %gather3A_1380 = tpu.dynamic_gather %exp3A_1252[%gather3A_1379] in [0] : vector<16xf32>, vector<16xi32> -> vector<16xf32>
        %mul3A_1381 = arith.mulf %unpack3A_1366, %gather3A_1380 : vector<16xf32>
        %swap3A_1382 = arith.index_cast %rem3A_157 : i32 to index
        %swap3A_1383 = arith.index_cast %add3A_1330 : i32 to index
        %swap3A_1384 = arith.constant 32 : index
        %swap3A_1385 = tpu.vector_load %arg12[%swap3A_1382, %swap3A_1383, %swap3A_1384] {strides = array<i32>} : memref<2x128x72xf32, #tpu.memory_space<vmem>>, vector<16xf32>,
        tpu.vector_store %arg12[%swap3A_1382, %swap3A_1383, %swap3A_1384], %mul3A_1381 {strides = array<i32>} : memref<2x128x72xf32, #tpu.memory_space<vmem>>, vector<16xf32>,
        %mul3A_1386 = arith.mulf %unpack3A_1367, %gather3A_1380 : vector<16xf32>
        %swap3A_1387 = arith.index_cast %rem3A_157 : i32 to index
        %swap3A_1388 = arith.index_cast %add3A_1330 : i32 to index
        %swap3A_1389 = arith.constant 48 : index
        %swap3A_1390 = tpu.vector_load %arg12[%swap3A_1387, %swap3A_1388, %swap3A_1389] {strides = array<i32>} : memref<2x128x72xf32, #tpu.memory_space<vmem>>, vector<16xf32>,
        tpu.vector_store %arg12[%swap3A_1387, %swap3A_1388, %swap3A_1389], %mul3A_1386 {strides = array<i32>} : memref<2x128x72xf32, #tpu.memory_space<vmem>>, vector<16xf32>,
        %mul3A_1391 = arith.constant 16 : i32
        %mul3A_1392 = arith.muli %mul3A_1391, %scan3A_222 : i32
        %add3A_1393 = arith.constant 12 : i32
        %add3A_1394 = arith.addi %mul3A_1392, %add3A_1393 : i32
        %add3A_1395 = arith.constant 2 : i32
        %add3A_1396 = arith.addi %add3A_1394, %add3A_1395 : i32
        %get3A_1397 = arith.index_cast %rem3A_157 : i32 to index
        %get3A_1398 = arith.index_cast %add3A_1396 : i32 to index
        %get3A_1399 = arith.constant 0 : index
        %get3A_1400 = tpu.vector_load %arg11[%get3A_1397, %get3A_1398, %get3A_1399] {strides = array<i32>} : memref<2x128x40xf32, #tpu.memory_space<vmem>>, vector<16xf32>,
        %bitcast3A_1401 = vector.bitcast %get3A_1400 : vector<16xf32> to vector<32xbf16>
        %unpack3A_1402 = tpu.unpack_subelements %bitcast3A_1401, 0 {pack_format = #tpu.pack_format<interleaved>} : vector<32xbf16> -> vector<16xf32>
        %unpack3A_1403 = tpu.unpack_subelements %bitcast3A_1401, 1 {pack_format = #tpu.pack_format<interleaved>} : vector<32xbf16> -> vector<16xf32>
        %add3A_1404 = arith.constant 8 : i32
        %add3A_1405 = vector.broadcast %add3A_1404 : i32 to vector<16xi32>
        %add3A_1406 = arith.addi %add3A_1405, %select_n3A : vector<16xi32>
        %lt3A_1407 = arith.constant 0 : i32
        %lt3A_1408 = vector.broadcast %lt3A_1407 : i32 to vector<16xi32>
        %lt3A_1409 = arith.cmpi slt, %add3A_1406, %lt3A_1408 : vector<16xi32>
        %add3A_1410 = arith.constant 16 : i32
        %add3A_1411 = vector.broadcast %add3A_1410 : i32 to vector<16xi32>
        %add3A_1412 = arith.addi %add3A_1406, %add3A_1411 : vector<16xi32>
        %select_n3A_1413 = arith.select %lt3A_1409, %add3A_1412, %add3A_1406 : vector<16xi1>, vector<16xi32>
        %reshape3A_1414 = vector.shape_cast %select_n3A_1413 : vector<16xi32> to vector<16x1xi32>
        %gather3A_1415 = vector.shape_cast %reshape3A_1414 : vector<16x1xi32> to vector<16xi32>
        %gather3A_1416 = tpu.dynamic_gather %exp3A_1246[%gather3A_1415] in [0] : vector<16xf32>, vector<16xi32> -> vector<16xf32>
        %mul3A_1417 = arith.mulf %unpack3A_1402, %gather3A_1416 : vector<16xf32>
        %swap3A_1418 = arith.index_cast %rem3A_157 : i32 to index
        %swap3A_1419 = arith.index_cast %add3A_1396 : i32 to index
        %swap3A_1420 = arith.constant 0 : index
        %swap3A_1421 = tpu.vector_load %arg12[%swap3A_1418, %swap3A_1419, %swap3A_1420] {strides = array<i32>} : memref<2x128x72xf32, #tpu.memory_space<vmem>>, vector<16xf32>,
        tpu.vector_store %arg12[%swap3A_1418, %swap3A_1419, %swap3A_1420], %mul3A_1417 {strides = array<i32>} : memref<2x128x72xf32, #tpu.memory_space<vmem>>, vector<16xf32>,
        %mul3A_1422 = arith.mulf %unpack3A_1403, %gather3A_1416 : vector<16xf32>
        %swap3A_1423 = arith.index_cast %rem3A_157 : i32 to index
        %swap3A_1424 = arith.index_cast %add3A_1396 : i32 to index
        %swap3A_1425 = arith.constant 16 : index
        %swap3A_1426 = tpu.vector_load %arg12[%swap3A_1423, %swap3A_1424, %swap3A_1425] {strides = array<i32>} : memref<2x128x72xf32, #tpu.memory_space<vmem>>, vector<16xf32>,
        tpu.vector_store %arg12[%swap3A_1423, %swap3A_1424, %swap3A_1425], %mul3A_1422 {strides = array<i32>} : memref<2x128x72xf32, #tpu.memory_space<vmem>>, vector<16xf32>,
        %get3A_1427 = arith.index_cast %rem3A_157 : i32 to index
        %get3A_1428 = arith.index_cast %add3A_1396 : i32 to index
        %get3A_1429 = arith.constant 16 : index
        %get3A_1430 = tpu.vector_load %arg11[%get3A_1427, %get3A_1428, %get3A_1429] {strides = array<i32>} : memref<2x128x40xf32, #tpu.memory_space<vmem>>, vector<16xf32>,
        %bitcast3A_1431 = vector.bitcast %get3A_1430 : vector<16xf32> to vector<32xbf16>
        %unpack3A_1432 = tpu.unpack_subelements %bitcast3A_1431, 0 {pack_format = #tpu.pack_format<interleaved>} : vector<32xbf16> -> vector<16xf32>
        %unpack3A_1433 = tpu.unpack_subelements %bitcast3A_1431, 1 {pack_format = #tpu.pack_format<interleaved>} : vector<32xbf16> -> vector<16xf32>
        %add3A_1434 = arith.constant 8 : i32
        %add3A_1435 = vector.broadcast %add3A_1434 : i32 to vector<16xi32>
        %add3A_1436 = arith.addi %add3A_1435, %select_n3A : vector<16xi32>
        %lt3A_1437 = arith.constant 0 : i32
        %lt3A_1438 = vector.broadcast %lt3A_1437 : i32 to vector<16xi32>
        %lt3A_1439 = arith.cmpi slt, %add3A_1436, %lt3A_1438 : vector<16xi32>
        %add3A_1440 = arith.constant 16 : i32
        %add3A_1441 = vector.broadcast %add3A_1440 : i32 to vector<16xi32>
        %add3A_1442 = arith.addi %add3A_1436, %add3A_1441 : vector<16xi32>
        %select_n3A_1443 = arith.select %lt3A_1439, %add3A_1442, %add3A_1436 : vector<16xi1>, vector<16xi32>
        %reshape3A_1444 = vector.shape_cast %select_n3A_1443 : vector<16xi32> to vector<16x1xi32>
        %gather3A_1445 = vector.shape_cast %reshape3A_1444 : vector<16x1xi32> to vector<16xi32>
        %gather3A_1446 = tpu.dynamic_gather %exp3A_1252[%gather3A_1445] in [0] : vector<16xf32>, vector<16xi32> -> vector<16xf32>
        %mul3A_1447 = arith.mulf %unpack3A_1432, %gather3A_1446 : vector<16xf32>
        %swap3A_1448 = arith.index_cast %rem3A_157 : i32 to index
        %swap3A_1449 = arith.index_cast %add3A_1396 : i32 to index
        %swap3A_1450 = arith.constant 32 : index
        %swap3A_1451 = tpu.vector_load %arg12[%swap3A_1448, %swap3A_1449, %swap3A_1450] {strides = array<i32>} : memref<2x128x72xf32, #tpu.memory_space<vmem>>, vector<16xf32>,
        tpu.vector_store %arg12[%swap3A_1448, %swap3A_1449, %swap3A_1450], %mul3A_1447 {strides = array<i32>} : memref<2x128x72xf32, #tpu.memory_space<vmem>>, vector<16xf32>,
        %mul3A_1452 = arith.mulf %unpack3A_1433, %gather3A_1446 : vector<16xf32>
        %swap3A_1453 = arith.index_cast %rem3A_157 : i32 to index
        %swap3A_1454 = arith.index_cast %add3A_1396 : i32 to index
        %swap3A_1455 = arith.constant 48 : index
        %swap3A_1456 = tpu.vector_load %arg12[%swap3A_1453, %swap3A_1454, %swap3A_1455] {strides = array<i32>} : memref<2x128x72xf32, #tpu.memory_space<vmem>>, vector<16xf32>,
        tpu.vector_store %arg12[%swap3A_1453, %swap3A_1454, %swap3A_1455], %mul3A_1452 {strides = array<i32>} : memref<2x128x72xf32, #tpu.memory_space<vmem>>, vector<16xf32>,
        %mul3A_1457 = arith.constant 16 : i32
        %mul3A_1458 = arith.muli %mul3A_1457, %scan3A_222 : i32
        %add3A_1459 = arith.constant 12 : i32
        %add3A_1460 = arith.addi %mul3A_1458, %add3A_1459 : i32
        %add3A_1461 = arith.constant 3 : i32
        %add3A_1462 = arith.addi %add3A_1460, %add3A_1461 : i32
        %get3A_1463 = arith.index_cast %rem3A_157 : i32 to index
        %get3A_1464 = arith.index_cast %add3A_1462 : i32 to index
        %get3A_1465 = arith.constant 0 : index
        %get3A_1466 = tpu.vector_load %arg11[%get3A_1463, %get3A_1464, %get3A_1465] {strides = array<i32>} : memref<2x128x40xf32, #tpu.memory_space<vmem>>, vector<16xf32>,
        %bitcast3A_1467 = vector.bitcast %get3A_1466 : vector<16xf32> to vector<32xbf16>
        %unpack3A_1468 = tpu.unpack_subelements %bitcast3A_1467, 0 {pack_format = #tpu.pack_format<interleaved>} : vector<32xbf16> -> vector<16xf32>
        %unpack3A_1469 = tpu.unpack_subelements %bitcast3A_1467, 1 {pack_format = #tpu.pack_format<interleaved>} : vector<32xbf16> -> vector<16xf32>
        %add3A_1470 = arith.constant 12 : i32
        %add3A_1471 = vector.broadcast %add3A_1470 : i32 to vector<16xi32>
        %add3A_1472 = arith.addi %add3A_1471, %select_n3A : vector<16xi32>
        %lt3A_1473 = arith.constant 0 : i32
        %lt3A_1474 = vector.broadcast %lt3A_1473 : i32 to vector<16xi32>
        %lt3A_1475 = arith.cmpi slt, %add3A_1472, %lt3A_1474 : vector<16xi32>
        %add3A_1476 = arith.constant 16 : i32
        %add3A_1477 = vector.broadcast %add3A_1476 : i32 to vector<16xi32>
        %add3A_1478 = arith.addi %add3A_1472, %add3A_1477 : vector<16xi32>
        %select_n3A_1479 = arith.select %lt3A_1475, %add3A_1478, %add3A_1472 : vector<16xi1>, vector<16xi32>
        %reshape3A_1480 = vector.shape_cast %select_n3A_1479 : vector<16xi32> to vector<16x1xi32>
        %gather3A_1481 = vector.shape_cast %reshape3A_1480 : vector<16x1xi32> to vector<16xi32>
        %gather3A_1482 = tpu.dynamic_gather %exp3A_1246[%gather3A_1481] in [0] : vector<16xf32>, vector<16xi32> -> vector<16xf32>
        %mul3A_1483 = arith.mulf %unpack3A_1468, %gather3A_1482 : vector<16xf32>
        %swap3A_1484 = arith.index_cast %rem3A_157 : i32 to index
        %swap3A_1485 = arith.index_cast %add3A_1462 : i32 to index
        %swap3A_1486 = arith.constant 0 : index
        %swap3A_1487 = tpu.vector_load %arg12[%swap3A_1484, %swap3A_1485, %swap3A_1486] {strides = array<i32>} : memref<2x128x72xf32, #tpu.memory_space<vmem>>, vector<16xf32>,
        tpu.vector_store %arg12[%swap3A_1484, %swap3A_1485, %swap3A_1486], %mul3A_1483 {strides = array<i32>} : memref<2x128x72xf32, #tpu.memory_space<vmem>>, vector<16xf32>,
        %mul3A_1488 = arith.mulf %unpack3A_1469, %gather3A_1482 : vector<16xf32>
        %swap3A_1489 = arith.index_cast %rem3A_157 : i32 to index
        %swap3A_1490 = arith.index_cast %add3A_1462 : i32 to index
        %swap3A_1491 = arith.constant 16 : index
        %swap3A_1492 = tpu.vector_load %arg12[%swap3A_1489, %swap3A_1490, %swap3A_1491] {strides = array<i32>} : memref<2x128x72xf32, #tpu.memory_space<vmem>>, vector<16xf32>,
        tpu.vector_store %arg12[%swap3A_1489, %swap3A_1490, %swap3A_1491], %mul3A_1488 {strides = array<i32>} : memref<2x128x72xf32, #tpu.memory_space<vmem>>, vector<16xf32>,
        %get3A_1493 = arith.index_cast %rem3A_157 : i32 to index
        %get3A_1494 = arith.index_cast %add3A_1462 : i32 to index
        %get3A_1495 = arith.constant 16 : index
        %get3A_1496 = tpu.vector_load %arg11[%get3A_1493, %get3A_1494, %get3A_1495] {strides = array<i32>} : memref<2x128x40xf32, #tpu.memory_space<vmem>>, vector<16xf32>,
        %bitcast3A_1497 = vector.bitcast %get3A_1496 : vector<16xf32> to vector<32xbf16>
        %unpack3A_1498 = tpu.unpack_subelements %bitcast3A_1497, 0 {pack_format = #tpu.pack_format<interleaved>} : vector<32xbf16> -> vector<16xf32>
        %unpack3A_1499 = tpu.unpack_subelements %bitcast3A_1497, 1 {pack_format = #tpu.pack_format<interleaved>} : vector<32xbf16> -> vector<16xf32>
        %add3A_1500 = arith.constant 12 : i32
        %add3A_1501 = vector.broadcast %add3A_1500 : i32 to vector<16xi32>
        %add3A_1502 = arith.addi %add3A_1501, %select_n3A : vector<16xi32>
        %lt3A_1503 = arith.constant 0 : i32
        %lt3A_1504 = vector.broadcast %lt3A_1503 : i32 to vector<16xi32>
        %lt3A_1505 = arith.cmpi slt, %add3A_1502, %lt3A_1504 : vector<16xi32>
        %add3A_1506 = arith.constant 16 : i32
        %add3A_1507 = vector.broadcast %add3A_1506 : i32 to vector<16xi32>
        %add3A_1508 = arith.addi %add3A_1502, %add3A_1507 : vector<16xi32>
        %select_n3A_1509 = arith.select %lt3A_1505, %add3A_1508, %add3A_1502 : vector<16xi1>, vector<16xi32>
        %reshape3A_1510 = vector.shape_cast %select_n3A_1509 : vector<16xi32> to vector<16x1xi32>
        %gather3A_1511 = vector.shape_cast %reshape3A_1510 : vector<16x1xi32> to vector<16xi32>
        %gather3A_1512 = tpu.dynamic_gather %exp3A_1252[%gather3A_1511] in [0] : vector<16xf32>, vector<16xi32> -> vector<16xf32>
        %mul3A_1513 = arith.mulf %unpack3A_1498, %gather3A_1512 : vector<16xf32>
        %swap3A_1514 = arith.index_cast %rem3A_157 : i32 to index
        %swap3A_1515 = arith.index_cast %add3A_1462 : i32 to index
        %swap3A_1516 = arith.constant 32 : index
        %swap3A_1517 = tpu.vector_load %arg12[%swap3A_1514, %swap3A_1515, %swap3A_1516] {strides = array<i32>} : memref<2x128x72xf32, #tpu.memory_space<vmem>>, vector<16xf32>,
        tpu.vector_store %arg12[%swap3A_1514, %swap3A_1515, %swap3A_1516], %mul3A_1513 {strides = array<i32>} : memref<2x128x72xf32, #tpu.memory_space<vmem>>, vector<16xf32>,
        %mul3A_1518 = arith.mulf %unpack3A_1499, %gather3A_1512 : vector<16xf32>
        %swap3A_1519 = arith.index_cast %rem3A_157 : i32 to index
        %swap3A_1520 = arith.index_cast %add3A_1462 : i32 to index
        %swap3A_1521 = arith.constant 48 : index
        %swap3A_1522 = tpu.vector_load %arg12[%swap3A_1519, %swap3A_1520, %swap3A_1521] {strides = array<i32>} : memref<2x128x72xf32, #tpu.memory_space<vmem>>, vector<16xf32>,
        tpu.vector_store %arg12[%swap3A_1519, %swap3A_1520, %swap3A_1521], %mul3A_1518 {strides = array<i32>} : memref<2x128x72xf32, #tpu.memory_space<vmem>>, vector<16xf32>,
        %scan3A_1523 = arith.constant 0 : i32
        scf.yield %scan3A_1523 : i32
      }
      %scan3A_210 = arith.constant 8 : i32
      %dma_start3A_211 = arith.constant 0 : i32
      %dma_start3A_212 = arith.constant 0 : i32
      %dma_start3A_213 = tpu.memref_slice %arg12[%rem3A_157, %dma_start3A_211, %dma_start3A_212] : memref<2x128x72xf32, #tpu.memory_space<vmem>> -> memref<1x128x72xf32, #tpu.memory_space<vmem>>
      %dma_start3A_214 = tpu.memref_squeeze %dma_start3A_213 : memref<1x128x72xf32, #tpu.memory_space<vmem>> -> memref<128x72xf32, #tpu.memory_space<vmem>>
      %dma_start3A_215 = arith.constant 0 : i32
      %dma_start3A_216 = tpu.memref_slice %arg9[%rem3A_163, %dma_start3A_215] : memref<3x128xi32, #tpu.memory_space<vmem>> -> memref<1x128xi32, #tpu.memory_space<vmem>>
      %dma_start3A_217 = tpu.memref_squeeze %dma_start3A_216 : memref<1x128xi32, #tpu.memory_space<vmem>> -> memref<128xi32, #tpu.memory_space<vmem>>
      %dma_start3A_218 = arith.constant 0 : i32
      %dma_start3A_219 = arith.constant 0 : i32
      %dma_start3A_220 = tpu.memref_slice %arg15[%dma_start3A_218, %dma_start3A_219] : memref<10240x72xf32, #tpu.memory_space<vmem_shared>> -> memref<10240x72xf32, #tpu.memory_space<vmem_shared>>
      tpu.enqueue_indirect_dma source(%dma_start3A_214 : memref<128x72xf32, #tpu.memory_space<vmem>>) target(%dma_start3A_220 : memref<10240x72xf32, #tpu.memory_space<vmem_shared>>) offsets(%dma_start3A_217 : memref<128xi32, #tpu.memory_space<vmem>>) semaphore(%arg17 : memref<!tpu.dma_semaphore, #tpu.memory_space<semaphore_mem>>) {add = true}
      %scan3A_221 = arith.constant 0 : i32
      scf.yield %scan3A_221 : i32
    }
    %scan3A_116 = arith.constant 82 : i32
    %dma_wait3A_117 = arith.constant 0 : i32
    %dma_wait3A_118 = arith.constant 0 : i32
    %dma_wait3A_119 = arith.constant 0 : i32
    %dma_wait3A_120 = arith.constant 0 : i32
    %dma_wait3A_121 = tpu.memref_slice %arg12[%dma_wait3A_118, %dma_wait3A_119, %dma_wait3A_120] : memref<2x128x72xf32, #tpu.memory_space<vmem>> -> memref<1x128x72xf32, #tpu.memory_space<vmem>>
    %dma_wait3A_122 = tpu.memref_squeeze %dma_wait3A_121 : memref<1x128x72xf32, #tpu.memory_space<vmem>> -> memref<128x72xf32, #tpu.memory_space<vmem>>
    %dma_wait3A_123 = arith.constant 0 : i32
    %dma_wait3A_124 = arith.constant 0 : i32
    %dma_wait3A_125 = tpu.memref_slice %arg7[%dma_wait3A_117, %dma_wait3A_123, %dma_wait3A_124] : memref<2x10240x72xf32, #tpu.memory_space<hbm>> -> memref<1x128x72xf32, #tpu.memory_space<hbm>>
    %dma_wait3A_126 = tpu.memref_squeeze %dma_wait3A_125 : memref<1x128x72xf32, #tpu.memory_space<hbm>> -> memref<128x72xf32, #tpu.memory_space<hbm>>
    %dma_wait3A_127 = arith.constant 0 : i32
    %dma_wait3A_128 = arith.constant 0 : i32
    %dma_wait3A_129 = tpu.memref_slice %arg12[%dma_wait3A_118, %dma_wait3A_127, %dma_wait3A_128] : memref<2x128x72xf32, #tpu.memory_space<vmem>> -> memref<1x128x72xf32, #tpu.memory_space<vmem>>
    %dma_wait3A_130 = tpu.memref_squeeze %dma_wait3A_129 : memref<1x128x72xf32, #tpu.memory_space<vmem>> -> memref<128x72xf32, #tpu.memory_space<vmem>>
    %dma_wait3A_131 = arith.constant 0 : i32
    %dma_wait3A_132 = arith.constant 0 : i32
    %dma_wait3A_133 = tpu.memref_slice %arg7[%dma_wait3A_117, %dma_wait3A_131, %dma_wait3A_132] : memref<2x10240x72xf32, #tpu.memory_space<hbm>> -> memref<1x128x72xf32, #tpu.memory_space<hbm>>
    %dma_wait3A_134 = tpu.memref_squeeze %dma_wait3A_133 : memref<1x128x72xf32, #tpu.memory_space<hbm>> -> memref<128x72xf32, #tpu.memory_space<hbm>>
    tpu.wait_dma2 semaphore(%arg17 : memref<!tpu.dma_semaphore, #tpu.memory_space<semaphore_mem>>) src(%dma_wait3A_134 : memref<128x72xf32, #tpu.memory_space<hbm>>) dst(%dma_wait3A_130 : memref<128x72xf32, #tpu.memory_space<vmem>>)
    %dma_wait3A_135 = arith.constant 0 : i32
    %dma_wait3A_136 = arith.constant 1 : i32
    %dma_wait3A_137 = arith.constant 0 : i32
    %dma_wait3A_138 = arith.constant 0 : i32
    %dma_wait3A_139 = tpu.memref_slice %arg12[%dma_wait3A_136, %dma_wait3A_137, %dma_wait3A_138] : memref<2x128x72xf32, #tpu.memory_space<vmem>> -> memref<1x128x72xf32, #tpu.memory_space<vmem>>
    %dma_wait3A_140 = tpu.memref_squeeze %dma_wait3A_139 : memref<1x128x72xf32, #tpu.memory_space<vmem>> -> memref<128x72xf32, #tpu.memory_space<vmem>>
    %dma_wait3A_141 = arith.constant 0 : i32
    %dma_wait3A_142 = arith.constant 0 : i32
    %dma_wait3A_143 = tpu.memref_slice %arg7[%dma_wait3A_135, %dma_wait3A_141, %dma_wait3A_142] : memref<2x10240x72xf32, #tpu.memory_space<hbm>> -> memref<1x128x72xf32, #tpu.memory_space<hbm>>
    %dma_wait3A_144 = tpu.memref_squeeze %dma_wait3A_143 : memref<1x128x72xf32, #tpu.memory_space<hbm>> -> memref<128x72xf32, #tpu.memory_space<hbm>>
    %dma_wait3A_145 = arith.constant 0 : i32
    %dma_wait3A_146 = arith.constant 0 : i32
    %dma_wait3A_147 = tpu.memref_slice %arg12[%dma_wait3A_136, %dma_wait3A_145, %dma_wait3A_146] : memref<2x128x72xf32, #tpu.memory_space<vmem>> -> memref<1x128x72xf32, #tpu.memory_space<vmem>>
    %dma_wait3A_148 = tpu.memref_squeeze %dma_wait3A_147 : memref<1x128x72xf32, #tpu.memory_space<vmem>> -> memref<128x72xf32, #tpu.memory_space<vmem>>
    %dma_wait3A_149 = arith.constant 0 : i32
    %dma_wait3A_150 = arith.constant 0 : i32
    %dma_wait3A_151 = tpu.memref_slice %arg7[%dma_wait3A_135, %dma_wait3A_149, %dma_wait3A_150] : memref<2x10240x72xf32, #tpu.memory_space<hbm>> -> memref<1x128x72xf32, #tpu.memory_space<hbm>>
    %dma_wait3A_152 = tpu.memref_squeeze %dma_wait3A_151 : memref<1x128x72xf32, #tpu.memory_space<hbm>> -> memref<128x72xf32, #tpu.memory_space<hbm>>
    tpu.wait_dma2 semaphore(%arg17 : memref<!tpu.dma_semaphore, #tpu.memory_space<semaphore_mem>>) src(%dma_wait3A_152 : memref<128x72xf32, #tpu.memory_space<hbm>>) dst(%dma_wait3A_148 : memref<128x72xf32, #tpu.memory_space<vmem>>)
    %barrier3A_153 = arith.constant 0 : index
    tpu.barrier barrier_id(%barrier3A_153)
    "tpu.region"() ({
      %run_scoped3A = tpu.sem_alloc : memref<!tpu.dma_semaphore, #tpu.memory_space<semaphore_mem>>
      %dma_start3A_154 = arith.constant 0 : i32
      %dma_start3A_155 = tpu.memref_slice %arg7[%arg0, %mul3A_14, %dma_start3A_154] : memref<2x10240x72xf32, #tpu.memory_space<hbm>> -> memref<1x640x72xf32, #tpu.memory_space<hbm>>
      %dma_start3A_156 = tpu.memref_squeeze %dma_start3A_155 : memref<1x640x72xf32, #tpu.memory_space<hbm>> -> memref<640x72xf32, #tpu.memory_space<hbm>>
      %dma_start3A_157 = arith.constant 0 : i32
      %dma_start3A_158 = tpu.memref_slice %arg15[%mul3A_14, %dma_start3A_157] : memref<10240x72xf32, #tpu.memory_space<vmem_shared>> -> memref<640x72xf32, #tpu.memory_space<vmem_shared>>
      tpu.enqueue_dma source(%dma_start3A_158 : memref<640x72xf32, #tpu.memory_space<vmem_shared>>) target(%dma_start3A_156 : memref<640x72xf32, #tpu.memory_space<hbm>>) target_semaphore(%run_scoped3A : memref<!tpu.dma_semaphore, #tpu.memory_space<semaphore_mem>>)
      %dma_wait3A_159 = arith.constant 0 : i32
      %dma_wait3A_160 = tpu.memref_slice %arg7[%arg0, %mul3A_14, %dma_wait3A_159] : memref<2x10240x72xf32, #tpu.memory_space<hbm>> -> memref<1x640x72xf32, #tpu.memory_space<hbm>>
      %dma_wait3A_161 = tpu.memref_squeeze %dma_wait3A_160 : memref<1x640x72xf32, #tpu.memory_space<hbm>> -> memref<640x72xf32, #tpu.memory_space<hbm>>
      %dma_wait3A_162 = arith.constant 0 : i32
      %dma_wait3A_163 = tpu.memref_slice %arg15[%mul3A_14, %dma_wait3A_162] : memref<10240x72xf32, #tpu.memory_space<vmem_shared>> -> memref<640x72xf32, #tpu.memory_space<vmem_shared>>
      tpu.wait_dma2 semaphore(%run_scoped3A : memref<!tpu.dma_semaphore, #tpu.memory_space<semaphore_mem>>) src(%dma_wait3A_163 : memref<640x72xf32, #tpu.memory_space<vmem_shared>>) dst(%dma_wait3A_161 : memref<640x72xf32, #tpu.memory_space<hbm>>)
      tpu.yield
    }) : () -> ()
    return
  }
}

#map = affine_map<(d0, d1) -> (0, 0)>
#map1 = affine_map<(d0, d1) -> (0)>
#map2 = affine_map<(d0, d1) -> (0, 0, 0)>
module attributes {stable_mosaic.version = 14 : i64} {
  func.func @_sc_body(%arg0: i32, %arg1: i32, %arg2: memref<10240x40xf32, #tpu.memory_space<hbm>>, %arg3: memref<5120x8xf32, #tpu.memory_space<hbm>>, %arg4: memref<16xf32, #tpu.memory_space<hbm>>, %arg5: memref<2624x128xi32, #tpu.memory_space<hbm>>, %arg6: memref<2624x128xi32, #tpu.memory_space<hbm>>, %arg7: memref<2x10240x72xf32, #tpu.memory_space<hbm>>, %arg8: memref<82x128xi32, #tpu.memory_space<vmem>>, %arg9: memref<3x128xi32, #tpu.memory_space<vmem>>, %arg10: memref<5120x8xf32, #tpu.memory_space<vmem>>, %arg11: memref<2x128x40xf32, #tpu.memory_space<vmem>>, %arg12: memref<2x128x72xf32, #tpu.memory_space<vmem>>, %arg13: memref<16xf32, #tpu.memory_space<vmem>>, %arg14: memref<32x72xf32, #tpu.memory_space<vmem>>, %arg15: memref<10240x72xf32, #tpu.memory_space<vmem_shared>>, %arg16: memref<!tpu.dma_semaphore, #tpu.memory_space<semaphore_mem>>, %arg17: memref<!tpu.dma_semaphore, #tpu.memory_space<semaphore_mem>>) attributes {dimension_semantics = [#tpu.dimension_semantics<core_parallel>, #tpu.dimension_semantics<subcore_parallel>], iteration_bounds = array<i64: 2, 16>, scalar_prefetch = 0 : i64, scratch_operands = 10 : i64, tpu.core_type = #tpu.core_type<sc_vector_subcore>, window_params = [{transform_indices = #map}, {transform_indices = #map}, {transform_indices = #map1}, {transform_indices = #map}, {transform_indices = #map}, {transform_indices = #map2}]} {
    %mul3A = arith.constant 2 : i32
    %mul3A_0 = arith.muli %arg1, %mul3A : i32
    %add3A = arith.addi %mul3A_0, %arg0 : i32
    %broadcast_in_dim3A = arith.constant 0.000000e+00 : f32
    %broadcast_in_dim3A_1 = vector.broadcast %broadcast_in_dim3A : f32 to vector<16xf32>
    tpu.enqueue_dma source(%arg4 : memref<16xf32, #tpu.memory_space<hbm>>) target(%arg13 : memref<16xf32, #tpu.memory_space<vmem>>) target_semaphore(%arg17 : memref<!tpu.dma_semaphore, #tpu.memory_space<semaphore_mem>>)
    tpu.enqueue_dma source(%arg3 : memref<5120x8xf32, #tpu.memory_space<hbm>>) target(%arg10 : memref<5120x8xf32, #tpu.memory_space<vmem>>) target_semaphore(%arg17 : memref<!tpu.dma_semaphore, #tpu.memory_space<semaphore_mem>>)
    %mul3A_2 = arith.constant 82 : i32
    %mul3A_3 = arith.muli %add3A, %mul3A_2 : i32
    %dma_start3A = arith.constant 0 : i32
    %dma_start3A_4 = tpu.memref_slice %arg5[%mul3A_3, %dma_start3A] : memref<2624x128xi32, #tpu.memory_space<hbm>> -> memref<82x128xi32, #tpu.memory_space<hbm>>
    %dma_start3A_5 = arith.constant 0 : i32
    %dma_start3A_6 = tpu.memref_slice %arg5[%mul3A_3, %dma_start3A_5] : memref<2624x128xi32, #tpu.memory_space<hbm>> -> memref<82x128xi32, #tpu.memory_space<hbm>>
    tpu.enqueue_dma source(%dma_start3A_6 : memref<82x128xi32, #tpu.memory_space<hbm>>) target(%arg8 : memref<82x128xi32, #tpu.memory_space<vmem>>) target_semaphore(%arg17 : memref<!tpu.dma_semaphore, #tpu.memory_space<semaphore_mem>>)
    %scan3A = arith.constant 0 : i32
    %scan3A_7 = arith.constant 0 : i32
    %scan3A_8 = arith.constant 32 : i32
    %scan3A_9 = arith.addi %scan3A_7, %scan3A_8 : i32
    %scan3A_10 = arith.constant 1 : i32
    %scan3A_11 = scf.for %scan3A_154 = %scan3A_7 to %scan3A_9 step %scan3A_10 iter_args(%scan3A_155 = %scan3A) -> (i32)  : i32 {
      %swap3A = arith.index_cast %scan3A_154 : i32 to index
      %swap3A_156 = arith.constant 0 : index
      %swap3A_157 = tpu.vector_load %arg14[%swap3A, %swap3A_156] {strides = array<i32>} : memref<32x72xf32, #tpu.memory_space<vmem>>, vector<16xf32>,
      tpu.vector_store %arg14[%swap3A, %swap3A_156], %broadcast_in_dim3A_1 {strides = array<i32>} : memref<32x72xf32, #tpu.memory_space<vmem>>, vector<16xf32>,
      %swap3A_158 = arith.index_cast %scan3A_154 : i32 to index
      %swap3A_159 = arith.constant 16 : index
      %swap3A_160 = tpu.vector_load %arg14[%swap3A_158, %swap3A_159] {strides = array<i32>} : memref<32x72xf32, #tpu.memory_space<vmem>>, vector<16xf32>,
      tpu.vector_store %arg14[%swap3A_158, %swap3A_159], %broadcast_in_dim3A_1 {strides = array<i32>} : memref<32x72xf32, #tpu.memory_space<vmem>>, vector<16xf32>,
      %swap3A_161 = arith.index_cast %scan3A_154 : i32 to index
      %swap3A_162 = arith.constant 32 : index
      %swap3A_163 = tpu.vector_load %arg14[%swap3A_161, %swap3A_162] {strides = array<i32>} : memref<32x72xf32, #tpu.memory_space<vmem>>, vector<16xf32>,
      tpu.vector_store %arg14[%swap3A_161, %swap3A_162], %broadcast_in_dim3A_1 {strides = array<i32>} : memref<32x72xf32, #tpu.memory_space<vmem>>, vector<16xf32>,
      %swap3A_164 = arith.index_cast %scan3A_154 : i32 to index
      %swap3A_165 = arith.constant 48 : index
      %swap3A_166 = tpu.vector_load %arg14[%swap3A_164, %swap3A_165] {strides = array<i32>} : memref<32x72xf32, #tpu.memory_space<vmem>>, vector<16xf32>,
      tpu.vector_store %arg14[%swap3A_164, %swap3A_165], %broadcast_in_dim3A_1 {strides = array<i32>} : memref<32x72xf32, #tpu.memory_space<vmem>>, vector<16xf32>,
      %swap3A_167 = arith.index_cast %scan3A_154 : i32 to index
      %swap3A_168 = arith.constant 56 : index
      %swap3A_169 = tpu.vector_load %arg14[%swap3A_167, %swap3A_168] {strides = array<i32>} : memref<32x72xf32, #tpu.memory_space<vmem>>, vector<16xf32>,
      tpu.vector_store %arg14[%swap3A_167, %swap3A_168], %broadcast_in_dim3A_1 {strides = array<i32>} : memref<32x72xf32, #tpu.memory_space<vmem>>, vector<16xf32>,
      %scan3A_170 = arith.constant 0 : i32
      scf.yield %scan3A_170 : i32
    }
    %scan3A_12 = arith.constant 32 : i32
    %mul3A_13 = arith.constant 640 : i32
    %mul3A_14 = arith.muli %arg1, %mul3A_13 : i32
    %scan3A_15 = arith.constant 0 : i32
    %scan3A_16 = arith.constant 0 : i32
    %scan3A_17 = arith.constant 20 : i32
    %scan3A_18 = arith.addi %scan3A_16, %scan3A_17 : i32
    %scan3A_19 = arith.constant 1 : i32
    %scan3A_20 = scf.for %scan3A_154 = %scan3A_16 to %scan3A_18 step %scan3A_19 iter_args(%scan3A_155 = %scan3A_15) -> (i32)  : i32 {
      %mul3A_156 = arith.constant 32 : i32
      %mul3A_157 = arith.muli %mul3A_156, %scan3A_154 : i32
      %add3A_158 = arith.addi %mul3A_14, %mul3A_157 : i32
      %dma_start3A_159 = arith.constant 0 : i32
      %dma_start3A_160 = tpu.memref_slice %arg15[%add3A_158, %dma_start3A_159] : memref<10240x72xf32, #tpu.memory_space<vmem_shared>> -> memref<32x72xf32, #tpu.memory_space<vmem_shared>>
      %dma_start3A_161 = arith.constant 0 : i32
      %dma_start3A_162 = tpu.memref_slice %arg15[%add3A_158, %dma_start3A_161] : memref<10240x72xf32, #tpu.memory_space<vmem_shared>> -> memref<32x72xf32, #tpu.memory_space<vmem_shared>>
      tpu.enqueue_dma source(%arg14 : memref<32x72xf32, #tpu.memory_space<vmem>>) target(%dma_start3A_162 : memref<32x72xf32, #tpu.memory_space<vmem_shared>>) target_semaphore(%arg16 : memref<!tpu.dma_semaphore, #tpu.memory_space<semaphore_mem>>)
      %scan3A_163 = arith.constant 0 : i32
      scf.yield %scan3A_163 : i32
    }
    %scan3A_21 = arith.constant 20 : i32
    %scan3A_22 = arith.constant 0 : i32
    %scan3A_23 = arith.constant 0 : i32
    %scan3A_24 = arith.constant 20 : i32
    %scan3A_25 = arith.addi %scan3A_23, %scan3A_24 : i32
    %scan3A_26 = arith.constant 1 : i32
    %scan3A_27 = scf.for %scan3A_154 = %scan3A_23 to %scan3A_25 step %scan3A_26 iter_args(%scan3A_155 = %scan3A_22) -> (i32)  : i32 {
      %dma_wait3A_156 = arith.constant 0 : i32
      %dma_wait3A_157 = tpu.memref_slice %arg15[%mul3A_14, %dma_wait3A_156] : memref<10240x72xf32, #tpu.memory_space<vmem_shared>> -> memref<32x72xf32, #tpu.memory_space<vmem_shared>>
      %dma_wait3A_158 = arith.constant 0 : i32
      %dma_wait3A_159 = tpu.memref_slice %arg15[%mul3A_14, %dma_wait3A_158] : memref<10240x72xf32, #tpu.memory_space<vmem_shared>> -> memref<32x72xf32, #tpu.memory_space<vmem_shared>>
      tpu.wait_dma2 semaphore(%arg16 : memref<!tpu.dma_semaphore, #tpu.memory_space<semaphore_mem>>) src(%arg14 : memref<32x72xf32, #tpu.memory_space<vmem>>) dst(%dma_wait3A_159 : memref<32x72xf32, #tpu.memory_space<vmem_shared>>)
      %scan3A_160 = arith.constant 0 : i32
      scf.yield %scan3A_160 : i32
    }
    %scan3A_28 = arith.constant 20 : i32
    tpu.wait_dma2 semaphore(%arg17 : memref<!tpu.dma_semaphore, #tpu.memory_space<semaphore_mem>>) src(%arg4 : memref<16xf32, #tpu.memory_space<hbm>>) dst(%arg13 : memref<16xf32, #tpu.memory_space<vmem>>)
    tpu.wait_dma2 semaphore(%arg17 : memref<!tpu.dma_semaphore, #tpu.memory_space<semaphore_mem>>) src(%arg3 : memref<5120x8xf32, #tpu.memory_space<hbm>>) dst(%arg10 : memref<5120x8xf32, #tpu.memory_space<vmem>>)
    %dma_wait3A = arith.constant 0 : i32
    %dma_wait3A_29 = arith.constant 0 : i32
    %dma_wait3A_30 = tpu.memref_slice %arg5[%dma_wait3A, %dma_wait3A_29] : memref<2624x128xi32, #tpu.memory_space<hbm>> -> memref<82x128xi32, #tpu.memory_space<hbm>>
    %dma_wait3A_31 = arith.constant 0 : i32
    %dma_wait3A_32 = arith.constant 0 : i32
    %dma_wait3A_33 = tpu.memref_slice %arg5[%dma_wait3A_31, %dma_wait3A_32] : memref<2624x128xi32, #tpu.memory_space<hbm>> -> memref<82x128xi32, #tpu.memory_space<hbm>>
    tpu.wait_dma2 semaphore(%arg17 : memref<!tpu.dma_semaphore, #tpu.memory_space<semaphore_mem>>) src(%dma_wait3A_33 : memref<82x128xi32, #tpu.memory_space<hbm>>) dst(%arg8 : memref<82x128xi32, #tpu.memory_space<vmem>>)
    %barrier3A = arith.constant 0 : index
    tpu.barrier barrier_id(%barrier3A)
    %get3A = arith.constant 0 : index
    %get3A_34 = tpu.vector_load %arg13[%get3A] {strides = array<i32>} : memref<16xf32, #tpu.memory_space<vmem>>, vector<16xf32>,
    %iota3A = tpu.iota {dimensions = array<i32: 0>} : vector<16xi32>
    %jit3A = arith.constant 4 : i32
    %div3A = vector.broadcast %jit3A : i32 to vector<16xi32>
    %div3A_35 = arith.divsi %iota3A, %div3A : vector<16xi32>
    %sign3A = arith.constant 0 : i32
    %sign3A_36 = vector.broadcast %sign3A : i32 to vector<16xi32>
    %sign3A_37 = arith.cmpi sgt, %iota3A, %sign3A_36 : vector<16xi32>
    %sign3A_38 = arith.extui %sign3A_37 : vector<16xi1> to vector<16xi32>
    %sign3A_39 = arith.constant 0 : i32
    %sign3A_40 = vector.broadcast %sign3A_39 : i32 to vector<16xi32>
    %sign3A_41 = arith.cmpi slt, %iota3A, %sign3A_40 : vector<16xi32>
    %sign3A_42 = arith.extui %sign3A_41 : vector<16xi1> to vector<16xi32>
    %sign3A_43 = arith.subi %sign3A_38, %sign3A_42 : vector<16xi32>
    %sign3A_44 = arith.constant 0 : i32
    %sign3A_45 = arith.cmpi sgt, %jit3A, %sign3A_44 : i32
    %sign3A_46 = arith.extui %sign3A_45 : i1 to i32
    %sign3A_47 = arith.constant 0 : i32
    %sign3A_48 = arith.cmpi slt, %jit3A, %sign3A_47 : i32
    %sign3A_49 = arith.extui %sign3A_48 : i1 to i32
    %sign3A_50 = arith.subi %sign3A_46, %sign3A_49 : i32
    %ne3A = vector.broadcast %sign3A_50 : i32 to vector<16xi32>
    %ne3A_51 = arith.cmpi ne, %sign3A_43, %ne3A : vector<16xi32>
    %rem3A = vector.broadcast %jit3A : i32 to vector<16xi32>
    %rem3A_52 = arith.remsi %iota3A, %rem3A : vector<16xi32>
    %ne3A_53 = arith.constant 0 : i32
    %ne3A_54 = vector.broadcast %ne3A_53 : i32 to vector<16xi32>
    %ne3A_55 = arith.cmpi ne, %rem3A_52, %ne3A_54 : vector<16xi32>
    %and3A = arith.andi %ne3A_51, %ne3A_55 : vector<16xi1>
    %sub3A = arith.constant 1 : i32
    %sub3A_56 = vector.broadcast %sub3A : i32 to vector<16xi32>
    %sub3A_57 = arith.subi %div3A_35, %sub3A_56 : vector<16xi32>
    %select_n3A = arith.select %and3A, %sub3A_57, %div3A_35 : vector<16xi1>, vector<16xi32>
    %and3A_58 = arith.constant 3 : i32
    %and3A_59 = vector.broadcast %and3A_58 : i32 to vector<16xi32>
    %and3A_60 = arith.andi %iota3A, %and3A_59 : vector<16xi32>
    %lt3A = arith.constant 0 : i32
    %lt3A_61 = vector.broadcast %lt3A : i32 to vector<16xi32>
    %lt3A_62 = arith.cmpi slt, %and3A_60, %lt3A_61 : vector<16xi32>
    %add3A_63 = arith.constant 16 : i32
    %add3A_64 = vector.broadcast %add3A_63 : i32 to vector<16xi32>
    %add3A_65 = arith.addi %and3A_60, %add3A_64 : vector<16xi32>
    %select_n3A_66 = arith.select %lt3A_62, %add3A_65, %and3A_60 : vector<16xi1>, vector<16xi32>
    %reshape3A = vector.shape_cast %select_n3A_66 : vector<16xi32> to vector<16x1xi32>
    %gather3A = vector.shape_cast %reshape3A : vector<16x1xi32> to vector<16xi32>
    %gather3A_67 = tpu.dynamic_gather %get3A_34[%gather3A] in [0] : vector<16xf32>, vector<16xi32> -> vector<16xf32>
    %add3A_68 = arith.constant 4 : i32
    %add3A_69 = vector.broadcast %add3A_68 : i32 to vector<16xi32>
    %add3A_70 = arith.addi %and3A_60, %add3A_69 : vector<16xi32>
    %lt3A_71 = arith.constant 0 : i32
    %lt3A_72 = vector.broadcast %lt3A_71 : i32 to vector<16xi32>
    %lt3A_73 = arith.cmpi slt, %add3A_70, %lt3A_72 : vector<16xi32>
    %add3A_74 = arith.constant 16 : i32
    %add3A_75 = vector.broadcast %add3A_74 : i32 to vector<16xi32>
    %add3A_76 = arith.addi %add3A_70, %add3A_75 : vector<16xi32>
    %select_n3A_77 = arith.select %lt3A_73, %add3A_76, %add3A_70 : vector<16xi1>, vector<16xi32>
    %reshape3A_78 = vector.shape_cast %select_n3A_77 : vector<16xi32> to vector<16x1xi32>
    %gather3A_79 = vector.shape_cast %reshape3A_78 : vector<16x1xi32> to vector<16xi32>
    %gather3A_80 = tpu.dynamic_gather %get3A_34[%gather3A_79] in [0] : vector<16xf32>, vector<16xi32> -> vector<16xf32>
    %mul3A_81 = arith.constant 82 : i32
    %mul3A_82 = arith.muli %add3A, %mul3A_81 : i32
    %add3A_83 = arith.constant 0 : i32
    %add3A_84 = arith.addi %mul3A_82, %add3A_83 : i32
    %dma_start3A_85 = arith.constant 0 : i32
    %dma_start3A_86 = arith.constant 0 : i32
    %dma_start3A_87 = tpu.memref_slice %arg9[%dma_start3A_85, %dma_start3A_86] : memref<3x128xi32, #tpu.memory_space<vmem>> -> memref<1x128xi32, #tpu.memory_space<vmem>>
    %dma_start3A_88 = tpu.memref_squeeze %dma_start3A_87 : memref<1x128xi32, #tpu.memory_space<vmem>> -> memref<128xi32, #tpu.memory_space<vmem>>
    %dma_start3A_89 = arith.constant 0 : i32
    %dma_start3A_90 = tpu.memref_slice %arg6[%add3A_84, %dma_start3A_89] : memref<2624x128xi32, #tpu.memory_space<hbm>> -> memref<1x128xi32, #tpu.memory_space<hbm>>
    %dma_start3A_91 = tpu.memref_squeeze %dma_start3A_90 : memref<1x128xi32, #tpu.memory_space<hbm>> -> memref<128xi32, #tpu.memory_space<hbm>>
    %dma_start3A_92 = arith.constant 0 : i32
    %dma_start3A_93 = tpu.memref_slice %arg9[%dma_start3A_85, %dma_start3A_92] : memref<3x128xi32, #tpu.memory_space<vmem>> -> memref<1x128xi32, #tpu.memory_space<vmem>>
    %dma_start3A_94 = tpu.memref_squeeze %dma_start3A_93 : memref<1x128xi32, #tpu.memory_space<vmem>> -> memref<128xi32, #tpu.memory_space<vmem>>
    %dma_start3A_95 = arith.constant 0 : i32
    %dma_start3A_96 = tpu.memref_slice %arg6[%add3A_84, %dma_start3A_95] : memref<2624x128xi32, #tpu.memory_space<hbm>> -> memref<1x128xi32, #tpu.memory_space<hbm>>
    %dma_start3A_97 = tpu.memref_squeeze %dma_start3A_96 : memref<1x128xi32, #tpu.memory_space<hbm>> -> memref<128xi32, #tpu.memory_space<hbm>>
    tpu.enqueue_dma source(%dma_start3A_97 : memref<128xi32, #tpu.memory_space<hbm>>) target(%dma_start3A_94 : memref<128xi32, #tpu.memory_space<vmem>>) target_semaphore(%arg16 : memref<!tpu.dma_semaphore, #tpu.memory_space<semaphore_mem>>)
    %dma_start3A_98 = arith.constant 0 : i32
    %dma_start3A_99 = arith.constant 0 : i32
    %dma_start3A_100 = arith.constant 0 : i32
    %dma_start3A_101 = arith.constant 0 : i32
    %dma_start3A_102 = tpu.memref_slice %arg11[%dma_start3A_99, %dma_start3A_100, %dma_start3A_101] : memref<2x128x40xf32, #tpu.memory_space<vmem>> -> memref<1x128x40xf32, #tpu.memory_space<vmem>>
    %dma_start3A_103 = tpu.memref_squeeze %dma_start3A_102 : memref<1x128x40xf32, #tpu.memory_space<vmem>> -> memref<128x40xf32, #tpu.memory_space<vmem>>
    %dma_start3A_104 = arith.constant 0 : i32
    %dma_start3A_105 = tpu.memref_slice %arg8[%dma_start3A_98, %dma_start3A_104] : memref<82x128xi32, #tpu.memory_space<vmem>> -> memref<1x128xi32, #tpu.memory_space<vmem>>
    %dma_start3A_106 = tpu.memref_squeeze %dma_start3A_105 : memref<1x128xi32, #tpu.memory_space<vmem>> -> memref<128xi32, #tpu.memory_space<vmem>>
    %dma_start3A_107 = arith.constant 0 : i32
    %dma_start3A_108 = arith.constant 0 : i32
    %dma_start3A_109 = tpu.memref_slice %arg2[%dma_start3A_107, %dma_start3A_108] : memref<10240x40xf32, #tpu.memory_space<hbm>> -> memref<10240x40xf32, #tpu.memory_space<hbm>>
    tpu.enqueue_indirect_dma source(%dma_start3A_109 : memref<10240x40xf32, #tpu.memory_space<hbm>>) target(%dma_start3A_103 : memref<128x40xf32, #tpu.memory_space<vmem>>) offsets(%dma_start3A_106 : memref<128xi32, #tpu.memory_space<vmem>>) semaphore(%arg16 : memref<!tpu.dma_semaphore, #tpu.memory_space<semaphore_mem>>)
    %scan3A_110 = arith.constant 0 : i32
    %scan3A_111 = arith.constant 0 : i32
    %scan3A_112 = arith.constant 82 : i32
    %scan3A_113 = arith.addi %scan3A_111, %scan3A_112 : i32
    %scan3A_114 = arith.constant 1 : i32
    %scan3A_115 = scf.for %scan3A_154 = %scan3A_111 to %scan3A_113 step %scan3A_114 iter_args(%scan3A_155 = %scan3A_110) -> (i32)  : i32 {
      %rem3A_156 = arith.constant 2 : i32
      %rem3A_157 = arith.remsi %scan3A_154, %rem3A_156 : i32
      %add3A_158 = arith.constant 1 : i32
      %add3A_159 = arith.addi %scan3A_154, %add3A_158 : i32
      %rem3A_160 = arith.constant 2 : i32
      %rem3A_161 = arith.remsi %add3A_159, %rem3A_160 : i32
      %rem3A_162 = arith.constant 3 : i32
      %rem3A_163 = arith.remsi %scan3A_154, %rem3A_162 : i32
      %add3A_164 = arith.constant 1 : i32
      %add3A_165 = arith.addi %scan3A_154, %add3A_164 : i32
      %rem3A_166 = arith.constant 3 : i32
      %rem3A_167 = arith.remsi %add3A_165, %rem3A_166 : i32
      %dma_wait3A_168 = arith.constant 0 : i32
      %dma_wait3A_169 = arith.constant 0 : i32
      %dma_wait3A_170 = tpu.memref_slice %arg9[%rem3A_163, %dma_wait3A_169] : memref<3x128xi32, #tpu.memory_space<vmem>> -> memref<1x128xi32, #tpu.memory_space<vmem>>
      %dma_wait3A_171 = tpu.memref_squeeze %dma_wait3A_170 : memref<1x128xi32, #tpu.memory_space<vmem>> -> memref<128xi32, #tpu.memory_space<vmem>>
      %dma_wait3A_172 = arith.constant 0 : i32
      %dma_wait3A_173 = tpu.memref_slice %arg6[%dma_wait3A_168, %dma_wait3A_172] : memref<2624x128xi32, #tpu.memory_space<hbm>> -> memref<1x128xi32, #tpu.memory_space<hbm>>
      %dma_wait3A_174 = tpu.memref_squeeze %dma_wait3A_173 : memref<1x128xi32, #tpu.memory_space<hbm>> -> memref<128xi32, #tpu.memory_space<hbm>>
      %dma_wait3A_175 = arith.constant 0 : i32
      %dma_wait3A_176 = tpu.memref_slice %arg9[%rem3A_163, %dma_wait3A_175] : memref<3x128xi32, #tpu.memory_space<vmem>> -> memref<1x128xi32, #tpu.memory_space<vmem>>
      %dma_wait3A_177 = tpu.memref_squeeze %dma_wait3A_176 : memref<1x128xi32, #tpu.memory_space<vmem>> -> memref<128xi32, #tpu.memory_space<vmem>>
      %dma_wait3A_178 = arith.constant 0 : i32
      %dma_wait3A_179 = tpu.memref_slice %arg6[%dma_wait3A_168, %dma_wait3A_178] : memref<2624x128xi32, #tpu.memory_space<hbm>> -> memref<1x128xi32, #tpu.memory_space<hbm>>
      %dma_wait3A_180 = tpu.memref_squeeze %dma_wait3A_179 : memref<1x128xi32, #tpu.memory_space<hbm>> -> memref<128xi32, #tpu.memory_space<hbm>>
      tpu.wait_dma2 semaphore(%arg16 : memref<!tpu.dma_semaphore, #tpu.memory_space<semaphore_mem>>) src(%dma_wait3A_180 : memref<128xi32, #tpu.memory_space<hbm>>) dst(%dma_wait3A_177 : memref<128xi32, #tpu.memory_space<vmem>>)
      %dma_wait3A_181 = arith.constant 0 : i32
      %dma_wait3A_182 = arith.constant 0 : i32
      %dma_wait3A_183 = arith.constant 0 : i32
      %dma_wait3A_184 = tpu.memref_slice %arg11[%rem3A_157, %dma_wait3A_182, %dma_wait3A_183] : memref<2x128x40xf32, #tpu.memory_space<vmem>> -> memref<1x128x40xf32, #tpu.memory_space<vmem>>
      %dma_wait3A_185 = tpu.memref_squeeze %dma_wait3A_184 : memref<1x128x40xf32, #tpu.memory_space<vmem>> -> memref<128x40xf32, #tpu.memory_space<vmem>>
      %dma_wait3A_186 = arith.constant 0 : i32
      %dma_wait3A_187 = tpu.memref_slice %arg8[%dma_wait3A_181, %dma_wait3A_186] : memref<82x128xi32, #tpu.memory_space<vmem>> -> memref<1x128xi32, #tpu.memory_space<vmem>>
      %dma_wait3A_188 = tpu.memref_squeeze %dma_wait3A_187 : memref<1x128xi32, #tpu.memory_space<vmem>> -> memref<128xi32, #tpu.memory_space<vmem>>
      %dma_wait3A_189 = arith.constant 0 : i32
      %dma_wait3A_190 = arith.constant 0 : i32
      %dma_wait3A_191 = tpu.memref_slice %arg2[%dma_wait3A_189, %dma_wait3A_190] : memref<10240x40xf32, #tpu.memory_space<hbm>> -> memref<10240x40xf32, #tpu.memory_space<hbm>>
      tpu.wait_indirect_dma semaphore(%arg16 : memref<!tpu.dma_semaphore, #tpu.memory_space<semaphore_mem>>) src(%dma_wait3A_191 : memref<10240x40xf32, #tpu.memory_space<hbm>>) dst(%dma_wait3A_185 : memref<128x40xf32, #tpu.memory_space<vmem>>)
      %ge3A = arith.constant 2 : i32
      %ge3A_192 = arith.cmpi sge, %scan3A_154, %ge3A : i32
      %convert_element_type3A = arith.extui %ge3A_192 : i1 to i32
      %cond3A = arith.constant 0 : i32
      %cond3A_193 = arith.cmpi ne, %convert_element_type3A, %cond3A : i32
      scf.if %cond3A_193 {
        %dma_wait3A_222 = arith.constant 0 : i32
        %dma_wait3A_223 = arith.constant 0 : i32
        %dma_wait3A_224 = arith.constant 0 : i32
        %dma_wait3A_225 = tpu.memref_slice %arg12[%rem3A_157, %dma_wait3A_223, %dma_wait3A_224] : memref<2x128x72xf32, #tpu.memory_space<vmem>> -> memref<1x128x72xf32, #tpu.memory_space<vmem>>
        %dma_wait3A_226 = tpu.memref_squeeze %dma_wait3A_225 : memref<1x128x72xf32, #tpu.memory_space<vmem>> -> memref<128x72xf32, #tpu.memory_space<vmem>>
        %dma_wait3A_227 = arith.constant 0 : i32
        %dma_wait3A_228 = arith.constant 0 : i32
        %dma_wait3A_229 = tpu.memref_slice %arg7[%dma_wait3A_222, %dma_wait3A_227, %dma_wait3A_228] : memref<2x10240x72xf32, #tpu.memory_space<hbm>> -> memref<1x128x72xf32, #tpu.memory_space<hbm>>
        %dma_wait3A_230 = tpu.memref_squeeze %dma_wait3A_229 : memref<1x128x72xf32, #tpu.memory_space<hbm>> -> memref<128x72xf32, #tpu.memory_space<hbm>>
        %dma_wait3A_231 = arith.constant 0 : i32
        %dma_wait3A_232 = arith.constant 0 : i32
        %dma_wait3A_233 = tpu.memref_slice %arg12[%rem3A_157, %dma_wait3A_231, %dma_wait3A_232] : memref<2x128x72xf32, #tpu.memory_space<vmem>> -> memref<1x128x72xf32, #tpu.memory_space<vmem>>
        %dma_wait3A_234 = tpu.memref_squeeze %dma_wait3A_233 : memref<1x128x72xf32, #tpu.memory_space<vmem>> -> memref<128x72xf32, #tpu.memory_space<vmem>>
        %dma_wait3A_235 = arith.constant 0 : i32
        %dma_wait3A_236 = arith.constant 0 : i32
        %dma_wait3A_237 = tpu.memref_slice %arg7[%dma_wait3A_222, %dma_wait3A_235, %dma_wait3A_236] : memref<2x10240x72xf32, #tpu.memory_space<hbm>> -> memref<1x128x72xf32, #tpu.memory_space<hbm>>
        %dma_wait3A_238 = tpu.memref_squeeze %dma_wait3A_237 : memref<1x128x72xf32, #tpu.memory_space<hbm>> -> memref<128x72xf32, #tpu.memory_space<hbm>>
        tpu.wait_dma2 semaphore(%arg17 : memref<!tpu.dma_semaphore, #tpu.memory_space<semaphore_mem>>) src(%dma_wait3A_238 : memref<128x72xf32, #tpu.memory_space<hbm>>) dst(%dma_wait3A_234 : memref<128x72xf32, #tpu.memory_space<vmem>>)
      } else {
      }
      %add3A_194 = arith.constant 1 : i32
      %add3A_195 = arith.addi %scan3A_154, %add3A_194 : i32
      %lt3A_196 = arith.constant 82 : i32
      %lt3A_197 = arith.cmpi slt, %add3A_195, %lt3A_196 : i32
      %convert_element_type3A_198 = arith.extui %lt3A_197 : i1 to i32
      %cond3A_199 = arith.constant 0 : i32
      %cond3A_200 = arith.cmpi ne, %convert_element_type3A_198, %cond3A_199 : i32
      scf.if %cond3A_200 {
        %add3A_222 = arith.constant 1 : i32
        %add3A_223 = arith.addi %scan3A_154, %add3A_222 : i32
        %mul3A_224 = arith.constant 82 : i32
        %mul3A_225 = arith.muli %add3A, %mul3A_224 : i32
        %add3A_226 = arith.addi %mul3A_225, %add3A_223 : i32
        %dma_start3A_227 = arith.constant 0 : i32
        %dma_start3A_228 = tpu.memref_slice %arg9[%rem3A_167, %dma_start3A_227] : memref<3x128xi32, #tpu.memory_space<vmem>> -> memref<1x128xi32, #tpu.memory_space<vmem>>
        %dma_start3A_229 = tpu.memref_squeeze %dma_start3A_228 : memref<1x128xi32, #tpu.memory_space<vmem>> -> memref<128xi32, #tpu.memory_space<vmem>>
        %dma_start3A_230 = arith.constant 0 : i32
        %dma_start3A_231 = tpu.memref_slice %arg6[%add3A_226, %dma_start3A_230] : memref<2624x128xi32, #tpu.memory_space<hbm>> -> memref<1x128xi32, #tpu.memory_space<hbm>>
        %dma_start3A_232 = tpu.memref_squeeze %dma_start3A_231 : memref<1x128xi32, #tpu.memory_space<hbm>> -> memref<128xi32, #tpu.memory_space<hbm>>
        %dma_start3A_233 = arith.constant 0 : i32
        %dma_start3A_234 = tpu.memref_slice %arg9[%rem3A_167, %dma_start3A_233] : memref<3x128xi32, #tpu.memory_space<vmem>> -> memref<1x128xi32, #tpu.memory_space<vmem>>
        %dma_start3A_235 = tpu.memref_squeeze %dma_start3A_234 : memref<1x128xi32, #tpu.memory_space<vmem>> -> memref<128xi32, #tpu.memory_space<vmem>>
        %dma_start3A_236 = arith.constant 0 : i32
        %dma_start3A_237 = tpu.memref_slice %arg6[%add3A_226, %dma_start3A_236] : memref<2624x128xi32, #tpu.memory_space<hbm>> -> memref<1x128xi32, #tpu.memory_space<hbm>>
        %dma_start3A_238 = tpu.memref_squeeze %dma_start3A_237 : memref<1x128xi32, #tpu.memory_space<hbm>> -> memref<128xi32, #tpu.memory_space<hbm>>
        tpu.enqueue_dma source(%dma_start3A_238 : memref<128xi32, #tpu.memory_space<hbm>>) target(%dma_start3A_235 : memref<128xi32, #tpu.memory_space<vmem>>) target_semaphore(%arg16 : memref<!tpu.dma_semaphore, #tpu.memory_space<semaphore_mem>>)
        %dma_start3A_239 = arith.constant 0 : i32
        %dma_start3A_240 = arith.constant 0 : i32
        %dma_start3A_241 = tpu.memref_slice %arg11[%rem3A_161, %dma_start3A_239, %dma_start3A_240] : memref<2x128x40xf32, #tpu.memory_space<vmem>> -> memref<1x128x40xf32, #tpu.memory_space<vmem>>
        %dma_start3A_242 = tpu.memref_squeeze %dma_start3A_241 : memref<1x128x40xf32, #tpu.memory_space<vmem>> -> memref<128x40xf32, #tpu.memory_space<vmem>>
        %dma_start3A_243 = arith.constant 0 : i32
        %dma_start3A_244 = tpu.memref_slice %arg8[%add3A_223, %dma_start3A_243] : memref<82x128xi32, #tpu.memory_space<vmem>> -> memref<1x128xi32, #tpu.memory_space<vmem>>
        %dma_start3A_245 = tpu.memref_squeeze %dma_start3A_244 : memref<1x128xi32, #tpu.memory_space<vmem>> -> memref<128xi32, #tpu.memory_space<vmem>>
        %dma_start3A_246 = arith.constant 0 : i32
        %dma_start3A_247 = arith.constant 0 : i32
        %dma_start3A_248 = tpu.memref_slice %arg2[%dma_start3A_246, %dma_start3A_247] : memref<10240x40xf32, #tpu.memory_space<hbm>> -> memref<10240x40xf32, #tpu.memory_space<hbm>>
        tpu.enqueue_indirect_dma source(%dma_start3A_248 : memref<10240x40xf32, #tpu.memory_space<hbm>>) target(%dma_start3A_242 : memref<128x40xf32, #tpu.memory_space<vmem>>) offsets(%dma_start3A_245 : memref<128xi32, #tpu.memory_space<vmem>>) semaphore(%arg16 : memref<!tpu.dma_semaphore, #tpu.memory_space<semaphore_mem>>)
      } else {
      }
      %sub3A_201 = arith.subi %iota3A, %iota3A : vector<16xi32>
      %add3A_202 = vector.broadcast %rem3A_157 : i32 to vector<16xi32>
      %add3A_203 = arith.addi %sub3A_201, %add3A_202 : vector<16xi32>
      %scan3A_204 = arith.constant 0 : i32
      %scan3A_205 = arith.constant 0 : i32
      %scan3A_206 = arith.constant 8 : i32
      %scan3A_207 = arith.addi %scan3A_205, %scan3A_206 : i32
      %scan3A_208 = arith.constant 1 : i32
      %scan3A_209 = scf.for %scan3A_222 = %scan3A_205 to %scan3A_207 step %scan3A_208 iter_args(%scan3A_223 = %scan3A_204) -> (i32)  : i32 {
        %mul3A_224 = arith.constant 16 : i32
        %mul3A_225 = arith.muli %mul3A_224, %scan3A_222 : i32
        %get3A_226 = arith.index_cast %rem3A_163 : i32 to index
        %get3A_227 = arith.index_cast %mul3A_225 : i32 to index
        %get3A_228 = tpu.vector_load %arg9[%get3A_226, %get3A_227] {strides = array<i32>} : memref<3x128xi32, #tpu.memory_space<vmem>>, vector<16xi32>,
        %mul3A_229 = arith.constant 16 : i32
        %mul3A_230 = arith.muli %mul3A_229, %scan3A_222 : i32
        %add3A_231 = arith.constant 0 : i32
        %add3A_232 = arith.addi %mul3A_230, %add3A_231 : i32
        %add3A_233 = vector.broadcast %add3A_232 : i32 to vector<16xi32>
        %add3A_234 = arith.addi %add3A_233, %select_n3A : vector<16xi32>
        %add3A_235 = arith.constant 32 : i32
        %add3A_236 = vector.broadcast %add3A_235 : i32 to vector<16xi32>
        %add3A_237 = arith.addi %add3A_236, %and3A_60 : vector<16xi32>
        %gather3A_238 = tpu.vector_load_idx %arg11[%add3A_203, %add3A_234, %add3A_237] : memref<2x128x40xf32, #tpu.memory_space<vmem>>[vector<16xi32>, vector<16xi32>, vector<16xi32>], vector<16xf32>,
        %add3A_239 = arith.constant 36 : i32
        %add3A_240 = vector.broadcast %add3A_239 : i32 to vector<16xi32>
        %add3A_241 = arith.addi %add3A_240, %and3A_60 : vector<16xi32>
        %gather3A_242 = tpu.vector_load_idx %arg11[%add3A_203, %add3A_234, %add3A_241] : memref<2x128x40xf32, #tpu.memory_space<vmem>>[vector<16xi32>, vector<16xi32>, vector<16xi32>], vector<16xf32>,
        %add3A_243 = arith.constant 0 : i32
        %add3A_244 = vector.broadcast %add3A_243 : i32 to vector<16xi32>
        %add3A_245 = arith.addi %add3A_244, %select_n3A : vector<16xi32>
        %lt3A_246 = arith.constant 0 : i32
        %lt3A_247 = vector.broadcast %lt3A_246 : i32 to vector<16xi32>
        %lt3A_248 = arith.cmpi slt, %add3A_245, %lt3A_247 : vector<16xi32>
        %add3A_249 = arith.constant 16 : i32
        %add3A_250 = vector.broadcast %add3A_249 : i32 to vector<16xi32>
        %add3A_251 = arith.addi %add3A_245, %add3A_250 : vector<16xi32>
        %select_n3A_252 = arith.select %lt3A_248, %add3A_251, %add3A_245 : vector<16xi1>, vector<16xi32>
        %reshape3A_253 = vector.shape_cast %select_n3A_252 : vector<16xi32> to vector<16x1xi32>
        %gather3A_254 = vector.shape_cast %reshape3A_253 : vector<16x1xi32> to vector<16xi32>
        %gather3A_255 = tpu.dynamic_gather %get3A_228[%gather3A_254] in [0] : vector<16xi32>, vector<16xi32> -> vector<16xi32>
        %shift_right_arithmetic3A = arith.constant 1 : i32
        %shift_right_arithmetic3A_256 = vector.broadcast %shift_right_arithmetic3A : i32 to vector<16xi32>
        %shift_right_arithmetic3A_257 = arith.shrsi %gather3A_255, %shift_right_arithmetic3A_256 : vector<16xi32>
        %and3A_258 = arith.constant 1 : i32
        %and3A_259 = vector.broadcast %and3A_258 : i32 to vector<16xi32>
        %and3A_260 = arith.andi %gather3A_255, %and3A_259 : vector<16xi32>
        %mul3A_261 = arith.constant 4 : i32
        %mul3A_262 = vector.broadcast %mul3A_261 : i32 to vector<16xi32>
        %mul3A_263 = arith.muli %and3A_260, %mul3A_262 : vector<16xi32>
        %add3A_264 = arith.addi %mul3A_263, %and3A_60 : vector<16xi32>
        %gather3A_265 = tpu.vector_load_idx %arg10[%shift_right_arithmetic3A_257, %add3A_264] : memref<5120x8xf32, #tpu.memory_space<vmem>>[vector<16xi32>, vector<16xi32>], vector<16xf32>,
        %bitcast3A = vector.bitcast %gather3A_265 : vector<16xf32> to vector<32xbf16>
        %unpack3A = tpu.unpack_subelements %bitcast3A, 0 {pack_format = #tpu.pack_format<interleaved>} : vector<32xbf16> -> vector<16xf32>
        %unpack3A_266 = tpu.unpack_subelements %bitcast3A, 1 {pack_format = #tpu.pack_format<interleaved>} : vector<32xbf16> -> vector<16xf32>
        %add3A_267 = arith.addf %gather3A_238, %unpack3A : vector<16xf32>
        %add3A_268 = arith.addf %gather3A_242, %unpack3A_266 : vector<16xf32>
        %mul3A_269 = arith.constant 2.000000e-01 : f32
        %mul3A_270 = vector.broadcast %mul3A_269 : f32 to vector<16xf32>
        %mul3A_271 = arith.mulf %mul3A_270, %add3A_267 : vector<16xf32>
        %max3A = arith.maximumf %add3A_267, %mul3A_271 : vector<16xf32>
        %sub3A_272 = arith.subf %max3A, %gather3A_67 : vector<16xf32>
        %exp3A = math.exp %sub3A_272 : vector<16xf32>
        %mul3A_273 = arith.constant 2.000000e-01 : f32
        %mul3A_274 = vector.broadcast %mul3A_273 : f32 to vector<16xf32>
        %mul3A_275 = arith.mulf %mul3A_274, %add3A_268 : vector<16xf32>
        %max3A_276 = arith.maximumf %add3A_268, %mul3A_275 : vector<16xf32>
        %sub3A_277 = arith.subf %max3A_276, %gather3A_80 : vector<16xf32>
        %exp3A_278 = math.exp %sub3A_277 : vector<16xf32>
        %add3A_279 = arith.constant 64 : i32
        %add3A_280 = vector.broadcast %add3A_279 : i32 to vector<16xi32>
        %add3A_281 = arith.addi %add3A_280, %and3A_60 : vector<16xi32>
        tpu.vector_store_idx %arg12[%add3A_203, %add3A_234, %add3A_281], %exp3A : memref<2x128x72xf32, #tpu.memory_space<vmem>>[vector<16xi32>, vector<16xi32>, vector<16xi32>], vector<16xf32>,
        %add3A_282 = arith.constant 68 : i32
        %add3A_283 = vector.broadcast %add3A_282 : i32 to vector<16xi32>
        %add3A_284 = arith.addi %add3A_283, %and3A_60 : vector<16xi32>
        tpu.vector_store_idx %arg12[%add3A_203, %add3A_234, %add3A_284], %exp3A_278 : memref<2x128x72xf32, #tpu.memory_space<vmem>>[vector<16xi32>, vector<16xi32>, vector<16xi32>], vector<16xf32>,
        %mul3A_285 = arith.constant 16 : i32
        %mul3A_286 = arith.muli %mul3A_285, %scan3A_222 : i32
        %add3A_287 = arith.constant 0 : i32
        %add3A_288 = arith.addi %mul3A_286, %add3A_287 : i32
        %add3A_289 = arith.constant 0 : i32
        %add3A_290 = arith.addi %add3A_288, %add3A_289 : i32
        %get3A_291 = arith.index_cast %rem3A_157 : i32 to index
        %get3A_292 = arith.index_cast %add3A_290 : i32 to index
        %get3A_293 = arith.constant 0 : index
        %get3A_294 = tpu.vector_load %arg11[%get3A_291, %get3A_292, %get3A_293] {strides = array<i32>} : memref<2x128x40xf32, #tpu.memory_space<vmem>>, vector<16xf32>,
        %bitcast3A_295 = vector.bitcast %get3A_294 : vector<16xf32> to vector<32xbf16>
        %unpack3A_296 = tpu.unpack_subelements %bitcast3A_295, 0 {pack_format = #tpu.pack_format<interleaved>} : vector<32xbf16> -> vector<16xf32>
        %unpack3A_297 = tpu.unpack_subelements %bitcast3A_295, 1 {pack_format = #tpu.pack_format<interleaved>} : vector<32xbf16> -> vector<16xf32>
        %add3A_298 = arith.constant 0 : i32
        %add3A_299 = vector.broadcast %add3A_298 : i32 to vector<16xi32>
        %add3A_300 = arith.addi %add3A_299, %select_n3A : vector<16xi32>
        %lt3A_301 = arith.constant 0 : i32
        %lt3A_302 = vector.broadcast %lt3A_301 : i32 to vector<16xi32>
        %lt3A_303 = arith.cmpi slt, %add3A_300, %lt3A_302 : vector<16xi32>
        %add3A_304 = arith.constant 16 : i32
        %add3A_305 = vector.broadcast %add3A_304 : i32 to vector<16xi32>
        %add3A_306 = arith.addi %add3A_300, %add3A_305 : vector<16xi32>
        %select_n3A_307 = arith.select %lt3A_303, %add3A_306, %add3A_300 : vector<16xi1>, vector<16xi32>
        %reshape3A_308 = vector.shape_cast %select_n3A_307 : vector<16xi32> to vector<16x1xi32>
        %gather3A_309 = vector.shape_cast %reshape3A_308 : vector<16x1xi32> to vector<16xi32>
        %gather3A_310 = tpu.dynamic_gather %exp3A[%gather3A_309] in [0] : vector<16xf32>, vector<16xi32> -> vector<16xf32>
        %mul3A_311 = arith.mulf %unpack3A_296, %gather3A_310 : vector<16xf32>
        %swap3A = arith.index_cast %rem3A_157 : i32 to index
        %swap3A_312 = arith.index_cast %add3A_290 : i32 to index
        %swap3A_313 = arith.constant 0 : index
        %swap3A_314 = tpu.vector_load %arg12[%swap3A, %swap3A_312, %swap3A_313] {strides = array<i32>} : memref<2x128x72xf32, #tpu.memory_space<vmem>>, vector<16xf32>,
        tpu.vector_store %arg12[%swap3A, %swap3A_312, %swap3A_313], %mul3A_311 {strides = array<i32>} : memref<2x128x72xf32, #tpu.memory_space<vmem>>, vector<16xf32>,
        %mul3A_315 = arith.mulf %unpack3A_297, %gather3A_310 : vector<16xf32>
        %swap3A_316 = arith.index_cast %rem3A_157 : i32 to index
        %swap3A_317 = arith.index_cast %add3A_290 : i32 to index
        %swap3A_318 = arith.constant 16 : index
        %swap3A_319 = tpu.vector_load %arg12[%swap3A_316, %swap3A_317, %swap3A_318] {strides = array<i32>} : memref<2x128x72xf32, #tpu.memory_space<vmem>>, vector<16xf32>,
        tpu.vector_store %arg12[%swap3A_316, %swap3A_317, %swap3A_318], %mul3A_315 {strides = array<i32>} : memref<2x128x72xf32, #tpu.memory_space<vmem>>, vector<16xf32>,
        %get3A_320 = arith.index_cast %rem3A_157 : i32 to index
        %get3A_321 = arith.index_cast %add3A_290 : i32 to index
        %get3A_322 = arith.constant 16 : index
        %get3A_323 = tpu.vector_load %arg11[%get3A_320, %get3A_321, %get3A_322] {strides = array<i32>} : memref<2x128x40xf32, #tpu.memory_space<vmem>>, vector<16xf32>,
        %bitcast3A_324 = vector.bitcast %get3A_323 : vector<16xf32> to vector<32xbf16>
        %unpack3A_325 = tpu.unpack_subelements %bitcast3A_324, 0 {pack_format = #tpu.pack_format<interleaved>} : vector<32xbf16> -> vector<16xf32>
        %unpack3A_326 = tpu.unpack_subelements %bitcast3A_324, 1 {pack_format = #tpu.pack_format<interleaved>} : vector<32xbf16> -> vector<16xf32>
        %add3A_327 = arith.constant 0 : i32
        %add3A_328 = vector.broadcast %add3A_327 : i32 to vector<16xi32>
        %add3A_329 = arith.addi %add3A_328, %select_n3A : vector<16xi32>
        %lt3A_330 = arith.constant 0 : i32
        %lt3A_331 = vector.broadcast %lt3A_330 : i32 to vector<16xi32>
        %lt3A_332 = arith.cmpi slt, %add3A_329, %lt3A_331 : vector<16xi32>
        %add3A_333 = arith.constant 16 : i32
        %add3A_334 = vector.broadcast %add3A_333 : i32 to vector<16xi32>
        %add3A_335 = arith.addi %add3A_329, %add3A_334 : vector<16xi32>
        %select_n3A_336 = arith.select %lt3A_332, %add3A_335, %add3A_329 : vector<16xi1>, vector<16xi32>
        %reshape3A_337 = vector.shape_cast %select_n3A_336 : vector<16xi32> to vector<16x1xi32>
        %gather3A_338 = vector.shape_cast %reshape3A_337 : vector<16x1xi32> to vector<16xi32>
        %gather3A_339 = tpu.dynamic_gather %exp3A_278[%gather3A_338] in [0] : vector<16xf32>, vector<16xi32> -> vector<16xf32>
        %mul3A_340 = arith.mulf %unpack3A_325, %gather3A_339 : vector<16xf32>
        %swap3A_341 = arith.index_cast %rem3A_157 : i32 to index
        %swap3A_342 = arith.index_cast %add3A_290 : i32 to index
        %swap3A_343 = arith.constant 32 : index
        %swap3A_344 = tpu.vector_load %arg12[%swap3A_341, %swap3A_342, %swap3A_343] {strides = array<i32>} : memref<2x128x72xf32, #tpu.memory_space<vmem>>, vector<16xf32>,
        tpu.vector_store %arg12[%swap3A_341, %swap3A_342, %swap3A_343], %mul3A_340 {strides = array<i32>} : memref<2x128x72xf32, #tpu.memory_space<vmem>>, vector<16xf32>,
        %mul3A_345 = arith.mulf %unpack3A_326, %gather3A_339 : vector<16xf32>
        %swap3A_346 = arith.index_cast %rem3A_157 : i32 to index
        %swap3A_347 = arith.index_cast %add3A_290 : i32 to index
        %swap3A_348 = arith.constant 48 : index
        %swap3A_349 = tpu.vector_load %arg12[%swap3A_346, %swap3A_347, %swap3A_348] {strides = array<i32>} : memref<2x128x72xf32, #tpu.memory_space<vmem>>, vector<16xf32>,
        tpu.vector_store %arg12[%swap3A_346, %swap3A_347, %swap3A_348], %mul3A_345 {strides = array<i32>} : memref<2x128x72xf32, #tpu.memory_space<vmem>>, vector<16xf32>,
        %mul3A_350 = arith.constant 16 : i32
        %mul3A_351 = arith.muli %mul3A_350, %scan3A_222 : i32
        %add3A_352 = arith.constant 0 : i32
        %add3A_353 = arith.addi %mul3A_351, %add3A_352 : i32
        %add3A_354 = arith.constant 1 : i32
        %add3A_355 = arith.addi %add3A_353, %add3A_354 : i32
        %get3A_356 = arith.index_cast %rem3A_157 : i32 to index
        %get3A_357 = arith.index_cast %add3A_355 : i32 to index
        %get3A_358 = arith.constant 0 : index
        %get3A_359 = tpu.vector_load %arg11[%get3A_356, %get3A_357, %get3A_358] {strides = array<i32>} : memref<2x128x40xf32, #tpu.memory_space<vmem>>, vector<16xf32>,
        %bitcast3A_360 = vector.bitcast %get3A_359 : vector<16xf32> to vector<32xbf16>
        %unpack3A_361 = tpu.unpack_subelements %bitcast3A_360, 0 {pack_format = #tpu.pack_format<interleaved>} : vector<32xbf16> -> vector<16xf32>
        %unpack3A_362 = tpu.unpack_subelements %bitcast3A_360, 1 {pack_format = #tpu.pack_format<interleaved>} : vector<32xbf16> -> vector<16xf32>
        %add3A_363 = arith.constant 4 : i32
        %add3A_364 = vector.broadcast %add3A_363 : i32 to vector<16xi32>
        %add3A_365 = arith.addi %add3A_364, %select_n3A : vector<16xi32>
        %lt3A_366 = arith.constant 0 : i32
        %lt3A_367 = vector.broadcast %lt3A_366 : i32 to vector<16xi32>
        %lt3A_368 = arith.cmpi slt, %add3A_365, %lt3A_367 : vector<16xi32>
        %add3A_369 = arith.constant 16 : i32
        %add3A_370 = vector.broadcast %add3A_369 : i32 to vector<16xi32>
        %add3A_371 = arith.addi %add3A_365, %add3A_370 : vector<16xi32>
        %select_n3A_372 = arith.select %lt3A_368, %add3A_371, %add3A_365 : vector<16xi1>, vector<16xi32>
        %reshape3A_373 = vector.shape_cast %select_n3A_372 : vector<16xi32> to vector<16x1xi32>
        %gather3A_374 = vector.shape_cast %reshape3A_373 : vector<16x1xi32> to vector<16xi32>
        %gather3A_375 = tpu.dynamic_gather %exp3A[%gather3A_374] in [0] : vector<16xf32>, vector<16xi32> -> vector<16xf32>
        %mul3A_376 = arith.mulf %unpack3A_361, %gather3A_375 : vector<16xf32>
        %swap3A_377 = arith.index_cast %rem3A_157 : i32 to index
        %swap3A_378 = arith.index_cast %add3A_355 : i32 to index
        %swap3A_379 = arith.constant 0 : index
        %swap3A_380 = tpu.vector_load %arg12[%swap3A_377, %swap3A_378, %swap3A_379] {strides = array<i32>} : memref<2x128x72xf32, #tpu.memory_space<vmem>>, vector<16xf32>,
        tpu.vector_store %arg12[%swap3A_377, %swap3A_378, %swap3A_379], %mul3A_376 {strides = array<i32>} : memref<2x128x72xf32, #tpu.memory_space<vmem>>, vector<16xf32>,
        %mul3A_381 = arith.mulf %unpack3A_362, %gather3A_375 : vector<16xf32>
        %swap3A_382 = arith.index_cast %rem3A_157 : i32 to index
        %swap3A_383 = arith.index_cast %add3A_355 : i32 to index
        %swap3A_384 = arith.constant 16 : index
        %swap3A_385 = tpu.vector_load %arg12[%swap3A_382, %swap3A_383, %swap3A_384] {strides = array<i32>} : memref<2x128x72xf32, #tpu.memory_space<vmem>>, vector<16xf32>,
        tpu.vector_store %arg12[%swap3A_382, %swap3A_383, %swap3A_384], %mul3A_381 {strides = array<i32>} : memref<2x128x72xf32, #tpu.memory_space<vmem>>, vector<16xf32>,
        %get3A_386 = arith.index_cast %rem3A_157 : i32 to index
        %get3A_387 = arith.index_cast %add3A_355 : i32 to index
        %get3A_388 = arith.constant 16 : index
        %get3A_389 = tpu.vector_load %arg11[%get3A_386, %get3A_387, %get3A_388] {strides = array<i32>} : memref<2x128x40xf32, #tpu.memory_space<vmem>>, vector<16xf32>,
        %bitcast3A_390 = vector.bitcast %get3A_389 : vector<16xf32> to vector<32xbf16>
        %unpack3A_391 = tpu.unpack_subelements %bitcast3A_390, 0 {pack_format = #tpu.pack_format<interleaved>} : vector<32xbf16> -> vector<16xf32>
        %unpack3A_392 = tpu.unpack_subelements %bitcast3A_390, 1 {pack_format = #tpu.pack_format<interleaved>} : vector<32xbf16> -> vector<16xf32>
        %add3A_393 = arith.constant 4 : i32
        %add3A_394 = vector.broadcast %add3A_393 : i32 to vector<16xi32>
        %add3A_395 = arith.addi %add3A_394, %select_n3A : vector<16xi32>
        %lt3A_396 = arith.constant 0 : i32
        %lt3A_397 = vector.broadcast %lt3A_396 : i32 to vector<16xi32>
        %lt3A_398 = arith.cmpi slt, %add3A_395, %lt3A_397 : vector<16xi32>
        %add3A_399 = arith.constant 16 : i32
        %add3A_400 = vector.broadcast %add3A_399 : i32 to vector<16xi32>
        %add3A_401 = arith.addi %add3A_395, %add3A_400 : vector<16xi32>
        %select_n3A_402 = arith.select %lt3A_398, %add3A_401, %add3A_395 : vector<16xi1>, vector<16xi32>
        %reshape3A_403 = vector.shape_cast %select_n3A_402 : vector<16xi32> to vector<16x1xi32>
        %gather3A_404 = vector.shape_cast %reshape3A_403 : vector<16x1xi32> to vector<16xi32>
        %gather3A_405 = tpu.dynamic_gather %exp3A_278[%gather3A_404] in [0] : vector<16xf32>, vector<16xi32> -> vector<16xf32>
        %mul3A_406 = arith.mulf %unpack3A_391, %gather3A_405 : vector<16xf32>
        %swap3A_407 = arith.index_cast %rem3A_157 : i32 to index
        %swap3A_408 = arith.index_cast %add3A_355 : i32 to index
        %swap3A_409 = arith.constant 32 : index
        %swap3A_410 = tpu.vector_load %arg12[%swap3A_407, %swap3A_408, %swap3A_409] {strides = array<i32>} : memref<2x128x72xf32, #tpu.memory_space<vmem>>, vector<16xf32>,
        tpu.vector_store %arg12[%swap3A_407, %swap3A_408, %swap3A_409], %mul3A_406 {strides = array<i32>} : memref<2x128x72xf32, #tpu.memory_space<vmem>>, vector<16xf32>,
        %mul3A_411 = arith.mulf %unpack3A_392, %gather3A_405 : vector<16xf32>
        %swap3A_412 = arith.index_cast %rem3A_157 : i32 to index
        %swap3A_413 = arith.index_cast %add3A_355 : i32 to index
        %swap3A_414 = arith.constant 48 : index
        %swap3A_415 = tpu.vector_load %arg12[%swap3A_412, %swap3A_413, %swap3A_414] {strides = array<i32>} : memref<2x128x72xf32, #tpu.memory_space<vmem>>, vector<16xf32>,
        tpu.vector_store %arg12[%swap3A_412, %swap3A_413, %swap3A_414], %mul3A_411 {strides = array<i32>} : memref<2x128x72xf32, #tpu.memory_space<vmem>>, vector<16xf32>,
        %mul3A_416 = arith.constant 16 : i32
        %mul3A_417 = arith.muli %mul3A_416, %scan3A_222 : i32
        %add3A_418 = arith.constant 0 : i32
        %add3A_419 = arith.addi %mul3A_417, %add3A_418 : i32
        %add3A_420 = arith.constant 2 : i32
        %add3A_421 = arith.addi %add3A_419, %add3A_420 : i32
        %get3A_422 = arith.index_cast %rem3A_157 : i32 to index
        %get3A_423 = arith.index_cast %add3A_421 : i32 to index
        %get3A_424 = arith.constant 0 : index
        %get3A_425 = tpu.vector_load %arg11[%get3A_422, %get3A_423, %get3A_424] {strides = array<i32>} : memref<2x128x40xf32, #tpu.memory_space<vmem>>, vector<16xf32>,
        %bitcast3A_426 = vector.bitcast %get3A_425 : vector<16xf32> to vector<32xbf16>
        %unpack3A_427 = tpu.unpack_subelements %bitcast3A_426, 0 {pack_format = #tpu.pack_format<interleaved>} : vector<32xbf16> -> vector<16xf32>
        %unpack3A_428 = tpu.unpack_subelements %bitcast3A_426, 1 {pack_format = #tpu.pack_format<interleaved>} : vector<32xbf16> -> vector<16xf32>
        %add3A_429 = arith.constant 8 : i32
        %add3A_430 = vector.broadcast %add3A_429 : i32 to vector<16xi32>
        %add3A_431 = arith.addi %add3A_430, %select_n3A : vector<16xi32>
        %lt3A_432 = arith.constant 0 : i32
        %lt3A_433 = vector.broadcast %lt3A_432 : i32 to vector<16xi32>
        %lt3A_434 = arith.cmpi slt, %add3A_431, %lt3A_433 : vector<16xi32>
        %add3A_435 = arith.constant 16 : i32
        %add3A_436 = vector.broadcast %add3A_435 : i32 to vector<16xi32>
        %add3A_437 = arith.addi %add3A_431, %add3A_436 : vector<16xi32>
        %select_n3A_438 = arith.select %lt3A_434, %add3A_437, %add3A_431 : vector<16xi1>, vector<16xi32>
        %reshape3A_439 = vector.shape_cast %select_n3A_438 : vector<16xi32> to vector<16x1xi32>
        %gather3A_440 = vector.shape_cast %reshape3A_439 : vector<16x1xi32> to vector<16xi32>
        %gather3A_441 = tpu.dynamic_gather %exp3A[%gather3A_440] in [0] : vector<16xf32>, vector<16xi32> -> vector<16xf32>
        %mul3A_442 = arith.mulf %unpack3A_427, %gather3A_441 : vector<16xf32>
        %swap3A_443 = arith.index_cast %rem3A_157 : i32 to index
        %swap3A_444 = arith.index_cast %add3A_421 : i32 to index
        %swap3A_445 = arith.constant 0 : index
        %swap3A_446 = tpu.vector_load %arg12[%swap3A_443, %swap3A_444, %swap3A_445] {strides = array<i32>} : memref<2x128x72xf32, #tpu.memory_space<vmem>>, vector<16xf32>,
        tpu.vector_store %arg12[%swap3A_443, %swap3A_444, %swap3A_445], %mul3A_442 {strides = array<i32>} : memref<2x128x72xf32, #tpu.memory_space<vmem>>, vector<16xf32>,
        %mul3A_447 = arith.mulf %unpack3A_428, %gather3A_441 : vector<16xf32>
        %swap3A_448 = arith.index_cast %rem3A_157 : i32 to index
        %swap3A_449 = arith.index_cast %add3A_421 : i32 to index
        %swap3A_450 = arith.constant 16 : index
        %swap3A_451 = tpu.vector_load %arg12[%swap3A_448, %swap3A_449, %swap3A_450] {strides = array<i32>} : memref<2x128x72xf32, #tpu.memory_space<vmem>>, vector<16xf32>,
        tpu.vector_store %arg12[%swap3A_448, %swap3A_449, %swap3A_450], %mul3A_447 {strides = array<i32>} : memref<2x128x72xf32, #tpu.memory_space<vmem>>, vector<16xf32>,
        %get3A_452 = arith.index_cast %rem3A_157 : i32 to index
        %get3A_453 = arith.index_cast %add3A_421 : i32 to index
        %get3A_454 = arith.constant 16 : index
        %get3A_455 = tpu.vector_load %arg11[%get3A_452, %get3A_453, %get3A_454] {strides = array<i32>} : memref<2x128x40xf32, #tpu.memory_space<vmem>>, vector<16xf32>,
        %bitcast3A_456 = vector.bitcast %get3A_455 : vector<16xf32> to vector<32xbf16>
        %unpack3A_457 = tpu.unpack_subelements %bitcast3A_456, 0 {pack_format = #tpu.pack_format<interleaved>} : vector<32xbf16> -> vector<16xf32>
        %unpack3A_458 = tpu.unpack_subelements %bitcast3A_456, 1 {pack_format = #tpu.pack_format<interleaved>} : vector<32xbf16> -> vector<16xf32>
        %add3A_459 = arith.constant 8 : i32
        %add3A_460 = vector.broadcast %add3A_459 : i32 to vector<16xi32>
        %add3A_461 = arith.addi %add3A_460, %select_n3A : vector<16xi32>
        %lt3A_462 = arith.constant 0 : i32
        %lt3A_463 = vector.broadcast %lt3A_462 : i32 to vector<16xi32>
        %lt3A_464 = arith.cmpi slt, %add3A_461, %lt3A_463 : vector<16xi32>
        %add3A_465 = arith.constant 16 : i32
        %add3A_466 = vector.broadcast %add3A_465 : i32 to vector<16xi32>
        %add3A_467 = arith.addi %add3A_461, %add3A_466 : vector<16xi32>
        %select_n3A_468 = arith.select %lt3A_464, %add3A_467, %add3A_461 : vector<16xi1>, vector<16xi32>
        %reshape3A_469 = vector.shape_cast %select_n3A_468 : vector<16xi32> to vector<16x1xi32>
        %gather3A_470 = vector.shape_cast %reshape3A_469 : vector<16x1xi32> to vector<16xi32>
        %gather3A_471 = tpu.dynamic_gather %exp3A_278[%gather3A_470] in [0] : vector<16xf32>, vector<16xi32> -> vector<16xf32>
        %mul3A_472 = arith.mulf %unpack3A_457, %gather3A_471 : vector<16xf32>
        %swap3A_473 = arith.index_cast %rem3A_157 : i32 to index
        %swap3A_474 = arith.index_cast %add3A_421 : i32 to index
        %swap3A_475 = arith.constant 32 : index
        %swap3A_476 = tpu.vector_load %arg12[%swap3A_473, %swap3A_474, %swap3A_475] {strides = array<i32>} : memref<2x128x72xf32, #tpu.memory_space<vmem>>, vector<16xf32>,
        tpu.vector_store %arg12[%swap3A_473, %swap3A_474, %swap3A_475], %mul3A_472 {strides = array<i32>} : memref<2x128x72xf32, #tpu.memory_space<vmem>>, vector<16xf32>,
        %mul3A_477 = arith.mulf %unpack3A_458, %gather3A_471 : vector<16xf32>
        %swap3A_478 = arith.index_cast %rem3A_157 : i32 to index
        %swap3A_479 = arith.index_cast %add3A_421 : i32 to index
        %swap3A_480 = arith.constant 48 : index
        %swap3A_481 = tpu.vector_load %arg12[%swap3A_478, %swap3A_479, %swap3A_480] {strides = array<i32>} : memref<2x128x72xf32, #tpu.memory_space<vmem>>, vector<16xf32>,
        tpu.vector_store %arg12[%swap3A_478, %swap3A_479, %swap3A_480], %mul3A_477 {strides = array<i32>} : memref<2x128x72xf32, #tpu.memory_space<vmem>>, vector<16xf32>,
        %mul3A_482 = arith.constant 16 : i32
        %mul3A_483 = arith.muli %mul3A_482, %scan3A_222 : i32
        %add3A_484 = arith.constant 0 : i32
        %add3A_485 = arith.addi %mul3A_483, %add3A_484 : i32
        %add3A_486 = arith.constant 3 : i32
        %add3A_487 = arith.addi %add3A_485, %add3A_486 : i32
        %get3A_488 = arith.index_cast %rem3A_157 : i32 to index
        %get3A_489 = arith.index_cast %add3A_487 : i32 to index
        %get3A_490 = arith.constant 0 : index
        %get3A_491 = tpu.vector_load %arg11[%get3A_488, %get3A_489, %get3A_490] {strides = array<i32>} : memref<2x128x40xf32, #tpu.memory_space<vmem>>, vector<16xf32>,
        %bitcast3A_492 = vector.bitcast %get3A_491 : vector<16xf32> to vector<32xbf16>
        %unpack3A_493 = tpu.unpack_subelements %bitcast3A_492, 0 {pack_format = #tpu.pack_format<interleaved>} : vector<32xbf16> -> vector<16xf32>
        %unpack3A_494 = tpu.unpack_subelements %bitcast3A_492, 1 {pack_format = #tpu.pack_format<interleaved>} : vector<32xbf16> -> vector<16xf32>
        %add3A_495 = arith.constant 12 : i32
        %add3A_496 = vector.broadcast %add3A_495 : i32 to vector<16xi32>
        %add3A_497 = arith.addi %add3A_496, %select_n3A : vector<16xi32>
        %lt3A_498 = arith.constant 0 : i32
        %lt3A_499 = vector.broadcast %lt3A_498 : i32 to vector<16xi32>
        %lt3A_500 = arith.cmpi slt, %add3A_497, %lt3A_499 : vector<16xi32>
        %add3A_501 = arith.constant 16 : i32
        %add3A_502 = vector.broadcast %add3A_501 : i32 to vector<16xi32>
        %add3A_503 = arith.addi %add3A_497, %add3A_502 : vector<16xi32>
        %select_n3A_504 = arith.select %lt3A_500, %add3A_503, %add3A_497 : vector<16xi1>, vector<16xi32>
        %reshape3A_505 = vector.shape_cast %select_n3A_504 : vector<16xi32> to vector<16x1xi32>
        %gather3A_506 = vector.shape_cast %reshape3A_505 : vector<16x1xi32> to vector<16xi32>
        %gather3A_507 = tpu.dynamic_gather %exp3A[%gather3A_506] in [0] : vector<16xf32>, vector<16xi32> -> vector<16xf32>
        %mul3A_508 = arith.mulf %unpack3A_493, %gather3A_507 : vector<16xf32>
        %swap3A_509 = arith.index_cast %rem3A_157 : i32 to index
        %swap3A_510 = arith.index_cast %add3A_487 : i32 to index
        %swap3A_511 = arith.constant 0 : index
        %swap3A_512 = tpu.vector_load %arg12[%swap3A_509, %swap3A_510, %swap3A_511] {strides = array<i32>} : memref<2x128x72xf32, #tpu.memory_space<vmem>>, vector<16xf32>,
        tpu.vector_store %arg12[%swap3A_509, %swap3A_510, %swap3A_511], %mul3A_508 {strides = array<i32>} : memref<2x128x72xf32, #tpu.memory_space<vmem>>, vector<16xf32>,
        %mul3A_513 = arith.mulf %unpack3A_494, %gather3A_507 : vector<16xf32>
        %swap3A_514 = arith.index_cast %rem3A_157 : i32 to index
        %swap3A_515 = arith.index_cast %add3A_487 : i32 to index
        %swap3A_516 = arith.constant 16 : index
        %swap3A_517 = tpu.vector_load %arg12[%swap3A_514, %swap3A_515, %swap3A_516] {strides = array<i32>} : memref<2x128x72xf32, #tpu.memory_space<vmem>>, vector<16xf32>,
        tpu.vector_store %arg12[%swap3A_514, %swap3A_515, %swap3A_516], %mul3A_513 {strides = array<i32>} : memref<2x128x72xf32, #tpu.memory_space<vmem>>, vector<16xf32>,
        %get3A_518 = arith.index_cast %rem3A_157 : i32 to index
        %get3A_519 = arith.index_cast %add3A_487 : i32 to index
        %get3A_520 = arith.constant 16 : index
        %get3A_521 = tpu.vector_load %arg11[%get3A_518, %get3A_519, %get3A_520] {strides = array<i32>} : memref<2x128x40xf32, #tpu.memory_space<vmem>>, vector<16xf32>,
        %bitcast3A_522 = vector.bitcast %get3A_521 : vector<16xf32> to vector<32xbf16>
        %unpack3A_523 = tpu.unpack_subelements %bitcast3A_522, 0 {pack_format = #tpu.pack_format<interleaved>} : vector<32xbf16> -> vector<16xf32>
        %unpack3A_524 = tpu.unpack_subelements %bitcast3A_522, 1 {pack_format = #tpu.pack_format<interleaved>} : vector<32xbf16> -> vector<16xf32>
        %add3A_525 = arith.constant 12 : i32
        %add3A_526 = vector.broadcast %add3A_525 : i32 to vector<16xi32>
        %add3A_527 = arith.addi %add3A_526, %select_n3A : vector<16xi32>
        %lt3A_528 = arith.constant 0 : i32
        %lt3A_529 = vector.broadcast %lt3A_528 : i32 to vector<16xi32>
        %lt3A_530 = arith.cmpi slt, %add3A_527, %lt3A_529 : vector<16xi32>
        %add3A_531 = arith.constant 16 : i32
        %add3A_532 = vector.broadcast %add3A_531 : i32 to vector<16xi32>
        %add3A_533 = arith.addi %add3A_527, %add3A_532 : vector<16xi32>
        %select_n3A_534 = arith.select %lt3A_530, %add3A_533, %add3A_527 : vector<16xi1>, vector<16xi32>
        %reshape3A_535 = vector.shape_cast %select_n3A_534 : vector<16xi32> to vector<16x1xi32>
        %gather3A_536 = vector.shape_cast %reshape3A_535 : vector<16x1xi32> to vector<16xi32>
        %gather3A_537 = tpu.dynamic_gather %exp3A_278[%gather3A_536] in [0] : vector<16xf32>, vector<16xi32> -> vector<16xf32>
        %mul3A_538 = arith.mulf %unpack3A_523, %gather3A_537 : vector<16xf32>
        %swap3A_539 = arith.index_cast %rem3A_157 : i32 to index
        %swap3A_540 = arith.index_cast %add3A_487 : i32 to index
        %swap3A_541 = arith.constant 32 : index
        %swap3A_542 = tpu.vector_load %arg12[%swap3A_539, %swap3A_540, %swap3A_541] {strides = array<i32>} : memref<2x128x72xf32, #tpu.memory_space<vmem>>, vector<16xf32>,
        tpu.vector_store %arg12[%swap3A_539, %swap3A_540, %swap3A_541], %mul3A_538 {strides = array<i32>} : memref<2x128x72xf32, #tpu.memory_space<vmem>>, vector<16xf32>,
        %mul3A_543 = arith.mulf %unpack3A_524, %gather3A_537 : vector<16xf32>
        %swap3A_544 = arith.index_cast %rem3A_157 : i32 to index
        %swap3A_545 = arith.index_cast %add3A_487 : i32 to index
        %swap3A_546 = arith.constant 48 : index
        %swap3A_547 = tpu.vector_load %arg12[%swap3A_544, %swap3A_545, %swap3A_546] {strides = array<i32>} : memref<2x128x72xf32, #tpu.memory_space<vmem>>, vector<16xf32>,
        tpu.vector_store %arg12[%swap3A_544, %swap3A_545, %swap3A_546], %mul3A_543 {strides = array<i32>} : memref<2x128x72xf32, #tpu.memory_space<vmem>>, vector<16xf32>,
        %mul3A_548 = arith.constant 16 : i32
        %mul3A_549 = arith.muli %mul3A_548, %scan3A_222 : i32
        %add3A_550 = arith.constant 4 : i32
        %add3A_551 = arith.addi %mul3A_549, %add3A_550 : i32
        %add3A_552 = vector.broadcast %add3A_551 : i32 to vector<16xi32>
        %add3A_553 = arith.addi %add3A_552, %select_n3A : vector<16xi32>
        %add3A_554 = arith.constant 32 : i32
        %add3A_555 = vector.broadcast %add3A_554 : i32 to vector<16xi32>
        %add3A_556 = arith.addi %add3A_555, %and3A_60 : vector<16xi32>
        %gather3A_557 = tpu.vector_load_idx %arg11[%add3A_203, %add3A_553, %add3A_556] : memref<2x128x40xf32, #tpu.memory_space<vmem>>[vector<16xi32>, vector<16xi32>, vector<16xi32>], vector<16xf32>,
        %add3A_558 = arith.constant 36 : i32
        %add3A_559 = vector.broadcast %add3A_558 : i32 to vector<16xi32>
        %add3A_560 = arith.addi %add3A_559, %and3A_60 : vector<16xi32>
        %gather3A_561 = tpu.vector_load_idx %arg11[%add3A_203, %add3A_553, %add3A_560] : memref<2x128x40xf32, #tpu.memory_space<vmem>>[vector<16xi32>, vector<16xi32>, vector<16xi32>], vector<16xf32>,
        %add3A_562 = arith.constant 4 : i32
        %add3A_563 = vector.broadcast %add3A_562 : i32 to vector<16xi32>
        %add3A_564 = arith.addi %add3A_563, %select_n3A : vector<16xi32>
        %lt3A_565 = arith.constant 0 : i32
        %lt3A_566 = vector.broadcast %lt3A_565 : i32 to vector<16xi32>
        %lt3A_567 = arith.cmpi slt, %add3A_564, %lt3A_566 : vector<16xi32>
        %add3A_568 = arith.constant 16 : i32
        %add3A_569 = vector.broadcast %add3A_568 : i32 to vector<16xi32>
        %add3A_570 = arith.addi %add3A_564, %add3A_569 : vector<16xi32>
        %select_n3A_571 = arith.select %lt3A_567, %add3A_570, %add3A_564 : vector<16xi1>, vector<16xi32>
        %reshape3A_572 = vector.shape_cast %select_n3A_571 : vector<16xi32> to vector<16x1xi32>
        %gather3A_573 = vector.shape_cast %reshape3A_572 : vector<16x1xi32> to vector<16xi32>
        %gather3A_574 = tpu.dynamic_gather %get3A_228[%gather3A_573] in [0] : vector<16xi32>, vector<16xi32> -> vector<16xi32>
        %shift_right_arithmetic3A_575 = arith.constant 1 : i32
        %shift_right_arithmetic3A_576 = vector.broadcast %shift_right_arithmetic3A_575 : i32 to vector<16xi32>
        %shift_right_arithmetic3A_577 = arith.shrsi %gather3A_574, %shift_right_arithmetic3A_576 : vector<16xi32>
        %and3A_578 = arith.constant 1 : i32
        %and3A_579 = vector.broadcast %and3A_578 : i32 to vector<16xi32>
        %and3A_580 = arith.andi %gather3A_574, %and3A_579 : vector<16xi32>
        %mul3A_581 = arith.constant 4 : i32
        %mul3A_582 = vector.broadcast %mul3A_581 : i32 to vector<16xi32>
        %mul3A_583 = arith.muli %and3A_580, %mul3A_582 : vector<16xi32>
        %add3A_584 = arith.addi %mul3A_583, %and3A_60 : vector<16xi32>
        %gather3A_585 = tpu.vector_load_idx %arg10[%shift_right_arithmetic3A_577, %add3A_584] : memref<5120x8xf32, #tpu.memory_space<vmem>>[vector<16xi32>, vector<16xi32>], vector<16xf32>,
        %bitcast3A_586 = vector.bitcast %gather3A_585 : vector<16xf32> to vector<32xbf16>
        %unpack3A_587 = tpu.unpack_subelements %bitcast3A_586, 0 {pack_format = #tpu.pack_format<interleaved>} : vector<32xbf16> -> vector<16xf32>
        %unpack3A_588 = tpu.unpack_subelements %bitcast3A_586, 1 {pack_format = #tpu.pack_format<interleaved>} : vector<32xbf16> -> vector<16xf32>
        %add3A_589 = arith.addf %gather3A_557, %unpack3A_587 : vector<16xf32>
        %add3A_590 = arith.addf %gather3A_561, %unpack3A_588 : vector<16xf32>
        %mul3A_591 = arith.constant 2.000000e-01 : f32
        %mul3A_592 = vector.broadcast %mul3A_591 : f32 to vector<16xf32>
        %mul3A_593 = arith.mulf %mul3A_592, %add3A_589 : vector<16xf32>
        %max3A_594 = arith.maximumf %add3A_589, %mul3A_593 : vector<16xf32>
        %sub3A_595 = arith.subf %max3A_594, %gather3A_67 : vector<16xf32>
        %exp3A_596 = math.exp %sub3A_595 : vector<16xf32>
        %mul3A_597 = arith.constant 2.000000e-01 : f32
        %mul3A_598 = vector.broadcast %mul3A_597 : f32 to vector<16xf32>
        %mul3A_599 = arith.mulf %mul3A_598, %add3A_590 : vector<16xf32>
        %max3A_600 = arith.maximumf %add3A_590, %mul3A_599 : vector<16xf32>
        %sub3A_601 = arith.subf %max3A_600, %gather3A_80 : vector<16xf32>
        %exp3A_602 = math.exp %sub3A_601 : vector<16xf32>
        %add3A_603 = arith.constant 64 : i32
        %add3A_604 = vector.broadcast %add3A_603 : i32 to vector<16xi32>
        %add3A_605 = arith.addi %add3A_604, %and3A_60 : vector<16xi32>
        tpu.vector_store_idx %arg12[%add3A_203, %add3A_553, %add3A_605], %exp3A_596 : memref<2x128x72xf32, #tpu.memory_space<vmem>>[vector<16xi32>, vector<16xi32>, vector<16xi32>], vector<16xf32>,
        %add3A_606 = arith.constant 68 : i32
        %add3A_607 = vector.broadcast %add3A_606 : i32 to vector<16xi32>
        %add3A_608 = arith.addi %add3A_607, %and3A_60 : vector<16xi32>
        tpu.vector_store_idx %arg12[%add3A_203, %add3A_553, %add3A_608], %exp3A_602 : memref<2x128x72xf32, #tpu.memory_space<vmem>>[vector<16xi32>, vector<16xi32>, vector<16xi32>], vector<16xf32>,
        %mul3A_609 = arith.constant 16 : i32
        %mul3A_610 = arith.muli %mul3A_609, %scan3A_222 : i32
        %add3A_611 = arith.constant 4 : i32
        %add3A_612 = arith.addi %mul3A_610, %add3A_611 : i32
        %add3A_613 = arith.constant 0 : i32
        %add3A_614 = arith.addi %add3A_612, %add3A_613 : i32
        %get3A_615 = arith.index_cast %rem3A_157 : i32 to index
        %get3A_616 = arith.index_cast %add3A_614 : i32 to index
        %get3A_617 = arith.constant 0 : index
        %get3A_618 = tpu.vector_load %arg11[%get3A_615, %get3A_616, %get3A_617] {strides = array<i32>} : memref<2x128x40xf32, #tpu.memory_space<vmem>>, vector<16xf32>,
        %bitcast3A_619 = vector.bitcast %get3A_618 : vector<16xf32> to vector<32xbf16>
        %unpack3A_620 = tpu.unpack_subelements %bitcast3A_619, 0 {pack_format = #tpu.pack_format<interleaved>} : vector<32xbf16> -> vector<16xf32>
        %unpack3A_621 = tpu.unpack_subelements %bitcast3A_619, 1 {pack_format = #tpu.pack_format<interleaved>} : vector<32xbf16> -> vector<16xf32>
        %add3A_622 = arith.constant 0 : i32
        %add3A_623 = vector.broadcast %add3A_622 : i32 to vector<16xi32>
        %add3A_624 = arith.addi %add3A_623, %select_n3A : vector<16xi32>
        %lt3A_625 = arith.constant 0 : i32
        %lt3A_626 = vector.broadcast %lt3A_625 : i32 to vector<16xi32>
        %lt3A_627 = arith.cmpi slt, %add3A_624, %lt3A_626 : vector<16xi32>
        %add3A_628 = arith.constant 16 : i32
        %add3A_629 = vector.broadcast %add3A_628 : i32 to vector<16xi32>
        %add3A_630 = arith.addi %add3A_624, %add3A_629 : vector<16xi32>
        %select_n3A_631 = arith.select %lt3A_627, %add3A_630, %add3A_624 : vector<16xi1>, vector<16xi32>
        %reshape3A_632 = vector.shape_cast %select_n3A_631 : vector<16xi32> to vector<16x1xi32>
        %gather3A_633 = vector.shape_cast %reshape3A_632 : vector<16x1xi32> to vector<16xi32>
        %gather3A_634 = tpu.dynamic_gather %exp3A_596[%gather3A_633] in [0] : vector<16xf32>, vector<16xi32> -> vector<16xf32>
        %mul3A_635 = arith.mulf %unpack3A_620, %gather3A_634 : vector<16xf32>
        %swap3A_636 = arith.index_cast %rem3A_157 : i32 to index
        %swap3A_637 = arith.index_cast %add3A_614 : i32 to index
        %swap3A_638 = arith.constant 0 : index
        %swap3A_639 = tpu.vector_load %arg12[%swap3A_636, %swap3A_637, %swap3A_638] {strides = array<i32>} : memref<2x128x72xf32, #tpu.memory_space<vmem>>, vector<16xf32>,
        tpu.vector_store %arg12[%swap3A_636, %swap3A_637, %swap3A_638], %mul3A_635 {strides = array<i32>} : memref<2x128x72xf32, #tpu.memory_space<vmem>>, vector<16xf32>,
        %mul3A_640 = arith.mulf %unpack3A_621, %gather3A_634 : vector<16xf32>
        %swap3A_641 = arith.index_cast %rem3A_157 : i32 to index
        %swap3A_642 = arith.index_cast %add3A_614 : i32 to index
        %swap3A_643 = arith.constant 16 : index
        %swap3A_644 = tpu.vector_load %arg12[%swap3A_641, %swap3A_642, %swap3A_643] {strides = array<i32>} : memref<2x128x72xf32, #tpu.memory_space<vmem>>, vector<16xf32>,
        tpu.vector_store %arg12[%swap3A_641, %swap3A_642, %swap3A_643], %mul3A_640 {strides = array<i32>} : memref<2x128x72xf32, #tpu.memory_space<vmem>>, vector<16xf32>,
        %get3A_645 = arith.index_cast %rem3A_157 : i32 to index
        %get3A_646 = arith.index_cast %add3A_614 : i32 to index
        %get3A_647 = arith.constant 16 : index
        %get3A_648 = tpu.vector_load %arg11[%get3A_645, %get3A_646, %get3A_647] {strides = array<i32>} : memref<2x128x40xf32, #tpu.memory_space<vmem>>, vector<16xf32>,
        %bitcast3A_649 = vector.bitcast %get3A_648 : vector<16xf32> to vector<32xbf16>
        %unpack3A_650 = tpu.unpack_subelements %bitcast3A_649, 0 {pack_format = #tpu.pack_format<interleaved>} : vector<32xbf16> -> vector<16xf32>
        %unpack3A_651 = tpu.unpack_subelements %bitcast3A_649, 1 {pack_format = #tpu.pack_format<interleaved>} : vector<32xbf16> -> vector<16xf32>
        %add3A_652 = arith.constant 0 : i32
        %add3A_653 = vector.broadcast %add3A_652 : i32 to vector<16xi32>
        %add3A_654 = arith.addi %add3A_653, %select_n3A : vector<16xi32>
        %lt3A_655 = arith.constant 0 : i32
        %lt3A_656 = vector.broadcast %lt3A_655 : i32 to vector<16xi32>
        %lt3A_657 = arith.cmpi slt, %add3A_654, %lt3A_656 : vector<16xi32>
        %add3A_658 = arith.constant 16 : i32
        %add3A_659 = vector.broadcast %add3A_658 : i32 to vector<16xi32>
        %add3A_660 = arith.addi %add3A_654, %add3A_659 : vector<16xi32>
        %select_n3A_661 = arith.select %lt3A_657, %add3A_660, %add3A_654 : vector<16xi1>, vector<16xi32>
        %reshape3A_662 = vector.shape_cast %select_n3A_661 : vector<16xi32> to vector<16x1xi32>
        %gather3A_663 = vector.shape_cast %reshape3A_662 : vector<16x1xi32> to vector<16xi32>
        %gather3A_664 = tpu.dynamic_gather %exp3A_602[%gather3A_663] in [0] : vector<16xf32>, vector<16xi32> -> vector<16xf32>
        %mul3A_665 = arith.mulf %unpack3A_650, %gather3A_664 : vector<16xf32>
        %swap3A_666 = arith.index_cast %rem3A_157 : i32 to index
        %swap3A_667 = arith.index_cast %add3A_614 : i32 to index
        %swap3A_668 = arith.constant 32 : index
        %swap3A_669 = tpu.vector_load %arg12[%swap3A_666, %swap3A_667, %swap3A_668] {strides = array<i32>} : memref<2x128x72xf32, #tpu.memory_space<vmem>>, vector<16xf32>,
        tpu.vector_store %arg12[%swap3A_666, %swap3A_667, %swap3A_668], %mul3A_665 {strides = array<i32>} : memref<2x128x72xf32, #tpu.memory_space<vmem>>, vector<16xf32>,
        %mul3A_670 = arith.mulf %unpack3A_651, %gather3A_664 : vector<16xf32>
        %swap3A_671 = arith.index_cast %rem3A_157 : i32 to index
        %swap3A_672 = arith.index_cast %add3A_614 : i32 to index
        %swap3A_673 = arith.constant 48 : index
        %swap3A_674 = tpu.vector_load %arg12[%swap3A_671, %swap3A_672, %swap3A_673] {strides = array<i32>} : memref<2x128x72xf32, #tpu.memory_space<vmem>>, vector<16xf32>,
        tpu.vector_store %arg12[%swap3A_671, %swap3A_672, %swap3A_673], %mul3A_670 {strides = array<i32>} : memref<2x128x72xf32, #tpu.memory_space<vmem>>, vector<16xf32>,
        %mul3A_675 = arith.constant 16 : i32
        %mul3A_676 = arith.muli %mul3A_675, %scan3A_222 : i32
        %add3A_677 = arith.constant 4 : i32
        %add3A_678 = arith.addi %mul3A_676, %add3A_677 : i32
        %add3A_679 = arith.constant 1 : i32
        %add3A_680 = arith.addi %add3A_678, %add3A_679 : i32
        %get3A_681 = arith.index_cast %rem3A_157 : i32 to index
        %get3A_682 = arith.index_cast %add3A_680 : i32 to index
        %get3A_683 = arith.constant 0 : index
        %get3A_684 = tpu.vector_load %arg11[%get3A_681, %get3A_682, %get3A_683] {strides = array<i32>} : memref<2x128x40xf32, #tpu.memory_space<vmem>>, vector<16xf32>,
        %bitcast3A_685 = vector.bitcast %get3A_684 : vector<16xf32> to vector<32xbf16>
        %unpack3A_686 = tpu.unpack_subelements %bitcast3A_685, 0 {pack_format = #tpu.pack_format<interleaved>} : vector<32xbf16> -> vector<16xf32>
        %unpack3A_687 = tpu.unpack_subelements %bitcast3A_685, 1 {pack_format = #tpu.pack_format<interleaved>} : vector<32xbf16> -> vector<16xf32>
        %add3A_688 = arith.constant 4 : i32
        %add3A_689 = vector.broadcast %add3A_688 : i32 to vector<16xi32>
        %add3A_690 = arith.addi %add3A_689, %select_n3A : vector<16xi32>
        %lt3A_691 = arith.constant 0 : i32
        %lt3A_692 = vector.broadcast %lt3A_691 : i32 to vector<16xi32>
        %lt3A_693 = arith.cmpi slt, %add3A_690, %lt3A_692 : vector<16xi32>
        %add3A_694 = arith.constant 16 : i32
        %add3A_695 = vector.broadcast %add3A_694 : i32 to vector<16xi32>
        %add3A_696 = arith.addi %add3A_690, %add3A_695 : vector<16xi32>
        %select_n3A_697 = arith.select %lt3A_693, %add3A_696, %add3A_690 : vector<16xi1>, vector<16xi32>
        %reshape3A_698 = vector.shape_cast %select_n3A_697 : vector<16xi32> to vector<16x1xi32>
        %gather3A_699 = vector.shape_cast %reshape3A_698 : vector<16x1xi32> to vector<16xi32>
        %gather3A_700 = tpu.dynamic_gather %exp3A_596[%gather3A_699] in [0] : vector<16xf32>, vector<16xi32> -> vector<16xf32>
        %mul3A_701 = arith.mulf %unpack3A_686, %gather3A_700 : vector<16xf32>
        %swap3A_702 = arith.index_cast %rem3A_157 : i32 to index
        %swap3A_703 = arith.index_cast %add3A_680 : i32 to index
        %swap3A_704 = arith.constant 0 : index
        %swap3A_705 = tpu.vector_load %arg12[%swap3A_702, %swap3A_703, %swap3A_704] {strides = array<i32>} : memref<2x128x72xf32, #tpu.memory_space<vmem>>, vector<16xf32>,
        tpu.vector_store %arg12[%swap3A_702, %swap3A_703, %swap3A_704], %mul3A_701 {strides = array<i32>} : memref<2x128x72xf32, #tpu.memory_space<vmem>>, vector<16xf32>,
        %mul3A_706 = arith.mulf %unpack3A_687, %gather3A_700 : vector<16xf32>
        %swap3A_707 = arith.index_cast %rem3A_157 : i32 to index
        %swap3A_708 = arith.index_cast %add3A_680 : i32 to index
        %swap3A_709 = arith.constant 16 : index
        %swap3A_710 = tpu.vector_load %arg12[%swap3A_707, %swap3A_708, %swap3A_709] {strides = array<i32>} : memref<2x128x72xf32, #tpu.memory_space<vmem>>, vector<16xf32>,
        tpu.vector_store %arg12[%swap3A_707, %swap3A_708, %swap3A_709], %mul3A_706 {strides = array<i32>} : memref<2x128x72xf32, #tpu.memory_space<vmem>>, vector<16xf32>,
        %get3A_711 = arith.index_cast %rem3A_157 : i32 to index
        %get3A_712 = arith.index_cast %add3A_680 : i32 to index
        %get3A_713 = arith.constant 16 : index
        %get3A_714 = tpu.vector_load %arg11[%get3A_711, %get3A_712, %get3A_713] {strides = array<i32>} : memref<2x128x40xf32, #tpu.memory_space<vmem>>, vector<16xf32>,
        %bitcast3A_715 = vector.bitcast %get3A_714 : vector<16xf32> to vector<32xbf16>
        %unpack3A_716 = tpu.unpack_subelements %bitcast3A_715, 0 {pack_format = #tpu.pack_format<interleaved>} : vector<32xbf16> -> vector<16xf32>
        %unpack3A_717 = tpu.unpack_subelements %bitcast3A_715, 1 {pack_format = #tpu.pack_format<interleaved>} : vector<32xbf16> -> vector<16xf32>
        %add3A_718 = arith.constant 4 : i32
        %add3A_719 = vector.broadcast %add3A_718 : i32 to vector<16xi32>
        %add3A_720 = arith.addi %add3A_719, %select_n3A : vector<16xi32>
        %lt3A_721 = arith.constant 0 : i32
        %lt3A_722 = vector.broadcast %lt3A_721 : i32 to vector<16xi32>
        %lt3A_723 = arith.cmpi slt, %add3A_720, %lt3A_722 : vector<16xi32>
        %add3A_724 = arith.constant 16 : i32
        %add3A_725 = vector.broadcast %add3A_724 : i32 to vector<16xi32>
        %add3A_726 = arith.addi %add3A_720, %add3A_725 : vector<16xi32>
        %select_n3A_727 = arith.select %lt3A_723, %add3A_726, %add3A_720 : vector<16xi1>, vector<16xi32>
        %reshape3A_728 = vector.shape_cast %select_n3A_727 : vector<16xi32> to vector<16x1xi32>
        %gather3A_729 = vector.shape_cast %reshape3A_728 : vector<16x1xi32> to vector<16xi32>
        %gather3A_730 = tpu.dynamic_gather %exp3A_602[%gather3A_729] in [0] : vector<16xf32>, vector<16xi32> -> vector<16xf32>
        %mul3A_731 = arith.mulf %unpack3A_716, %gather3A_730 : vector<16xf32>
        %swap3A_732 = arith.index_cast %rem3A_157 : i32 to index
        %swap3A_733 = arith.index_cast %add3A_680 : i32 to index
        %swap3A_734 = arith.constant 32 : index
        %swap3A_735 = tpu.vector_load %arg12[%swap3A_732, %swap3A_733, %swap3A_734] {strides = array<i32>} : memref<2x128x72xf32, #tpu.memory_space<vmem>>, vector<16xf32>,
        tpu.vector_store %arg12[%swap3A_732, %swap3A_733, %swap3A_734], %mul3A_731 {strides = array<i32>} : memref<2x128x72xf32, #tpu.memory_space<vmem>>, vector<16xf32>,
        %mul3A_736 = arith.mulf %unpack3A_717, %gather3A_730 : vector<16xf32>
        %swap3A_737 = arith.index_cast %rem3A_157 : i32 to index
        %swap3A_738 = arith.index_cast %add3A_680 : i32 to index
        %swap3A_739 = arith.constant 48 : index
        %swap3A_740 = tpu.vector_load %arg12[%swap3A_737, %swap3A_738, %swap3A_739] {strides = array<i32>} : memref<2x128x72xf32, #tpu.memory_space<vmem>>, vector<16xf32>,
        tpu.vector_store %arg12[%swap3A_737, %swap3A_738, %swap3A_739], %mul3A_736 {strides = array<i32>} : memref<2x128x72xf32, #tpu.memory_space<vmem>>, vector<16xf32>,
        %mul3A_741 = arith.constant 16 : i32
        %mul3A_742 = arith.muli %mul3A_741, %scan3A_222 : i32
        %add3A_743 = arith.constant 4 : i32
        %add3A_744 = arith.addi %mul3A_742, %add3A_743 : i32
        %add3A_745 = arith.constant 2 : i32
        %add3A_746 = arith.addi %add3A_744, %add3A_745 : i32
        %get3A_747 = arith.index_cast %rem3A_157 : i32 to index
        %get3A_748 = arith.index_cast %add3A_746 : i32 to index
        %get3A_749 = arith.constant 0 : index
        %get3A_750 = tpu.vector_load %arg11[%get3A_747, %get3A_748, %get3A_749] {strides = array<i32>} : memref<2x128x40xf32, #tpu.memory_space<vmem>>, vector<16xf32>,
        %bitcast3A_751 = vector.bitcast %get3A_750 : vector<16xf32> to vector<32xbf16>
        %unpack3A_752 = tpu.unpack_subelements %bitcast3A_751, 0 {pack_format = #tpu.pack_format<interleaved>} : vector<32xbf16> -> vector<16xf32>
        %unpack3A_753 = tpu.unpack_subelements %bitcast3A_751, 1 {pack_format = #tpu.pack_format<interleaved>} : vector<32xbf16> -> vector<16xf32>
        %add3A_754 = arith.constant 8 : i32
        %add3A_755 = vector.broadcast %add3A_754 : i32 to vector<16xi32>
        %add3A_756 = arith.addi %add3A_755, %select_n3A : vector<16xi32>
        %lt3A_757 = arith.constant 0 : i32
        %lt3A_758 = vector.broadcast %lt3A_757 : i32 to vector<16xi32>
        %lt3A_759 = arith.cmpi slt, %add3A_756, %lt3A_758 : vector<16xi32>
        %add3A_760 = arith.constant 16 : i32
        %add3A_761 = vector.broadcast %add3A_760 : i32 to vector<16xi32>
        %add3A_762 = arith.addi %add3A_756, %add3A_761 : vector<16xi32>
        %select_n3A_763 = arith.select %lt3A_759, %add3A_762, %add3A_756 : vector<16xi1>, vector<16xi32>
        %reshape3A_764 = vector.shape_cast %select_n3A_763 : vector<16xi32> to vector<16x1xi32>
        %gather3A_765 = vector.shape_cast %reshape3A_764 : vector<16x1xi32> to vector<16xi32>
        %gather3A_766 = tpu.dynamic_gather %exp3A_596[%gather3A_765] in [0] : vector<16xf32>, vector<16xi32> -> vector<16xf32>
        %mul3A_767 = arith.mulf %unpack3A_752, %gather3A_766 : vector<16xf32>
        %swap3A_768 = arith.index_cast %rem3A_157 : i32 to index
        %swap3A_769 = arith.index_cast %add3A_746 : i32 to index
        %swap3A_770 = arith.constant 0 : index
        %swap3A_771 = tpu.vector_load %arg12[%swap3A_768, %swap3A_769, %swap3A_770] {strides = array<i32>} : memref<2x128x72xf32, #tpu.memory_space<vmem>>, vector<16xf32>,
        tpu.vector_store %arg12[%swap3A_768, %swap3A_769, %swap3A_770], %mul3A_767 {strides = array<i32>} : memref<2x128x72xf32, #tpu.memory_space<vmem>>, vector<16xf32>,
        %mul3A_772 = arith.mulf %unpack3A_753, %gather3A_766 : vector<16xf32>
        %swap3A_773 = arith.index_cast %rem3A_157 : i32 to index
        %swap3A_774 = arith.index_cast %add3A_746 : i32 to index
        %swap3A_775 = arith.constant 16 : index
        %swap3A_776 = tpu.vector_load %arg12[%swap3A_773, %swap3A_774, %swap3A_775] {strides = array<i32>} : memref<2x128x72xf32, #tpu.memory_space<vmem>>, vector<16xf32>,
        tpu.vector_store %arg12[%swap3A_773, %swap3A_774, %swap3A_775], %mul3A_772 {strides = array<i32>} : memref<2x128x72xf32, #tpu.memory_space<vmem>>, vector<16xf32>,
        %get3A_777 = arith.index_cast %rem3A_157 : i32 to index
        %get3A_778 = arith.index_cast %add3A_746 : i32 to index
        %get3A_779 = arith.constant 16 : index
        %get3A_780 = tpu.vector_load %arg11[%get3A_777, %get3A_778, %get3A_779] {strides = array<i32>} : memref<2x128x40xf32, #tpu.memory_space<vmem>>, vector<16xf32>,
        %bitcast3A_781 = vector.bitcast %get3A_780 : vector<16xf32> to vector<32xbf16>
        %unpack3A_782 = tpu.unpack_subelements %bitcast3A_781, 0 {pack_format = #tpu.pack_format<interleaved>} : vector<32xbf16> -> vector<16xf32>
        %unpack3A_783 = tpu.unpack_subelements %bitcast3A_781, 1 {pack_format = #tpu.pack_format<interleaved>} : vector<32xbf16> -> vector<16xf32>
        %add3A_784 = arith.constant 8 : i32
        %add3A_785 = vector.broadcast %add3A_784 : i32 to vector<16xi32>
        %add3A_786 = arith.addi %add3A_785, %select_n3A : vector<16xi32>
        %lt3A_787 = arith.constant 0 : i32
        %lt3A_788 = vector.broadcast %lt3A_787 : i32 to vector<16xi32>
        %lt3A_789 = arith.cmpi slt, %add3A_786, %lt3A_788 : vector<16xi32>
        %add3A_790 = arith.constant 16 : i32
        %add3A_791 = vector.broadcast %add3A_790 : i32 to vector<16xi32>
        %add3A_792 = arith.addi %add3A_786, %add3A_791 : vector<16xi32>
        %select_n3A_793 = arith.select %lt3A_789, %add3A_792, %add3A_786 : vector<16xi1>, vector<16xi32>
        %reshape3A_794 = vector.shape_cast %select_n3A_793 : vector<16xi32> to vector<16x1xi32>
        %gather3A_795 = vector.shape_cast %reshape3A_794 : vector<16x1xi32> to vector<16xi32>
        %gather3A_796 = tpu.dynamic_gather %exp3A_602[%gather3A_795] in [0] : vector<16xf32>, vector<16xi32> -> vector<16xf32>
        %mul3A_797 = arith.mulf %unpack3A_782, %gather3A_796 : vector<16xf32>
        %swap3A_798 = arith.index_cast %rem3A_157 : i32 to index
        %swap3A_799 = arith.index_cast %add3A_746 : i32 to index
        %swap3A_800 = arith.constant 32 : index
        %swap3A_801 = tpu.vector_load %arg12[%swap3A_798, %swap3A_799, %swap3A_800] {strides = array<i32>} : memref<2x128x72xf32, #tpu.memory_space<vmem>>, vector<16xf32>,
        tpu.vector_store %arg12[%swap3A_798, %swap3A_799, %swap3A_800], %mul3A_797 {strides = array<i32>} : memref<2x128x72xf32, #tpu.memory_space<vmem>>, vector<16xf32>,
        %mul3A_802 = arith.mulf %unpack3A_783, %gather3A_796 : vector<16xf32>
        %swap3A_803 = arith.index_cast %rem3A_157 : i32 to index
        %swap3A_804 = arith.index_cast %add3A_746 : i32 to index
        %swap3A_805 = arith.constant 48 : index
        %swap3A_806 = tpu.vector_load %arg12[%swap3A_803, %swap3A_804, %swap3A_805] {strides = array<i32>} : memref<2x128x72xf32, #tpu.memory_space<vmem>>, vector<16xf32>,
        tpu.vector_store %arg12[%swap3A_803, %swap3A_804, %swap3A_805], %mul3A_802 {strides = array<i32>} : memref<2x128x72xf32, #tpu.memory_space<vmem>>, vector<16xf32>,
        %mul3A_807 = arith.constant 16 : i32
        %mul3A_808 = arith.muli %mul3A_807, %scan3A_222 : i32
        %add3A_809 = arith.constant 4 : i32
        %add3A_810 = arith.addi %mul3A_808, %add3A_809 : i32
        %add3A_811 = arith.constant 3 : i32
        %add3A_812 = arith.addi %add3A_810, %add3A_811 : i32
        %get3A_813 = arith.index_cast %rem3A_157 : i32 to index
        %get3A_814 = arith.index_cast %add3A_812 : i32 to index
        %get3A_815 = arith.constant 0 : index
        %get3A_816 = tpu.vector_load %arg11[%get3A_813, %get3A_814, %get3A_815] {strides = array<i32>} : memref<2x128x40xf32, #tpu.memory_space<vmem>>, vector<16xf32>,
        %bitcast3A_817 = vector.bitcast %get3A_816 : vector<16xf32> to vector<32xbf16>
        %unpack3A_818 = tpu.unpack_subelements %bitcast3A_817, 0 {pack_format = #tpu.pack_format<interleaved>} : vector<32xbf16> -> vector<16xf32>
        %unpack3A_819 = tpu.unpack_subelements %bitcast3A_817, 1 {pack_format = #tpu.pack_format<interleaved>} : vector<32xbf16> -> vector<16xf32>
        %add3A_820 = arith.constant 12 : i32
        %add3A_821 = vector.broadcast %add3A_820 : i32 to vector<16xi32>
        %add3A_822 = arith.addi %add3A_821, %select_n3A : vector<16xi32>
        %lt3A_823 = arith.constant 0 : i32
        %lt3A_824 = vector.broadcast %lt3A_823 : i32 to vector<16xi32>
        %lt3A_825 = arith.cmpi slt, %add3A_822, %lt3A_824 : vector<16xi32>
        %add3A_826 = arith.constant 16 : i32
        %add3A_827 = vector.broadcast %add3A_826 : i32 to vector<16xi32>
        %add3A_828 = arith.addi %add3A_822, %add3A_827 : vector<16xi32>
        %select_n3A_829 = arith.select %lt3A_825, %add3A_828, %add3A_822 : vector<16xi1>, vector<16xi32>
        %reshape3A_830 = vector.shape_cast %select_n3A_829 : vector<16xi32> to vector<16x1xi32>
        %gather3A_831 = vector.shape_cast %reshape3A_830 : vector<16x1xi32> to vector<16xi32>
        %gather3A_832 = tpu.dynamic_gather %exp3A_596[%gather3A_831] in [0] : vector<16xf32>, vector<16xi32> -> vector<16xf32>
        %mul3A_833 = arith.mulf %unpack3A_818, %gather3A_832 : vector<16xf32>
        %swap3A_834 = arith.index_cast %rem3A_157 : i32 to index
        %swap3A_835 = arith.index_cast %add3A_812 : i32 to index
        %swap3A_836 = arith.constant 0 : index
        %swap3A_837 = tpu.vector_load %arg12[%swap3A_834, %swap3A_835, %swap3A_836] {strides = array<i32>} : memref<2x128x72xf32, #tpu.memory_space<vmem>>, vector<16xf32>,
        tpu.vector_store %arg12[%swap3A_834, %swap3A_835, %swap3A_836], %mul3A_833 {strides = array<i32>} : memref<2x128x72xf32, #tpu.memory_space<vmem>>, vector<16xf32>,
        %mul3A_838 = arith.mulf %unpack3A_819, %gather3A_832 : vector<16xf32>
        %swap3A_839 = arith.index_cast %rem3A_157 : i32 to index
        %swap3A_840 = arith.index_cast %add3A_812 : i32 to index
        %swap3A_841 = arith.constant 16 : index
        %swap3A_842 = tpu.vector_load %arg12[%swap3A_839, %swap3A_840, %swap3A_841] {strides = array<i32>} : memref<2x128x72xf32, #tpu.memory_space<vmem>>, vector<16xf32>,
        tpu.vector_store %arg12[%swap3A_839, %swap3A_840, %swap3A_841], %mul3A_838 {strides = array<i32>} : memref<2x128x72xf32, #tpu.memory_space<vmem>>, vector<16xf32>,
        %get3A_843 = arith.index_cast %rem3A_157 : i32 to index
        %get3A_844 = arith.index_cast %add3A_812 : i32 to index
        %get3A_845 = arith.constant 16 : index
        %get3A_846 = tpu.vector_load %arg11[%get3A_843, %get3A_844, %get3A_845] {strides = array<i32>} : memref<2x128x40xf32, #tpu.memory_space<vmem>>, vector<16xf32>,
        %bitcast3A_847 = vector.bitcast %get3A_846 : vector<16xf32> to vector<32xbf16>
        %unpack3A_848 = tpu.unpack_subelements %bitcast3A_847, 0 {pack_format = #tpu.pack_format<interleaved>} : vector<32xbf16> -> vector<16xf32>
        %unpack3A_849 = tpu.unpack_subelements %bitcast3A_847, 1 {pack_format = #tpu.pack_format<interleaved>} : vector<32xbf16> -> vector<16xf32>
        %add3A_850 = arith.constant 12 : i32
        %add3A_851 = vector.broadcast %add3A_850 : i32 to vector<16xi32>
        %add3A_852 = arith.addi %add3A_851, %select_n3A : vector<16xi32>
        %lt3A_853 = arith.constant 0 : i32
        %lt3A_854 = vector.broadcast %lt3A_853 : i32 to vector<16xi32>
        %lt3A_855 = arith.cmpi slt, %add3A_852, %lt3A_854 : vector<16xi32>
        %add3A_856 = arith.constant 16 : i32
        %add3A_857 = vector.broadcast %add3A_856 : i32 to vector<16xi32>
        %add3A_858 = arith.addi %add3A_852, %add3A_857 : vector<16xi32>
        %select_n3A_859 = arith.select %lt3A_855, %add3A_858, %add3A_852 : vector<16xi1>, vector<16xi32>
        %reshape3A_860 = vector.shape_cast %select_n3A_859 : vector<16xi32> to vector<16x1xi32>
        %gather3A_861 = vector.shape_cast %reshape3A_860 : vector<16x1xi32> to vector<16xi32>
        %gather3A_862 = tpu.dynamic_gather %exp3A_602[%gather3A_861] in [0] : vector<16xf32>, vector<16xi32> -> vector<16xf32>
        %mul3A_863 = arith.mulf %unpack3A_848, %gather3A_862 : vector<16xf32>
        %swap3A_864 = arith.index_cast %rem3A_157 : i32 to index
        %swap3A_865 = arith.index_cast %add3A_812 : i32 to index
        %swap3A_866 = arith.constant 32 : index
        %swap3A_867 = tpu.vector_load %arg12[%swap3A_864, %swap3A_865, %swap3A_866] {strides = array<i32>} : memref<2x128x72xf32, #tpu.memory_space<vmem>>, vector<16xf32>,
        tpu.vector_store %arg12[%swap3A_864, %swap3A_865, %swap3A_866], %mul3A_863 {strides = array<i32>} : memref<2x128x72xf32, #tpu.memory_space<vmem>>, vector<16xf32>,
        %mul3A_868 = arith.mulf %unpack3A_849, %gather3A_862 : vector<16xf32>
        %swap3A_869 = arith.index_cast %rem3A_157 : i32 to index
        %swap3A_870 = arith.index_cast %add3A_812 : i32 to index
        %swap3A_871 = arith.constant 48 : index
        %swap3A_872 = tpu.vector_load %arg12[%swap3A_869, %swap3A_870, %swap3A_871] {strides = array<i32>} : memref<2x128x72xf32, #tpu.memory_space<vmem>>, vector<16xf32>,
        tpu.vector_store %arg12[%swap3A_869, %swap3A_870, %swap3A_871], %mul3A_868 {strides = array<i32>} : memref<2x128x72xf32, #tpu.memory_space<vmem>>, vector<16xf32>,
        %mul3A_873 = arith.constant 16 : i32
        %mul3A_874 = arith.muli %mul3A_873, %scan3A_222 : i32
        %add3A_875 = arith.constant 8 : i32
        %add3A_876 = arith.addi %mul3A_874, %add3A_875 : i32
        %add3A_877 = vector.broadcast %add3A_876 : i32 to vector<16xi32>
        %add3A_878 = arith.addi %add3A_877, %select_n3A : vector<16xi32>
        %add3A_879 = arith.constant 32 : i32
        %add3A_880 = vector.broadcast %add3A_879 : i32 to vector<16xi32>
        %add3A_881 = arith.addi %add3A_880, %and3A_60 : vector<16xi32>
        %gather3A_882 = tpu.vector_load_idx %arg11[%add3A_203, %add3A_878, %add3A_881] : memref<2x128x40xf32, #tpu.memory_space<vmem>>[vector<16xi32>, vector<16xi32>, vector<16xi32>], vector<16xf32>,
        %add3A_883 = arith.constant 36 : i32
        %add3A_884 = vector.broadcast %add3A_883 : i32 to vector<16xi32>
        %add3A_885 = arith.addi %add3A_884, %and3A_60 : vector<16xi32>
        %gather3A_886 = tpu.vector_load_idx %arg11[%add3A_203, %add3A_878, %add3A_885] : memref<2x128x40xf32, #tpu.memory_space<vmem>>[vector<16xi32>, vector<16xi32>, vector<16xi32>], vector<16xf32>,
        %add3A_887 = arith.constant 8 : i32
        %add3A_888 = vector.broadcast %add3A_887 : i32 to vector<16xi32>
        %add3A_889 = arith.addi %add3A_888, %select_n3A : vector<16xi32>
        %lt3A_890 = arith.constant 0 : i32
        %lt3A_891 = vector.broadcast %lt3A_890 : i32 to vector<16xi32>
        %lt3A_892 = arith.cmpi slt, %add3A_889, %lt3A_891 : vector<16xi32>
        %add3A_893 = arith.constant 16 : i32
        %add3A_894 = vector.broadcast %add3A_893 : i32 to vector<16xi32>
        %add3A_895 = arith.addi %add3A_889, %add3A_894 : vector<16xi32>
        %select_n3A_896 = arith.select %lt3A_892, %add3A_895, %add3A_889 : vector<16xi1>, vector<16xi32>
        %reshape3A_897 = vector.shape_cast %select_n3A_896 : vector<16xi32> to vector<16x1xi32>
        %gather3A_898 = vector.shape_cast %reshape3A_897 : vector<16x1xi32> to vector<16xi32>
        %gather3A_899 = tpu.dynamic_gather %get3A_228[%gather3A_898] in [0] : vector<16xi32>, vector<16xi32> -> vector<16xi32>
        %shift_right_arithmetic3A_900 = arith.constant 1 : i32
        %shift_right_arithmetic3A_901 = vector.broadcast %shift_right_arithmetic3A_900 : i32 to vector<16xi32>
        %shift_right_arithmetic3A_902 = arith.shrsi %gather3A_899, %shift_right_arithmetic3A_901 : vector<16xi32>
        %and3A_903 = arith.constant 1 : i32
        %and3A_904 = vector.broadcast %and3A_903 : i32 to vector<16xi32>
        %and3A_905 = arith.andi %gather3A_899, %and3A_904 : vector<16xi32>
        %mul3A_906 = arith.constant 4 : i32
        %mul3A_907 = vector.broadcast %mul3A_906 : i32 to vector<16xi32>
        %mul3A_908 = arith.muli %and3A_905, %mul3A_907 : vector<16xi32>
        %add3A_909 = arith.addi %mul3A_908, %and3A_60 : vector<16xi32>
        %gather3A_910 = tpu.vector_load_idx %arg10[%shift_right_arithmetic3A_902, %add3A_909] : memref<5120x8xf32, #tpu.memory_space<vmem>>[vector<16xi32>, vector<16xi32>], vector<16xf32>,
        %bitcast3A_911 = vector.bitcast %gather3A_910 : vector<16xf32> to vector<32xbf16>
        %unpack3A_912 = tpu.unpack_subelements %bitcast3A_911, 0 {pack_format = #tpu.pack_format<interleaved>} : vector<32xbf16> -> vector<16xf32>
        %unpack3A_913 = tpu.unpack_subelements %bitcast3A_911, 1 {pack_format = #tpu.pack_format<interleaved>} : vector<32xbf16> -> vector<16xf32>
        %add3A_914 = arith.addf %gather3A_882, %unpack3A_912 : vector<16xf32>
        %add3A_915 = arith.addf %gather3A_886, %unpack3A_913 : vector<16xf32>
        %mul3A_916 = arith.constant 2.000000e-01 : f32
        %mul3A_917 = vector.broadcast %mul3A_916 : f32 to vector<16xf32>
        %mul3A_918 = arith.mulf %mul3A_917, %add3A_914 : vector<16xf32>
        %max3A_919 = arith.maximumf %add3A_914, %mul3A_918 : vector<16xf32>
        %sub3A_920 = arith.subf %max3A_919, %gather3A_67 : vector<16xf32>
        %exp3A_921 = math.exp %sub3A_920 : vector<16xf32>
        %mul3A_922 = arith.constant 2.000000e-01 : f32
        %mul3A_923 = vector.broadcast %mul3A_922 : f32 to vector<16xf32>
        %mul3A_924 = arith.mulf %mul3A_923, %add3A_915 : vector<16xf32>
        %max3A_925 = arith.maximumf %add3A_915, %mul3A_924 : vector<16xf32>
        %sub3A_926 = arith.subf %max3A_925, %gather3A_80 : vector<16xf32>
        %exp3A_927 = math.exp %sub3A_926 : vector<16xf32>
        %add3A_928 = arith.constant 64 : i32
        %add3A_929 = vector.broadcast %add3A_928 : i32 to vector<16xi32>
        %add3A_930 = arith.addi %add3A_929, %and3A_60 : vector<16xi32>
        tpu.vector_store_idx %arg12[%add3A_203, %add3A_878, %add3A_930], %exp3A_921 : memref<2x128x72xf32, #tpu.memory_space<vmem>>[vector<16xi32>, vector<16xi32>, vector<16xi32>], vector<16xf32>,
        %add3A_931 = arith.constant 68 : i32
        %add3A_932 = vector.broadcast %add3A_931 : i32 to vector<16xi32>
        %add3A_933 = arith.addi %add3A_932, %and3A_60 : vector<16xi32>
        tpu.vector_store_idx %arg12[%add3A_203, %add3A_878, %add3A_933], %exp3A_927 : memref<2x128x72xf32, #tpu.memory_space<vmem>>[vector<16xi32>, vector<16xi32>, vector<16xi32>], vector<16xf32>,
        %mul3A_934 = arith.constant 16 : i32
        %mul3A_935 = arith.muli %mul3A_934, %scan3A_222 : i32
        %add3A_936 = arith.constant 8 : i32
        %add3A_937 = arith.addi %mul3A_935, %add3A_936 : i32
        %add3A_938 = arith.constant 0 : i32
        %add3A_939 = arith.addi %add3A_937, %add3A_938 : i32
        %get3A_940 = arith.index_cast %rem3A_157 : i32 to index
        %get3A_941 = arith.index_cast %add3A_939 : i32 to index
        %get3A_942 = arith.constant 0 : index
        %get3A_943 = tpu.vector_load %arg11[%get3A_940, %get3A_941, %get3A_942] {strides = array<i32>} : memref<2x128x40xf32, #tpu.memory_space<vmem>>, vector<16xf32>,
        %bitcast3A_944 = vector.bitcast %get3A_943 : vector<16xf32> to vector<32xbf16>
        %unpack3A_945 = tpu.unpack_subelements %bitcast3A_944, 0 {pack_format = #tpu.pack_format<interleaved>} : vector<32xbf16> -> vector<16xf32>
        %unpack3A_946 = tpu.unpack_subelements %bitcast3A_944, 1 {pack_format = #tpu.pack_format<interleaved>} : vector<32xbf16> -> vector<16xf32>
        %add3A_947 = arith.constant 0 : i32
        %add3A_948 = vector.broadcast %add3A_947 : i32 to vector<16xi32>
        %add3A_949 = arith.addi %add3A_948, %select_n3A : vector<16xi32>
        %lt3A_950 = arith.constant 0 : i32
        %lt3A_951 = vector.broadcast %lt3A_950 : i32 to vector<16xi32>
        %lt3A_952 = arith.cmpi slt, %add3A_949, %lt3A_951 : vector<16xi32>
        %add3A_953 = arith.constant 16 : i32
        %add3A_954 = vector.broadcast %add3A_953 : i32 to vector<16xi32>
        %add3A_955 = arith.addi %add3A_949, %add3A_954 : vector<16xi32>
        %select_n3A_956 = arith.select %lt3A_952, %add3A_955, %add3A_949 : vector<16xi1>, vector<16xi32>
        %reshape3A_957 = vector.shape_cast %select_n3A_956 : vector<16xi32> to vector<16x1xi32>
        %gather3A_958 = vector.shape_cast %reshape3A_957 : vector<16x1xi32> to vector<16xi32>
        %gather3A_959 = tpu.dynamic_gather %exp3A_921[%gather3A_958] in [0] : vector<16xf32>, vector<16xi32> -> vector<16xf32>
        %mul3A_960 = arith.mulf %unpack3A_945, %gather3A_959 : vector<16xf32>
        %swap3A_961 = arith.index_cast %rem3A_157 : i32 to index
        %swap3A_962 = arith.index_cast %add3A_939 : i32 to index
        %swap3A_963 = arith.constant 0 : index
        %swap3A_964 = tpu.vector_load %arg12[%swap3A_961, %swap3A_962, %swap3A_963] {strides = array<i32>} : memref<2x128x72xf32, #tpu.memory_space<vmem>>, vector<16xf32>,
        tpu.vector_store %arg12[%swap3A_961, %swap3A_962, %swap3A_963], %mul3A_960 {strides = array<i32>} : memref<2x128x72xf32, #tpu.memory_space<vmem>>, vector<16xf32>,
        %mul3A_965 = arith.mulf %unpack3A_946, %gather3A_959 : vector<16xf32>
        %swap3A_966 = arith.index_cast %rem3A_157 : i32 to index
        %swap3A_967 = arith.index_cast %add3A_939 : i32 to index
        %swap3A_968 = arith.constant 16 : index
        %swap3A_969 = tpu.vector_load %arg12[%swap3A_966, %swap3A_967, %swap3A_968] {strides = array<i32>} : memref<2x128x72xf32, #tpu.memory_space<vmem>>, vector<16xf32>,
        tpu.vector_store %arg12[%swap3A_966, %swap3A_967, %swap3A_968], %mul3A_965 {strides = array<i32>} : memref<2x128x72xf32, #tpu.memory_space<vmem>>, vector<16xf32>,
        %get3A_970 = arith.index_cast %rem3A_157 : i32 to index
        %get3A_971 = arith.index_cast %add3A_939 : i32 to index
        %get3A_972 = arith.constant 16 : index
        %get3A_973 = tpu.vector_load %arg11[%get3A_970, %get3A_971, %get3A_972] {strides = array<i32>} : memref<2x128x40xf32, #tpu.memory_space<vmem>>, vector<16xf32>,
        %bitcast3A_974 = vector.bitcast %get3A_973 : vector<16xf32> to vector<32xbf16>
        %unpack3A_975 = tpu.unpack_subelements %bitcast3A_974, 0 {pack_format = #tpu.pack_format<interleaved>} : vector<32xbf16> -> vector<16xf32>
        %unpack3A_976 = tpu.unpack_subelements %bitcast3A_974, 1 {pack_format = #tpu.pack_format<interleaved>} : vector<32xbf16> -> vector<16xf32>
        %add3A_977 = arith.constant 0 : i32
        %add3A_978 = vector.broadcast %add3A_977 : i32 to vector<16xi32>
        %add3A_979 = arith.addi %add3A_978, %select_n3A : vector<16xi32>
        %lt3A_980 = arith.constant 0 : i32
        %lt3A_981 = vector.broadcast %lt3A_980 : i32 to vector<16xi32>
        %lt3A_982 = arith.cmpi slt, %add3A_979, %lt3A_981 : vector<16xi32>
        %add3A_983 = arith.constant 16 : i32
        %add3A_984 = vector.broadcast %add3A_983 : i32 to vector<16xi32>
        %add3A_985 = arith.addi %add3A_979, %add3A_984 : vector<16xi32>
        %select_n3A_986 = arith.select %lt3A_982, %add3A_985, %add3A_979 : vector<16xi1>, vector<16xi32>
        %reshape3A_987 = vector.shape_cast %select_n3A_986 : vector<16xi32> to vector<16x1xi32>
        %gather3A_988 = vector.shape_cast %reshape3A_987 : vector<16x1xi32> to vector<16xi32>
        %gather3A_989 = tpu.dynamic_gather %exp3A_927[%gather3A_988] in [0] : vector<16xf32>, vector<16xi32> -> vector<16xf32>
        %mul3A_990 = arith.mulf %unpack3A_975, %gather3A_989 : vector<16xf32>
        %swap3A_991 = arith.index_cast %rem3A_157 : i32 to index
        %swap3A_992 = arith.index_cast %add3A_939 : i32 to index
        %swap3A_993 = arith.constant 32 : index
        %swap3A_994 = tpu.vector_load %arg12[%swap3A_991, %swap3A_992, %swap3A_993] {strides = array<i32>} : memref<2x128x72xf32, #tpu.memory_space<vmem>>, vector<16xf32>,
        tpu.vector_store %arg12[%swap3A_991, %swap3A_992, %swap3A_993], %mul3A_990 {strides = array<i32>} : memref<2x128x72xf32, #tpu.memory_space<vmem>>, vector<16xf32>,
        %mul3A_995 = arith.mulf %unpack3A_976, %gather3A_989 : vector<16xf32>
        %swap3A_996 = arith.index_cast %rem3A_157 : i32 to index
        %swap3A_997 = arith.index_cast %add3A_939 : i32 to index
        %swap3A_998 = arith.constant 48 : index
        %swap3A_999 = tpu.vector_load %arg12[%swap3A_996, %swap3A_997, %swap3A_998] {strides = array<i32>} : memref<2x128x72xf32, #tpu.memory_space<vmem>>, vector<16xf32>,
        tpu.vector_store %arg12[%swap3A_996, %swap3A_997, %swap3A_998], %mul3A_995 {strides = array<i32>} : memref<2x128x72xf32, #tpu.memory_space<vmem>>, vector<16xf32>,
        %mul3A_1000 = arith.constant 16 : i32
        %mul3A_1001 = arith.muli %mul3A_1000, %scan3A_222 : i32
        %add3A_1002 = arith.constant 8 : i32
        %add3A_1003 = arith.addi %mul3A_1001, %add3A_1002 : i32
        %add3A_1004 = arith.constant 1 : i32
        %add3A_1005 = arith.addi %add3A_1003, %add3A_1004 : i32
        %get3A_1006 = arith.index_cast %rem3A_157 : i32 to index
        %get3A_1007 = arith.index_cast %add3A_1005 : i32 to index
        %get3A_1008 = arith.constant 0 : index
        %get3A_1009 = tpu.vector_load %arg11[%get3A_1006, %get3A_1007, %get3A_1008] {strides = array<i32>} : memref<2x128x40xf32, #tpu.memory_space<vmem>>, vector<16xf32>,
        %bitcast3A_1010 = vector.bitcast %get3A_1009 : vector<16xf32> to vector<32xbf16>
        %unpack3A_1011 = tpu.unpack_subelements %bitcast3A_1010, 0 {pack_format = #tpu.pack_format<interleaved>} : vector<32xbf16> -> vector<16xf32>
        %unpack3A_1012 = tpu.unpack_subelements %bitcast3A_1010, 1 {pack_format = #tpu.pack_format<interleaved>} : vector<32xbf16> -> vector<16xf32>
        %add3A_1013 = arith.constant 4 : i32
        %add3A_1014 = vector.broadcast %add3A_1013 : i32 to vector<16xi32>
        %add3A_1015 = arith.addi %add3A_1014, %select_n3A : vector<16xi32>
        %lt3A_1016 = arith.constant 0 : i32
        %lt3A_1017 = vector.broadcast %lt3A_1016 : i32 to vector<16xi32>
        %lt3A_1018 = arith.cmpi slt, %add3A_1015, %lt3A_1017 : vector<16xi32>
        %add3A_1019 = arith.constant 16 : i32
        %add3A_1020 = vector.broadcast %add3A_1019 : i32 to vector<16xi32>
        %add3A_1021 = arith.addi %add3A_1015, %add3A_1020 : vector<16xi32>
        %select_n3A_1022 = arith.select %lt3A_1018, %add3A_1021, %add3A_1015 : vector<16xi1>, vector<16xi32>
        %reshape3A_1023 = vector.shape_cast %select_n3A_1022 : vector<16xi32> to vector<16x1xi32>
        %gather3A_1024 = vector.shape_cast %reshape3A_1023 : vector<16x1xi32> to vector<16xi32>
        %gather3A_1025 = tpu.dynamic_gather %exp3A_921[%gather3A_1024] in [0] : vector<16xf32>, vector<16xi32> -> vector<16xf32>
        %mul3A_1026 = arith.mulf %unpack3A_1011, %gather3A_1025 : vector<16xf32>
        %swap3A_1027 = arith.index_cast %rem3A_157 : i32 to index
        %swap3A_1028 = arith.index_cast %add3A_1005 : i32 to index
        %swap3A_1029 = arith.constant 0 : index
        %swap3A_1030 = tpu.vector_load %arg12[%swap3A_1027, %swap3A_1028, %swap3A_1029] {strides = array<i32>} : memref<2x128x72xf32, #tpu.memory_space<vmem>>, vector<16xf32>,
        tpu.vector_store %arg12[%swap3A_1027, %swap3A_1028, %swap3A_1029], %mul3A_1026 {strides = array<i32>} : memref<2x128x72xf32, #tpu.memory_space<vmem>>, vector<16xf32>,
        %mul3A_1031 = arith.mulf %unpack3A_1012, %gather3A_1025 : vector<16xf32>
        %swap3A_1032 = arith.index_cast %rem3A_157 : i32 to index
        %swap3A_1033 = arith.index_cast %add3A_1005 : i32 to index
        %swap3A_1034 = arith.constant 16 : index
        %swap3A_1035 = tpu.vector_load %arg12[%swap3A_1032, %swap3A_1033, %swap3A_1034] {strides = array<i32>} : memref<2x128x72xf32, #tpu.memory_space<vmem>>, vector<16xf32>,
        tpu.vector_store %arg12[%swap3A_1032, %swap3A_1033, %swap3A_1034], %mul3A_1031 {strides = array<i32>} : memref<2x128x72xf32, #tpu.memory_space<vmem>>, vector<16xf32>,
        %get3A_1036 = arith.index_cast %rem3A_157 : i32 to index
        %get3A_1037 = arith.index_cast %add3A_1005 : i32 to index
        %get3A_1038 = arith.constant 16 : index
        %get3A_1039 = tpu.vector_load %arg11[%get3A_1036, %get3A_1037, %get3A_1038] {strides = array<i32>} : memref<2x128x40xf32, #tpu.memory_space<vmem>>, vector<16xf32>,
        %bitcast3A_1040 = vector.bitcast %get3A_1039 : vector<16xf32> to vector<32xbf16>
        %unpack3A_1041 = tpu.unpack_subelements %bitcast3A_1040, 0 {pack_format = #tpu.pack_format<interleaved>} : vector<32xbf16> -> vector<16xf32>
        %unpack3A_1042 = tpu.unpack_subelements %bitcast3A_1040, 1 {pack_format = #tpu.pack_format<interleaved>} : vector<32xbf16> -> vector<16xf32>
        %add3A_1043 = arith.constant 4 : i32
        %add3A_1044 = vector.broadcast %add3A_1043 : i32 to vector<16xi32>
        %add3A_1045 = arith.addi %add3A_1044, %select_n3A : vector<16xi32>
        %lt3A_1046 = arith.constant 0 : i32
        %lt3A_1047 = vector.broadcast %lt3A_1046 : i32 to vector<16xi32>
        %lt3A_1048 = arith.cmpi slt, %add3A_1045, %lt3A_1047 : vector<16xi32>
        %add3A_1049 = arith.constant 16 : i32
        %add3A_1050 = vector.broadcast %add3A_1049 : i32 to vector<16xi32>
        %add3A_1051 = arith.addi %add3A_1045, %add3A_1050 : vector<16xi32>
        %select_n3A_1052 = arith.select %lt3A_1048, %add3A_1051, %add3A_1045 : vector<16xi1>, vector<16xi32>
        %reshape3A_1053 = vector.shape_cast %select_n3A_1052 : vector<16xi32> to vector<16x1xi32>
        %gather3A_1054 = vector.shape_cast %reshape3A_1053 : vector<16x1xi32> to vector<16xi32>
        %gather3A_1055 = tpu.dynamic_gather %exp3A_927[%gather3A_1054] in [0] : vector<16xf32>, vector<16xi32> -> vector<16xf32>
        %mul3A_1056 = arith.mulf %unpack3A_1041, %gather3A_1055 : vector<16xf32>
        %swap3A_1057 = arith.index_cast %rem3A_157 : i32 to index
        %swap3A_1058 = arith.index_cast %add3A_1005 : i32 to index
        %swap3A_1059 = arith.constant 32 : index
        %swap3A_1060 = tpu.vector_load %arg12[%swap3A_1057, %swap3A_1058, %swap3A_1059] {strides = array<i32>} : memref<2x128x72xf32, #tpu.memory_space<vmem>>, vector<16xf32>,
        tpu.vector_store %arg12[%swap3A_1057, %swap3A_1058, %swap3A_1059], %mul3A_1056 {strides = array<i32>} : memref<2x128x72xf32, #tpu.memory_space<vmem>>, vector<16xf32>,
        %mul3A_1061 = arith.mulf %unpack3A_1042, %gather3A_1055 : vector<16xf32>
        %swap3A_1062 = arith.index_cast %rem3A_157 : i32 to index
        %swap3A_1063 = arith.index_cast %add3A_1005 : i32 to index
        %swap3A_1064 = arith.constant 48 : index
        %swap3A_1065 = tpu.vector_load %arg12[%swap3A_1062, %swap3A_1063, %swap3A_1064] {strides = array<i32>} : memref<2x128x72xf32, #tpu.memory_space<vmem>>, vector<16xf32>,
        tpu.vector_store %arg12[%swap3A_1062, %swap3A_1063, %swap3A_1064], %mul3A_1061 {strides = array<i32>} : memref<2x128x72xf32, #tpu.memory_space<vmem>>, vector<16xf32>,
        %mul3A_1066 = arith.constant 16 : i32
        %mul3A_1067 = arith.muli %mul3A_1066, %scan3A_222 : i32
        %add3A_1068 = arith.constant 8 : i32
        %add3A_1069 = arith.addi %mul3A_1067, %add3A_1068 : i32
        %add3A_1070 = arith.constant 2 : i32
        %add3A_1071 = arith.addi %add3A_1069, %add3A_1070 : i32
        %get3A_1072 = arith.index_cast %rem3A_157 : i32 to index
        %get3A_1073 = arith.index_cast %add3A_1071 : i32 to index
        %get3A_1074 = arith.constant 0 : index
        %get3A_1075 = tpu.vector_load %arg11[%get3A_1072, %get3A_1073, %get3A_1074] {strides = array<i32>} : memref<2x128x40xf32, #tpu.memory_space<vmem>>, vector<16xf32>,
        %bitcast3A_1076 = vector.bitcast %get3A_1075 : vector<16xf32> to vector<32xbf16>
        %unpack3A_1077 = tpu.unpack_subelements %bitcast3A_1076, 0 {pack_format = #tpu.pack_format<interleaved>} : vector<32xbf16> -> vector<16xf32>
        %unpack3A_1078 = tpu.unpack_subelements %bitcast3A_1076, 1 {pack_format = #tpu.pack_format<interleaved>} : vector<32xbf16> -> vector<16xf32>
        %add3A_1079 = arith.constant 8 : i32
        %add3A_1080 = vector.broadcast %add3A_1079 : i32 to vector<16xi32>
        %add3A_1081 = arith.addi %add3A_1080, %select_n3A : vector<16xi32>
        %lt3A_1082 = arith.constant 0 : i32
        %lt3A_1083 = vector.broadcast %lt3A_1082 : i32 to vector<16xi32>
        %lt3A_1084 = arith.cmpi slt, %add3A_1081, %lt3A_1083 : vector<16xi32>
        %add3A_1085 = arith.constant 16 : i32
        %add3A_1086 = vector.broadcast %add3A_1085 : i32 to vector<16xi32>
        %add3A_1087 = arith.addi %add3A_1081, %add3A_1086 : vector<16xi32>
        %select_n3A_1088 = arith.select %lt3A_1084, %add3A_1087, %add3A_1081 : vector<16xi1>, vector<16xi32>
        %reshape3A_1089 = vector.shape_cast %select_n3A_1088 : vector<16xi32> to vector<16x1xi32>
        %gather3A_1090 = vector.shape_cast %reshape3A_1089 : vector<16x1xi32> to vector<16xi32>
        %gather3A_1091 = tpu.dynamic_gather %exp3A_921[%gather3A_1090] in [0] : vector<16xf32>, vector<16xi32> -> vector<16xf32>
        %mul3A_1092 = arith.mulf %unpack3A_1077, %gather3A_1091 : vector<16xf32>
        %swap3A_1093 = arith.index_cast %rem3A_157 : i32 to index
        %swap3A_1094 = arith.index_cast %add3A_1071 : i32 to index
        %swap3A_1095 = arith.constant 0 : index
        %swap3A_1096 = tpu.vector_load %arg12[%swap3A_1093, %swap3A_1094, %swap3A_1095] {strides = array<i32>} : memref<2x128x72xf32, #tpu.memory_space<vmem>>, vector<16xf32>,
        tpu.vector_store %arg12[%swap3A_1093, %swap3A_1094, %swap3A_1095], %mul3A_1092 {strides = array<i32>} : memref<2x128x72xf32, #tpu.memory_space<vmem>>, vector<16xf32>,
        %mul3A_1097 = arith.mulf %unpack3A_1078, %gather3A_1091 : vector<16xf32>
        %swap3A_1098 = arith.index_cast %rem3A_157 : i32 to index
        %swap3A_1099 = arith.index_cast %add3A_1071 : i32 to index
        %swap3A_1100 = arith.constant 16 : index
        %swap3A_1101 = tpu.vector_load %arg12[%swap3A_1098, %swap3A_1099, %swap3A_1100] {strides = array<i32>} : memref<2x128x72xf32, #tpu.memory_space<vmem>>, vector<16xf32>,
        tpu.vector_store %arg12[%swap3A_1098, %swap3A_1099, %swap3A_1100], %mul3A_1097 {strides = array<i32>} : memref<2x128x72xf32, #tpu.memory_space<vmem>>, vector<16xf32>,
        %get3A_1102 = arith.index_cast %rem3A_157 : i32 to index
        %get3A_1103 = arith.index_cast %add3A_1071 : i32 to index
        %get3A_1104 = arith.constant 16 : index
        %get3A_1105 = tpu.vector_load %arg11[%get3A_1102, %get3A_1103, %get3A_1104] {strides = array<i32>} : memref<2x128x40xf32, #tpu.memory_space<vmem>>, vector<16xf32>,
        %bitcast3A_1106 = vector.bitcast %get3A_1105 : vector<16xf32> to vector<32xbf16>
        %unpack3A_1107 = tpu.unpack_subelements %bitcast3A_1106, 0 {pack_format = #tpu.pack_format<interleaved>} : vector<32xbf16> -> vector<16xf32>
        %unpack3A_1108 = tpu.unpack_subelements %bitcast3A_1106, 1 {pack_format = #tpu.pack_format<interleaved>} : vector<32xbf16> -> vector<16xf32>
        %add3A_1109 = arith.constant 8 : i32
        %add3A_1110 = vector.broadcast %add3A_1109 : i32 to vector<16xi32>
        %add3A_1111 = arith.addi %add3A_1110, %select_n3A : vector<16xi32>
        %lt3A_1112 = arith.constant 0 : i32
        %lt3A_1113 = vector.broadcast %lt3A_1112 : i32 to vector<16xi32>
        %lt3A_1114 = arith.cmpi slt, %add3A_1111, %lt3A_1113 : vector<16xi32>
        %add3A_1115 = arith.constant 16 : i32
        %add3A_1116 = vector.broadcast %add3A_1115 : i32 to vector<16xi32>
        %add3A_1117 = arith.addi %add3A_1111, %add3A_1116 : vector<16xi32>
        %select_n3A_1118 = arith.select %lt3A_1114, %add3A_1117, %add3A_1111 : vector<16xi1>, vector<16xi32>
        %reshape3A_1119 = vector.shape_cast %select_n3A_1118 : vector<16xi32> to vector<16x1xi32>
        %gather3A_1120 = vector.shape_cast %reshape3A_1119 : vector<16x1xi32> to vector<16xi32>
        %gather3A_1121 = tpu.dynamic_gather %exp3A_927[%gather3A_1120] in [0] : vector<16xf32>, vector<16xi32> -> vector<16xf32>
        %mul3A_1122 = arith.mulf %unpack3A_1107, %gather3A_1121 : vector<16xf32>
        %swap3A_1123 = arith.index_cast %rem3A_157 : i32 to index
        %swap3A_1124 = arith.index_cast %add3A_1071 : i32 to index
        %swap3A_1125 = arith.constant 32 : index
        %swap3A_1126 = tpu.vector_load %arg12[%swap3A_1123, %swap3A_1124, %swap3A_1125] {strides = array<i32>} : memref<2x128x72xf32, #tpu.memory_space<vmem>>, vector<16xf32>,
        tpu.vector_store %arg12[%swap3A_1123, %swap3A_1124, %swap3A_1125], %mul3A_1122 {strides = array<i32>} : memref<2x128x72xf32, #tpu.memory_space<vmem>>, vector<16xf32>,
        %mul3A_1127 = arith.mulf %unpack3A_1108, %gather3A_1121 : vector<16xf32>
        %swap3A_1128 = arith.index_cast %rem3A_157 : i32 to index
        %swap3A_1129 = arith.index_cast %add3A_1071 : i32 to index
        %swap3A_1130 = arith.constant 48 : index
        %swap3A_1131 = tpu.vector_load %arg12[%swap3A_1128, %swap3A_1129, %swap3A_1130] {strides = array<i32>} : memref<2x128x72xf32, #tpu.memory_space<vmem>>, vector<16xf32>,
        tpu.vector_store %arg12[%swap3A_1128, %swap3A_1129, %swap3A_1130], %mul3A_1127 {strides = array<i32>} : memref<2x128x72xf32, #tpu.memory_space<vmem>>, vector<16xf32>,
        %mul3A_1132 = arith.constant 16 : i32
        %mul3A_1133 = arith.muli %mul3A_1132, %scan3A_222 : i32
        %add3A_1134 = arith.constant 8 : i32
        %add3A_1135 = arith.addi %mul3A_1133, %add3A_1134 : i32
        %add3A_1136 = arith.constant 3 : i32
        %add3A_1137 = arith.addi %add3A_1135, %add3A_1136 : i32
        %get3A_1138 = arith.index_cast %rem3A_157 : i32 to index
        %get3A_1139 = arith.index_cast %add3A_1137 : i32 to index
        %get3A_1140 = arith.constant 0 : index
        %get3A_1141 = tpu.vector_load %arg11[%get3A_1138, %get3A_1139, %get3A_1140] {strides = array<i32>} : memref<2x128x40xf32, #tpu.memory_space<vmem>>, vector<16xf32>,
        %bitcast3A_1142 = vector.bitcast %get3A_1141 : vector<16xf32> to vector<32xbf16>
        %unpack3A_1143 = tpu.unpack_subelements %bitcast3A_1142, 0 {pack_format = #tpu.pack_format<interleaved>} : vector<32xbf16> -> vector<16xf32>
        %unpack3A_1144 = tpu.unpack_subelements %bitcast3A_1142, 1 {pack_format = #tpu.pack_format<interleaved>} : vector<32xbf16> -> vector<16xf32>
        %add3A_1145 = arith.constant 12 : i32
        %add3A_1146 = vector.broadcast %add3A_1145 : i32 to vector<16xi32>
        %add3A_1147 = arith.addi %add3A_1146, %select_n3A : vector<16xi32>
        %lt3A_1148 = arith.constant 0 : i32
        %lt3A_1149 = vector.broadcast %lt3A_1148 : i32 to vector<16xi32>
        %lt3A_1150 = arith.cmpi slt, %add3A_1147, %lt3A_1149 : vector<16xi32>
        %add3A_1151 = arith.constant 16 : i32
        %add3A_1152 = vector.broadcast %add3A_1151 : i32 to vector<16xi32>
        %add3A_1153 = arith.addi %add3A_1147, %add3A_1152 : vector<16xi32>
        %select_n3A_1154 = arith.select %lt3A_1150, %add3A_1153, %add3A_1147 : vector<16xi1>, vector<16xi32>
        %reshape3A_1155 = vector.shape_cast %select_n3A_1154 : vector<16xi32> to vector<16x1xi32>
        %gather3A_1156 = vector.shape_cast %reshape3A_1155 : vector<16x1xi32> to vector<16xi32>
        %gather3A_1157 = tpu.dynamic_gather %exp3A_921[%gather3A_1156] in [0] : vector<16xf32>, vector<16xi32> -> vector<16xf32>
        %mul3A_1158 = arith.mulf %unpack3A_1143, %gather3A_1157 : vector<16xf32>
        %swap3A_1159 = arith.index_cast %rem3A_157 : i32 to index
        %swap3A_1160 = arith.index_cast %add3A_1137 : i32 to index
        %swap3A_1161 = arith.constant 0 : index
        %swap3A_1162 = tpu.vector_load %arg12[%swap3A_1159, %swap3A_1160, %swap3A_1161] {strides = array<i32>} : memref<2x128x72xf32, #tpu.memory_space<vmem>>, vector<16xf32>,
        tpu.vector_store %arg12[%swap3A_1159, %swap3A_1160, %swap3A_1161], %mul3A_1158 {strides = array<i32>} : memref<2x128x72xf32, #tpu.memory_space<vmem>>, vector<16xf32>,
        %mul3A_1163 = arith.mulf %unpack3A_1144, %gather3A_1157 : vector<16xf32>
        %swap3A_1164 = arith.index_cast %rem3A_157 : i32 to index
        %swap3A_1165 = arith.index_cast %add3A_1137 : i32 to index
        %swap3A_1166 = arith.constant 16 : index
        %swap3A_1167 = tpu.vector_load %arg12[%swap3A_1164, %swap3A_1165, %swap3A_1166] {strides = array<i32>} : memref<2x128x72xf32, #tpu.memory_space<vmem>>, vector<16xf32>,
        tpu.vector_store %arg12[%swap3A_1164, %swap3A_1165, %swap3A_1166], %mul3A_1163 {strides = array<i32>} : memref<2x128x72xf32, #tpu.memory_space<vmem>>, vector<16xf32>,
        %get3A_1168 = arith.index_cast %rem3A_157 : i32 to index
        %get3A_1169 = arith.index_cast %add3A_1137 : i32 to index
        %get3A_1170 = arith.constant 16 : index
        %get3A_1171 = tpu.vector_load %arg11[%get3A_1168, %get3A_1169, %get3A_1170] {strides = array<i32>} : memref<2x128x40xf32, #tpu.memory_space<vmem>>, vector<16xf32>,
        %bitcast3A_1172 = vector.bitcast %get3A_1171 : vector<16xf32> to vector<32xbf16>
        %unpack3A_1173 = tpu.unpack_subelements %bitcast3A_1172, 0 {pack_format = #tpu.pack_format<interleaved>} : vector<32xbf16> -> vector<16xf32>
        %unpack3A_1174 = tpu.unpack_subelements %bitcast3A_1172, 1 {pack_format = #tpu.pack_format<interleaved>} : vector<32xbf16> -> vector<16xf32>
        %add3A_1175 = arith.constant 12 : i32
        %add3A_1176 = vector.broadcast %add3A_1175 : i32 to vector<16xi32>
        %add3A_1177 = arith.addi %add3A_1176, %select_n3A : vector<16xi32>
        %lt3A_1178 = arith.constant 0 : i32
        %lt3A_1179 = vector.broadcast %lt3A_1178 : i32 to vector<16xi32>
        %lt3A_1180 = arith.cmpi slt, %add3A_1177, %lt3A_1179 : vector<16xi32>
        %add3A_1181 = arith.constant 16 : i32
        %add3A_1182 = vector.broadcast %add3A_1181 : i32 to vector<16xi32>
        %add3A_1183 = arith.addi %add3A_1177, %add3A_1182 : vector<16xi32>
        %select_n3A_1184 = arith.select %lt3A_1180, %add3A_1183, %add3A_1177 : vector<16xi1>, vector<16xi32>
        %reshape3A_1185 = vector.shape_cast %select_n3A_1184 : vector<16xi32> to vector<16x1xi32>
        %gather3A_1186 = vector.shape_cast %reshape3A_1185 : vector<16x1xi32> to vector<16xi32>
        %gather3A_1187 = tpu.dynamic_gather %exp3A_927[%gather3A_1186] in [0] : vector<16xf32>, vector<16xi32> -> vector<16xf32>
        %mul3A_1188 = arith.mulf %unpack3A_1173, %gather3A_1187 : vector<16xf32>
        %swap3A_1189 = arith.index_cast %rem3A_157 : i32 to index
        %swap3A_1190 = arith.index_cast %add3A_1137 : i32 to index
        %swap3A_1191 = arith.constant 32 : index
        %swap3A_1192 = tpu.vector_load %arg12[%swap3A_1189, %swap3A_1190, %swap3A_1191] {strides = array<i32>} : memref<2x128x72xf32, #tpu.memory_space<vmem>>, vector<16xf32>,
        tpu.vector_store %arg12[%swap3A_1189, %swap3A_1190, %swap3A_1191], %mul3A_1188 {strides = array<i32>} : memref<2x128x72xf32, #tpu.memory_space<vmem>>, vector<16xf32>,
        %mul3A_1193 = arith.mulf %unpack3A_1174, %gather3A_1187 : vector<16xf32>
        %swap3A_1194 = arith.index_cast %rem3A_157 : i32 to index
        %swap3A_1195 = arith.index_cast %add3A_1137 : i32 to index
        %swap3A_1196 = arith.constant 48 : index
        %swap3A_1197 = tpu.vector_load %arg12[%swap3A_1194, %swap3A_1195, %swap3A_1196] {strides = array<i32>} : memref<2x128x72xf32, #tpu.memory_space<vmem>>, vector<16xf32>,
        tpu.vector_store %arg12[%swap3A_1194, %swap3A_1195, %swap3A_1196], %mul3A_1193 {strides = array<i32>} : memref<2x128x72xf32, #tpu.memory_space<vmem>>, vector<16xf32>,
        %mul3A_1198 = arith.constant 16 : i32
        %mul3A_1199 = arith.muli %mul3A_1198, %scan3A_222 : i32
        %add3A_1200 = arith.constant 12 : i32
        %add3A_1201 = arith.addi %mul3A_1199, %add3A_1200 : i32
        %add3A_1202 = vector.broadcast %add3A_1201 : i32 to vector<16xi32>
        %add3A_1203 = arith.addi %add3A_1202, %select_n3A : vector<16xi32>
        %add3A_1204 = arith.constant 32 : i32
        %add3A_1205 = vector.broadcast %add3A_1204 : i32 to vector<16xi32>
        %add3A_1206 = arith.addi %add3A_1205, %and3A_60 : vector<16xi32>
        %gather3A_1207 = tpu.vector_load_idx %arg11[%add3A_203, %add3A_1203, %add3A_1206] : memref<2x128x40xf32, #tpu.memory_space<vmem>>[vector<16xi32>, vector<16xi32>, vector<16xi32>], vector<16xf32>,
        %add3A_1208 = arith.constant 36 : i32
        %add3A_1209 = vector.broadcast %add3A_1208 : i32 to vector<16xi32>
        %add3A_1210 = arith.addi %add3A_1209, %and3A_60 : vector<16xi32>
        %gather3A_1211 = tpu.vector_load_idx %arg11[%add3A_203, %add3A_1203, %add3A_1210] : memref<2x128x40xf32, #tpu.memory_space<vmem>>[vector<16xi32>, vector<16xi32>, vector<16xi32>], vector<16xf32>,
        %add3A_1212 = arith.constant 12 : i32
        %add3A_1213 = vector.broadcast %add3A_1212 : i32 to vector<16xi32>
        %add3A_1214 = arith.addi %add3A_1213, %select_n3A : vector<16xi32>
        %lt3A_1215 = arith.constant 0 : i32
        %lt3A_1216 = vector.broadcast %lt3A_1215 : i32 to vector<16xi32>
        %lt3A_1217 = arith.cmpi slt, %add3A_1214, %lt3A_1216 : vector<16xi32>
        %add3A_1218 = arith.constant 16 : i32
        %add3A_1219 = vector.broadcast %add3A_1218 : i32 to vector<16xi32>
        %add3A_1220 = arith.addi %add3A_1214, %add3A_1219 : vector<16xi32>
        %select_n3A_1221 = arith.select %lt3A_1217, %add3A_1220, %add3A_1214 : vector<16xi1>, vector<16xi32>
        %reshape3A_1222 = vector.shape_cast %select_n3A_1221 : vector<16xi32> to vector<16x1xi32>
        %gather3A_1223 = vector.shape_cast %reshape3A_1222 : vector<16x1xi32> to vector<16xi32>
        %gather3A_1224 = tpu.dynamic_gather %get3A_228[%gather3A_1223] in [0] : vector<16xi32>, vector<16xi32> -> vector<16xi32>
        %shift_right_arithmetic3A_1225 = arith.constant 1 : i32
        %shift_right_arithmetic3A_1226 = vector.broadcast %shift_right_arithmetic3A_1225 : i32 to vector<16xi32>
        %shift_right_arithmetic3A_1227 = arith.shrsi %gather3A_1224, %shift_right_arithmetic3A_1226 : vector<16xi32>
        %and3A_1228 = arith.constant 1 : i32
        %and3A_1229 = vector.broadcast %and3A_1228 : i32 to vector<16xi32>
        %and3A_1230 = arith.andi %gather3A_1224, %and3A_1229 : vector<16xi32>
        %mul3A_1231 = arith.constant 4 : i32
        %mul3A_1232 = vector.broadcast %mul3A_1231 : i32 to vector<16xi32>
        %mul3A_1233 = arith.muli %and3A_1230, %mul3A_1232 : vector<16xi32>
        %add3A_1234 = arith.addi %mul3A_1233, %and3A_60 : vector<16xi32>
        %gather3A_1235 = tpu.vector_load_idx %arg10[%shift_right_arithmetic3A_1227, %add3A_1234] : memref<5120x8xf32, #tpu.memory_space<vmem>>[vector<16xi32>, vector<16xi32>], vector<16xf32>,
        %bitcast3A_1236 = vector.bitcast %gather3A_1235 : vector<16xf32> to vector<32xbf16>
        %unpack3A_1237 = tpu.unpack_subelements %bitcast3A_1236, 0 {pack_format = #tpu.pack_format<interleaved>} : vector<32xbf16> -> vector<16xf32>
        %unpack3A_1238 = tpu.unpack_subelements %bitcast3A_1236, 1 {pack_format = #tpu.pack_format<interleaved>} : vector<32xbf16> -> vector<16xf32>
        %add3A_1239 = arith.addf %gather3A_1207, %unpack3A_1237 : vector<16xf32>
        %add3A_1240 = arith.addf %gather3A_1211, %unpack3A_1238 : vector<16xf32>
        %mul3A_1241 = arith.constant 2.000000e-01 : f32
        %mul3A_1242 = vector.broadcast %mul3A_1241 : f32 to vector<16xf32>
        %mul3A_1243 = arith.mulf %mul3A_1242, %add3A_1239 : vector<16xf32>
        %max3A_1244 = arith.maximumf %add3A_1239, %mul3A_1243 : vector<16xf32>
        %sub3A_1245 = arith.subf %max3A_1244, %gather3A_67 : vector<16xf32>
        %exp3A_1246 = math.exp %sub3A_1245 : vector<16xf32>
        %mul3A_1247 = arith.constant 2.000000e-01 : f32
        %mul3A_1248 = vector.broadcast %mul3A_1247 : f32 to vector<16xf32>
        %mul3A_1249 = arith.mulf %mul3A_1248, %add3A_1240 : vector<16xf32>
        %max3A_1250 = arith.maximumf %add3A_1240, %mul3A_1249 : vector<16xf32>
        %sub3A_1251 = arith.subf %max3A_1250, %gather3A_80 : vector<16xf32>
        %exp3A_1252 = math.exp %sub3A_1251 : vector<16xf32>
        %add3A_1253 = arith.constant 64 : i32
        %add3A_1254 = vector.broadcast %add3A_1253 : i32 to vector<16xi32>
        %add3A_1255 = arith.addi %add3A_1254, %and3A_60 : vector<16xi32>
        tpu.vector_store_idx %arg12[%add3A_203, %add3A_1203, %add3A_1255], %exp3A_1246 : memref<2x128x72xf32, #tpu.memory_space<vmem>>[vector<16xi32>, vector<16xi32>, vector<16xi32>], vector<16xf32>,
        %add3A_1256 = arith.constant 68 : i32
        %add3A_1257 = vector.broadcast %add3A_1256 : i32 to vector<16xi32>
        %add3A_1258 = arith.addi %add3A_1257, %and3A_60 : vector<16xi32>
        tpu.vector_store_idx %arg12[%add3A_203, %add3A_1203, %add3A_1258], %exp3A_1252 : memref<2x128x72xf32, #tpu.memory_space<vmem>>[vector<16xi32>, vector<16xi32>, vector<16xi32>], vector<16xf32>,
        %mul3A_1259 = arith.constant 16 : i32
        %mul3A_1260 = arith.muli %mul3A_1259, %scan3A_222 : i32
        %add3A_1261 = arith.constant 12 : i32
        %add3A_1262 = arith.addi %mul3A_1260, %add3A_1261 : i32
        %add3A_1263 = arith.constant 0 : i32
        %add3A_1264 = arith.addi %add3A_1262, %add3A_1263 : i32
        %get3A_1265 = arith.index_cast %rem3A_157 : i32 to index
        %get3A_1266 = arith.index_cast %add3A_1264 : i32 to index
        %get3A_1267 = arith.constant 0 : index
        %get3A_1268 = tpu.vector_load %arg11[%get3A_1265, %get3A_1266, %get3A_1267] {strides = array<i32>} : memref<2x128x40xf32, #tpu.memory_space<vmem>>, vector<16xf32>,
        %bitcast3A_1269 = vector.bitcast %get3A_1268 : vector<16xf32> to vector<32xbf16>
        %unpack3A_1270 = tpu.unpack_subelements %bitcast3A_1269, 0 {pack_format = #tpu.pack_format<interleaved>} : vector<32xbf16> -> vector<16xf32>
        %unpack3A_1271 = tpu.unpack_subelements %bitcast3A_1269, 1 {pack_format = #tpu.pack_format<interleaved>} : vector<32xbf16> -> vector<16xf32>
        %add3A_1272 = arith.constant 0 : i32
        %add3A_1273 = vector.broadcast %add3A_1272 : i32 to vector<16xi32>
        %add3A_1274 = arith.addi %add3A_1273, %select_n3A : vector<16xi32>
        %lt3A_1275 = arith.constant 0 : i32
        %lt3A_1276 = vector.broadcast %lt3A_1275 : i32 to vector<16xi32>
        %lt3A_1277 = arith.cmpi slt, %add3A_1274, %lt3A_1276 : vector<16xi32>
        %add3A_1278 = arith.constant 16 : i32
        %add3A_1279 = vector.broadcast %add3A_1278 : i32 to vector<16xi32>
        %add3A_1280 = arith.addi %add3A_1274, %add3A_1279 : vector<16xi32>
        %select_n3A_1281 = arith.select %lt3A_1277, %add3A_1280, %add3A_1274 : vector<16xi1>, vector<16xi32>
        %reshape3A_1282 = vector.shape_cast %select_n3A_1281 : vector<16xi32> to vector<16x1xi32>
        %gather3A_1283 = vector.shape_cast %reshape3A_1282 : vector<16x1xi32> to vector<16xi32>
        %gather3A_1284 = tpu.dynamic_gather %exp3A_1246[%gather3A_1283] in [0] : vector<16xf32>, vector<16xi32> -> vector<16xf32>
        %mul3A_1285 = arith.mulf %unpack3A_1270, %gather3A_1284 : vector<16xf32>
        %swap3A_1286 = arith.index_cast %rem3A_157 : i32 to index
        %swap3A_1287 = arith.index_cast %add3A_1264 : i32 to index
        %swap3A_1288 = arith.constant 0 : index
        %swap3A_1289 = tpu.vector_load %arg12[%swap3A_1286, %swap3A_1287, %swap3A_1288] {strides = array<i32>} : memref<2x128x72xf32, #tpu.memory_space<vmem>>, vector<16xf32>,
        tpu.vector_store %arg12[%swap3A_1286, %swap3A_1287, %swap3A_1288], %mul3A_1285 {strides = array<i32>} : memref<2x128x72xf32, #tpu.memory_space<vmem>>, vector<16xf32>,
        %mul3A_1290 = arith.mulf %unpack3A_1271, %gather3A_1284 : vector<16xf32>
        %swap3A_1291 = arith.index_cast %rem3A_157 : i32 to index
        %swap3A_1292 = arith.index_cast %add3A_1264 : i32 to index
        %swap3A_1293 = arith.constant 16 : index
        %swap3A_1294 = tpu.vector_load %arg12[%swap3A_1291, %swap3A_1292, %swap3A_1293] {strides = array<i32>} : memref<2x128x72xf32, #tpu.memory_space<vmem>>, vector<16xf32>,
        tpu.vector_store %arg12[%swap3A_1291, %swap3A_1292, %swap3A_1293], %mul3A_1290 {strides = array<i32>} : memref<2x128x72xf32, #tpu.memory_space<vmem>>, vector<16xf32>,
        %get3A_1295 = arith.index_cast %rem3A_157 : i32 to index
        %get3A_1296 = arith.index_cast %add3A_1264 : i32 to index
        %get3A_1297 = arith.constant 16 : index
        %get3A_1298 = tpu.vector_load %arg11[%get3A_1295, %get3A_1296, %get3A_1297] {strides = array<i32>} : memref<2x128x40xf32, #tpu.memory_space<vmem>>, vector<16xf32>,
        %bitcast3A_1299 = vector.bitcast %get3A_1298 : vector<16xf32> to vector<32xbf16>
        %unpack3A_1300 = tpu.unpack_subelements %bitcast3A_1299, 0 {pack_format = #tpu.pack_format<interleaved>} : vector<32xbf16> -> vector<16xf32>
        %unpack3A_1301 = tpu.unpack_subelements %bitcast3A_1299, 1 {pack_format = #tpu.pack_format<interleaved>} : vector<32xbf16> -> vector<16xf32>
        %add3A_1302 = arith.constant 0 : i32
        %add3A_1303 = vector.broadcast %add3A_1302 : i32 to vector<16xi32>
        %add3A_1304 = arith.addi %add3A_1303, %select_n3A : vector<16xi32>
        %lt3A_1305 = arith.constant 0 : i32
        %lt3A_1306 = vector.broadcast %lt3A_1305 : i32 to vector<16xi32>
        %lt3A_1307 = arith.cmpi slt, %add3A_1304, %lt3A_1306 : vector<16xi32>
        %add3A_1308 = arith.constant 16 : i32
        %add3A_1309 = vector.broadcast %add3A_1308 : i32 to vector<16xi32>
        %add3A_1310 = arith.addi %add3A_1304, %add3A_1309 : vector<16xi32>
        %select_n3A_1311 = arith.select %lt3A_1307, %add3A_1310, %add3A_1304 : vector<16xi1>, vector<16xi32>
        %reshape3A_1312 = vector.shape_cast %select_n3A_1311 : vector<16xi32> to vector<16x1xi32>
        %gather3A_1313 = vector.shape_cast %reshape3A_1312 : vector<16x1xi32> to vector<16xi32>
        %gather3A_1314 = tpu.dynamic_gather %exp3A_1252[%gather3A_1313] in [0] : vector<16xf32>, vector<16xi32> -> vector<16xf32>
        %mul3A_1315 = arith.mulf %unpack3A_1300, %gather3A_1314 : vector<16xf32>
        %swap3A_1316 = arith.index_cast %rem3A_157 : i32 to index
        %swap3A_1317 = arith.index_cast %add3A_1264 : i32 to index
        %swap3A_1318 = arith.constant 32 : index
        %swap3A_1319 = tpu.vector_load %arg12[%swap3A_1316, %swap3A_1317, %swap3A_1318] {strides = array<i32>} : memref<2x128x72xf32, #tpu.memory_space<vmem>>, vector<16xf32>,
        tpu.vector_store %arg12[%swap3A_1316, %swap3A_1317, %swap3A_1318], %mul3A_1315 {strides = array<i32>} : memref<2x128x72xf32, #tpu.memory_space<vmem>>, vector<16xf32>,
        %mul3A_1320 = arith.mulf %unpack3A_1301, %gather3A_1314 : vector<16xf32>
        %swap3A_1321 = arith.index_cast %rem3A_157 : i32 to index
        %swap3A_1322 = arith.index_cast %add3A_1264 : i32 to index
        %swap3A_1323 = arith.constant 48 : index
        %swap3A_1324 = tpu.vector_load %arg12[%swap3A_1321, %swap3A_1322, %swap3A_1323] {strides = array<i32>} : memref<2x128x72xf32, #tpu.memory_space<vmem>>, vector<16xf32>,
        tpu.vector_store %arg12[%swap3A_1321, %swap3A_1322, %swap3A_1323], %mul3A_1320 {strides = array<i32>} : memref<2x128x72xf32, #tpu.memory_space<vmem>>, vector<16xf32>,
        %mul3A_1325 = arith.constant 16 : i32
        %mul3A_1326 = arith.muli %mul3A_1325, %scan3A_222 : i32
        %add3A_1327 = arith.constant 12 : i32
        %add3A_1328 = arith.addi %mul3A_1326, %add3A_1327 : i32
        %add3A_1329 = arith.constant 1 : i32
        %add3A_1330 = arith.addi %add3A_1328, %add3A_1329 : i32
        %get3A_1331 = arith.index_cast %rem3A_157 : i32 to index
        %get3A_1332 = arith.index_cast %add3A_1330 : i32 to index
        %get3A_1333 = arith.constant 0 : index
        %get3A_1334 = tpu.vector_load %arg11[%get3A_1331, %get3A_1332, %get3A_1333] {strides = array<i32>} : memref<2x128x40xf32, #tpu.memory_space<vmem>>, vector<16xf32>,
        %bitcast3A_1335 = vector.bitcast %get3A_1334 : vector<16xf32> to vector<32xbf16>
        %unpack3A_1336 = tpu.unpack_subelements %bitcast3A_1335, 0 {pack_format = #tpu.pack_format<interleaved>} : vector<32xbf16> -> vector<16xf32>
        %unpack3A_1337 = tpu.unpack_subelements %bitcast3A_1335, 1 {pack_format = #tpu.pack_format<interleaved>} : vector<32xbf16> -> vector<16xf32>
        %add3A_1338 = arith.constant 4 : i32
        %add3A_1339 = vector.broadcast %add3A_1338 : i32 to vector<16xi32>
        %add3A_1340 = arith.addi %add3A_1339, %select_n3A : vector<16xi32>
        %lt3A_1341 = arith.constant 0 : i32
        %lt3A_1342 = vector.broadcast %lt3A_1341 : i32 to vector<16xi32>
        %lt3A_1343 = arith.cmpi slt, %add3A_1340, %lt3A_1342 : vector<16xi32>
        %add3A_1344 = arith.constant 16 : i32
        %add3A_1345 = vector.broadcast %add3A_1344 : i32 to vector<16xi32>
        %add3A_1346 = arith.addi %add3A_1340, %add3A_1345 : vector<16xi32>
        %select_n3A_1347 = arith.select %lt3A_1343, %add3A_1346, %add3A_1340 : vector<16xi1>, vector<16xi32>
        %reshape3A_1348 = vector.shape_cast %select_n3A_1347 : vector<16xi32> to vector<16x1xi32>
        %gather3A_1349 = vector.shape_cast %reshape3A_1348 : vector<16x1xi32> to vector<16xi32>
        %gather3A_1350 = tpu.dynamic_gather %exp3A_1246[%gather3A_1349] in [0] : vector<16xf32>, vector<16xi32> -> vector<16xf32>
        %mul3A_1351 = arith.mulf %unpack3A_1336, %gather3A_1350 : vector<16xf32>
        %swap3A_1352 = arith.index_cast %rem3A_157 : i32 to index
        %swap3A_1353 = arith.index_cast %add3A_1330 : i32 to index
        %swap3A_1354 = arith.constant 0 : index
        %swap3A_1355 = tpu.vector_load %arg12[%swap3A_1352, %swap3A_1353, %swap3A_1354] {strides = array<i32>} : memref<2x128x72xf32, #tpu.memory_space<vmem>>, vector<16xf32>,
        tpu.vector_store %arg12[%swap3A_1352, %swap3A_1353, %swap3A_1354], %mul3A_1351 {strides = array<i32>} : memref<2x128x72xf32, #tpu.memory_space<vmem>>, vector<16xf32>,
        %mul3A_1356 = arith.mulf %unpack3A_1337, %gather3A_1350 : vector<16xf32>
        %swap3A_1357 = arith.index_cast %rem3A_157 : i32 to index
        %swap3A_1358 = arith.index_cast %add3A_1330 : i32 to index
        %swap3A_1359 = arith.constant 16 : index
        %swap3A_1360 = tpu.vector_load %arg12[%swap3A_1357, %swap3A_1358, %swap3A_1359] {strides = array<i32>} : memref<2x128x72xf32, #tpu.memory_space<vmem>>, vector<16xf32>,
        tpu.vector_store %arg12[%swap3A_1357, %swap3A_1358, %swap3A_1359], %mul3A_1356 {strides = array<i32>} : memref<2x128x72xf32, #tpu.memory_space<vmem>>, vector<16xf32>,
        %get3A_1361 = arith.index_cast %rem3A_157 : i32 to index
        %get3A_1362 = arith.index_cast %add3A_1330 : i32 to index
        %get3A_1363 = arith.constant 16 : index
        %get3A_1364 = tpu.vector_load %arg11[%get3A_1361, %get3A_1362, %get3A_1363] {strides = array<i32>} : memref<2x128x40xf32, #tpu.memory_space<vmem>>, vector<16xf32>,
        %bitcast3A_1365 = vector.bitcast %get3A_1364 : vector<16xf32> to vector<32xbf16>
        %unpack3A_1366 = tpu.unpack_subelements %bitcast3A_1365, 0 {pack_format = #tpu.pack_format<interleaved>} : vector<32xbf16> -> vector<16xf32>
        %unpack3A_1367 = tpu.unpack_subelements %bitcast3A_1365, 1 {pack_format = #tpu.pack_format<interleaved>} : vector<32xbf16> -> vector<16xf32>
        %add3A_1368 = arith.constant 4 : i32
        %add3A_1369 = vector.broadcast %add3A_1368 : i32 to vector<16xi32>
        %add3A_1370 = arith.addi %add3A_1369, %select_n3A : vector<16xi32>
        %lt3A_1371 = arith.constant 0 : i32
        %lt3A_1372 = vector.broadcast %lt3A_1371 : i32 to vector<16xi32>
        %lt3A_1373 = arith.cmpi slt, %add3A_1370, %lt3A_1372 : vector<16xi32>
        %add3A_1374 = arith.constant 16 : i32
        %add3A_1375 = vector.broadcast %add3A_1374 : i32 to vector<16xi32>
        %add3A_1376 = arith.addi %add3A_1370, %add3A_1375 : vector<16xi32>
        %select_n3A_1377 = arith.select %lt3A_1373, %add3A_1376, %add3A_1370 : vector<16xi1>, vector<16xi32>
        %reshape3A_1378 = vector.shape_cast %select_n3A_1377 : vector<16xi32> to vector<16x1xi32>
        %gather3A_1379 = vector.shape_cast %reshape3A_1378 : vector<16x1xi32> to vector<16xi32>
        %gather3A_1380 = tpu.dynamic_gather %exp3A_1252[%gather3A_1379] in [0] : vector<16xf32>, vector<16xi32> -> vector<16xf32>
        %mul3A_1381 = arith.mulf %unpack3A_1366, %gather3A_1380 : vector<16xf32>
        %swap3A_1382 = arith.index_cast %rem3A_157 : i32 to index
        %swap3A_1383 = arith.index_cast %add3A_1330 : i32 to index
        %swap3A_1384 = arith.constant 32 : index
        %swap3A_1385 = tpu.vector_load %arg12[%swap3A_1382, %swap3A_1383, %swap3A_1384] {strides = array<i32>} : memref<2x128x72xf32, #tpu.memory_space<vmem>>, vector<16xf32>,
        tpu.vector_store %arg12[%swap3A_1382, %swap3A_1383, %swap3A_1384], %mul3A_1381 {strides = array<i32>} : memref<2x128x72xf32, #tpu.memory_space<vmem>>, vector<16xf32>,
        %mul3A_1386 = arith.mulf %unpack3A_1367, %gather3A_1380 : vector<16xf32>
        %swap3A_1387 = arith.index_cast %rem3A_157 : i32 to index
        %swap3A_1388 = arith.index_cast %add3A_1330 : i32 to index
        %swap3A_1389 = arith.constant 48 : index
        %swap3A_1390 = tpu.vector_load %arg12[%swap3A_1387, %swap3A_1388, %swap3A_1389] {strides = array<i32>} : memref<2x128x72xf32, #tpu.memory_space<vmem>>, vector<16xf32>,
        tpu.vector_store %arg12[%swap3A_1387, %swap3A_1388, %swap3A_1389], %mul3A_1386 {strides = array<i32>} : memref<2x128x72xf32, #tpu.memory_space<vmem>>, vector<16xf32>,
        %mul3A_1391 = arith.constant 16 : i32
        %mul3A_1392 = arith.muli %mul3A_1391, %scan3A_222 : i32
        %add3A_1393 = arith.constant 12 : i32
        %add3A_1394 = arith.addi %mul3A_1392, %add3A_1393 : i32
        %add3A_1395 = arith.constant 2 : i32
        %add3A_1396 = arith.addi %add3A_1394, %add3A_1395 : i32
        %get3A_1397 = arith.index_cast %rem3A_157 : i32 to index
        %get3A_1398 = arith.index_cast %add3A_1396 : i32 to index
        %get3A_1399 = arith.constant 0 : index
        %get3A_1400 = tpu.vector_load %arg11[%get3A_1397, %get3A_1398, %get3A_1399] {strides = array<i32>} : memref<2x128x40xf32, #tpu.memory_space<vmem>>, vector<16xf32>,
        %bitcast3A_1401 = vector.bitcast %get3A_1400 : vector<16xf32> to vector<32xbf16>
        %unpack3A_1402 = tpu.unpack_subelements %bitcast3A_1401, 0 {pack_format = #tpu.pack_format<interleaved>} : vector<32xbf16> -> vector<16xf32>
        %unpack3A_1403 = tpu.unpack_subelements %bitcast3A_1401, 1 {pack_format = #tpu.pack_format<interleaved>} : vector<32xbf16> -> vector<16xf32>
        %add3A_1404 = arith.constant 8 : i32
        %add3A_1405 = vector.broadcast %add3A_1404 : i32 to vector<16xi32>
        %add3A_1406 = arith.addi %add3A_1405, %select_n3A : vector<16xi32>
        %lt3A_1407 = arith.constant 0 : i32
        %lt3A_1408 = vector.broadcast %lt3A_1407 : i32 to vector<16xi32>
        %lt3A_1409 = arith.cmpi slt, %add3A_1406, %lt3A_1408 : vector<16xi32>
        %add3A_1410 = arith.constant 16 : i32
        %add3A_1411 = vector.broadcast %add3A_1410 : i32 to vector<16xi32>
        %add3A_1412 = arith.addi %add3A_1406, %add3A_1411 : vector<16xi32>
        %select_n3A_1413 = arith.select %lt3A_1409, %add3A_1412, %add3A_1406 : vector<16xi1>, vector<16xi32>
        %reshape3A_1414 = vector.shape_cast %select_n3A_1413 : vector<16xi32> to vector<16x1xi32>
        %gather3A_1415 = vector.shape_cast %reshape3A_1414 : vector<16x1xi32> to vector<16xi32>
        %gather3A_1416 = tpu.dynamic_gather %exp3A_1246[%gather3A_1415] in [0] : vector<16xf32>, vector<16xi32> -> vector<16xf32>
        %mul3A_1417 = arith.mulf %unpack3A_1402, %gather3A_1416 : vector<16xf32>
        %swap3A_1418 = arith.index_cast %rem3A_157 : i32 to index
        %swap3A_1419 = arith.index_cast %add3A_1396 : i32 to index
        %swap3A_1420 = arith.constant 0 : index
        %swap3A_1421 = tpu.vector_load %arg12[%swap3A_1418, %swap3A_1419, %swap3A_1420] {strides = array<i32>} : memref<2x128x72xf32, #tpu.memory_space<vmem>>, vector<16xf32>,
        tpu.vector_store %arg12[%swap3A_1418, %swap3A_1419, %swap3A_1420], %mul3A_1417 {strides = array<i32>} : memref<2x128x72xf32, #tpu.memory_space<vmem>>, vector<16xf32>,
        %mul3A_1422 = arith.mulf %unpack3A_1403, %gather3A_1416 : vector<16xf32>
        %swap3A_1423 = arith.index_cast %rem3A_157 : i32 to index
        %swap3A_1424 = arith.index_cast %add3A_1396 : i32 to index
        %swap3A_1425 = arith.constant 16 : index
        %swap3A_1426 = tpu.vector_load %arg12[%swap3A_1423, %swap3A_1424, %swap3A_1425] {strides = array<i32>} : memref<2x128x72xf32, #tpu.memory_space<vmem>>, vector<16xf32>,
        tpu.vector_store %arg12[%swap3A_1423, %swap3A_1424, %swap3A_1425], %mul3A_1422 {strides = array<i32>} : memref<2x128x72xf32, #tpu.memory_space<vmem>>, vector<16xf32>,
        %get3A_1427 = arith.index_cast %rem3A_157 : i32 to index
        %get3A_1428 = arith.index_cast %add3A_1396 : i32 to index
        %get3A_1429 = arith.constant 16 : index
        %get3A_1430 = tpu.vector_load %arg11[%get3A_1427, %get3A_1428, %get3A_1429] {strides = array<i32>} : memref<2x128x40xf32, #tpu.memory_space<vmem>>, vector<16xf32>,
        %bitcast3A_1431 = vector.bitcast %get3A_1430 : vector<16xf32> to vector<32xbf16>
        %unpack3A_1432 = tpu.unpack_subelements %bitcast3A_1431, 0 {pack_format = #tpu.pack_format<interleaved>} : vector<32xbf16> -> vector<16xf32>
        %unpack3A_1433 = tpu.unpack_subelements %bitcast3A_1431, 1 {pack_format = #tpu.pack_format<interleaved>} : vector<32xbf16> -> vector<16xf32>
        %add3A_1434 = arith.constant 8 : i32
        %add3A_1435 = vector.broadcast %add3A_1434 : i32 to vector<16xi32>
        %add3A_1436 = arith.addi %add3A_1435, %select_n3A : vector<16xi32>
        %lt3A_1437 = arith.constant 0 : i32
        %lt3A_1438 = vector.broadcast %lt3A_1437 : i32 to vector<16xi32>
        %lt3A_1439 = arith.cmpi slt, %add3A_1436, %lt3A_1438 : vector<16xi32>
        %add3A_1440 = arith.constant 16 : i32
        %add3A_1441 = vector.broadcast %add3A_1440 : i32 to vector<16xi32>
        %add3A_1442 = arith.addi %add3A_1436, %add3A_1441 : vector<16xi32>
        %select_n3A_1443 = arith.select %lt3A_1439, %add3A_1442, %add3A_1436 : vector<16xi1>, vector<16xi32>
        %reshape3A_1444 = vector.shape_cast %select_n3A_1443 : vector<16xi32> to vector<16x1xi32>
        %gather3A_1445 = vector.shape_cast %reshape3A_1444 : vector<16x1xi32> to vector<16xi32>
        %gather3A_1446 = tpu.dynamic_gather %exp3A_1252[%gather3A_1445] in [0] : vector<16xf32>, vector<16xi32> -> vector<16xf32>
        %mul3A_1447 = arith.mulf %unpack3A_1432, %gather3A_1446 : vector<16xf32>
        %swap3A_1448 = arith.index_cast %rem3A_157 : i32 to index
        %swap3A_1449 = arith.index_cast %add3A_1396 : i32 to index
        %swap3A_1450 = arith.constant 32 : index
        %swap3A_1451 = tpu.vector_load %arg12[%swap3A_1448, %swap3A_1449, %swap3A_1450] {strides = array<i32>} : memref<2x128x72xf32, #tpu.memory_space<vmem>>, vector<16xf32>,
        tpu.vector_store %arg12[%swap3A_1448, %swap3A_1449, %swap3A_1450], %mul3A_1447 {strides = array<i32>} : memref<2x128x72xf32, #tpu.memory_space<vmem>>, vector<16xf32>,
        %mul3A_1452 = arith.mulf %unpack3A_1433, %gather3A_1446 : vector<16xf32>
        %swap3A_1453 = arith.index_cast %rem3A_157 : i32 to index
        %swap3A_1454 = arith.index_cast %add3A_1396 : i32 to index
        %swap3A_1455 = arith.constant 48 : index
        %swap3A_1456 = tpu.vector_load %arg12[%swap3A_1453, %swap3A_1454, %swap3A_1455] {strides = array<i32>} : memref<2x128x72xf32, #tpu.memory_space<vmem>>, vector<16xf32>,
        tpu.vector_store %arg12[%swap3A_1453, %swap3A_1454, %swap3A_1455], %mul3A_1452 {strides = array<i32>} : memref<2x128x72xf32, #tpu.memory_space<vmem>>, vector<16xf32>,
        %mul3A_1457 = arith.constant 16 : i32
        %mul3A_1458 = arith.muli %mul3A_1457, %scan3A_222 : i32
        %add3A_1459 = arith.constant 12 : i32
        %add3A_1460 = arith.addi %mul3A_1458, %add3A_1459 : i32
        %add3A_1461 = arith.constant 3 : i32
        %add3A_1462 = arith.addi %add3A_1460, %add3A_1461 : i32
        %get3A_1463 = arith.index_cast %rem3A_157 : i32 to index
        %get3A_1464 = arith.index_cast %add3A_1462 : i32 to index
        %get3A_1465 = arith.constant 0 : index
        %get3A_1466 = tpu.vector_load %arg11[%get3A_1463, %get3A_1464, %get3A_1465] {strides = array<i32>} : memref<2x128x40xf32, #tpu.memory_space<vmem>>, vector<16xf32>,
        %bitcast3A_1467 = vector.bitcast %get3A_1466 : vector<16xf32> to vector<32xbf16>
        %unpack3A_1468 = tpu.unpack_subelements %bitcast3A_1467, 0 {pack_format = #tpu.pack_format<interleaved>} : vector<32xbf16> -> vector<16xf32>
        %unpack3A_1469 = tpu.unpack_subelements %bitcast3A_1467, 1 {pack_format = #tpu.pack_format<interleaved>} : vector<32xbf16> -> vector<16xf32>
        %add3A_1470 = arith.constant 12 : i32
        %add3A_1471 = vector.broadcast %add3A_1470 : i32 to vector<16xi32>
        %add3A_1472 = arith.addi %add3A_1471, %select_n3A : vector<16xi32>
        %lt3A_1473 = arith.constant 0 : i32
        %lt3A_1474 = vector.broadcast %lt3A_1473 : i32 to vector<16xi32>
        %lt3A_1475 = arith.cmpi slt, %add3A_1472, %lt3A_1474 : vector<16xi32>
        %add3A_1476 = arith.constant 16 : i32
        %add3A_1477 = vector.broadcast %add3A_1476 : i32 to vector<16xi32>
        %add3A_1478 = arith.addi %add3A_1472, %add3A_1477 : vector<16xi32>
        %select_n3A_1479 = arith.select %lt3A_1475, %add3A_1478, %add3A_1472 : vector<16xi1>, vector<16xi32>
        %reshape3A_1480 = vector.shape_cast %select_n3A_1479 : vector<16xi32> to vector<16x1xi32>
        %gather3A_1481 = vector.shape_cast %reshape3A_1480 : vector<16x1xi32> to vector<16xi32>
        %gather3A_1482 = tpu.dynamic_gather %exp3A_1246[%gather3A_1481] in [0] : vector<16xf32>, vector<16xi32> -> vector<16xf32>
        %mul3A_1483 = arith.mulf %unpack3A_1468, %gather3A_1482 : vector<16xf32>
        %swap3A_1484 = arith.index_cast %rem3A_157 : i32 to index
        %swap3A_1485 = arith.index_cast %add3A_1462 : i32 to index
        %swap3A_1486 = arith.constant 0 : index
        %swap3A_1487 = tpu.vector_load %arg12[%swap3A_1484, %swap3A_1485, %swap3A_1486] {strides = array<i32>} : memref<2x128x72xf32, #tpu.memory_space<vmem>>, vector<16xf32>,
        tpu.vector_store %arg12[%swap3A_1484, %swap3A_1485, %swap3A_1486], %mul3A_1483 {strides = array<i32>} : memref<2x128x72xf32, #tpu.memory_space<vmem>>, vector<16xf32>,
        %mul3A_1488 = arith.mulf %unpack3A_1469, %gather3A_1482 : vector<16xf32>
        %swap3A_1489 = arith.index_cast %rem3A_157 : i32 to index
        %swap3A_1490 = arith.index_cast %add3A_1462 : i32 to index
        %swap3A_1491 = arith.constant 16 : index
        %swap3A_1492 = tpu.vector_load %arg12[%swap3A_1489, %swap3A_1490, %swap3A_1491] {strides = array<i32>} : memref<2x128x72xf32, #tpu.memory_space<vmem>>, vector<16xf32>,
        tpu.vector_store %arg12[%swap3A_1489, %swap3A_1490, %swap3A_1491], %mul3A_1488 {strides = array<i32>} : memref<2x128x72xf32, #tpu.memory_space<vmem>>, vector<16xf32>,
        %get3A_1493 = arith.index_cast %rem3A_157 : i32 to index
        %get3A_1494 = arith.index_cast %add3A_1462 : i32 to index
        %get3A_1495 = arith.constant 16 : index
        %get3A_1496 = tpu.vector_load %arg11[%get3A_1493, %get3A_1494, %get3A_1495] {strides = array<i32>} : memref<2x128x40xf32, #tpu.memory_space<vmem>>, vector<16xf32>,
        %bitcast3A_1497 = vector.bitcast %get3A_1496 : vector<16xf32> to vector<32xbf16>
        %unpack3A_1498 = tpu.unpack_subelements %bitcast3A_1497, 0 {pack_format = #tpu.pack_format<interleaved>} : vector<32xbf16> -> vector<16xf32>
        %unpack3A_1499 = tpu.unpack_subelements %bitcast3A_1497, 1 {pack_format = #tpu.pack_format<interleaved>} : vector<32xbf16> -> vector<16xf32>
        %add3A_1500 = arith.constant 12 : i32
        %add3A_1501 = vector.broadcast %add3A_1500 : i32 to vector<16xi32>
        %add3A_1502 = arith.addi %add3A_1501, %select_n3A : vector<16xi32>
        %lt3A_1503 = arith.constant 0 : i32
        %lt3A_1504 = vector.broadcast %lt3A_1503 : i32 to vector<16xi32>
        %lt3A_1505 = arith.cmpi slt, %add3A_1502, %lt3A_1504 : vector<16xi32>
        %add3A_1506 = arith.constant 16 : i32
        %add3A_1507 = vector.broadcast %add3A_1506 : i32 to vector<16xi32>
        %add3A_1508 = arith.addi %add3A_1502, %add3A_1507 : vector<16xi32>
        %select_n3A_1509 = arith.select %lt3A_1505, %add3A_1508, %add3A_1502 : vector<16xi1>, vector<16xi32>
        %reshape3A_1510 = vector.shape_cast %select_n3A_1509 : vector<16xi32> to vector<16x1xi32>
        %gather3A_1511 = vector.shape_cast %reshape3A_1510 : vector<16x1xi32> to vector<16xi32>
        %gather3A_1512 = tpu.dynamic_gather %exp3A_1252[%gather3A_1511] in [0] : vector<16xf32>, vector<16xi32> -> vector<16xf32>
        %mul3A_1513 = arith.mulf %unpack3A_1498, %gather3A_1512 : vector<16xf32>
        %swap3A_1514 = arith.index_cast %rem3A_157 : i32 to index
        %swap3A_1515 = arith.index_cast %add3A_1462 : i32 to index
        %swap3A_1516 = arith.constant 32 : index
        %swap3A_1517 = tpu.vector_load %arg12[%swap3A_1514, %swap3A_1515, %swap3A_1516] {strides = array<i32>} : memref<2x128x72xf32, #tpu.memory_space<vmem>>, vector<16xf32>,
        tpu.vector_store %arg12[%swap3A_1514, %swap3A_1515, %swap3A_1516], %mul3A_1513 {strides = array<i32>} : memref<2x128x72xf32, #tpu.memory_space<vmem>>, vector<16xf32>,
        %mul3A_1518 = arith.mulf %unpack3A_1499, %gather3A_1512 : vector<16xf32>
        %swap3A_1519 = arith.index_cast %rem3A_157 : i32 to index
        %swap3A_1520 = arith.index_cast %add3A_1462 : i32 to index
        %swap3A_1521 = arith.constant 48 : index
        %swap3A_1522 = tpu.vector_load %arg12[%swap3A_1519, %swap3A_1520, %swap3A_1521] {strides = array<i32>} : memref<2x128x72xf32, #tpu.memory_space<vmem>>, vector<16xf32>,
        tpu.vector_store %arg12[%swap3A_1519, %swap3A_1520, %swap3A_1521], %mul3A_1518 {strides = array<i32>} : memref<2x128x72xf32, #tpu.memory_space<vmem>>, vector<16xf32>,
        %scan3A_1523 = arith.constant 0 : i32
        scf.yield %scan3A_1523 : i32
      }
      %scan3A_210 = arith.constant 8 : i32
      %dma_start3A_211 = arith.constant 0 : i32
      %dma_start3A_212 = arith.constant 0 : i32
      %dma_start3A_213 = tpu.memref_slice %arg12[%rem3A_157, %dma_start3A_211, %dma_start3A_212] : memref<2x128x72xf32, #tpu.memory_space<vmem>> -> memref<1x128x72xf32, #tpu.memory_space<vmem>>
      %dma_start3A_214 = tpu.memref_squeeze %dma_start3A_213 : memref<1x128x72xf32, #tpu.memory_space<vmem>> -> memref<128x72xf32, #tpu.memory_space<vmem>>
      %dma_start3A_215 = arith.constant 0 : i32
      %dma_start3A_216 = tpu.memref_slice %arg9[%rem3A_163, %dma_start3A_215] : memref<3x128xi32, #tpu.memory_space<vmem>> -> memref<1x128xi32, #tpu.memory_space<vmem>>
      %dma_start3A_217 = tpu.memref_squeeze %dma_start3A_216 : memref<1x128xi32, #tpu.memory_space<vmem>> -> memref<128xi32, #tpu.memory_space<vmem>>
      %dma_start3A_218 = arith.constant 0 : i32
      %dma_start3A_219 = arith.constant 0 : i32
      %dma_start3A_220 = tpu.memref_slice %arg15[%dma_start3A_218, %dma_start3A_219] : memref<10240x72xf32, #tpu.memory_space<vmem_shared>> -> memref<10240x72xf32, #tpu.memory_space<vmem_shared>>
      tpu.enqueue_indirect_dma source(%dma_start3A_214 : memref<128x72xf32, #tpu.memory_space<vmem>>) target(%dma_start3A_220 : memref<10240x72xf32, #tpu.memory_space<vmem_shared>>) offsets(%dma_start3A_217 : memref<128xi32, #tpu.memory_space<vmem>>) semaphore(%arg17 : memref<!tpu.dma_semaphore, #tpu.memory_space<semaphore_mem>>) {add = true}
      %scan3A_221 = arith.constant 0 : i32
      scf.yield %scan3A_221 : i32
    }
    %scan3A_116 = arith.constant 82 : i32
    %dma_wait3A_117 = arith.constant 0 : i32
    %dma_wait3A_118 = arith.constant 0 : i32
    %dma_wait3A_119 = arith.constant 0 : i32
    %dma_wait3A_120 = arith.constant 0 : i32
    %dma_wait3A_121 = tpu.memref_slice %arg12[%dma_wait3A_118, %dma_wait3A_119, %dma_wait3A_120] : memref<2x128x72xf32, #tpu.memory_space<vmem>> -> memref<1x128x72xf32, #tpu.memory_space<vmem>>
    %dma_wait3A_122 = tpu.memref_squeeze %dma_wait3A_121 : memref<1x128x72xf32, #tpu.memory_space<vmem>> -> memref<128x72xf32, #tpu.memory_space<vmem>>
    %dma_wait3A_123 = arith.constant 0 : i32
    %dma_wait3A_124 = arith.constant 0 : i32
    %dma_wait3A_125 = tpu.memref_slice %arg7[%dma_wait3A_117, %dma_wait3A_123, %dma_wait3A_124] : memref<2x10240x72xf32, #tpu.memory_space<hbm>> -> memref<1x128x72xf32, #tpu.memory_space<hbm>>
    %dma_wait3A_126 = tpu.memref_squeeze %dma_wait3A_125 : memref<1x128x72xf32, #tpu.memory_space<hbm>> -> memref<128x72xf32, #tpu.memory_space<hbm>>
    %dma_wait3A_127 = arith.constant 0 : i32
    %dma_wait3A_128 = arith.constant 0 : i32
    %dma_wait3A_129 = tpu.memref_slice %arg12[%dma_wait3A_118, %dma_wait3A_127, %dma_wait3A_128] : memref<2x128x72xf32, #tpu.memory_space<vmem>> -> memref<1x128x72xf32, #tpu.memory_space<vmem>>
    %dma_wait3A_130 = tpu.memref_squeeze %dma_wait3A_129 : memref<1x128x72xf32, #tpu.memory_space<vmem>> -> memref<128x72xf32, #tpu.memory_space<vmem>>
    %dma_wait3A_131 = arith.constant 0 : i32
    %dma_wait3A_132 = arith.constant 0 : i32
    %dma_wait3A_133 = tpu.memref_slice %arg7[%dma_wait3A_117, %dma_wait3A_131, %dma_wait3A_132] : memref<2x10240x72xf32, #tpu.memory_space<hbm>> -> memref<1x128x72xf32, #tpu.memory_space<hbm>>
    %dma_wait3A_134 = tpu.memref_squeeze %dma_wait3A_133 : memref<1x128x72xf32, #tpu.memory_space<hbm>> -> memref<128x72xf32, #tpu.memory_space<hbm>>
    tpu.wait_dma2 semaphore(%arg17 : memref<!tpu.dma_semaphore, #tpu.memory_space<semaphore_mem>>) src(%dma_wait3A_134 : memref<128x72xf32, #tpu.memory_space<hbm>>) dst(%dma_wait3A_130 : memref<128x72xf32, #tpu.memory_space<vmem>>)
    %dma_wait3A_135 = arith.constant 0 : i32
    %dma_wait3A_136 = arith.constant 1 : i32
    %dma_wait3A_137 = arith.constant 0 : i32
    %dma_wait3A_138 = arith.constant 0 : i32
    %dma_wait3A_139 = tpu.memref_slice %arg12[%dma_wait3A_136, %dma_wait3A_137, %dma_wait3A_138] : memref<2x128x72xf32, #tpu.memory_space<vmem>> -> memref<1x128x72xf32, #tpu.memory_space<vmem>>
    %dma_wait3A_140 = tpu.memref_squeeze %dma_wait3A_139 : memref<1x128x72xf32, #tpu.memory_space<vmem>> -> memref<128x72xf32, #tpu.memory_space<vmem>>
    %dma_wait3A_141 = arith.constant 0 : i32
    %dma_wait3A_142 = arith.constant 0 : i32
    %dma_wait3A_143 = tpu.memref_slice %arg7[%dma_wait3A_135, %dma_wait3A_141, %dma_wait3A_142] : memref<2x10240x72xf32, #tpu.memory_space<hbm>> -> memref<1x128x72xf32, #tpu.memory_space<hbm>>
    %dma_wait3A_144 = tpu.memref_squeeze %dma_wait3A_143 : memref<1x128x72xf32, #tpu.memory_space<hbm>> -> memref<128x72xf32, #tpu.memory_space<hbm>>
    %dma_wait3A_145 = arith.constant 0 : i32
    %dma_wait3A_146 = arith.constant 0 : i32
    %dma_wait3A_147 = tpu.memref_slice %arg12[%dma_wait3A_136, %dma_wait3A_145, %dma_wait3A_146] : memref<2x128x72xf32, #tpu.memory_space<vmem>> -> memref<1x128x72xf32, #tpu.memory_space<vmem>>
    %dma_wait3A_148 = tpu.memref_squeeze %dma_wait3A_147 : memref<1x128x72xf32, #tpu.memory_space<vmem>> -> memref<128x72xf32, #tpu.memory_space<vmem>>
    %dma_wait3A_149 = arith.constant 0 : i32
    %dma_wait3A_150 = arith.constant 0 : i32
    %dma_wait3A_151 = tpu.memref_slice %arg7[%dma_wait3A_135, %dma_wait3A_149, %dma_wait3A_150] : memref<2x10240x72xf32, #tpu.memory_space<hbm>> -> memref<1x128x72xf32, #tpu.memory_space<hbm>>
    %dma_wait3A_152 = tpu.memref_squeeze %dma_wait3A_151 : memref<1x128x72xf32, #tpu.memory_space<hbm>> -> memref<128x72xf32, #tpu.memory_space<hbm>>
    tpu.wait_dma2 semaphore(%arg17 : memref<!tpu.dma_semaphore, #tpu.memory_space<semaphore_mem>>) src(%dma_wait3A_152 : memref<128x72xf32, #tpu.memory_space<hbm>>) dst(%dma_wait3A_148 : memref<128x72xf32, #tpu.memory_space<vmem>>)
    %barrier3A_153 = arith.constant 0 : index
    tpu.barrier barrier_id(%barrier3A_153)
    "tpu.region"() ({
      %run_scoped3A = tpu.sem_alloc : memref<!tpu.dma_semaphore, #tpu.memory_space<semaphore_mem>>
      %dma_start3A_154 = arith.constant 0 : i32
      %dma_start3A_155 = tpu.memref_slice %arg7[%arg0, %mul3A_14, %dma_start3A_154] : memref<2x10240x72xf32, #tpu.memory_space<hbm>> -> memref<1x640x72xf32, #tpu.memory_space<hbm>>
      %dma_start3A_156 = tpu.memref_squeeze %dma_start3A_155 : memref<1x640x72xf32, #tpu.memory_space<hbm>> -> memref<640x72xf32, #tpu.memory_space<hbm>>
      %dma_start3A_157 = arith.constant 0 : i32
      %dma_start3A_158 = tpu.memref_slice %arg15[%mul3A_14, %dma_start3A_157] : memref<10240x72xf32, #tpu.memory_space<vmem_shared>> -> memref<640x72xf32, #tpu.memory_space<vmem_shared>>
      tpu.enqueue_dma source(%dma_start3A_158 : memref<640x72xf32, #tpu.memory_space<vmem_shared>>) target(%dma_start3A_156 : memref<640x72xf32, #tpu.memory_space<hbm>>) target_semaphore(%run_scoped3A : memref<!tpu.dma_semaphore, #tpu.memory_space<semaphore_mem>>)
      %dma_wait3A_159 = arith.constant 0 : i32
      %dma_wait3A_160 = tpu.memref_slice %arg7[%arg0, %mul3A_14, %dma_wait3A_159] : memref<2x10240x72xf32, #tpu.memory_space<hbm>> -> memref<1x640x72xf32, #tpu.memory_space<hbm>>
      %dma_wait3A_161 = tpu.memref_squeeze %dma_wait3A_160 : memref<1x640x72xf32, #tpu.memory_space<hbm>> -> memref<640x72xf32, #tpu.memory_space<hbm>>
      %dma_wait3A_162 = arith.constant 0 : i32
      %dma_wait3A_163 = tpu.memref_slice %arg15[%mul3A_14, %dma_wait3A_162] : memref<10240x72xf32, #tpu.memory_space<vmem_shared>> -> memref<640x72xf32, #tpu.memory_space<vmem_shared>>
      tpu.wait_dma2 semaphore(%run_scoped3A : memref<!tpu.dma_semaphore, #tpu.memory_space<semaphore_mem>>) src(%dma_wait3A_163 : memref<640x72xf32, #tpu.memory_space<vmem_shared>>) dst(%dma_wait3A_161 : memref<640x72xf32, #tpu.memory_space<hbm>>)
      tpu.yield
    }) : () -> ()
    return
  }
}

module attributes {stable_mosaic.version = 14 : i64} {
  func.func @_tc_pre_body(%arg0: memref<10000x128xf32, #tpu.memory_space<vmem>>, %arg1: memref<128x64xf32, #tpu.memory_space<vmem>>, %arg2: memref<64x16xf32, #tpu.memory_space<vmem>>, %arg3: memref<64x16xf32, #tpu.memory_space<vmem>>, %arg4: memref<10240x40xf32, #tpu.memory_space<vmem>>, %arg5: memref<10240x4xf32, #tpu.memory_space<vmem>>, %arg6: memref<1x16xf32, #tpu.memory_space<vmem>>) attributes {dimension_semantics = [], scalar_prefetch = 0 : i64, scratch_operands = 0 : i64, tpu.core_type = #tpu.core_type<tc>} {
    %get3A = arith.constant 0 : index
    %get3A_0 = arith.constant 0 : index
    %get3A_1 = vector.load %arg0[%get3A, %get3A_0] : memref<10000x128xf32, #tpu.memory_space<vmem>>, vector<10000x128xf32>
    %get3A_2 = arith.constant 0 : index
    %get3A_3 = arith.constant 0 : index
    %get3A_4 = vector.load %arg1[%get3A_2, %get3A_3] : memref<128x64xf32, #tpu.memory_space<vmem>>, vector<128x64xf32>
    %dot_general3A = arith.constant dense<0.000000e+00> : vector<10000x64xf32>
    %dot_general3A_5 = tpu.matmul %get3A_1, %get3A_4, %dot_general3A {dimension_numbers = #tpu.dot_dimension_numbers<[1], [0], [0], [1], [0, 0, 1, 1], [], []>, transpose_lhs_hint = false} : vector<10000x128xf32>, vector<128x64xf32>, vector<10000x64xf32> -> vector<10000x64xf32>
    %get3A_6 = arith.constant 0 : index
    %get3A_7 = arith.constant 0 : index
    %get3A_8 = vector.load %arg2[%get3A_6, %get3A_7] : memref<64x16xf32, #tpu.memory_space<vmem>>, vector<64x16xf32>
    %dot_general3A_9 = arith.constant dense<0.000000e+00> : vector<10000x16xf32>
    %dot_general3A_10 = tpu.matmul %dot_general3A_5, %get3A_8, %dot_general3A_9 {dimension_numbers = #tpu.dot_dimension_numbers<[1], [0], [0], [1], [0, 0, 1, 1], [], []>, transpose_lhs_hint = false} : vector<10000x64xf32>, vector<64x16xf32>, vector<10000x16xf32> -> vector<10000x16xf32>
    %get3A_11 = arith.constant 0 : index
    %get3A_12 = arith.constant 0 : index
    %get3A_13 = vector.load %arg3[%get3A_11, %get3A_12] : memref<64x16xf32, #tpu.memory_space<vmem>>, vector<64x16xf32>
    %dot_general3A_14 = arith.constant dense<0.000000e+00> : vector<10000x16xf32>
    %dot_general3A_15 = tpu.matmul %dot_general3A_5, %get3A_13, %dot_general3A_14 {dimension_numbers = #tpu.dot_dimension_numbers<[1], [0], [0], [1], [0, 0, 1, 1], [], []>, transpose_lhs_hint = false} : vector<10000x64xf32>, vector<64x16xf32>, vector<10000x16xf32> -> vector<10000x16xf32>
    %slice3A = vector.extract_strided_slice %dot_general3A_5 {offsets = [0, 0], sizes = [10000, 32], strides = [1, 1]} : vector<10000x64xf32> to vector<10000x32xf32>
    %slice3A_16 = vector.extract_strided_slice %dot_general3A_5 {offsets = [0, 32], sizes = [10000, 32], strides = [1, 1]} : vector<10000x64xf32> to vector<10000x32xf32>
    %bitcast_convert_type3A = tpu.bitcast %slice3A : vector<10000x32xf32> -> vector<10000x32xi32>
    %bitcast_convert_type3A_17 = tpu.bitcast %slice3A_16 : vector<10000x32xf32> -> vector<10000x32xi32>
    %add3A = arith.constant 32767 : i32
    %add3A_18 = vector.broadcast %add3A : i32 to vector<10000x32xi32>
    %add3A_19 = arith.addi %bitcast_convert_type3A, %add3A_18 : vector<10000x32xi32>
    %shift_right_arithmetic3A = arith.constant 16 : i32
    %shift_right_arithmetic3A_20 = vector.broadcast %shift_right_arithmetic3A : i32 to vector<10000x32xi32>
    %shift_right_arithmetic3A_21 = arith.shrsi %bitcast_convert_type3A, %shift_right_arithmetic3A_20 : vector<10000x32xi32>
    %and3A = arith.constant 1 : i32
    %and3A_22 = vector.broadcast %and3A : i32 to vector<10000x32xi32>
    %and3A_23 = arith.andi %shift_right_arithmetic3A_21, %and3A_22 : vector<10000x32xi32>
    %add3A_24 = arith.addi %add3A_19, %and3A_23 : vector<10000x32xi32>
    %shift_right_logical3A = arith.constant 16 : i32
    %shift_right_logical3A_25 = vector.broadcast %shift_right_logical3A : i32 to vector<10000x32xi32>
    %shift_right_logical3A_26 = arith.shrui %add3A_24, %shift_right_logical3A_25 : vector<10000x32xi32>
    %add3A_27 = arith.constant 32767 : i32
    %add3A_28 = vector.broadcast %add3A_27 : i32 to vector<10000x32xi32>
    %add3A_29 = arith.addi %bitcast_convert_type3A_17, %add3A_28 : vector<10000x32xi32>
    %shift_right_arithmetic3A_30 = arith.constant 16 : i32
    %shift_right_arithmetic3A_31 = vector.broadcast %shift_right_arithmetic3A_30 : i32 to vector<10000x32xi32>
    %shift_right_arithmetic3A_32 = arith.shrsi %bitcast_convert_type3A_17, %shift_right_arithmetic3A_31 : vector<10000x32xi32>
    %and3A_33 = arith.constant 1 : i32
    %and3A_34 = vector.broadcast %and3A_33 : i32 to vector<10000x32xi32>
    %and3A_35 = arith.andi %shift_right_arithmetic3A_32, %and3A_34 : vector<10000x32xi32>
    %add3A_36 = arith.addi %add3A_29, %and3A_35 : vector<10000x32xi32>
    %and3A_37 = arith.constant -65536 : i32
    %and3A_38 = vector.broadcast %and3A_37 : i32 to vector<10000x32xi32>
    %and3A_39 = arith.andi %add3A_36, %and3A_38 : vector<10000x32xi32>
    %or3A = arith.ori %shift_right_logical3A_26, %and3A_39 : vector<10000x32xi32>
    %bitcast_convert_type3A_40 = tpu.bitcast %or3A : vector<10000x32xi32> -> vector<10000x32xf32>
    %slice3A_41 = vector.extract_strided_slice %dot_general3A_10 {offsets = [0, 0], sizes = [10000, 8], strides = [1, 1]} : vector<10000x16xf32> to vector<10000x8xf32>
    %concatenate3A = tpu.concatenate %bitcast_convert_type3A_40, %slice3A_41 in 1 : vector<10000x32xf32>, vector<10000x8xf32> -> vector<10000x40xf32>
    %slice3A_42 = vector.extract_strided_slice %dot_general3A_15 {offsets = [0, 0], sizes = [10000, 4], strides = [1, 1]} : vector<10000x16xf32> to vector<10000x4xf32>
    %slice3A_43 = vector.extract_strided_slice %dot_general3A_15 {offsets = [0, 4], sizes = [10000, 4], strides = [1, 1]} : vector<10000x16xf32> to vector<10000x4xf32>
    %bitcast_convert_type3A_44 = tpu.bitcast %slice3A_42 : vector<10000x4xf32> -> vector<10000x4xi32>
    %bitcast_convert_type3A_45 = tpu.bitcast %slice3A_43 : vector<10000x4xf32> -> vector<10000x4xi32>
    %add3A_46 = arith.constant 32767 : i32
    %add3A_47 = vector.broadcast %add3A_46 : i32 to vector<10000x4xi32>
    %add3A_48 = arith.addi %bitcast_convert_type3A_44, %add3A_47 : vector<10000x4xi32>
    %shift_right_arithmetic3A_49 = arith.constant 16 : i32
    %shift_right_arithmetic3A_50 = vector.broadcast %shift_right_arithmetic3A_49 : i32 to vector<10000x4xi32>
    %shift_right_arithmetic3A_51 = arith.shrsi %bitcast_convert_type3A_44, %shift_right_arithmetic3A_50 : vector<10000x4xi32>
    %and3A_52 = arith.constant 1 : i32
    %and3A_53 = vector.broadcast %and3A_52 : i32 to vector<10000x4xi32>
    %and3A_54 = arith.andi %shift_right_arithmetic3A_51, %and3A_53 : vector<10000x4xi32>
    %add3A_55 = arith.addi %add3A_48, %and3A_54 : vector<10000x4xi32>
    %shift_right_logical3A_56 = arith.constant 16 : i32
    %shift_right_logical3A_57 = vector.broadcast %shift_right_logical3A_56 : i32 to vector<10000x4xi32>
    %shift_right_logical3A_58 = arith.shrui %add3A_55, %shift_right_logical3A_57 : vector<10000x4xi32>
    %add3A_59 = arith.constant 32767 : i32
    %add3A_60 = vector.broadcast %add3A_59 : i32 to vector<10000x4xi32>
    %add3A_61 = arith.addi %bitcast_convert_type3A_45, %add3A_60 : vector<10000x4xi32>
    %shift_right_arithmetic3A_62 = arith.constant 16 : i32
    %shift_right_arithmetic3A_63 = vector.broadcast %shift_right_arithmetic3A_62 : i32 to vector<10000x4xi32>
    %shift_right_arithmetic3A_64 = arith.shrsi %bitcast_convert_type3A_45, %shift_right_arithmetic3A_63 : vector<10000x4xi32>
    %and3A_65 = arith.constant 1 : i32
    %and3A_66 = vector.broadcast %and3A_65 : i32 to vector<10000x4xi32>
    %and3A_67 = arith.andi %shift_right_arithmetic3A_64, %and3A_66 : vector<10000x4xi32>
    %add3A_68 = arith.addi %add3A_61, %and3A_67 : vector<10000x4xi32>
    %and3A_69 = arith.constant -65536 : i32
    %and3A_70 = vector.broadcast %and3A_69 : i32 to vector<10000x4xi32>
    %and3A_71 = arith.andi %add3A_68, %and3A_70 : vector<10000x4xi32>
    %or3A_72 = arith.ori %shift_right_logical3A_58, %and3A_71 : vector<10000x4xi32>
    %bitcast_convert_type3A_73 = tpu.bitcast %or3A_72 : vector<10000x4xi32> -> vector<10000x4xf32>
    %broadcast_in_dim3A = arith.constant 0.000000e+00 : f32
    %broadcast_in_dim3A_74 = vector.broadcast %broadcast_in_dim3A : f32 to vector<240x40xf32>
    %concatenate3A_75 = tpu.concatenate %concatenate3A, %broadcast_in_dim3A_74 in 0 : vector<10000x40xf32>, vector<240x40xf32> -> vector<10240x40xf32>
    %swap3A = arith.constant 0 : index
    %swap3A_76 = arith.constant 0 : index
    %swap3A_77 = vector.load %arg4[%swap3A, %swap3A_76] : memref<10240x40xf32, #tpu.memory_space<vmem>>, vector<10240x40xf32>
    tpu.vector_store %arg4[%swap3A, %swap3A_76], %concatenate3A_75 {strides = array<i32>} : memref<10240x40xf32, #tpu.memory_space<vmem>>, vector<10240x40xf32>,
    %broadcast_in_dim3A_78 = arith.constant 0.000000e+00 : f32
    %broadcast_in_dim3A_79 = vector.broadcast %broadcast_in_dim3A_78 : f32 to vector<240x4xf32>
    %concatenate3A_80 = tpu.concatenate %bitcast_convert_type3A_73, %broadcast_in_dim3A_79 in 0 : vector<10000x4xf32>, vector<240x4xf32> -> vector<10240x4xf32>
    %swap3A_81 = arith.constant 0 : index
    %swap3A_82 = arith.constant 0 : index
    %swap3A_83 = vector.load %arg5[%swap3A_81, %swap3A_82] : memref<10240x4xf32, #tpu.memory_space<vmem>>, vector<10240x4xf32>
    tpu.vector_store %arg5[%swap3A_81, %swap3A_82], %concatenate3A_80 {strides = array<i32>} : memref<10240x4xf32, #tpu.memory_space<vmem>>, vector<10240x4xf32>,
    %reduce_max3A = arith.constant dense<0xFF800000> : vector<16xf32>
    %reduce_max3A_84 = vector.multi_reduction <maximumf>, %dot_general3A_10, %reduce_max3A [0] : vector<10000x16xf32> to vector<16xf32>
    %reduce_max3A_85 = arith.constant dense<0xFF800000> : vector<16xf32>
    %reduce_max3A_86 = vector.multi_reduction <maximumf>, %dot_general3A_15, %reduce_max3A_85 [0] : vector<10000x16xf32> to vector<16xf32>
    %add3A_87 = arith.addf %reduce_max3A_84, %reduce_max3A_86 : vector<16xf32>
    %mul3A = arith.constant 2.000000e-01 : f32
    %mul3A_88 = vector.broadcast %mul3A : f32 to vector<16xf32>
    %mul3A_89 = arith.mulf %mul3A_88, %add3A_87 : vector<16xf32>
    %max3A = arith.maximumf %add3A_87, %mul3A_89 : vector<16xf32>
    %reshape3A = vector.shape_cast %max3A : vector<16xf32> to vector<1x16xf32>
    %swap3A_90 = arith.constant 0 : index
    %swap3A_91 = arith.constant 0 : index
    %swap3A_92 = vector.load %arg6[%swap3A_90, %swap3A_91] : memref<1x16xf32, #tpu.memory_space<vmem>>, vector<1x16xf32>
    tpu.vector_store %arg6[%swap3A_90, %swap3A_91], %reshape3A {strides = array<i32>} : memref<1x16xf32, #tpu.memory_space<vmem>>, vector<1x16xf32>,
    return
  }
}

module attributes {stable_mosaic.version = 14 : i64} {
  func.func @_tc_post_body(%arg0: memref<2x10240x72xf32, #tpu.memory_space<vmem>>, %arg1: memref<1x64xf32, #tpu.memory_space<vmem>>, %arg2: memref<64x64xf32, #tpu.memory_space<vmem>>, %arg3: memref<10000x64xf32, #tpu.memory_space<vmem>>) attributes {dimension_semantics = [], scalar_prefetch = 0 : i64, scratch_operands = 0 : i64, tpu.core_type = #tpu.core_type<tc>} {
    %get3A = arith.constant 0 : index
    %get3A_0 = arith.constant 0 : index
    %get3A_1 = arith.constant 0 : index
    %get3A_2 = vector.load %arg0[%get3A, %get3A_0, %get3A_1] : memref<2x10240x72xf32, #tpu.memory_space<vmem>>, vector<1x10240x64xf32>
    %get3A_3 = vector.shape_cast %get3A_2 : vector<1x10240x64xf32> to vector<10240x64xf32>
    %get3A_4 = arith.constant 1 : index
    %get3A_5 = arith.constant 0 : index
    %get3A_6 = arith.constant 0 : index
    %get3A_7 = vector.load %arg0[%get3A_4, %get3A_5, %get3A_6] : memref<2x10240x72xf32, #tpu.memory_space<vmem>>, vector<1x10240x64xf32>
    %get3A_8 = vector.shape_cast %get3A_7 : vector<1x10240x64xf32> to vector<10240x64xf32>
    %add3A = arith.addf %get3A_3, %get3A_8 : vector<10240x64xf32>
    %get3A_9 = arith.constant 0 : index
    %get3A_10 = arith.constant 0 : index
    %get3A_11 = arith.constant 64 : index
    %get3A_12 = vector.load %arg0[%get3A_9, %get3A_10, %get3A_11] : memref<2x10240x72xf32, #tpu.memory_space<vmem>>, vector<1x10240x1xf32>
    %get3A_13 = vector.shape_cast %get3A_12 : vector<1x10240x1xf32> to vector<10240x1xf32>
    %get3A_14 = arith.constant 1 : index
    %get3A_15 = arith.constant 0 : index
    %get3A_16 = arith.constant 64 : index
    %get3A_17 = vector.load %arg0[%get3A_14, %get3A_15, %get3A_16] : memref<2x10240x72xf32, #tpu.memory_space<vmem>>, vector<1x10240x1xf32>
    %get3A_18 = vector.shape_cast %get3A_17 : vector<1x10240x1xf32> to vector<10240x1xf32>
    %add3A_19 = arith.addf %get3A_13, %get3A_18 : vector<10240x1xf32>
    %add3A_20 = arith.constant 1.000000e-16 : f32
    %add3A_21 = vector.broadcast %add3A_20 : f32 to vector<10240x1xf32>
    %add3A_22 = arith.addf %add3A_19, %add3A_21 : vector<10240x1xf32>
    %div3A = vector.broadcast %add3A_22 : vector<10240x1xf32> to vector<10240x64xf32>
    %div3A_23 = arith.divf %add3A, %div3A : vector<10240x64xf32>
    %get3A_24 = arith.constant 0 : index
    %get3A_25 = arith.constant 0 : index
    %get3A_26 = vector.load %arg1[%get3A_24, %get3A_25] : memref<1x64xf32, #tpu.memory_space<vmem>>, vector<1x64xf32>
    %add3A_27 = vector.broadcast %get3A_26 : vector<1x64xf32> to vector<10240x64xf32>
    %add3A_28 = arith.addf %div3A_23, %add3A_27 : vector<10240x64xf32>
    %reduce_max3A = arith.constant dense<0xFF800000> : vector<10240xf32>
    %reduce_max3A_29 = vector.multi_reduction <maximumf>, %add3A_28, %reduce_max3A [1] : vector<10240x64xf32> to vector<10240xf32>
    %broadcast_in_dim3A = vector.shape_cast %reduce_max3A_29 : vector<10240xf32> to vector<10240x1xf32>
    %sub3A = vector.broadcast %broadcast_in_dim3A : vector<10240x1xf32> to vector<10240x64xf32>
    %sub3A_30 = arith.subf %add3A_28, %sub3A : vector<10240x64xf32>
    %exp3A = math.exp %sub3A_30 : vector<10240x64xf32>
    %reduce_sum3A = arith.constant dense<0.000000e+00> : vector<10240xf32>
    %reduce_sum3A_31 = vector.multi_reduction <add>, %exp3A, %reduce_sum3A [1] : vector<10240x64xf32> to vector<10240xf32>
    %broadcast_in_dim3A_32 = vector.shape_cast %reduce_sum3A_31 : vector<10240xf32> to vector<10240x1xf32>
    %log3A = math.log %broadcast_in_dim3A_32 : vector<10240x1xf32>
    %sub3A_33 = vector.broadcast %log3A : vector<10240x1xf32> to vector<10240x64xf32>
    %sub3A_34 = arith.subf %sub3A_30, %sub3A_33 : vector<10240x64xf32>
    %get3A_35 = arith.constant 0 : index
    %get3A_36 = arith.constant 0 : index
    %get3A_37 = vector.load %arg2[%get3A_35, %get3A_36] : memref<64x64xf32, #tpu.memory_space<vmem>>, vector<64x64xf32>
    %dot_general3A = arith.constant dense<0.000000e+00> : vector<10240x64xf32>
    %dot_general3A_38 = tpu.matmul %sub3A_34, %get3A_37, %dot_general3A {dimension_numbers = #tpu.dot_dimension_numbers<[1], [0], [0], [1], [0, 0, 1, 1], [], []>, transpose_lhs_hint = false} : vector<10240x64xf32>, vector<64x64xf32>, vector<10240x64xf32> -> vector<10240x64xf32>
    %slice3A = vector.extract_strided_slice %dot_general3A_38 {offsets = [0, 0], sizes = [10000, 64], strides = [1, 1]} : vector<10240x64xf32> to vector<10000x64xf32>
    %swap3A = arith.constant 0 : index
    %swap3A_39 = arith.constant 0 : index
    %swap3A_40 = vector.load %arg3[%swap3A, %swap3A_39] : memref<10000x64xf32, #tpu.memory_space<vmem>>, vector<10000x64xf32>
    tpu.vector_store %arg3[%swap3A, %swap3A_39], %slice3A {strides = array<i32>} : memref<10000x64xf32, #tpu.memory_space<vmem>>, vector<10000x64xf32>,
    return
  }
}

module attributes {stable_mosaic.version = 14 : i64} {
  func.func @_tc_mid_body(%arg0: memref<2x10240x72xf32, #tpu.memory_space<vmem>>, %arg1: memref<1x64xf32, #tpu.memory_space<vmem>>, %arg2: memref<8x64xf32, #tpu.memory_space<vmem>>, %arg3: memref<64x64xf32, #tpu.memory_space<vmem>>, %arg4: memref<64x16xf32, #tpu.memory_space<vmem>>, %arg5: memref<64x16xf32, #tpu.memory_space<vmem>>, %arg6: memref<10240x40xf32, #tpu.memory_space<vmem>>, %arg7: memref<10240x4xf32, #tpu.memory_space<vmem>>, %arg8: memref<1x16xf32, #tpu.memory_space<vmem>>) attributes {dimension_semantics = [], scalar_prefetch = 0 : i64, scratch_operands = 0 : i64, tpu.core_type = #tpu.core_type<tc>} {
    %get3A = arith.constant 0 : index
    %get3A_0 = arith.constant 0 : index
    %get3A_1 = arith.constant 0 : index
    %get3A_2 = vector.load %arg0[%get3A, %get3A_0, %get3A_1] : memref<2x10240x72xf32, #tpu.memory_space<vmem>>, vector<1x10240x64xf32>
    %get3A_3 = vector.shape_cast %get3A_2 : vector<1x10240x64xf32> to vector<10240x64xf32>
    %get3A_4 = arith.constant 1 : index
    %get3A_5 = arith.constant 0 : index
    %get3A_6 = arith.constant 0 : index
    %get3A_7 = vector.load %arg0[%get3A_4, %get3A_5, %get3A_6] : memref<2x10240x72xf32, #tpu.memory_space<vmem>>, vector<1x10240x64xf32>
    %get3A_8 = vector.shape_cast %get3A_7 : vector<1x10240x64xf32> to vector<10240x64xf32>
    %add3A = arith.addf %get3A_3, %get3A_8 : vector<10240x64xf32>
    %get3A_9 = arith.constant 0 : index
    %get3A_10 = arith.constant 0 : index
    %get3A_11 = arith.constant 64 : index
    %get3A_12 = vector.load %arg0[%get3A_9, %get3A_10, %get3A_11] : memref<2x10240x72xf32, #tpu.memory_space<vmem>>, vector<1x10240x8xf32>
    %get3A_13 = vector.shape_cast %get3A_12 : vector<1x10240x8xf32> to vector<10240x8xf32>
    %get3A_14 = arith.constant 1 : index
    %get3A_15 = arith.constant 0 : index
    %get3A_16 = arith.constant 64 : index
    %get3A_17 = vector.load %arg0[%get3A_14, %get3A_15, %get3A_16] : memref<2x10240x72xf32, #tpu.memory_space<vmem>>, vector<1x10240x8xf32>
    %get3A_18 = vector.shape_cast %get3A_17 : vector<1x10240x8xf32> to vector<10240x8xf32>
    %add3A_19 = arith.addf %get3A_13, %get3A_18 : vector<10240x8xf32>
    %get3A_20 = arith.constant 0 : index
    %get3A_21 = arith.constant 0 : index
    %get3A_22 = vector.load %arg2[%get3A_20, %get3A_21] : memref<8x64xf32, #tpu.memory_space<vmem>>, vector<8x64xf32>
    %dot_general3A = arith.constant dense<0.000000e+00> : vector<10240x64xf32>
    %dot_general3A_23 = tpu.matmul %add3A_19, %get3A_22, %dot_general3A {dimension_numbers = #tpu.dot_dimension_numbers<[1], [0], [0], [1], [0, 0, 1, 1], [], []>, transpose_lhs_hint = false} : vector<10240x8xf32>, vector<8x64xf32>, vector<10240x64xf32> -> vector<10240x64xf32>
    %add3A_24 = arith.constant 1.000000e-16 : f32
    %add3A_25 = vector.broadcast %add3A_24 : f32 to vector<10240x64xf32>
    %add3A_26 = arith.addf %dot_general3A_23, %add3A_25 : vector<10240x64xf32>
    %div3A = arith.divf %add3A, %add3A_26 : vector<10240x64xf32>
    %get3A_27 = arith.constant 0 : index
    %get3A_28 = arith.constant 0 : index
    %get3A_29 = vector.load %arg1[%get3A_27, %get3A_28] : memref<1x64xf32, #tpu.memory_space<vmem>>, vector<1x64xf32>
    %add3A_30 = vector.broadcast %get3A_29 : vector<1x64xf32> to vector<10240x64xf32>
    %add3A_31 = arith.addf %div3A, %add3A_30 : vector<10240x64xf32>
    %gt3A = arith.constant 0.000000e+00 : f32
    %gt3A_32 = vector.broadcast %gt3A : f32 to vector<10240x64xf32>
    %gt3A_33 = arith.cmpf ogt, %add3A_31, %gt3A_32 : vector<10240x64xf32>
    %min3A = arith.constant 0.000000e+00 : f32
    %min3A_34 = vector.broadcast %min3A : f32 to vector<10240x64xf32>
    %min3A_35 = arith.minimumf %add3A_31, %min3A_34 : vector<10240x64xf32>
    %exp3A = math.exp %min3A_35 : vector<10240x64xf32>
    %sub3A = arith.constant 1.000000e+00 : f32
    %sub3A_36 = vector.broadcast %sub3A : f32 to vector<10240x64xf32>
    %sub3A_37 = arith.subf %exp3A, %sub3A_36 : vector<10240x64xf32>
    %select_n3A = arith.select %gt3A_33, %add3A_31, %sub3A_37 : vector<10240x64xi1>, vector<10240x64xf32>
    %get3A_38 = arith.constant 0 : index
    %get3A_39 = arith.constant 0 : index
    %get3A_40 = vector.load %arg3[%get3A_38, %get3A_39] : memref<64x64xf32, #tpu.memory_space<vmem>>, vector<64x64xf32>
    %dot_general3A_41 = arith.constant dense<0.000000e+00> : vector<10240x64xf32>
    %dot_general3A_42 = tpu.matmul %select_n3A, %get3A_40, %dot_general3A_41 {dimension_numbers = #tpu.dot_dimension_numbers<[1], [0], [0], [1], [0, 0, 1, 1], [], []>, transpose_lhs_hint = false} : vector<10240x64xf32>, vector<64x64xf32>, vector<10240x64xf32> -> vector<10240x64xf32>
    %get3A_43 = arith.constant 0 : index
    %get3A_44 = arith.constant 0 : index
    %get3A_45 = vector.load %arg4[%get3A_43, %get3A_44] : memref<64x16xf32, #tpu.memory_space<vmem>>, vector<64x16xf32>
    %dot_general3A_46 = arith.constant dense<0.000000e+00> : vector<10240x16xf32>
    %dot_general3A_47 = tpu.matmul %dot_general3A_42, %get3A_45, %dot_general3A_46 {dimension_numbers = #tpu.dot_dimension_numbers<[1], [0], [0], [1], [0, 0, 1, 1], [], []>, transpose_lhs_hint = false} : vector<10240x64xf32>, vector<64x16xf32>, vector<10240x16xf32> -> vector<10240x16xf32>
    %get3A_48 = arith.constant 0 : index
    %get3A_49 = arith.constant 0 : index
    %get3A_50 = vector.load %arg5[%get3A_48, %get3A_49] : memref<64x16xf32, #tpu.memory_space<vmem>>, vector<64x16xf32>
    %dot_general3A_51 = arith.constant dense<0.000000e+00> : vector<10240x16xf32>
    %dot_general3A_52 = tpu.matmul %dot_general3A_42, %get3A_50, %dot_general3A_51 {dimension_numbers = #tpu.dot_dimension_numbers<[1], [0], [0], [1], [0, 0, 1, 1], [], []>, transpose_lhs_hint = false} : vector<10240x64xf32>, vector<64x16xf32>, vector<10240x16xf32> -> vector<10240x16xf32>
    %slice3A = vector.extract_strided_slice %dot_general3A_42 {offsets = [0, 0], sizes = [10240, 32], strides = [1, 1]} : vector<10240x64xf32> to vector<10240x32xf32>
    %slice3A_53 = vector.extract_strided_slice %dot_general3A_42 {offsets = [0, 32], sizes = [10240, 32], strides = [1, 1]} : vector<10240x64xf32> to vector<10240x32xf32>
    %bitcast_convert_type3A = tpu.bitcast %slice3A : vector<10240x32xf32> -> vector<10240x32xi32>
    %bitcast_convert_type3A_54 = tpu.bitcast %slice3A_53 : vector<10240x32xf32> -> vector<10240x32xi32>
    %add3A_55 = arith.constant 32767 : i32
    %add3A_56 = vector.broadcast %add3A_55 : i32 to vector<10240x32xi32>
    %add3A_57 = arith.addi %bitcast_convert_type3A, %add3A_56 : vector<10240x32xi32>
    %shift_right_arithmetic3A = arith.constant 16 : i32
    %shift_right_arithmetic3A_58 = vector.broadcast %shift_right_arithmetic3A : i32 to vector<10240x32xi32>
    %shift_right_arithmetic3A_59 = arith.shrsi %bitcast_convert_type3A, %shift_right_arithmetic3A_58 : vector<10240x32xi32>
    %and3A = arith.constant 1 : i32
    %and3A_60 = vector.broadcast %and3A : i32 to vector<10240x32xi32>
    %and3A_61 = arith.andi %shift_right_arithmetic3A_59, %and3A_60 : vector<10240x32xi32>
    %add3A_62 = arith.addi %add3A_57, %and3A_61 : vector<10240x32xi32>
    %shift_right_logical3A = arith.constant 16 : i32
    %shift_right_logical3A_63 = vector.broadcast %shift_right_logical3A : i32 to vector<10240x32xi32>
    %shift_right_logical3A_64 = arith.shrui %add3A_62, %shift_right_logical3A_63 : vector<10240x32xi32>
    %add3A_65 = arith.constant 32767 : i32
    %add3A_66 = vector.broadcast %add3A_65 : i32 to vector<10240x32xi32>
    %add3A_67 = arith.addi %bitcast_convert_type3A_54, %add3A_66 : vector<10240x32xi32>
    %shift_right_arithmetic3A_68 = arith.constant 16 : i32
    %shift_right_arithmetic3A_69 = vector.broadcast %shift_right_arithmetic3A_68 : i32 to vector<10240x32xi32>
    %shift_right_arithmetic3A_70 = arith.shrsi %bitcast_convert_type3A_54, %shift_right_arithmetic3A_69 : vector<10240x32xi32>
    %and3A_71 = arith.constant 1 : i32
    %and3A_72 = vector.broadcast %and3A_71 : i32 to vector<10240x32xi32>
    %and3A_73 = arith.andi %shift_right_arithmetic3A_70, %and3A_72 : vector<10240x32xi32>
    %add3A_74 = arith.addi %add3A_67, %and3A_73 : vector<10240x32xi32>
    %and3A_75 = arith.constant -65536 : i32
    %and3A_76 = vector.broadcast %and3A_75 : i32 to vector<10240x32xi32>
    %and3A_77 = arith.andi %add3A_74, %and3A_76 : vector<10240x32xi32>
    %or3A = arith.ori %shift_right_logical3A_64, %and3A_77 : vector<10240x32xi32>
    %bitcast_convert_type3A_78 = tpu.bitcast %or3A : vector<10240x32xi32> -> vector<10240x32xf32>
    %slice3A_79 = vector.extract_strided_slice %dot_general3A_47 {offsets = [0, 0], sizes = [10240, 8], strides = [1, 1]} : vector<10240x16xf32> to vector<10240x8xf32>
    %concatenate3A = tpu.concatenate %bitcast_convert_type3A_78, %slice3A_79 in 1 : vector<10240x32xf32>, vector<10240x8xf32> -> vector<10240x40xf32>
    %slice3A_80 = vector.extract_strided_slice %dot_general3A_52 {offsets = [0, 0], sizes = [10240, 4], strides = [1, 1]} : vector<10240x16xf32> to vector<10240x4xf32>
    %slice3A_81 = vector.extract_strided_slice %dot_general3A_52 {offsets = [0, 4], sizes = [10240, 4], strides = [1, 1]} : vector<10240x16xf32> to vector<10240x4xf32>
    %bitcast_convert_type3A_82 = tpu.bitcast %slice3A_80 : vector<10240x4xf32> -> vector<10240x4xi32>
    %bitcast_convert_type3A_83 = tpu.bitcast %slice3A_81 : vector<10240x4xf32> -> vector<10240x4xi32>
    %add3A_84 = arith.constant 32767 : i32
    %add3A_85 = vector.broadcast %add3A_84 : i32 to vector<10240x4xi32>
    %add3A_86 = arith.addi %bitcast_convert_type3A_82, %add3A_85 : vector<10240x4xi32>
    %shift_right_arithmetic3A_87 = arith.constant 16 : i32
    %shift_right_arithmetic3A_88 = vector.broadcast %shift_right_arithmetic3A_87 : i32 to vector<10240x4xi32>
    %shift_right_arithmetic3A_89 = arith.shrsi %bitcast_convert_type3A_82, %shift_right_arithmetic3A_88 : vector<10240x4xi32>
    %and3A_90 = arith.constant 1 : i32
    %and3A_91 = vector.broadcast %and3A_90 : i32 to vector<10240x4xi32>
    %and3A_92 = arith.andi %shift_right_arithmetic3A_89, %and3A_91 : vector<10240x4xi32>
    %add3A_93 = arith.addi %add3A_86, %and3A_92 : vector<10240x4xi32>
    %shift_right_logical3A_94 = arith.constant 16 : i32
    %shift_right_logical3A_95 = vector.broadcast %shift_right_logical3A_94 : i32 to vector<10240x4xi32>
    %shift_right_logical3A_96 = arith.shrui %add3A_93, %shift_right_logical3A_95 : vector<10240x4xi32>
    %add3A_97 = arith.constant 32767 : i32
    %add3A_98 = vector.broadcast %add3A_97 : i32 to vector<10240x4xi32>
    %add3A_99 = arith.addi %bitcast_convert_type3A_83, %add3A_98 : vector<10240x4xi32>
    %shift_right_arithmetic3A_100 = arith.constant 16 : i32
    %shift_right_arithmetic3A_101 = vector.broadcast %shift_right_arithmetic3A_100 : i32 to vector<10240x4xi32>
    %shift_right_arithmetic3A_102 = arith.shrsi %bitcast_convert_type3A_83, %shift_right_arithmetic3A_101 : vector<10240x4xi32>
    %and3A_103 = arith.constant 1 : i32
    %and3A_104 = vector.broadcast %and3A_103 : i32 to vector<10240x4xi32>
    %and3A_105 = arith.andi %shift_right_arithmetic3A_102, %and3A_104 : vector<10240x4xi32>
    %add3A_106 = arith.addi %add3A_99, %and3A_105 : vector<10240x4xi32>
    %and3A_107 = arith.constant -65536 : i32
    %and3A_108 = vector.broadcast %and3A_107 : i32 to vector<10240x4xi32>
    %and3A_109 = arith.andi %add3A_106, %and3A_108 : vector<10240x4xi32>
    %or3A_110 = arith.ori %shift_right_logical3A_96, %and3A_109 : vector<10240x4xi32>
    %bitcast_convert_type3A_111 = tpu.bitcast %or3A_110 : vector<10240x4xi32> -> vector<10240x4xf32>
    %swap3A = arith.constant 0 : index
    %swap3A_112 = arith.constant 0 : index
    %swap3A_113 = vector.load %arg6[%swap3A, %swap3A_112] : memref<10240x40xf32, #tpu.memory_space<vmem>>, vector<10240x40xf32>
    tpu.vector_store %arg6[%swap3A, %swap3A_112], %concatenate3A {strides = array<i32>} : memref<10240x40xf32, #tpu.memory_space<vmem>>, vector<10240x40xf32>,
    %swap3A_114 = arith.constant 0 : index
    %swap3A_115 = arith.constant 0 : index
    %swap3A_116 = vector.load %arg7[%swap3A_114, %swap3A_115] : memref<10240x4xf32, #tpu.memory_space<vmem>>, vector<10240x4xf32>
    tpu.vector_store %arg7[%swap3A_114, %swap3A_115], %bitcast_convert_type3A_111 {strides = array<i32>} : memref<10240x4xf32, #tpu.memory_space<vmem>>, vector<10240x4xf32>,
    %reduce_max3A = arith.constant dense<0xFF800000> : vector<16xf32>
    %reduce_max3A_117 = vector.multi_reduction <maximumf>, %dot_general3A_47, %reduce_max3A [0] : vector<10240x16xf32> to vector<16xf32>
    %reduce_max3A_118 = arith.constant dense<0xFF800000> : vector<16xf32>
    %reduce_max3A_119 = vector.multi_reduction <maximumf>, %dot_general3A_52, %reduce_max3A_118 [0] : vector<10240x16xf32> to vector<16xf32>
    %add3A_120 = arith.addf %reduce_max3A_117, %reduce_max3A_119 : vector<16xf32>
    %mul3A = arith.constant 2.000000e-01 : f32
    %mul3A_121 = vector.broadcast %mul3A : f32 to vector<16xf32>
    %mul3A_122 = arith.mulf %mul3A_121, %add3A_120 : vector<16xf32>
    %max3A = arith.maximumf %add3A_120, %mul3A_122 : vector<16xf32>
    %reshape3A = vector.shape_cast %max3A : vector<16xf32> to vector<1x16xf32>
    %swap3A_123 = arith.constant 0 : index
    %swap3A_124 = arith.constant 0 : index
    %swap3A_125 = vector.load %arg8[%swap3A_123, %swap3A_124] : memref<1x16xf32, #tpu.memory_space<vmem>>, vector<1x16xf32>
    tpu.vector_store %arg8[%swap3A_123, %swap3A_124], %reshape3A {strides = array<i32>} : memref<1x16xf32, #tpu.memory_space<vmem>>, vector<1x16xf32>,
    return
  }
}

</mosaic_0001>

<sc_bundles>
// kernel: kernel.10.cloned.1.call-start
scs
__scs_entry_jumppad:
0x0: {  	(pc) =	sbr.rel $0x88, $3  }
0x1: {  	(tag) =	ssettag $0x0;
	lr =	simm.s32 $0x1  }
0x2: {  	[smem:$0x3F97] =	sst lr;
	_ =	strace $0xD0000000  }
0x3: {  	_ = 	snop  }
0x4: {  	_ = 	snop  }
0x5: {  	_ = 	snop  }
0x6: {  	_ = 	snop  }
0x7: {  	_ = 	snop  }
__scs_overlays_trampoline_lowered:
0x8: {  	[smem:$0x3FA6] =	sst s0  }
0x9: {  	[smem:$0x3FA7] =	sst s1  }
0xa: {  	[smem:$0x3FA8] =	sst s2  }
0xb: {  	[smem:$0x3FA9] =	sst s3  }
0xc: {  	[smem:$0x3FAA] =	sst s4  }
0xd: {  	[smem:$0x3FAB] =	sst s5  }
0xe: {  	[smem:$0x3FAC] =	sst s6  }
0xf: {  	[smem:$0x3FAD] =	sst s7  }
0x10: {  	[smem:$0x3FAE] =	sst s8  }
0x11: {  	[smem:$0x3FAF] =	sst s9;
	s0 =	simm.s32 @!p0 $0x0  }
0x12: {  	s1 =	sld [smem:$0x3F95];
	s0 =	simm.s32 @p0 $0x1  }
0x13: {  	[smem:$0x3FB0] =	sst s0;
	s0 =	simm.s32 @!p1 $0x0  }
0x14: {  	s2 =	sld [smem:$0x3F94];
	s0 =	simm.s32 @p1 $0x1  }
0x15: {  	[smem:$0x3FB1] =	sst s0;
	s0 =	simm.s32 @!p2 $0x0  }
0x16: {  	s3 =	sld [smem:$0x3FDB];
	s0 =	simm.s32 @p2 $0x1  }
0x17: {  	s4 =	simm.s32 $0x1BF5;
	[smem:$0x3FB3] =	sst s0  }
0x18: {  	s0 =	sld [smem:$0x3F96];
	_ =	swait.ge [sflag:s4], $0x0  }
0x19: {  	s7 =	sld [smem:$0x3F97]  }
0x1a: {  	s8 =	sadd.s32 $0xFFFFE003, lr  }
0x1b: {  	s9 =	sadd.s32 $0xFFFFFEF7, lr;
	s5 =	simm.s32 $0xFFFFFFFF;
	p2 =	slt.u32 s8, $0xFFFFF086  }
0x1c: {  	p1 =	slt.u32 s9, $0xF7A;
	s5 =	simm.s32 @!p2 $0x0  }
0x1d: {  	s5 =	simm.s32 @p1 $0x1;
	p0 =	seq.s32 s7, s2  }
0x1e: {  	s7 =	smul.u32 @!p0 $0xF7A, s2;
	p2 =	seq.s32 @!p0 s5, $0x0  }
0x1f: {  	s9 =	smul.u32 $0xF7A, s1;
	s8 =	simm.s32 @!p0 $0x1BF5;
	p2 =	por !p2, p0  }
0x20: {  	[sflag:s8] =	ssyncset.s32 @!p0 $0xFFFFF086;
	s6 =	sadd.s32 @!p0 s3, s7;
	s7 =	simm.s32 @!p0 $0x108  }
0x21: {  	s3 =	sadd.s32 s3, s9;
	s6 =	sadd.s32 @!p0 $0x88, s6;
	s7 =	simm.s32 @p2 $0x1082  }
0x22: {  	[simem:s7], [sflag:s8] =	dma.local @!p0 [hbm:s6], $0xF7A  }
0x23: {  	s9 =	sor.u32 $0xD0000000, s2;
	s6 =	simm.s32 $0x108;
	_ =	swait.ge @!p0 [sflag:s8], $0x0  }
0x24: {  	s3 =	sadd.s32 $0x88, s3;
	s6 =	simm.s32 @!p1 $0x1082;
	[sflag:s4] =	ssyncset.s32 $0xFFFFF086  }
0x25: {  	[simem:s6], [sflag:s4] =	dma.local [hbm:s3], $0xF7A  }
0x26: {  	[smem:$0x3F97] =	sst s1;
	(tag) =	ssettag s2;
	_ =	strace s9  }
0x27: {  	s1 =	sld [smem:$0x3FA7]  }
0x28: {  	s2 =	sld [smem:$0x3FA8]  }
0x29: {  	s4 =	sld [smem:$0x3FAA]  }
0x2a: {  	p0 =	seq.s32 s5, $0x0;
	s5 =	sld [smem:$0x3FAB]  }
0x2b: {  	s6 =	sld [smem:$0x3FAC]  }
0x2c: {  	s7 =	sld [smem:$0x3FAD]  }
0x2d: {  	s3 =	simm.s32 $0x108;
	s8 =	sld [smem:$0x3FAE]  }
0x2e: {  	s3 =	simm.s32 @!p0 $0x1082;
	s9 =	sld [smem:$0x3FAF]  }
0x2f: {  	lr =	sadd.s32 s0, s3;
	s0 =	sld [smem:$0x3FA6]  }
0x30: {  	s3 =	sld [smem:$0x3FA9]  }
0x31: {  	[smem:$0x3FB2] =	sst s10  }
0x32: {  	s10 =	sld [smem:$0x3FB0];
	_ =	sdelay $0x3  }
0x33: {  	p0 =	seq.s32 s10, $0x1;
	s10 =	sld [smem:$0x3FB2];
	_ =	sdelay $0x3  }
0x34: {  	[smem:$0x3FB2] =	sst s10  }
0x35: {  	s10 =	sld [smem:$0x3FB1];
	_ =	sdelay $0x3  }
0x36: {  	p1 =	seq.s32 s10, $0x1;
	s10 =	sld [smem:$0x3FB2];
	_ =	sdelay $0x3  }
0x37: {  	[smem:$0x3FB2] =	sst s10  }
0x38: {  	s10 =	sld [smem:$0x3FB3]  }
0x39: {  	_ = 	snop;
	(pc) =	sbr.ind lr, $3  }
0x3a: {  	_ = 	snop  }
0x3b: {  	_ = 	snop  }
0x3c: {  	p2 =	seq.s32 s10, $0x1;
	s10 =	sld [smem:$0x3FB2]  }
0x3d: {  	_ =	shalt  }
0x3e: {  	_ =	shalt  }
0x3f: {  	_ =	shalt  }
0x40: {  	_ =	shalt  }
0x41: {  	_ =	shalt  }
0x42: {  	_ =	shalt  }
0x43: {  	_ =	shalt  }
0x44: {  	_ =	shalt  }
0x45: {  	_ =	shalt  }
0x46: {  	_ =	shalt  }
0x47: {  	_ =	shalt  }
0x48: {  	_ =	shalt  }
0x49: {  	_ =	shalt  }
0x4a: {  	_ =	shalt  }
0x4b: {  	_ =	shalt  }
0x4c: {  	_ =	shalt  }
0x4d: {  	_ =	shalt  }
0x4e: {  	_ =	shalt  }
0x4f: {  	_ =	shalt  }
0x50: {  	_ =	shalt  }
0x51: {  	_ =	shalt  }
0x52: {  	_ =	shalt  }
0x53: {  	_ =	shalt  }
0x54: {  	_ =	shalt  }
0x55: {  	_ =	shalt  }
0x56: {  	_ =	shalt  }
0x57: {  	_ =	shalt  }
0x58: {  	_ =	shalt  }
0x59: {  	_ =	shalt  }
0x5a: {  	_ =	shalt  }
0x5b: {  	_ =	shalt  }
0x5c: {  	_ =	shalt  }
0x5d: {  	_ =	shalt  }
0x5e: {  	_ =	shalt  }
0x5f: {  	_ =	shalt  }
0x60: {  	_ =	shalt  }
0x61: {  	_ =	shalt  }
0x62: {  	_ =	shalt  }
0x63: {  	_ =	shalt  }
0x64: {  	_ =	shalt  }
0x65: {  	_ =	shalt  }
0x66: {  	_ =	shalt  }
0x67: {  	_ =	shalt  }
0x68: {  	_ =	shalt  }
0x69: {  	_ =	shalt  }
0x6a: {  	_ =	shalt  }
0x6b: {  	_ =	shalt  }
0x6c: {  	_ =	shalt  }
0x6d: {  	_ =	shalt  }
0x6e: {  	_ =	shalt  }
0x6f: {  	_ =	shalt  }
0x70: {  	_ =	shalt  }
0x71: {  	_ =	shalt  }
0x72: {  	_ =	shalt  }
0x73: {  	_ =	shalt  }
0x74: {  	_ =	shalt  }
0x75: {  	_ =	shalt  }
0x76: {  	_ =	shalt  }
0x77: {  	_ =	shalt  }
0x78: {  	_ =	shalt  }
0x79: {  	_ =	shalt  }
0x7a: {  	_ =	shalt  }
0x7b: {  	_ =	shalt  }
0x7c: {  	_ =	shalt  }
0x7d: {  	_ =	shalt  }
0x7e: {  	_ =	shalt  }
0x7f: {  	_ =	shalt  }
0x80: {  	_ =	shalt  }
0x81: {  	_ =	shalt  }
0x82: {  	_ =	shalt  }
0x83: {  	_ =	shalt  }
0x84: {  	_ =	shalt  }
0x85: {  	_ =	shalt  }
0x86: {  	_ =	shalt  }
0x87: {  	_ =	shalt  }
.Lfunc_end0:
.L_simem_size_0:
called_computation.1_lowered:
.L_overlay_start_0:
0x88: {  	s2 =	sld [smem:$0x3FD9]  }
0x89: {  	s3 =	sld [smem:$0x3FFE];
	_ =	sdelay $0x1  }
0x8a: {  	s1 =	srdreg.scid  }
0x8b: {  	s0 =	sand.u32 $0x1, s1  }
0x8c: {  	s17 =	sshll.u32 s0, $0xA;
	s2 =	sadd.s32 s3, s2  }
0x8d: {  	s2 =	sadd.s32 s2, s17  }
0x8e: {  	[smem:$0x3FBE] =	sst s2  }
0x8f: {  	_ = 	snop  }
0x90: {  	s2 =	sld [smem:$0x3FD0];
	(tm) =	ssettm $0x1  }
0x91: {  	s18 =	sld [smem:$0x3FFB];
	_ =	sdelay $0x3  }
0x92: {  	_ =	strace s18  }
0x93: {  	s3 =	sld [smem:$0x3FFC];
	_ =	sdelay $0x3  }
0x94: {  	_ =	strace s3  }
0x95: {  	s3 =	sld [smem:$0x3FFD];
	_ =	sdelay $0x3  }
0x96: {  	_ =	strace s3  }
0x97: {  	_ =	strace $0x8FFFFFFF  }
0x98: {  	s19 =	sld [smem:$0x3FDB];
	_ =	sdelay $0x1  }
0x99: {  	s4 =	simm.s32 $_scs_section_size  }
0x9a: {  	s5 =	simm.s32 $_size__tile_overlayer_lowered;
	s6 =	simm.s32 $_tile_overlayer_lowered  }
0x9b: {  	s22 =	simm.s32 $0x1BFF;
	s21 =	sshll.u32 s6, $0x1;
	s3 =	sadd.s32 s4, s19  }
0x9c: {  	s7 =	simm.s32 $0x0;
	s20 =	sshll.u32 s5, $0x1;
	s5 =	sadd.s32 s21, s3  }
0x9d: {  	[timem:s7], [sflag:s22] =	dma.local [hbm:s5], s20  }
0x9e: {  	_ =	swait.ge [sflag:s22], s20  }
0x9f: {  	s4 =	ssub.s32 $0x0, s20;
	[sflag:s22] =	ssyncset.done $0x0  }
0xa0: {  	[sflag:s22] =	ssyncadd.s32 s4;
	_ =	sdelay $0x1  }
0xa1: {  	s23 =	simm.s32 $0x1B8B  }
0xa2: {  	_ =	swait.ge [sflag:s23], $0x1  }
0xa3: {  	[sflag:s23] =	ssyncset.done $0x0  }
0xa4: {  	s25 =	simm.s32 $0x1B8E;
	s24 =	sld [smem:$0x3FFE];
	[sflag:s23] =	ssyncadd.s32 $0xFFFFFFFF  }
0xa5: {  	s26 =	simm.s32 $execute0_lowered;
	[smem:$0x3FD2] =	sst s25  }
0xa6: {  	s5 =	sshll.u32 s26, $0x1;
	_ =	strace $0x80000049;
	[dreg:$0x1] =	wrdreg $0xFFFFFFFF  }
0xa7: {  	s28 =	simm.s32 $_size_execute0_lowered;
	s3 =	sadd.s32 s3, s5;
	[dreg:$0x0] =	wrdreg $0x0  }
0xa8: {  	s5 =	sshll.u32 s28, $0x1;
	[dreg:$0x2] =	wrdreg s3  }
0xa9: {  	[dreg:$0x3] =	wrdreg s5  }
0xaa: {  	[dreg:$0x4] =	wrdreg $0xC0  }
0xab: {  	_ =	task [dreg:s7], $0x5FFFF  }
0xac: {  	[dreg:$0x1] =	wrdreg $0xFFFFFFFF  }
0xad: {  	[dreg:$0x0] =	wrdreg $0x60  }
0xae: {  	[dreg:$0x2] =	wrdreg s2  }
0xaf: {  	[dreg:$0x3] =	wrdreg s24  }
0xb0: {  	[dreg:$0x4] =	wrdreg $0x143900  }
0xb1: {  	[dreg:$0x5] =	wrdreg $0x9  }
0xb2: {  	_ =	task.clear_ibuf [dreg:s7], $0x6FFFF;
	_ =	strace $0x90000049  }
0xb3: {  	s29 =	simm.s32 $0x9;
	_ =	strace $0x8000004B  }
0xb4: {  	_ =	swait.ge [sflag:s29], $0x1  }
0xb5: {  	[sflag:s29] =	ssyncadd.s32 $0xFFFFFFFF  }
0xb6: {  	_ =	strace $0x9000004B  }
0xb7: {  	_ =	sfence  }
0xb8: {  	s30 =	sld [smem:$0x0];
	_ =	sdelay $0x2  }
0xb9: {  	s31 =	sshll.u32 s1, $0xD;
	s1 =	sshrl.u32 s1, $0x2  }
0xba: {  	s3 =	sand.u32 $0x4000, s31;
	s1 =	sadd.s32 s1, s30  }
0xbb: {  	s0 =	sor.u32 s3, s0;
	s1 =	sshll.u32 s1, $0x11  }
0xbc: {  	s0 =	sor.u32 s1, s0  }
0xbd: {  	s0 =	sadd.s32 $0x8F2B, s0  }
0xbe: {  	[sflag:s0] =	ssyncadd.remote.s32 $0x1  }
0xbf: {  	_ =	sfence.sel $0xFFFF  }
0xc0: {  	[dreg:$0x0] =	wrdreg $0xFFFFFFFF;
	(pc) =	sbr.abs _section_cstart, $3  }
0xc1: {  	[dreg:$0x1] =	wrdreg $0xFFFFFFFF  }
0xc2: {  	_ =	task.clear_ibuf [dreg:s7], $0x2FFFF;
	_ =	strace $0x9FFFFFFF  }
0xc3: {  	(tm) =	ssettm $0x7FFFFFFF  }
tec
execute0_lowered:
.L_overlay_start_1:
0x0: {  	(tag) =	ssettag $0x1  }
0x1: {  	s1 =	rddreg [dreg:$0x0]  }
0x2: {  	s0 =	srdreg.scid;
	s5 =	rddreg [dreg:$0x1]  }
0x3: {  	s11 =	stileid.u32;
	s3 =	rddreg [dreg:$0x2];
	s4 =	simm.s32 $0x0  }
0x4: {  	s0 =	sand.u32 $0x1, s0;
	s2 =	sshll.u32 s11, $0x1;
	s9 =	smul.u32 $0xB400, s11  }
0x5: {  	[smem:$0x7FF] =	sst s4;
	s8 =	sadd.s32 $0x16800, s5;
	s11 =	smul.u32 $0x2D000, s11  }
0x6: {  	s23 =	sadd.s32 $0x16600, s5;
	s2 =	sor.u32 s0, s2;
	s7 =	smul.u32 $0xB4000, s0  }
0x7: {  	_ =	strace $0x8000004A;
	[dreg:$0x4] =	wrdreg s8;
	s0 =	ssub.s32 $0x2, s0  }
0x8: {  	[dreg:$0x5] =	wrdreg s23;
	s6 =	smul.u32 $0x520, s2;
	s25 =	sshrl.u32 s0, $0x1  }
0x9: {  	s11 =	sshrl.u32 s11, $0x2;
	s12 =	sadd.s32 s9, s3;
	s24 =	sadd.s32 s9, s7  }
0xa: {  	s7 =	sadd.s32 $0x1E00, s5;
	s0 =	ssub.s32 s0, s25;
	s25 =	sshrl.u32 s12, $0x3  }
0xb: {  	s10 =	sadd.s32 s6, s5;
	s6 =	sadd.s32 s7, s6;
	[dreg:$0x15] =	wrdreg s25  }
0xc: {  	s13 =	sadd.s32 s11, s3;
	s0 =	smax.u32 s0, $0x1;
	[dreg:$0x7] =	wrdreg s6  }
0xd: {  	s9 =	simm.s32 $0x13A90;
	s14 =	sadd.s32 $0x900, s13;
	[dreg:$0x9] =	wrdreg s0  }
0xe: {  	s11 =	simm.s32 $0x2;
	s15 =	sadd.s32 $0x1200, s13;
	[dreg:$0xa] =	wrdreg s14  }
0xf: {  	s12 =	simm.s32 $0x80;
	s16 =	sadd.s32 $0x1B00, s13;
	[dreg:$0xb] =	wrdreg s15  }
0x10: {  	s8 =	sshrl.u32 s24, $0x3;
	s17 =	sadd.s32 $0x2400, s13;
	[dreg:$0xc] =	wrdreg s16  }
0x11: {  	s18 =	sadd.s32 $0x2D00, s13;
	s19 =	sadd.s32 $0x3600, s13;
	[dreg:$0xd] =	wrdreg s17  }
0x12: {  	s20 =	sadd.s32 $0x3F00, s13;
	s21 =	sadd.s32 $0x4800, s13;
	[dreg:$0xe] =	wrdreg s18  }
0x13: {  	s22 =	sadd.s32 $0x5100, s13;
	s23 =	sadd.s32 $0x5A00, s13;
	[dreg:$0xf] =	wrdreg s19  }
0x14: {  	s24 =	sadd.s32 $0x6300, s13;
	s28 =	sadd.s32 $0x7500, s13;
	[dreg:$0x10] =	wrdreg s20  }
0x15: {  	s29 =	sadd.s32 $0x7E00, s13;
	s30 =	sadd.s32 $0x8700, s13;
	[dreg:$0x11] =	wrdreg s21  }
0x16: {  	s31 =	sadd.s32 $0x9000, s13;
	s5 =	sadd.s32 s8, s5;
	[dreg:$0x12] =	wrdreg s22  }
0x17: {  	s8 =	smul.u32 $0x52, s2;
	s26 =	sadd.s32 $0xC200, s10;
	[dreg:$0x13] =	wrdreg s23  }
0x18: {  	v7 =	vlaneseq.u32;
	[dreg:$0x14] =	wrdreg s24;
	s2 =	sadd.s32 $0x9900, s13;
	s0 =	sadd.s32 $0xA200, s13  }
0x19: {  	v0 =	vimm.f32 $0.0e+00;
	v1 =	vand.u32 $0x3, v7;
	s6 =	simm.s32 $0x2A80;
	s14 =	simm.s32 $0xCA80;
	s15 =	simm.s32 $0xF280  }
0x1a: {  	v7 =	vshrl.u32 v7, $0x2;
	v2 =	vor.u32 $0x4, v1;
	v3 =	vor.u32 $0x20, v1;
	s16 =	simm.s32 $0x3;
	[dreg:$0x6] =	wrdreg s26;
	s10 =	sadd.s32 $0x17C00, s5  }
0x1b: {  	v4 =	vor.u32 $0x24, v1;
	v5 =	vor.u32 $0x40, v1;
	v6 =	vor.u32 $0x44, v1;
	s17 =	simm.s32 $0x0;
	s26 =	sadd.s32 $0x6C00, s13;
	[dreg:$0x8] =	wrdreg s10  }
0x1c: {  	v8 =	vor.u32 $0x4, v7;
	v9 =	vor.u32 $0x8, v7;
	v10 =	vor.u32 $0xC, v7;
	s5 =	sadd.s32 $0xAB00, s13;
	[dreg:$0x16] =	wrdreg s26;
	s10 =	simm.s32 $0x1  }
.LBB2_1:
0x1d: {  	s18 =	rddreg [dreg:$0x5];
	s19 =	simm.s32 $0x13A80  }
0x1e: {  	[tilespmem:s19], [sflag:$0x2] =	stream.linear.gather [hbm4b:s18+s4], $0x10, $0x38;
	[tilespmem:$0x1F790] =	vst v63  }
0x1f: {  	s25 =	rddreg [dreg:$0x4]  }
0x20: {  	[tilespmem:s6], [sflag:$0x2] =	stream.linear.gather [hbm4b:s25+s4], $0xA000, $0x38;
	[tilespmem:$0x1F790] =	vst v63  }
0x21: {  	s26 =	rddreg [dreg:$0x6];
	s18 =	simm.s32 $0x0  }
0x22: {  	[tilespmem:s4], [sflag:$0x2] =	stream.linear.gather [hbm4b:s26+s4], $0x2900, $0x38;
	[tilespmem:$0x1F790] =	vst v63  }
0x23: {  	s19 =	simm.s32 $0x120;
	[tilespmem:s18+$0x13AB0] =	vst v0  }
.LBB2_2:
0x24: {  	p0 =	sne.s32 s19, $0x22E0;
	[tilespmem:s18+$0x13AA0] =	vst v0;
	s20 =	smov.u32 s19;
	s19 =	sadd.s32 $0x120, s19  }
.Ltmp0:
0x25: {  	[tilespmem:s18+$0x13AC0] =	vst v0;
	(pc) =	sbr.rel @p0 .LBB2_2-.Ltmp0, $4  }
0x26: {  	[tilespmem:s18+$0x13AC8] =	vst v0  }
0x27: {  	[tilespmem:s18+$0x13A90] =	vst v0  }
0x28: {  	s18 =	sshra.s32 s20, $0x2  }
0x29: {  	[tilespmem:s18+$0x13AB0] =	vst v0  }
0x2a: {  	[tilespmem:s18+$0x13AA0] =	vst v0  }
0x2b: {  	[tilespmem:s18+$0x13AC0] =	vst v0  }
0x2c: {  	[tilespmem:s18+$0x13A90] =	vst v0  }
0x2d: {  	[tilespmem:s18+$0x13AC8] =	vst v0  }
0x2e: {  	[spmem:s13] =	stream.linear.scatter [tilespmem:s9], [sflag:$0x1], $0x900, $0x38;
	[tilespmem:$0x1F790] =	vst v63  }
0x2f: {  	s23 =	rddreg [dreg:$0xa]  }
0x30: {  	[spmem:s23] =	stream.linear.scatter [tilespmem:s9], [sflag:$0x1], $0x900, $0x38;
	[tilespmem:$0x1F790] =	vst v63  }
0x31: {  	s24 =	rddreg [dreg:$0xb]  }
0x32: {  	[spmem:s24] =	stream.linear.scatter [tilespmem:s9], [sflag:$0x1], $0x900, $0x38;
	[tilespmem:$0x1F790] =	vst v63  }
0x33: {  	s25 =	rddreg [dreg:$0xc]  }
0x34: {  	[spmem:s25] =	stream.linear.scatter [tilespmem:s9], [sflag:$0x1], $0x900, $0x38;
	[tilespmem:$0x1F790] =	vst v63  }
0x35: {  	s26 =	rddreg [dreg:$0xd]  }
0x36: {  	[spmem:s26] =	stream.linear.scatter [tilespmem:s9], [sflag:$0x1], $0x900, $0x38;
	[tilespmem:$0x1F790] =	vst v63  }
0x37: {  	s19 =	rddreg [dreg:$0xe]  }
0x38: {  	[spmem:s19] =	stream.linear.scatter [tilespmem:s9], [sflag:$0x1], $0x900, $0x38;
	[tilespmem:$0x1F790] =	vst v63  }
0x39: {  	s20 =	rddreg [dreg:$0xf]  }
0x3a: {  	[spmem:s20] =	stream.linear.scatter [tilespmem:s9], [sflag:$0x1], $0x900, $0x38;
	[tilespmem:$0x1F790] =	vst v63  }
0x3b: {  	s21 =	rddreg [dreg:$0x10]  }
0x3c: {  	[spmem:s21] =	stream.linear.scatter [tilespmem:s9], [sflag:$0x1], $0x900, $0x38;
	[tilespmem:$0x1F790] =	vst v63  }
0x3d: {  	s22 =	rddreg [dreg:$0x11]  }
0x3e: {  	[spmem:s22] =	stream.linear.scatter [tilespmem:s9], [sflag:$0x1], $0x900, $0x38;
	[tilespmem:$0x1F790] =	vst v63  }
0x3f: {  	s23 =	rddreg [dreg:$0x12]  }
0x40: {  	[spmem:s23] =	stream.linear.scatter [tilespmem:s9], [sflag:$0x1], $0x900, $0x38;
	[tilespmem:$0x1F790] =	vst v63  }
0x41: {  	s24 =	rddreg [dreg:$0x13]  }
0x42: {  	[spmem:s24] =	stream.linear.scatter [tilespmem:s9], [sflag:$0x1], $0x900, $0x38;
	[tilespmem:$0x1F790] =	vst v63  }
0x43: {  	s25 =	rddreg [dreg:$0x14]  }
0x44: {  	[spmem:s25] =	stream.linear.scatter [tilespmem:s9], [sflag:$0x1], $0x900, $0x38;
	[tilespmem:$0x1F790] =	vst v63  }
0x45: {  	s26 =	rddreg [dreg:$0x16]  }
0x46: {  	[spmem:s26] =	stream.linear.scatter [tilespmem:s9], [sflag:$0x1], $0x900, $0x38;
	[tilespmem:$0x1F790] =	vst v63  }
0x47: {  	_ = 	snop  }
0x48: {  	[spmem:s28] =	stream.linear.scatter [tilespmem:s9], [sflag:$0x1], $0x900, $0x38;
	[tilespmem:$0x1F790] =	vst v63  }
0x49: {  	_ = 	snop  }
0x4a: {  	[spmem:s29] =	stream.linear.scatter [tilespmem:s9], [sflag:$0x1], $0x900, $0x38;
	[tilespmem:$0x1F790] =	vst v63  }
0x4b: {  	_ = 	snop  }
0x4c: {  	[spmem:s30] =	stream.linear.scatter [tilespmem:s9], [sflag:$0x1], $0x900, $0x38;
	[tilespmem:$0x1F790] =	vst v63  }
0x4d: {  	_ = 	snop  }
0x4e: {  	[spmem:s31] =	stream.linear.scatter [tilespmem:s9], [sflag:$0x1], $0x900, $0x38;
	[tilespmem:$0x1F790] =	vst v63  }
0x4f: {  	_ = 	snop  }
0x50: {  	[spmem:s2] =	stream.linear.scatter [tilespmem:s9], [sflag:$0x1], $0x900, $0x38;
	[tilespmem:$0x1F790] =	vst v63  }
0x51: {  	_ = 	snop  }
0x52: {  	[spmem:s0] =	stream.linear.scatter [tilespmem:s9], [sflag:$0x1], $0x900, $0x38;
	[tilespmem:$0x1F790] =	vst v63  }
0x53: {  	_ = 	snop  }
0x54: {  	[spmem:s5] =	stream.linear.scatter [tilespmem:s9], [sflag:$0x1], $0x900, $0x38;
	[tilespmem:$0x1F790] =	vst v63  }
0x55: {  	_ =	swait.ge [sflag:s10], $0x900  }
0x56: {  	[sflag:s10] =	ssyncset.done $0x0  }
0x57: {  	[sflag:s10] =	ssyncadd.s32 $0xFFFFF700  }
0x58: {  	_ =	swait.ge [sflag:s10], $0x900  }
0x59: {  	[sflag:s10] =	ssyncset.done $0x0  }
0x5a: {  	[sflag:s10] =	ssyncadd.s32 $0xFFFFF700  }
0x5b: {  	_ =	swait.ge [sflag:s10], $0x900  }
0x5c: {  	[sflag:s10] =	ssyncset.done $0x0  }
0x5d: {  	[sflag:s10] =	ssyncadd.s32 $0xFFFFF700  }
0x5e: {  	_ =	swait.ge [sflag:s10], $0x900  }
0x5f: {  	[sflag:s10] =	ssyncset.done $0x0  }
0x60: {  	[sflag:s10] =	ssyncadd.s32 $0xFFFFF700  }
0x61: {  	_ =	swait.ge [sflag:s10], $0x900  }
0x62: {  	[sflag:s10] =	ssyncset.done $0x0  }
0x63: {  	[sflag:s10] =	ssyncadd.s32 $0xFFFFF700  }
0x64: {  	_ =	swait.ge [sflag:s10], $0x900  }
0x65: {  	[sflag:s10] =	ssyncset.done $0x0  }
0x66: {  	[sflag:s10] =	ssyncadd.s32 $0xFFFFF700  }
0x67: {  	_ =	swait.ge [sflag:s10], $0x900  }
0x68: {  	[sflag:s10] =	ssyncset.done $0x0  }
0x69: {  	[sflag:s10] =	ssyncadd.s32 $0xFFFFF700  }
0x6a: {  	_ =	swait.ge [sflag:s10], $0x900  }
0x6b: {  	[sflag:s10] =	ssyncset.done $0x0  }
0x6c: {  	[sflag:s10] =	ssyncadd.s32 $0xFFFFF700  }
0x6d: {  	_ =	swait.ge [sflag:s10], $0x900  }
0x6e: {  	[sflag:s10] =	ssyncset.done $0x0  }
0x6f: {  	[sflag:s10] =	ssyncadd.s32 $0xFFFFF700  }
0x70: {  	_ =	swait.ge [sflag:s10], $0x900  }
0x71: {  	[sflag:s10] =	ssyncset.done $0x0  }
0x72: {  	[sflag:s10] =	ssyncadd.s32 $0xFFFFF700  }
0x73: {  	_ =	swait.ge [sflag:s10], $0x900  }
0x74: {  	[sflag:s10] =	ssyncset.done $0x0  }
0x75: {  	[sflag:s10] =	ssyncadd.s32 $0xFFFFF700  }
0x76: {  	_ =	swait.ge [sflag:s10], $0x900  }
0x77: {  	[sflag:s10] =	ssyncset.done $0x0  }
0x78: {  	[sflag:s10] =	ssyncadd.s32 $0xFFFFF700  }
0x79: {  	_ =	swait.ge [sflag:s10], $0x900  }
0x7a: {  	[sflag:s10] =	ssyncset.done $0x0  }
0x7b: {  	[sflag:s10] =	ssyncadd.s32 $0xFFFFF700  }
0x7c: {  	_ =	swait.ge [sflag:s10], $0x900  }
0x7d: {  	[sflag:s10] =	ssyncset.done $0x0  }
0x7e: {  	[sflag:s10] =	ssyncadd.s32 $0xFFFFF700  }
0x7f: {  	_ =	swait.ge [sflag:s10], $0x900  }
0x80: {  	[sflag:s10] =	ssyncset.done $0x0  }
0x81: {  	[sflag:s10] =	ssyncadd.s32 $0xFFFFF700  }
0x82: {  	_ =	swait.ge [sflag:s10], $0x900  }
0x83: {  	[sflag:s10] =	ssyncset.done $0x0  }
0x84: {  	[sflag:s10] =	ssyncadd.s32 $0xFFFFF700  }
0x85: {  	_ =	swait.ge [sflag:s10], $0x900  }
0x86: {  	[sflag:s10] =	ssyncset.done $0x0  }
0x87: {  	[sflag:s10] =	ssyncadd.s32 $0xFFFFF700  }
0x88: {  	_ =	swait.ge [sflag:s10], $0x900  }
0x89: {  	[sflag:s10] =	ssyncset.done $0x0  }
0x8a: {  	[sflag:s10] =	ssyncadd.s32 $0xFFFFF700  }
0x8b: {  	_ =	swait.ge [sflag:s10], $0x900  }
0x8c: {  	[sflag:s10] =	ssyncset.done $0x0  }
0x8d: {  	[sflag:s10] =	ssyncadd.s32 $0xFFFFF700  }
0x8e: {  	_ =	swait.ge [sflag:s10], $0x900  }
0x8f: {  	[sflag:s10] =	ssyncset.done $0x0  }
0x90: {  	[sflag:s10] =	ssyncadd.s32 $0xFFFFF700  }
0x91: {  	_ =	swait.ge [sflag:s11], $0x10  }
0x92: {  	[sflag:s11] =	ssyncset.done $0x0  }
0x93: {  	[sflag:s11] =	ssyncadd.s32 $0xFFFFFFF0  }
0x94: {  	_ =	swait.ge [sflag:s11], $0xA000  }
0x95: {  	[sflag:s11] =	ssyncset.done $0x0  }
0x96: {  	[sflag:s11] =	ssyncadd.s32 $0xFFFF6000  }
0x97: {  	_ =	swait.ge [sflag:s11], $0x2900  }
0x98: {  	[sflag:s11] =	ssyncset.done $0x0  }
0x99: {  	[sflag:s11] =	ssyncadd.s32 $0xFFFFD700  }
0x9a: {  	[bflag:$0x0] =	sbarrier.arrive $0xFFFF  }
0x9b: {  	v12 =	vld [tilespmem:$0x13A80];
	_ =	sdelay $0x1  }
0x9c: {  	s18 =	simm.s32 $0x2900;
	s21 =	simm.s32 $0x0;
	s19 =	rddreg [dreg:$0x7]  }
0x9d: {  	[tilespmem:s18], [sflag:$0x1] =	stream.linear.gather [hbm4b:s19+s21], $0x80, $0x38;
	[tilespmem:$0x1F790] =	vst v63  }
0x9e: {  	p0 =	por $0x0, $0x0  }
0x9f: {  	[tilespmem:s14], [sflag:$0x1] =	stream.indirect.gather [hbm4b:s1+s12], $0x28, s21, s12, $0xb8;
	v11 =	vperm.xlane v12, v1;
	v12 =	vperm.xlane v12, v2;
	[tilespmem:$0x1F790] =	vst v63  }
.LBB2_4:
0xa0: {  	_ =	swait.ge [sflag:s10], $0x80  }
0xa1: {  	p1 =	slt.u32 s21, $0x2;
	[sflag:s10] =	ssyncset.done $0x0  }
0xa2: {  	p2 =	seq.s32 @!p1 s21, $0x51;
	[sflag:s10] =	ssyncadd.s32 $0xFFFFFF80  }
0xa3: {  	p2 =	por p1, !p2;
	_ =	swait.ge [sflag:s10], $0x1400  }
.Ltmp1:
0xa4: {  	[sflag:s10] =	ssyncset.done $0x0;
	(pc) =	sbr.rel @!p2 .LBB2_6-.Ltmp1, $4  }
0xa5: {  	s22 =	simm.s32 @!p1 $0x2;
	[sflag:s10] =	ssyncadd.s32 $0xFFFFEC00  }
0xa6: {  	_ =	swait.ge @!p1 [sflag:s22], $0x2400  }
0xa7: {  	[sflag:s22] =	ssyncset.done @!p1 $0x0  }
0xa8: {  	s19 =	sadd.s32 $0x1, s21;
	s20 =	smul.u32 $0xAB, s21;
	[sflag:s22] =	ssyncadd.s32 @!p1 $0xFFFFDC00  }
0xa9: {  	_ = 	snop  }
0xaa: {  	s22 =	sadd.s32 $0xAB, s20  }
0xab: {  	s22 =	sshrl.u32 s22, $0x9  }
0xac: {  	s22 =	sand.u32 $0x7F, s22  }
0xad: {  	s22 =	smul.u32 $0x3, s22;
	_ =	sdelay $0x1  }
0xae: {  	s23 =	sadd.s32 s8, s19;
	s22 =	ssub.s32 s19, s22  }
0xaf: {  	s23 =	sshll.u32 s23, $0x4;
	s22 =	sand.u32 $0xFF, s22  }
0xb0: {  	s23 =	sand.u32 $0x1FFFFFF0, s23;
	s22 =	sshll.u32 s22, $0x7  }
0xb1: {  	s25 =	sand.u32 $0x1, s19;
	s23 =	sadd.s32 s7, s23;
	s22 =	sadd.s32 $0x2900, s22  }
0xb2: {  	[tilespmem:s22], [sflag:$0x1] =	stream.linear.gather [hbm4b:s23+s4], $0x80, $0x38;
	[tilespmem:$0x1F790] =	vst v63  }
0xb3: {  	s26 =	sshll.u32 s19, $0x7;
	p1 =	seq.s32 s25, $0x1;
	s22 =	simm.s32 $0xDE80  }
0xb4: {  	s23 =	sand.u32 $0x3FFFFF80, s26;
	s22 =	simm.s32 @!p1 $0xCA80  }
0xb5: {  	[tilespmem:s22], [sflag:$0x1] =	stream.indirect.gather [hbm4b:s1+s12], $0x28, s23, s12, $0xb8;
	[tilespmem:$0x1F790] =	vst v63  }
.LBB2_6:
0xb6: {  	s22 =	smulhi.u32 $0xAAAAAAAB, s21;
	s23 =	simm.s32 $0x1  }
0xb7: {  	s23 =	simm.s32 @!p0 $0x0  }
0xb8: {  	s20 =	sshrl.u32 s20, $0x9;
	s22 =	sshrl.u32 s22, $0x1;
	s24 =	smul.u32 $0x5000, s23  }
0xb9: {  	s20 =	sand.u32 $0x7F, s20;
	s22 =	smul.u32 $0xFFFFFA00, s22  }
0xba: {  	s25 =	sand.u32 $0x1, s21;
	s26 =	smul.u32 $0x3, s20  }
0xbb: {  	v13 =	vmov s25;
	s25 =	smul.u32 $0x9000, s25;
	s24 =	sshrl.u32 s24, $0x2;
	s22 =	sshra.s32 s22, $0x2  }
0xbc: {  	v14 =	vmul.u32 $0x1400, v13;
	s26 =	ssub.s32 s21, s26;
	s20 =	sadd.s32 s22, s18;
	s22 =	smul.u32 $0x9000, s23  }
0xbd: {  	v16 =	vmul.u32 $0x2400, v13;
	s21 =	sadd.s32 $0xCBC0, s24;
	s24 =	sand.u32 $0xFF, s26;
	s26 =	sshrl.u32 s25, $0x2  }
0xbe: {  	v13 =	vor.u32 v3, v14;
	s25 =	simm.s32 $0x0;
	s23 =	sshll.u32 s24, $0x7;
	s22 =	sshrl.u32 s22, $0x2  }
0xbf: {  	v14 =	vor.u32 v4, v14;
	v15 =	vor.u32 v5, v16;
	v16 =	vor.u32 v6, v16;
	s24 =	sadd.s32 $0xF280, s26;
	s23 =	sadd.s32 $0x2900, s23;
	s22 =	sadd.s32 $0xF4C0, s22  }
.LBB2_7:
0xc0: {  	v17 =	vld [tilespmem:s20+$0x0];
	_ =	sdelay $0x4  }
0xc1: {  	v18 =	vperm.xlane v17, v7  }
0xc2: {  	v19 =	vor.u32 s25, v7  }
0xc3: {  	v20 =	vmul.u32 $0x28, v19;
	v18 =	vshll.u32 v18, $0x2  }
0xc4: {  	v18 =	vor.u32 v1, v18  }
0xc5: {  	v21 =	vadd.s32 v13, v20  }
0xc6: {  	v20 =	vadd.s32 v14, v20;
	_ =	sdelay $0x2  }
0xc7: {  	v18 =	vld.idx.msk [tilespmem:v18+s6+$0x0], $0xffff  }
0xc8: {  	v21 =	vld.idx.msk [tilespmem:v21+s14+$0x0], $0xffff  }
0xc9: {  	v20 =	vld.idx.msk [tilespmem:v20+s14+$0x0], $0xffff;
	_ =	sdelay $0x2  }
0xca: {  	v22 =	vunpack.i.l.bf16.f32 v18  }
0xcb: {  	v18 =	vunpack.i.u.bf16.f32 v18;
	v21 =	vadd.f32 v22, v21  }
0xcc: {  	v18 =	vadd.f32 v18, v20  }
0xcd: {  	v47 =	vmul.f32 $2.000000030e-01, v21  }
0xce: {  	v48 =	vmul.f32 $2.000000030e-01, v18  }
0xcf: {  	v20 =	vmax.f32 v21, v47  }
0xd0: {  	v18 =	vmax.f32 v18, v48;
	v20 =	vsub.f32 v20, v11  }
0xd1: {  	v18 =	vsub.f32 v18, v12  }
0xd2: {  	v20 =	vmul.f32 $1.442695020e+00, v20  }
0xd3: {  	v18 =	vmul.f32 $1.442695020e+00, v18  }
0xd4: {  	(erf) = vpow2.f32 v20  }
0xd5: {  	(erf) = vpow2.f32 v18;
	_ =	sdelay $0x1  }
0xd6: {  	v18 =	vmul.u32 $0x48, v19;
	_ =	sdelay $0x1  }
0xd7: {  	v19 =	vadd.s32 v15, v18  }
0xd8: {  	v18 =	vadd.s32 v16, v18;
	_ =	sdelay $0x2  }
0xd9: {  	v20 =	vpop (erf)  }
0xda: {  	v49 =	vpop (erf);
	[tilespmem:v19+s15+$0x0] =	vst.idx.msk $0xffff, v20  }
0xdb: {  	[tilespmem:v18+s15+$0x0] =	vst.idx.msk $0xffff, v49  }
0xdc: {  	v18 =	vld [tilespmem:s21+$0xFFFFFEC0];
	_ =	sdelay $0x3  }
0xdd: {  	v19 =	vperm.xlane v20, v7  }
0xde: {  	v50 =	vunpack.i.l.bf16.f32 v18  }
0xdf: {  	v18 =	vunpack.i.u.bf16.f32 v18;
	v22 =	vmul.f32 v19, v50  }
0xe0: {  	v18 =	vmul.f32 v19, v18  }
0xe1: {  	[tilespmem:s22+$0xFFFFFDC0] =	vst v22  }
0xe2: {  	[tilespmem:s22+$0xFFFFFDD0] =	vst v18  }
0xe3: {  	v18 =	vld [tilespmem:s21+$0xFFFFFED0];
	_ =	sdelay $0x3  }
0xe4: {  	v19 =	vperm.xlane v49, v7  }
0xe5: {  	v51 =	vunpack.i.l.bf16.f32 v18  }
0xe6: {  	v18 =	vunpack.i.u.bf16.f32 v18;
	v22 =	vmul.f32 v19, v51  }
0xe7: {  	v18 =	vmul.f32 v19, v18  }
0xe8: {  	[tilespmem:s22+$0xFFFFFDE0] =	vst v22  }
0xe9: {  	[tilespmem:s22+$0xFFFFFDF0] =	vst v18  }
0xea: {  	v18 =	vld [tilespmem:s21+$0xFFFFFEE8];
	_ =	sdelay $0x3  }
0xeb: {  	v19 =	vperm.xlane v20, v8  }
0xec: {  	v52 =	vunpack.i.l.bf16.f32 v18  }
0xed: {  	v18 =	vunpack.i.u.bf16.f32 v18;
	v22 =	vmul.f32 v19, v52  }
0xee: {  	v18 =	vmul.f32 v19, v18  }
0xef: {  	[tilespmem:s22+$0xFFFFFE08] =	vst v22  }
0xf0: {  	[tilespmem:s22+$0xFFFFFE18] =	vst v18  }
0xf1: {  	v18 =	vld [tilespmem:s21+$0xFFFFFEF8];
	_ =	sdelay $0x3  }
0xf2: {  	v19 =	vperm.xlane v49, v8  }
0xf3: {  	v53 =	vunpack.i.l.bf16.f32 v18  }
0xf4: {  	v18 =	vunpack.i.u.bf16.f32 v18;
	v22 =	vmul.f32 v19, v53  }
0xf5: {  	v18 =	vmul.f32 v19, v18  }
0xf6: {  	[tilespmem:s22+$0xFFFFFE28] =	vst v22  }
0xf7: {  	[tilespmem:s22+$0xFFFFFE38] =	vst v18  }
0xf8: {  	v18 =	vld [tilespmem:s21+$0xFFFFFF10];
	_ =	sdelay $0x3  }
0xf9: {  	v19 =	vperm.xlane v20, v9  }
0xfa: {  	v54 =	vunpack.i.l.bf16.f32 v18  }
0xfb: {  	v18 =	vunpack.i.u.bf16.f32 v18;
	v22 =	vmul.f32 v19, v54  }
0xfc: {  	v18 =	vmul.f32 v19, v18  }
0xfd: {  	[tilespmem:s22+$0xFFFFFE50] =	vst v22  }
0xfe: {  	[tilespmem:s22+$0xFFFFFE60] =	vst v18  }
0xff: {  	v18 =	vld [tilespmem:s21+$0xFFFFFF20];
	_ =	sdelay $0x3  }
0x100: {  	v19 =	vperm.xlane v49, v9  }
0x101: {  	v55 =	vunpack.i.l.bf16.f32 v18  }
0x102: {  	v18 =	vunpack.i.u.bf16.f32 v18;
	v22 =	vmul.f32 v19, v55  }
0x103: {  	v18 =	vmul.f32 v19, v18  }
0x104: {  	[tilespmem:s22+$0xFFFFFE70] =	vst v22  }
0x105: {  	[tilespmem:s22+$0xFFFFFE80] =	vst v18  }
0x106: {  	v18 =	vld [tilespmem:s21+$0xFFFFFF38];
	_ =	sdelay $0x3  }
0x107: {  	v19 =	vperm.xlane v20, v10  }
0x108: {  	v56 =	vunpack.i.l.bf16.f32 v18  }
0x109: {  	v18 =	vunpack.i.u.bf16.f32 v18;
	v20 =	vmul.f32 v19, v56  }
0x10a: {  	v18 =	vmul.f32 v19, v18  }
0x10b: {  	[tilespmem:s22+$0xFFFFFE98] =	vst v20  }
0x10c: {  	[tilespmem:s22+$0xFFFFFEA8] =	vst v18  }
0x10d: {  	v18 =	vld [tilespmem:s21+$0xFFFFFF48];
	_ =	sdelay $0x1  }
0x10e: {  	s26 =	sadd.s32 $0x4, s25;
	v19 =	vperm.xlane v17, v8  }
0x10f: {  	v57 =	vor.u32 s26, v7  }
0x110: {  	v58 =	vmul.u32 $0x28, v57;
	v21 =	vperm.xlane v49, v10;
	v19 =	vshll.u32 v19, $0x2  }
0x111: {  	v19 =	vor.u32 v1, v19;
	v23 =	vunpack.i.l.bf16.f32 v18  }
0x112: {  	v24 =	vadd.s32 v13, v58;
	v18 =	vunpack.i.u.bf16.f32 v18;
	v23 =	vmul.f32 v21, v23  }
0x113: {  	v59 =	vadd.s32 v14, v58;
	v18 =	vmul.f32 v21, v18  }
0x114: {  	[tilespmem:s22+$0xFFFFFEB8] =	vst v23  }
0x115: {  	[tilespmem:s22+$0xFFFFFEC8] =	vst v18  }
0x116: {  	v18 =	vld.idx.msk [tilespmem:v19+s6+$0x0], $0xffff  }
0x117: {  	v19 =	vld.idx.msk [tilespmem:v24+s14+$0x0], $0xffff  }
0x118: {  	v21 =	vld.idx.msk [tilespmem:v59+s14+$0x0], $0xffff;
	_ =	sdelay $0x2  }
0x119: {  	v60 =	vunpack.i.l.bf16.f32 v18  }
0x11a: {  	v18 =	vunpack.i.u.bf16.f32 v18;
	v19 =	vadd.f32 v60, v19  }
0x11b: {  	v18 =	vadd.f32 v18, v21  }
0x11c: {  	v61 =	vmul.f32 $2.000000030e-01, v19  }
0x11d: {  	v62 =	vmul.f32 $2.000000030e-01, v18  }
0x11e: {  	v19 =	vmax.f32 v19, v61  }
0x11f: {  	v18 =	vmax.f32 v18, v62;
	v19 =	vsub.f32 v19, v11  }
0x120: {  	v18 =	vsub.f32 v18, v12  }
0x121: {  	v19 =	vmul.f32 $1.442695020e+00, v19  }
0x122: {  	v18 =	vmul.f32 $1.442695020e+00, v18  }
0x123: {  	(erf) = vpow2.f32 v19  }
0x124: {  	(erf) = vpow2.f32 v18;
	_ =	sdelay $0x1  }
0x125: {  	v18 =	vmul.u32 $0x48, v57;
	_ =	sdelay $0x1  }
0x126: {  	v19 =	vadd.s32 v15, v18  }
0x127: {  	v18 =	vadd.s32 v16, v18;
	_ =	sdelay $0x2  }
0x128: {  	v63 =	vpop (erf)  }
0x129: {  	v24 =	vpop (erf);
	[tilespmem:v19+s15+$0x0] =	vst.idx.msk $0xffff, v63  }
0x12a: {  	[tilespmem:v18+s15+$0x0] =	vst.idx.msk $0xffff, v24  }
0x12b: {  	v18 =	vld [tilespmem:s21+$0xFFFFFF60];
	_ =	sdelay $0x3  }
0x12c: {  	v19 =	vperm.xlane v63, v7  }
0x12d: {  	v25 =	vunpack.i.l.bf16.f32 v18  }
0x12e: {  	v18 =	vunpack.i.u.bf16.f32 v18;
	v22 =	vmul.f32 v19, v25  }
0x12f: {  	v18 =	vmul.f32 v19, v18  }
0x130: {  	[tilespmem:s22+$0xFFFFFEE0] =	vst v22  }
0x131: {  	[tilespmem:s22+$0xFFFFFEF0] =	vst v18  }
0x132: {  	v18 =	vld [tilespmem:s21+$0xFFFFFF70];
	_ =	sdelay $0x3  }
0x133: {  	v19 =	vperm.xlane v24, v7  }
0x134: {  	v26 =	vunpack.i.l.bf16.f32 v18  }
0x135: {  	v18 =	vunpack.i.u.bf16.f32 v18;
	v22 =	vmul.f32 v19, v26  }
0x136: {  	v18 =	vmul.f32 v19, v18  }
0x137: {  	[tilespmem:s22+$0xFFFFFF00] =	vst v22  }
0x138: {  	[tilespmem:s22+$0xFFFFFF10] =	vst v18  }
0x139: {  	v18 =	vld [tilespmem:s21+$0xFFFFFF88];
	_ =	sdelay $0x3  }
0x13a: {  	v19 =	vperm.xlane v63, v8  }
0x13b: {  	v27 =	vunpack.i.l.bf16.f32 v18  }
0x13c: {  	v18 =	vunpack.i.u.bf16.f32 v18;
	v22 =	vmul.f32 v19, v27  }
0x13d: {  	v18 =	vmul.f32 v19, v18  }
0x13e: {  	[tilespmem:s22+$0xFFFFFF28] =	vst v22  }
0x13f: {  	[tilespmem:s22+$0xFFFFFF38] =	vst v18  }
0x140: {  	v18 =	vld [tilespmem:s21+$0xFFFFFF98];
	_ =	sdelay $0x3  }
0x141: {  	v19 =	vperm.xlane v24, v8  }
0x142: {  	v28 =	vunpack.i.l.bf16.f32 v18  }
0x143: {  	v18 =	vunpack.i.u.bf16.f32 v18;
	v22 =	vmul.f32 v19, v28  }
0x144: {  	v18 =	vmul.f32 v19, v18  }
0x145: {  	[tilespmem:s22+$0xFFFFFF48] =	vst v22  }
0x146: {  	[tilespmem:s22+$0xFFFFFF58] =	vst v18  }
0x147: {  	v18 =	vld [tilespmem:s21+$0xFFFFFFB0];
	_ =	sdelay $0x3  }
0x148: {  	v19 =	vperm.xlane v63, v9  }
0x149: {  	v29 =	vunpack.i.l.bf16.f32 v18  }
0x14a: {  	v18 =	vunpack.i.u.bf16.f32 v18;
	v22 =	vmul.f32 v19, v29  }
0x14b: {  	v18 =	vmul.f32 v19, v18  }
0x14c: {  	[tilespmem:s22+$0xFFFFFF70] =	vst v22  }
0x14d: {  	[tilespmem:s22+$0xFFFFFF80] =	vst v18  }
0x14e: {  	v18 =	vld [tilespmem:s21+$0xFFFFFFC0];
	_ =	sdelay $0x3  }
0x14f: {  	v19 =	vperm.xlane v24, v9  }
0x150: {  	v30 =	vunpack.i.l.bf16.f32 v18  }
0x151: {  	v18 =	vunpack.i.u.bf16.f32 v18;
	v22 =	vmul.f32 v19, v30  }
0x152: {  	v18 =	vmul.f32 v19, v18  }
0x153: {  	[tilespmem:s22+$0xFFFFFF90] =	vst v22  }
0x154: {  	[tilespmem:s22+$0xFFFFFFA0] =	vst v18  }
0x155: {  	v18 =	vld [tilespmem:s21+$0xFFFFFFD8];
	_ =	sdelay $0x3  }
0x156: {  	v19 =	vperm.xlane v63, v10  }
0x157: {  	v31 =	vunpack.i.l.bf16.f32 v18  }
0x158: {  	v18 =	vunpack.i.u.bf16.f32 v18;
	v20 =	vmul.f32 v19, v31  }
0x159: {  	v18 =	vmul.f32 v19, v18  }
0x15a: {  	[tilespmem:s22+$0xFFFFFFB8] =	vst v20  }
0x15b: {  	[tilespmem:s22+$0xFFFFFFC8] =	vst v18  }
0x15c: {  	v18 =	vld [tilespmem:s21+$0xFFFFFFE8];
	_ =	sdelay $0x1  }
0x15d: {  	s26 =	sadd.s32 $0x8, s25;
	v19 =	vperm.xlane v17, v9  }
0x15e: {  	v32 =	vor.u32 s26, v7  }
0x15f: {  	v33 =	vmul.u32 $0x28, v32;
	v21 =	vperm.xlane v24, v10;
	v19 =	vshll.u32 v19, $0x2  }
0x160: {  	v19 =	vor.u32 v1, v19;
	v34 =	vunpack.i.l.bf16.f32 v18  }
0x161: {  	v35 =	vadd.s32 v13, v33;
	v18 =	vunpack.i.u.bf16.f32 v18;
	v23 =	vmul.f32 v21, v34  }
0x162: {  	v36 =	vadd.s32 v14, v33;
	v18 =	vmul.f32 v21, v18  }
0x163: {  	[tilespmem:s22+$0xFFFFFFD8] =	vst v23  }
0x164: {  	[tilespmem:s22+$0xFFFFFFE8] =	vst v18  }
0x165: {  	v18 =	vld.idx.msk [tilespmem:v19+s6+$0x0], $0xffff  }
0x166: {  	v19 =	vld.idx.msk [tilespmem:v35+s14+$0x0], $0xffff  }
0x167: {  	v21 =	vld.idx.msk [tilespmem:v36+s14+$0x0], $0xffff;
	_ =	sdelay $0x2  }
0x168: {  	v37 =	vunpack.i.l.bf16.f32 v18  }
0x169: {  	v18 =	vunpack.i.u.bf16.f32 v18;
	v19 =	vadd.f32 v37, v19  }
0x16a: {  	v18 =	vadd.f32 v18, v21  }
0x16b: {  	v38 =	vmul.f32 $2.000000030e-01, v19  }
0x16c: {  	v39 =	vmul.f32 $2.000000030e-01, v18  }
0x16d: {  	v19 =	vmax.f32 v19, v38  }
0x16e: {  	v18 =	vmax.f32 v18, v39;
	v19 =	vsub.f32 v19, v11  }
0x16f: {  	v18 =	vsub.f32 v18, v12  }
0x170: {  	v19 =	vmul.f32 $1.442695020e+00, v19  }
0x171: {  	v18 =	vmul.f32 $1.442695020e+00, v18  }
0x172: {  	(erf) = vpow2.f32 v19  }
0x173: {  	(erf) = vpow2.f32 v18;
	_ =	sdelay $0x1  }
0x174: {  	v18 =	vmul.u32 $0x48, v32;
	_ =	sdelay $0x1  }
0x175: {  	v19 =	vadd.s32 v15, v18  }
0x176: {  	v18 =	vadd.s32 v16, v18;
	_ =	sdelay $0x2  }
0x177: {  	v40 =	vpop (erf)  }
0x178: {  	v41 =	vpop (erf);
	[tilespmem:v19+s15+$0x0] =	vst.idx.msk $0xffff, v40  }
0x179: {  	[tilespmem:v18+s15+$0x0] =	vst.idx.msk $0xffff, v41  }
0x17a: {  	v18 =	vld [tilespmem:s21+$0x0];
	_ =	sdelay $0x3  }
0x17b: {  	v19 =	vperm.xlane v40, v7  }
0x17c: {  	v42 =	vunpack.i.l.bf16.f32 v18  }
0x17d: {  	v18 =	vunpack.i.u.bf16.f32 v18;
	v22 =	vmul.f32 v19, v42  }
0x17e: {  	v18 =	vmul.f32 v19, v18  }
0x17f: {  	[tilespmem:s22+$0x0] =	vst v22  }
0x180: {  	[tilespmem:s22+$0x10] =	vst v18  }
0x181: {  	v18 =	vld [tilespmem:s21+$0x10];
	_ =	sdelay $0x3  }
0x182: {  	v19 =	vperm.xlane v41, v7  }
0x183: {  	v43 =	vunpack.i.l.bf16.f32 v18  }
0x184: {  	v18 =	vunpack.i.u.bf16.f32 v18;
	v22 =	vmul.f32 v19, v43  }
0x185: {  	v18 =	vmul.f32 v19, v18  }
0x186: {  	[tilespmem:s22+$0x20] =	vst v22  }
0x187: {  	[tilespmem:s22+$0x30] =	vst v18  }
0x188: {  	v18 =	vld [tilespmem:s21+$0x28];
	_ =	sdelay $0x3  }
0x189: {  	v19 =	vperm.xlane v40, v8  }
0x18a: {  	v44 =	vunpack.i.l.bf16.f32 v18  }
0x18b: {  	v18 =	vunpack.i.u.bf16.f32 v18;
	v22 =	vmul.f32 v19, v44  }
0x18c: {  	v18 =	vmul.f32 v19, v18  }
0x18d: {  	[tilespmem:s22+$0x48] =	vst v22  }
0x18e: {  	[tilespmem:s22+$0x58] =	vst v18  }
0x18f: {  	v18 =	vld [tilespmem:s21+$0x38];
	_ =	sdelay $0x3  }
0x190: {  	v19 =	vperm.xlane v41, v8  }
0x191: {  	v45 =	vunpack.i.l.bf16.f32 v18  }
0x192: {  	v18 =	vunpack.i.u.bf16.f32 v18;
	v22 =	vmul.f32 v19, v45  }
0x193: {  	v18 =	vmul.f32 v19, v18  }
0x194: {  	[tilespmem:s22+$0x68] =	vst v22  }
0x195: {  	[tilespmem:s22+$0x78] =	vst v18  }
0x196: {  	v18 =	vld [tilespmem:s21+$0x50];
	_ =	sdelay $0x3  }
0x197: {  	v19 =	vperm.xlane v40, v9  }
0x198: {  	v46 =	vunpack.i.l.bf16.f32 v18  }
0x199: {  	v18 =	vunpack.i.u.bf16.f32 v18;
	v22 =	vmul.f32 v19, v46  }
0x19a: {  	v18 =	vmul.f32 v19, v18  }
0x19b: {  	[tilespmem:s22+$0x90] =	vst v22  }
0x19c: {  	[tilespmem:s22+$0xA0] =	vst v18  }
0x19d: {  	v18 =	vld [tilespmem:s21+$0x60];
	_ =	sdelay $0x3  }
0x19e: {  	v19 =	vperm.xlane v41, v9  }
0x19f: {  	v47 =	vunpack.i.l.bf16.f32 v18  }
0x1a0: {  	v18 =	vunpack.i.u.bf16.f32 v18;
	v22 =	vmul.f32 v19, v47  }
0x1a1: {  	v18 =	vmul.f32 v19, v18  }
0x1a2: {  	[tilespmem:s22+$0xB0] =	vst v22  }
0x1a3: {  	[tilespmem:s22+$0xC0] =	vst v18  }
0x1a4: {  	v18 =	vld [tilespmem:s21+$0x78];
	_ =	sdelay $0x3  }
0x1a5: {  	v19 =	vperm.xlane v40, v10  }
0x1a6: {  	v48 =	vunpack.i.l.bf16.f32 v18  }
0x1a7: {  	v18 =	vunpack.i.u.bf16.f32 v18;
	v20 =	vmul.f32 v19, v48  }
0x1a8: {  	v18 =	vmul.f32 v19, v18  }
0x1a9: {  	[tilespmem:s22+$0xD8] =	vst v20  }
0x1aa: {  	[tilespmem:s22+$0xE8] =	vst v18  }
0x1ab: {  	v18 =	vld [tilespmem:s21+$0x88];
	_ =	sdelay $0x1  }
0x1ac: {  	s26 =	sadd.s32 $0xC, s25;
	v17 =	vperm.xlane v17, v10  }
0x1ad: {  	v19 =	vor.u32 s26, v7  }
0x1ae: {  	v17 =	vshll.u32 v17, $0x2;
	v49 =	vperm.xlane v41, v10;
	v50 =	vmul.u32 $0x28, v19  }
0x1af: {  	v17 =	vor.u32 v1, v17;
	v51 =	vunpack.i.l.bf16.f32 v18  }
0x1b0: {  	v52 =	vadd.s32 v13, v50;
	v18 =	vunpack.i.u.bf16.f32 v18;
	v22 =	vmul.f32 v49, v51  }
0x1b1: {  	v53 =	vadd.s32 v14, v50;
	v18 =	vmul.f32 v49, v18  }
0x1b2: {  	[tilespmem:s22+$0xF8] =	vst v22  }
0x1b3: {  	[tilespmem:s22+$0x108] =	vst v18  }
0x1b4: {  	v17 =	vld.idx.msk [tilespmem:v17+s6+$0x0], $0xffff  }
0x1b5: {  	v18 =	vld.idx.msk [tilespmem:v52+s14+$0x0], $0xffff  }
0x1b6: {  	v20 =	vld.idx.msk [tilespmem:v53+s14+$0x0], $0xffff;
	_ =	sdelay $0x2  }
0x1b7: {  	v54 =	vunpack.i.l.bf16.f32 v17  }
0x1b8: {  	v17 =	vunpack.i.u.bf16.f32 v17;
	v18 =	vadd.f32 v54, v18  }
0x1b9: {  	v17 =	vadd.f32 v17, v20  }
0x1ba: {  	v55 =	vmul.f32 $2.000000030e-01, v18  }
0x1bb: {  	v56 =	vmul.f32 $2.000000030e-01, v17  }
0x1bc: {  	v18 =	vmax.f32 v18, v55  }
0x1bd: {  	v17 =	vmax.f32 v17, v56;
	v18 =	vsub.f32 v18, v11  }
0x1be: {  	v17 =	vsub.f32 v17, v12  }
0x1bf: {  	v18 =	vmul.f32 $1.442695020e+00, v18  }
0x1c0: {  	v17 =	vmul.f32 $1.442695020e+00, v17  }
0x1c1: {  	(erf) = vpow2.f32 v18  }
0x1c2: {  	(erf) = vpow2.f32 v17;
	_ =	sdelay $0x1  }
0x1c3: {  	v17 =	vmul.u32 $0x48, v19;
	_ =	sdelay $0x1  }
0x1c4: {  	v18 =	vadd.s32 v15, v17  }
0x1c5: {  	v17 =	vadd.s32 v16, v17;
	_ =	sdelay $0x2  }
0x1c6: {  	v19 =	vpop (erf)  }
0x1c7: {  	v57 =	vpop (erf);
	[tilespmem:v18+s15+$0x0] =	vst.idx.msk $0xffff, v19  }
0x1c8: {  	[tilespmem:v17+s15+$0x0] =	vst.idx.msk $0xffff, v57  }
0x1c9: {  	v17 =	vld [tilespmem:s21+$0xA0];
	_ =	sdelay $0x3  }
0x1ca: {  	v18 =	vperm.xlane v19, v7  }
0x1cb: {  	v58 =	vunpack.i.l.bf16.f32 v17  }
0x1cc: {  	v17 =	vunpack.i.u.bf16.f32 v17;
	v21 =	vmul.f32 v18, v58  }
0x1cd: {  	v17 =	vmul.f32 v18, v17  }
0x1ce: {  	[tilespmem:s22+$0x120] =	vst v21  }
0x1cf: {  	[tilespmem:s22+$0x130] =	vst v17  }
0x1d0: {  	v17 =	vld [tilespmem:s21+$0xB0];
	_ =	sdelay $0x3  }
0x1d1: {  	v18 =	vperm.xlane v57, v7  }
0x1d2: {  	v59 =	vunpack.i.l.bf16.f32 v17  }
0x1d3: {  	v17 =	vunpack.i.u.bf16.f32 v17;
	v21 =	vmul.f32 v18, v59  }
0x1d4: {  	v17 =	vmul.f32 v18, v17  }
0x1d5: {  	[tilespmem:s22+$0x140] =	vst v21  }
0x1d6: {  	[tilespmem:s22+$0x150] =	vst v17  }
0x1d7: {  	v17 =	vld [tilespmem:s21+$0xC8];
	_ =	sdelay $0x3  }
0x1d8: {  	v18 =	vperm.xlane v19, v8  }
0x1d9: {  	v60 =	vunpack.i.l.bf16.f32 v17  }
0x1da: {  	v17 =	vunpack.i.u.bf16.f32 v17;
	v21 =	vmul.f32 v18, v60  }
0x1db: {  	v17 =	vmul.f32 v18, v17  }
0x1dc: {  	[tilespmem:s22+$0x168] =	vst v21  }
0x1dd: {  	[tilespmem:s22+$0x178] =	vst v17  }
0x1de: {  	v17 =	vld [tilespmem:s21+$0xD8];
	_ =	sdelay $0x3  }
0x1df: {  	v18 =	vperm.xlane v57, v8  }
0x1e0: {  	v61 =	vunpack.i.l.bf16.f32 v17  }
0x1e1: {  	v17 =	vunpack.i.u.bf16.f32 v17;
	v21 =	vmul.f32 v18, v61  }
0x1e2: {  	v17 =	vmul.f32 v18, v17  }
0x1e3: {  	[tilespmem:s22+$0x188] =	vst v21  }
0x1e4: {  	[tilespmem:s22+$0x198] =	vst v17  }
0x1e5: {  	v17 =	vld [tilespmem:s21+$0xF0];
	_ =	sdelay $0x3  }
0x1e6: {  	v18 =	vperm.xlane v19, v9  }
0x1e7: {  	v62 =	vunpack.i.l.bf16.f32 v17  }
0x1e8: {  	v17 =	vunpack.i.u.bf16.f32 v17;
	v21 =	vmul.f32 v18, v62  }
0x1e9: {  	v17 =	vmul.f32 v18, v17  }
0x1ea: {  	[tilespmem:s22+$0x1B0] =	vst v21  }
0x1eb: {  	[tilespmem:s22+$0x1C0] =	vst v17  }
0x1ec: {  	v17 =	vld [tilespmem:s21+$0x100];
	_ =	sdelay $0x3  }
0x1ed: {  	v18 =	vperm.xlane v57, v9  }
0x1ee: {  	v63 =	vunpack.i.l.bf16.f32 v17  }
0x1ef: {  	v17 =	vunpack.i.u.bf16.f32 v17;
	v21 =	vmul.f32 v18, v63  }
0x1f0: {  	v17 =	vmul.f32 v18, v17  }
0x1f1: {  	[tilespmem:s22+$0x1D0] =	vst v21  }
0x1f2: {  	[tilespmem:s22+$0x1E0] =	vst v17  }
0x1f3: {  	v17 =	vld [tilespmem:s21+$0x118];
	_ =	sdelay $0x3  }
0x1f4: {  	v18 =	vperm.xlane v19, v10  }
0x1f5: {  	v19 =	vunpack.i.l.bf16.f32 v17  }
0x1f6: {  	v17 =	vunpack.i.u.bf16.f32 v17;
	v19 =	vmul.f32 v18, v19  }
0x1f7: {  	v17 =	vmul.f32 v18, v17  }
0x1f8: {  	[tilespmem:s22+$0x1F8] =	vst v19  }
0x1f9: {  	[tilespmem:s22+$0x208] =	vst v17  }
0x1fa: {  	v17 =	vld [tilespmem:s21+$0x128];
	_ =	sdelay $0x3  }
0x1fb: {  	p1 =	sne.s32 s25, $0x70;
	v18 =	vperm.xlane v57, v10  }
.Ltmp2:
0x1fc: {  	v19 =	vunpack.i.l.bf16.f32 v17;
	(pc) =	sbr.rel @p1 .LBB2_7-.Ltmp2, $4  }
0x1fd: {  	v17 =	vunpack.i.u.bf16.f32 v17;
	v19 =	vmul.f32 v18, v19  }
0x1fe: {  	v17 =	vmul.f32 v18, v17  }
0x1ff: {  	s20 =	sadd.s32 $0x10, s20;
	[tilespmem:s22+$0x218] =	vst v19  }
0x200: {  	s25 =	sadd.s32 $0x10, s25;
	s21 =	sadd.s32 $0x280, s21;
	[tilespmem:s22+$0x228] =	vst v17;
	s22 =	sadd.s32 $0x480, s22  }
0x201: {  	p1 =	sne.s32 s19, $0x52  }
.Ltmp3:
0x202: {  	_ = 	snop;
	(pc) =	sbr.rel @p1 .LBB2_4-.Ltmp3, $3  }
0x203: {  	_ =	sdelay $0x1  }
0x204: {  	[spmem:s3] =	stream.indirect.scatter.add.f32 [tilespmem:s24], [sflag:$0x2], $0x48, s23, s12, $0xb8;
	[tilespmem:$0x1F790] =	vst v63  }
0x205: {  	s18 =	sadd.s32 $0x80, s18;
	p0 =	por !p0, !p0;
	s21 =	smov.u32 s19  }
0x206: {  	_ =	swait.ge [sflag:s11], $0x2400  }
0x207: {  	[sflag:s11] =	ssyncset.done $0x0  }
0x208: {  	[sflag:s11] =	ssyncadd.s32 $0xFFFFDC00  }
0x209: {  	_ =	swait.ge [sflag:s11], $0x2400  }
0x20a: {  	[sflag:s11] =	ssyncset.done $0x0  }
0x20b: {  	[sflag:s11] =	ssyncadd.s32 $0xFFFFDC00  }
0x20c: {  	s18 =	stileid.u32;
	[bflag:$0x0] =	sbarrier.arrive $0xFFFF  }
0x20d: {  	s18 =	sshll.u32 s18, $0x6;
	s19 =	rddreg [dreg:$0x8]  }
0x20e: {  	s18 =	sor.u32 $0x1C03, s18;
	s20 =	rddreg [dreg:$0x15]  }
0x20f: {  	[hbm:s19], [sflag:s18] =	dma.local [spmem:s20], $0x1680  }
0x210: {  	_ =	swait.ge [sflag:s16], $0x1680  }
0x211: {  	s17 =	sadd.s32 $0x1, s17;
	s26 =	rddreg [dreg:$0x9]  }
0x212: {  	p0 =	sne.s32 s17, s26  }
.Ltmp4:
0x213: {  	_ = 	snop;
	(pc) =	sbr.rel @p0 .LBB2_1-.Ltmp4, $3  }
0x214: {  	_ =	sdelay $0x1  }
0x215: {  	[sflag:s16] =	ssyncset.done $0x0  }
0x216: {  	[sflag:s16] =	ssyncadd.s32 $0xFFFFE980  }
0x217: {  	_ =	sfence.sel $0x180000  }
0x218: {  	[bflag:$0x0] =	sbarrier.arrive $0xFFFF  }
0x219: {  	_ =	strace $0x9000004A  }
0x21a: {  	s0 =	stileid.u32;
	[bflag:$0x2] =	sbarrier.arrive $0xFFFF  }
0x21b: {  	p0 =	sne.s32 s0, $0x0;
	s0 =	rddreg [dreg:$0x3]  }
0x21c: {  	s0 =	sadd.s32 @!p0 $0x100000, s0  }
0x21d: {  	[sflag:s0] =	ssyncadd.tile.s32 @!p0 $0x1;
	_ =	shalt  }
.Lfunc_end2:
_tile_overlayer_lowered:
.L_overlay_start_2:
0x21e: {  	(tag) =	ssettag $0x2  }
0x21f: {  	s0 =	rddreg [dreg:$0x0];
	s2 =	stileid.u32  }
0x220: {  	s1 =	rddreg [dreg:$0x1];
	p0 =	sne.s32 s2, $0x0  }
0x221: {  	s3 =	rddreg [dreg:$0x2];
	[bflag:$0x3] =	sbarrier.arrive $0xFFFF;
	s2 =	simm.s32 @!p0 $0x1C03  }
0x222: {  	[timem:s3], [sflag:s2] =	dma.local @!p0 [hbm:s0], s1  }
0x223: {  	s0 =	simm.s32 @!p0 $0x3  }
0x224: {  	_ =	swait.ge @!p0 [sflag:s0], s1  }
0x225: {  	s1 =	ssub.s32 @!p0 $0x0, s1;
	[sflag:s0] =	ssyncset.done @!p0 $0x0  }
0x226: {  	[sflag:s0] =	ssyncadd.s32 @!p0 s1  }
0x227: {  	[bflag:$0x3] =	sbarrier.arrive $0xFFFF  }
0x228: {  	_ =	shalt  }

// kernel: kernel.7.cloned.1.call-start
scs
__scs_entry_jumppad:
0x0: {  	(pc) =	sbr.rel $0x88, $3  }
0x1: {  	(tag) =	ssettag $0x0;
	lr =	simm.s32 $0x1  }
0x2: {  	[smem:$0x3F97] =	sst lr;
	_ =	strace $0xD0000000  }
0x3: {  	_ = 	snop  }
0x4: {  	_ = 	snop  }
0x5: {  	_ = 	snop  }
0x6: {  	_ = 	snop  }
0x7: {  	_ = 	snop  }
__scs_overlays_trampoline_lowered:
0x8: {  	[smem:$0x3FA6] =	sst s0  }
0x9: {  	[smem:$0x3FA7] =	sst s1  }
0xa: {  	[smem:$0x3FA8] =	sst s2  }
0xb: {  	[smem:$0x3FA9] =	sst s3  }
0xc: {  	[smem:$0x3FAA] =	sst s4  }
0xd: {  	[smem:$0x3FAB] =	sst s5  }
0xe: {  	[smem:$0x3FAC] =	sst s6  }
0xf: {  	[smem:$0x3FAD] =	sst s7  }
0x10: {  	[smem:$0x3FAE] =	sst s8  }
0x11: {  	[smem:$0x3FAF] =	sst s9;
	s0 =	simm.s32 @!p0 $0x0  }
0x12: {  	s1 =	sld [smem:$0x3F95];
	s0 =	simm.s32 @p0 $0x1  }
0x13: {  	[smem:$0x3FB0] =	sst s0;
	s0 =	simm.s32 @!p1 $0x0  }
0x14: {  	s2 =	sld [smem:$0x3F94];
	s0 =	simm.s32 @p1 $0x1  }
0x15: {  	[smem:$0x3FB1] =	sst s0;
	s0 =	simm.s32 @!p2 $0x0  }
0x16: {  	s3 =	sld [smem:$0x3FDB];
	s0 =	simm.s32 @p2 $0x1  }
0x17: {  	s4 =	simm.s32 $0x1BF5;
	[smem:$0x3FB3] =	sst s0  }
0x18: {  	s0 =	sld [smem:$0x3F96];
	_ =	swait.ge [sflag:s4], $0x0  }
0x19: {  	s7 =	sld [smem:$0x3F97]  }
0x1a: {  	s8 =	sadd.s32 $0xFFFFE003, lr  }
0x1b: {  	s9 =	sadd.s32 $0xFFFFFEF7, lr;
	s5 =	simm.s32 $0xFFFFFFFF;
	p2 =	slt.u32 s8, $0xFFFFF086  }
0x1c: {  	p1 =	slt.u32 s9, $0xF7A;
	s5 =	simm.s32 @!p2 $0x0  }
0x1d: {  	s5 =	simm.s32 @p1 $0x1;
	p0 =	seq.s32 s7, s2  }
0x1e: {  	s7 =	smul.u32 @!p0 $0xF7A, s2;
	p2 =	seq.s32 @!p0 s5, $0x0  }
0x1f: {  	s9 =	smul.u32 $0xF7A, s1;
	s8 =	simm.s32 @!p0 $0x1BF5;
	p2 =	por !p2, p0  }
0x20: {  	[sflag:s8] =	ssyncset.s32 @!p0 $0xFFFFF086;
	s6 =	sadd.s32 @!p0 s3, s7;
	s7 =	simm.s32 @!p0 $0x108  }
0x21: {  	s3 =	sadd.s32 s3, s9;
	s6 =	sadd.s32 @!p0 $0x88, s6;
	s7 =	simm.s32 @p2 $0x1082  }
0x22: {  	[simem:s7], [sflag:s8] =	dma.local @!p0 [hbm:s6], $0xF7A  }
0x23: {  	s9 =	sor.u32 $0xD0000000, s2;
	s6 =	simm.s32 $0x108;
	_ =	swait.ge @!p0 [sflag:s8], $0x0  }
0x24: {  	s3 =	sadd.s32 $0x88, s3;
	s6 =	simm.s32 @!p1 $0x1082;
	[sflag:s4] =	ssyncset.s32 $0xFFFFF086  }
0x25: {  	[simem:s6], [sflag:s4] =	dma.local [hbm:s3], $0xF7A  }
0x26: {  	[smem:$0x3F97] =	sst s1;
	(tag) =	ssettag s2;
	_ =	strace s9  }
0x27: {  	s1 =	sld [smem:$0x3FA7]  }
0x28: {  	s2 =	sld [smem:$0x3FA8]  }
0x29: {  	s4 =	sld [smem:$0x3FAA]  }
0x2a: {  	p0 =	seq.s32 s5, $0x0;
	s5 =	sld [smem:$0x3FAB]  }
0x2b: {  	s6 =	sld [smem:$0x3FAC]  }
0x2c: {  	s7 =	sld [smem:$0x3FAD]  }
0x2d: {  	s3 =	simm.s32 $0x108;
	s8 =	sld [smem:$0x3FAE]  }
0x2e: {  	s3 =	simm.s32 @!p0 $0x1082;
	s9 =	sld [smem:$0x3FAF]  }
0x2f: {  	lr =	sadd.s32 s0, s3;
	s0 =	sld [smem:$0x3FA6]  }
0x30: {  	s3 =	sld [smem:$0x3FA9]  }
0x31: {  	[smem:$0x3FB2] =	sst s10  }
0x32: {  	s10 =	sld [smem:$0x3FB0];
	_ =	sdelay $0x3  }
0x33: {  	p0 =	seq.s32 s10, $0x1;
	s10 =	sld [smem:$0x3FB2];
	_ =	sdelay $0x3  }
0x34: {  	[smem:$0x3FB2] =	sst s10  }
0x35: {  	s10 =	sld [smem:$0x3FB1];
	_ =	sdelay $0x3  }
0x36: {  	p1 =	seq.s32 s10, $0x1;
	s10 =	sld [smem:$0x3FB2];
	_ =	sdelay $0x3  }
0x37: {  	[smem:$0x3FB2] =	sst s10  }
0x38: {  	s10 =	sld [smem:$0x3FB3]  }
0x39: {  	_ = 	snop;
	(pc) =	sbr.ind lr, $3  }
0x3a: {  	_ = 	snop  }
0x3b: {  	_ = 	snop  }
0x3c: {  	p2 =	seq.s32 s10, $0x1;
	s10 =	sld [smem:$0x3FB2]  }
0x3d: {  	_ =	shalt  }
0x3e: {  	_ =	shalt  }
0x3f: {  	_ =	shalt  }
0x40: {  	_ =	shalt  }
0x41: {  	_ =	shalt  }
0x42: {  	_ =	shalt  }
0x43: {  	_ =	shalt  }
0x44: {  	_ =	shalt  }
0x45: {  	_ =	shalt  }
0x46: {  	_ =	shalt  }
0x47: {  	_ =	shalt  }
0x48: {  	_ =	shalt  }
0x49: {  	_ =	shalt  }
0x4a: {  	_ =	shalt  }
0x4b: {  	_ =	shalt  }
0x4c: {  	_ =	shalt  }
0x4d: {  	_ =	shalt  }
0x4e: {  	_ =	shalt  }
0x4f: {  	_ =	shalt  }
0x50: {  	_ =	shalt  }
0x51: {  	_ =	shalt  }
0x52: {  	_ =	shalt  }
0x53: {  	_ =	shalt  }
0x54: {  	_ =	shalt  }
0x55: {  	_ =	shalt  }
0x56: {  	_ =	shalt  }
0x57: {  	_ =	shalt  }
0x58: {  	_ =	shalt  }
0x59: {  	_ =	shalt  }
0x5a: {  	_ =	shalt  }
0x5b: {  	_ =	shalt  }
0x5c: {  	_ =	shalt  }
0x5d: {  	_ =	shalt  }
0x5e: {  	_ =	shalt  }
0x5f: {  	_ =	shalt  }
0x60: {  	_ =	shalt  }
0x61: {  	_ =	shalt  }
0x62: {  	_ =	shalt  }
0x63: {  	_ =	shalt  }
0x64: {  	_ =	shalt  }
0x65: {  	_ =	shalt  }
0x66: {  	_ =	shalt  }
0x67: {  	_ =	shalt  }
0x68: {  	_ =	shalt  }
0x69: {  	_ =	shalt  }
0x6a: {  	_ =	shalt  }
0x6b: {  	_ =	shalt  }
0x6c: {  	_ =	shalt  }
0x6d: {  	_ =	shalt  }
0x6e: {  	_ =	shalt  }
0x6f: {  	_ =	shalt  }
0x70: {  	_ =	shalt  }
0x71: {  	_ =	shalt  }
0x72: {  	_ =	shalt  }
0x73: {  	_ =	shalt  }
0x74: {  	_ =	shalt  }
0x75: {  	_ =	shalt  }
0x76: {  	_ =	shalt  }
0x77: {  	_ =	shalt  }
0x78: {  	_ =	shalt  }
0x79: {  	_ =	shalt  }
0x7a: {  	_ =	shalt  }
0x7b: {  	_ =	shalt  }
0x7c: {  	_ =	shalt  }
0x7d: {  	_ =	shalt  }
0x7e: {  	_ =	shalt  }
0x7f: {  	_ =	shalt  }
0x80: {  	_ =	shalt  }
0x81: {  	_ =	shalt  }
0x82: {  	_ =	shalt  }
0x83: {  	_ =	shalt  }
0x84: {  	_ =	shalt  }
0x85: {  	_ =	shalt  }
0x86: {  	_ =	shalt  }
0x87: {  	_ =	shalt  }
.Lfunc_end0:
.L_simem_size_0:
called_computation_lowered:
.L_overlay_start_0:
0x88: {  	s2 =	sld [smem:$0x3FD9]  }
0x89: {  	s3 =	sld [smem:$0x3FFE];
	_ =	sdelay $0x1  }
0x8a: {  	s1 =	srdreg.scid  }
0x8b: {  	s0 =	sand.u32 $0x1, s1  }
0x8c: {  	s17 =	sshll.u32 s0, $0xA;
	s2 =	sadd.s32 s3, s2  }
0x8d: {  	s2 =	sadd.s32 s2, s17  }
0x8e: {  	[smem:$0x3FBE] =	sst s2  }
0x8f: {  	_ = 	snop  }
0x90: {  	s2 =	sld [smem:$0x3FD0];
	(tm) =	ssettm $0x1  }
0x91: {  	s18 =	sld [smem:$0x3FFB];
	_ =	sdelay $0x3  }
0x92: {  	_ =	strace s18  }
0x93: {  	s3 =	sld [smem:$0x3FFC];
	_ =	sdelay $0x3  }
0x94: {  	_ =	strace s3  }
0x95: {  	s3 =	sld [smem:$0x3FFD];
	_ =	sdelay $0x3  }
0x96: {  	_ =	strace s3  }
0x97: {  	_ =	strace $0x8FFFFFFF  }
0x98: {  	s19 =	sld [smem:$0x3FDB];
	_ =	sdelay $0x1  }
0x99: {  	s4 =	simm.s32 $_scs_section_size  }
0x9a: {  	s5 =	simm.s32 $_size__tile_overlayer_lowered;
	s6 =	simm.s32 $_tile_overlayer_lowered  }
0x9b: {  	s22 =	simm.s32 $0x1BFF;
	s21 =	sshll.u32 s6, $0x1;
	s3 =	sadd.s32 s4, s19  }
0x9c: {  	s7 =	simm.s32 $0x0;
	s20 =	sshll.u32 s5, $0x1;
	s5 =	sadd.s32 s21, s3  }
0x9d: {  	[timem:s7], [sflag:s22] =	dma.local [hbm:s5], s20  }
0x9e: {  	_ =	swait.ge [sflag:s22], s20  }
0x9f: {  	s4 =	ssub.s32 $0x0, s20;
	[sflag:s22] =	ssyncset.done $0x0  }
0xa0: {  	[sflag:s22] =	ssyncadd.s32 s4;
	_ =	sdelay $0x1  }
0xa1: {  	s23 =	simm.s32 $0x1B8B  }
0xa2: {  	_ =	swait.ge [sflag:s23], $0x1  }
0xa3: {  	[sflag:s23] =	ssyncset.done $0x0  }
0xa4: {  	s25 =	simm.s32 $0x1B8E;
	s24 =	sld [smem:$0x3FFE];
	[sflag:s23] =	ssyncadd.s32 $0xFFFFFFFF  }
0xa5: {  	s26 =	simm.s32 $execute0_lowered;
	[smem:$0x3FD2] =	sst s25  }
0xa6: {  	s5 =	sshll.u32 s26, $0x1;
	_ =	strace $0x80000046;
	[dreg:$0x1] =	wrdreg $0xFFFFFFFF  }
0xa7: {  	s28 =	simm.s32 $_size_execute0_lowered;
	s3 =	sadd.s32 s3, s5;
	[dreg:$0x0] =	wrdreg $0x0  }
0xa8: {  	s5 =	sshll.u32 s28, $0x1;
	[dreg:$0x2] =	wrdreg s3  }
0xa9: {  	[dreg:$0x3] =	wrdreg s5  }
0xaa: {  	[dreg:$0x4] =	wrdreg $0xC0  }
0xab: {  	_ =	task [dreg:s7], $0x5FFFF  }
0xac: {  	[dreg:$0x1] =	wrdreg $0xFFFFFFFF  }
0xad: {  	[dreg:$0x0] =	wrdreg $0x60  }
0xae: {  	[dreg:$0x2] =	wrdreg s2  }
0xaf: {  	[dreg:$0x3] =	wrdreg s24  }
0xb0: {  	[dreg:$0x4] =	wrdreg $0x143900  }
0xb1: {  	[dreg:$0x5] =	wrdreg $0x9  }
0xb2: {  	_ =	task.clear_ibuf [dreg:s7], $0x6FFFF;
	_ =	strace $0x90000046  }
0xb3: {  	s29 =	simm.s32 $0x9;
	_ =	strace $0x80000048  }
0xb4: {  	_ =	swait.ge [sflag:s29], $0x1  }
0xb5: {  	[sflag:s29] =	ssyncadd.s32 $0xFFFFFFFF  }
0xb6: {  	_ =	strace $0x90000048  }
0xb7: {  	_ =	sfence  }
0xb8: {  	s30 =	sld [smem:$0x0];
	_ =	sdelay $0x2  }
0xb9: {  	s31 =	sshll.u32 s1, $0xD;
	s1 =	sshrl.u32 s1, $0x2  }
0xba: {  	s3 =	sand.u32 $0x4000, s31;
	s1 =	sadd.s32 s1, s30  }
0xbb: {  	s0 =	sor.u32 s3, s0;
	s1 =	sshll.u32 s1, $0x11  }
0xbc: {  	s0 =	sor.u32 s1, s0  }
0xbd: {  	s0 =	sadd.s32 $0x8F2B, s0  }
0xbe: {  	[sflag:s0] =	ssyncadd.remote.s32 $0x1  }
0xbf: {  	_ =	sfence.sel $0xFFFF  }
0xc0: {  	[dreg:$0x0] =	wrdreg $0xFFFFFFFF;
	(pc) =	sbr.abs _section_cstart, $3  }
0xc1: {  	[dreg:$0x1] =	wrdreg $0xFFFFFFFF  }
0xc2: {  	_ =	task.clear_ibuf [dreg:s7], $0x2FFFF;
	_ =	strace $0x9FFFFFFF  }
0xc3: {  	(tm) =	ssettm $0x7FFFFFFF  }
tec
execute0_lowered:
.L_overlay_start_1:
0x0: {  	(tag) =	ssettag $0x1  }
0x1: {  	s1 =	rddreg [dreg:$0x0]  }
0x2: {  	s0 =	srdreg.scid;
	s5 =	rddreg [dreg:$0x1]  }
0x3: {  	s11 =	stileid.u32;
	s3 =	rddreg [dreg:$0x2];
	s4 =	simm.s32 $0x0  }
0x4: {  	s0 =	sand.u32 $0x1, s0;
	s2 =	sshll.u32 s11, $0x1;
	s9 =	smul.u32 $0xB400, s11  }
0x5: {  	[smem:$0x7FF] =	sst s4;
	s8 =	sadd.s32 $0x16800, s5;
	s11 =	smul.u32 $0x2D000, s11  }
0x6: {  	s23 =	sadd.s32 $0x16600, s5;
	s2 =	sor.u32 s0, s2;
	s7 =	smul.u32 $0xB4000, s0  }
0x7: {  	_ =	strace $0x80000047;
	[dreg:$0x4] =	wrdreg s8;
	s0 =	ssub.s32 $0x2, s0  }
0x8: {  	[dreg:$0x5] =	wrdreg s23;
	s6 =	smul.u32 $0x520, s2;
	s25 =	sshrl.u32 s0, $0x1  }
0x9: {  	s11 =	sshrl.u32 s11, $0x2;
	s12 =	sadd.s32 s9, s3;
	s24 =	sadd.s32 s9, s7  }
0xa: {  	s7 =	sadd.s32 $0x1E00, s5;
	s0 =	ssub.s32 s0, s25;
	s25 =	sshrl.u32 s12, $0x3  }
0xb: {  	s10 =	sadd.s32 s6, s5;
	s6 =	sadd.s32 s7, s6;
	[dreg:$0x15] =	wrdreg s25  }
0xc: {  	s13 =	sadd.s32 s11, s3;
	s0 =	smax.u32 s0, $0x1;
	[dreg:$0x7] =	wrdreg s6  }
0xd: {  	s9 =	simm.s32 $0x13A90;
	s14 =	sadd.s32 $0x900, s13;
	[dreg:$0x9] =	wrdreg s0  }
0xe: {  	s11 =	simm.s32 $0x2;
	s15 =	sadd.s32 $0x1200, s13;
	[dreg:$0xa] =	wrdreg s14  }
0xf: {  	s12 =	simm.s32 $0x80;
	s16 =	sadd.s32 $0x1B00, s13;
	[dreg:$0xb] =	wrdreg s15  }
0x10: {  	s8 =	sshrl.u32 s24, $0x3;
	s17 =	sadd.s32 $0x2400, s13;
	[dreg:$0xc] =	wrdreg s16  }
0x11: {  	s18 =	sadd.s32 $0x2D00, s13;
	s19 =	sadd.s32 $0x3600, s13;
	[dreg:$0xd] =	wrdreg s17  }
0x12: {  	s20 =	sadd.s32 $0x3F00, s13;
	s21 =	sadd.s32 $0x4800, s13;
	[dreg:$0xe] =	wrdreg s18  }
0x13: {  	s22 =	sadd.s32 $0x5100, s13;
	s23 =	sadd.s32 $0x5A00, s13;
	[dreg:$0xf] =	wrdreg s19  }
0x14: {  	s24 =	sadd.s32 $0x6300, s13;
	s28 =	sadd.s32 $0x7500, s13;
	[dreg:$0x10] =	wrdreg s20  }
0x15: {  	s29 =	sadd.s32 $0x7E00, s13;
	s30 =	sadd.s32 $0x8700, s13;
	[dreg:$0x11] =	wrdreg s21  }
0x16: {  	s31 =	sadd.s32 $0x9000, s13;
	s5 =	sadd.s32 s8, s5;
	[dreg:$0x12] =	wrdreg s22  }
0x17: {  	s8 =	smul.u32 $0x52, s2;
	s26 =	sadd.s32 $0xC200, s10;
	[dreg:$0x13] =	wrdreg s23  }
0x18: {  	v7 =	vlaneseq.u32;
	[dreg:$0x14] =	wrdreg s24;
	s2 =	sadd.s32 $0x9900, s13;
	s0 =	sadd.s32 $0xA200, s13  }
0x19: {  	v0 =	vimm.f32 $0.0e+00;
	v1 =	vand.u32 $0x3, v7;
	s6 =	simm.s32 $0x2A80;
	s14 =	simm.s32 $0xCA80;
	s15 =	simm.s32 $0xF280  }
0x1a: {  	v7 =	vshrl.u32 v7, $0x2;
	v2 =	vor.u32 $0x4, v1;
	v3 =	vor.u32 $0x20, v1;
	s16 =	simm.s32 $0x3;
	[dreg:$0x6] =	wrdreg s26;
	s10 =	sadd.s32 $0x17C00, s5  }
0x1b: {  	v4 =	vor.u32 $0x24, v1;
	v5 =	vor.u32 $0x40, v1;
	v6 =	vor.u32 $0x44, v1;
	s17 =	simm.s32 $0x0;
	s26 =	sadd.s32 $0x6C00, s13;
	[dreg:$0x8] =	wrdreg s10  }
0x1c: {  	v8 =	vor.u32 $0x4, v7;
	v9 =	vor.u32 $0x8, v7;
	v10 =	vor.u32 $0xC, v7;
	s5 =	sadd.s32 $0xAB00, s13;
	[dreg:$0x16] =	wrdreg s26;
	s10 =	simm.s32 $0x1  }
.LBB2_1:
0x1d: {  	s18 =	rddreg [dreg:$0x5];
	s19 =	simm.s32 $0x13A80  }
0x1e: {  	[tilespmem:s19], [sflag:$0x2] =	stream.linear.gather [hbm4b:s18+s4], $0x10, $0x38;
	[tilespmem:$0x1F790] =	vst v63  }
0x1f: {  	s25 =	rddreg [dreg:$0x4]  }
0x20: {  	[tilespmem:s6], [sflag:$0x2] =	stream.linear.gather [hbm4b:s25+s4], $0xA000, $0x38;
	[tilespmem:$0x1F790] =	vst v63  }
0x21: {  	s26 =	rddreg [dreg:$0x6];
	s18 =	simm.s32 $0x0  }
0x22: {  	[tilespmem:s4], [sflag:$0x2] =	stream.linear.gather [hbm4b:s26+s4], $0x2900, $0x38;
	[tilespmem:$0x1F790] =	vst v63  }
0x23: {  	s19 =	simm.s32 $0x120;
	[tilespmem:s18+$0x13AB0] =	vst v0  }
.LBB2_2:
0x24: {  	p0 =	sne.s32 s19, $0x22E0;
	[tilespmem:s18+$0x13AA0] =	vst v0;
	s20 =	smov.u32 s19;
	s19 =	sadd.s32 $0x120, s19  }
.Ltmp0:
0x25: {  	[tilespmem:s18+$0x13AC0] =	vst v0;
	(pc) =	sbr.rel @p0 .LBB2_2-.Ltmp0, $4  }
0x26: {  	[tilespmem:s18+$0x13AC8] =	vst v0  }
0x27: {  	[tilespmem:s18+$0x13A90] =	vst v0  }
0x28: {  	s18 =	sshra.s32 s20, $0x2  }
0x29: {  	[tilespmem:s18+$0x13AB0] =	vst v0  }
0x2a: {  	[tilespmem:s18+$0x13AA0] =	vst v0  }
0x2b: {  	[tilespmem:s18+$0x13AC0] =	vst v0  }
0x2c: {  	[tilespmem:s18+$0x13A90] =	vst v0  }
0x2d: {  	[tilespmem:s18+$0x13AC8] =	vst v0  }
0x2e: {  	[spmem:s13] =	stream.linear.scatter [tilespmem:s9], [sflag:$0x1], $0x900, $0x38;
	[tilespmem:$0x1F790] =	vst v63  }
0x2f: {  	s23 =	rddreg [dreg:$0xa]  }
0x30: {  	[spmem:s23] =	stream.linear.scatter [tilespmem:s9], [sflag:$0x1], $0x900, $0x38;
	[tilespmem:$0x1F790] =	vst v63  }
0x31: {  	s24 =	rddreg [dreg:$0xb]  }
0x32: {  	[spmem:s24] =	stream.linear.scatter [tilespmem:s9], [sflag:$0x1], $0x900, $0x38;
	[tilespmem:$0x1F790] =	vst v63  }
0x33: {  	s25 =	rddreg [dreg:$0xc]  }
0x34: {  	[spmem:s25] =	stream.linear.scatter [tilespmem:s9], [sflag:$0x1], $0x900, $0x38;
	[tilespmem:$0x1F790] =	vst v63  }
0x35: {  	s26 =	rddreg [dreg:$0xd]  }
0x36: {  	[spmem:s26] =	stream.linear.scatter [tilespmem:s9], [sflag:$0x1], $0x900, $0x38;
	[tilespmem:$0x1F790] =	vst v63  }
0x37: {  	s19 =	rddreg [dreg:$0xe]  }
0x38: {  	[spmem:s19] =	stream.linear.scatter [tilespmem:s9], [sflag:$0x1], $0x900, $0x38;
	[tilespmem:$0x1F790] =	vst v63  }
0x39: {  	s20 =	rddreg [dreg:$0xf]  }
0x3a: {  	[spmem:s20] =	stream.linear.scatter [tilespmem:s9], [sflag:$0x1], $0x900, $0x38;
	[tilespmem:$0x1F790] =	vst v63  }
0x3b: {  	s21 =	rddreg [dreg:$0x10]  }
0x3c: {  	[spmem:s21] =	stream.linear.scatter [tilespmem:s9], [sflag:$0x1], $0x900, $0x38;
	[tilespmem:$0x1F790] =	vst v63  }
0x3d: {  	s22 =	rddreg [dreg:$0x11]  }
0x3e: {  	[spmem:s22] =	stream.linear.scatter [tilespmem:s9], [sflag:$0x1], $0x900, $0x38;
	[tilespmem:$0x1F790] =	vst v63  }
0x3f: {  	s23 =	rddreg [dreg:$0x12]  }
0x40: {  	[spmem:s23] =	stream.linear.scatter [tilespmem:s9], [sflag:$0x1], $0x900, $0x38;
	[tilespmem:$0x1F790] =	vst v63  }
0x41: {  	s24 =	rddreg [dreg:$0x13]  }
0x42: {  	[spmem:s24] =	stream.linear.scatter [tilespmem:s9], [sflag:$0x1], $0x900, $0x38;
	[tilespmem:$0x1F790] =	vst v63  }
0x43: {  	s25 =	rddreg [dreg:$0x14]  }
0x44: {  	[spmem:s25] =	stream.linear.scatter [tilespmem:s9], [sflag:$0x1], $0x900, $0x38;
	[tilespmem:$0x1F790] =	vst v63  }
0x45: {  	s26 =	rddreg [dreg:$0x16]  }
0x46: {  	[spmem:s26] =	stream.linear.scatter [tilespmem:s9], [sflag:$0x1], $0x900, $0x38;
	[tilespmem:$0x1F790] =	vst v63  }
0x47: {  	_ = 	snop  }
0x48: {  	[spmem:s28] =	stream.linear.scatter [tilespmem:s9], [sflag:$0x1], $0x900, $0x38;
	[tilespmem:$0x1F790] =	vst v63  }
0x49: {  	_ = 	snop  }
0x4a: {  	[spmem:s29] =	stream.linear.scatter [tilespmem:s9], [sflag:$0x1], $0x900, $0x38;
	[tilespmem:$0x1F790] =	vst v63  }
0x4b: {  	_ = 	snop  }
0x4c: {  	[spmem:s30] =	stream.linear.scatter [tilespmem:s9], [sflag:$0x1], $0x900, $0x38;
	[tilespmem:$0x1F790] =	vst v63  }
0x4d: {  	_ = 	snop  }
0x4e: {  	[spmem:s31] =	stream.linear.scatter [tilespmem:s9], [sflag:$0x1], $0x900, $0x38;
	[tilespmem:$0x1F790] =	vst v63  }
0x4f: {  	_ = 	snop  }
0x50: {  	[spmem:s2] =	stream.linear.scatter [tilespmem:s9], [sflag:$0x1], $0x900, $0x38;
	[tilespmem:$0x1F790] =	vst v63  }
0x51: {  	_ = 	snop  }
0x52: {  	[spmem:s0] =	stream.linear.scatter [tilespmem:s9], [sflag:$0x1], $0x900, $0x38;
	[tilespmem:$0x1F790] =	vst v63  }
0x53: {  	_ = 	snop  }
0x54: {  	[spmem:s5] =	stream.linear.scatter [tilespmem:s9], [sflag:$0x1], $0x900, $0x38;
	[tilespmem:$0x1F790] =	vst v63  }
0x55: {  	_ =	swait.ge [sflag:s10], $0x900  }
0x56: {  	[sflag:s10] =	ssyncset.done $0x0  }
0x57: {  	[sflag:s10] =	ssyncadd.s32 $0xFFFFF700  }
0x58: {  	_ =	swait.ge [sflag:s10], $0x900  }
0x59: {  	[sflag:s10] =	ssyncset.done $0x0  }
0x5a: {  	[sflag:s10] =	ssyncadd.s32 $0xFFFFF700  }
0x5b: {  	_ =	swait.ge [sflag:s10], $0x900  }
0x5c: {  	[sflag:s10] =	ssyncset.done $0x0  }
0x5d: {  	[sflag:s10] =	ssyncadd.s32 $0xFFFFF700  }
0x5e: {  	_ =	swait.ge [sflag:s10], $0x900  }
0x5f: {  	[sflag:s10] =	ssyncset.done $0x0  }
0x60: {  	[sflag:s10] =	ssyncadd.s32 $0xFFFFF700  }
0x61: {  	_ =	swait.ge [sflag:s10], $0x900  }
0x62: {  	[sflag:s10] =	ssyncset.done $0x0  }
0x63: {  	[sflag:s10] =	ssyncadd.s32 $0xFFFFF700  }
0x64: {  	_ =	swait.ge [sflag:s10], $0x900  }
0x65: {  	[sflag:s10] =	ssyncset.done $0x0  }
0x66: {  	[sflag:s10] =	ssyncadd.s32 $0xFFFFF700  }
0x67: {  	_ =	swait.ge [sflag:s10], $0x900  }
0x68: {  	[sflag:s10] =	ssyncset.done $0x0  }
0x69: {  	[sflag:s10] =	ssyncadd.s32 $0xFFFFF700  }
0x6a: {  	_ =	swait.ge [sflag:s10], $0x900  }
0x6b: {  	[sflag:s10] =	ssyncset.done $0x0  }
0x6c: {  	[sflag:s10] =	ssyncadd.s32 $0xFFFFF700  }
0x6d: {  	_ =	swait.ge [sflag:s10], $0x900  }
0x6e: {  	[sflag:s10] =	ssyncset.done $0x0  }
0x6f: {  	[sflag:s10] =	ssyncadd.s32 $0xFFFFF700  }
0x70: {  	_ =	swait.ge [sflag:s10], $0x900  }
0x71: {  	[sflag:s10] =	ssyncset.done $0x0  }
0x72: {  	[sflag:s10] =	ssyncadd.s32 $0xFFFFF700  }
0x73: {  	_ =	swait.ge [sflag:s10], $0x900  }
0x74: {  	[sflag:s10] =	ssyncset.done $0x0  }
0x75: {  	[sflag:s10] =	ssyncadd.s32 $0xFFFFF700  }
0x76: {  	_ =	swait.ge [sflag:s10], $0x900  }
0x77: {  	[sflag:s10] =	ssyncset.done $0x0  }
0x78: {  	[sflag:s10] =	ssyncadd.s32 $0xFFFFF700  }
0x79: {  	_ =	swait.ge [sflag:s10], $0x900  }
0x7a: {  	[sflag:s10] =	ssyncset.done $0x0  }
0x7b: {  	[sflag:s10] =	ssyncadd.s32 $0xFFFFF700  }
0x7c: {  	_ =	swait.ge [sflag:s10], $0x900  }
0x7d: {  	[sflag:s10] =	ssyncset.done $0x0  }
0x7e: {  	[sflag:s10] =	ssyncadd.s32 $0xFFFFF700  }
0x7f: {  	_ =	swait.ge [sflag:s10], $0x900  }
0x80: {  	[sflag:s10] =	ssyncset.done $0x0  }
0x81: {  	[sflag:s10] =	ssyncadd.s32 $0xFFFFF700  }
0x82: {  	_ =	swait.ge [sflag:s10], $0x900  }
0x83: {  	[sflag:s10] =	ssyncset.done $0x0  }
0x84: {  	[sflag:s10] =	ssyncadd.s32 $0xFFFFF700  }
0x85: {  	_ =	swait.ge [sflag:s10], $0x900  }
0x86: {  	[sflag:s10] =	ssyncset.done $0x0  }
0x87: {  	[sflag:s10] =	ssyncadd.s32 $0xFFFFF700  }
0x88: {  	_ =	swait.ge [sflag:s10], $0x900  }
0x89: {  	[sflag:s10] =	ssyncset.done $0x0  }
0x8a: {  	[sflag:s10] =	ssyncadd.s32 $0xFFFFF700  }
0x8b: {  	_ =	swait.ge [sflag:s10], $0x900  }
0x8c: {  	[sflag:s10] =	ssyncset.done $0x0  }
0x8d: {  	[sflag:s10] =	ssyncadd.s32 $0xFFFFF700  }
0x8e: {  	_ =	swait.ge [sflag:s10], $0x900  }
0x8f: {  	[sflag:s10] =	ssyncset.done $0x0  }
0x90: {  	[sflag:s10] =	ssyncadd.s32 $0xFFFFF700  }
0x91: {  	_ =	swait.ge [sflag:s11], $0x10  }
0x92: {  	[sflag:s11] =	ssyncset.done $0x0  }
0x93: {  	[sflag:s11] =	ssyncadd.s32 $0xFFFFFFF0  }
0x94: {  	_ =	swait.ge [sflag:s11], $0xA000  }
0x95: {  	[sflag:s11] =	ssyncset.done $0x0  }
0x96: {  	[sflag:s11] =	ssyncadd.s32 $0xFFFF6000  }
0x97: {  	_ =	swait.ge [sflag:s11], $0x2900  }
0x98: {  	[sflag:s11] =	ssyncset.done $0x0  }
0x99: {  	[sflag:s11] =	ssyncadd.s32 $0xFFFFD700  }
0x9a: {  	[bflag:$0x0] =	sbarrier.arrive $0xFFFF  }
0x9b: {  	v12 =	vld [tilespmem:$0x13A80];
	_ =	sdelay $0x1  }
0x9c: {  	s18 =	simm.s32 $0x2900;
	s21 =	simm.s32 $0x0;
	s19 =	rddreg [dreg:$0x7]  }
0x9d: {  	[tilespmem:s18], [sflag:$0x1] =	stream.linear.gather [hbm4b:s19+s21], $0x80, $0x38;
	[tilespmem:$0x1F790] =	vst v63  }
0x9e: {  	p0 =	por $0x0, $0x0  }
0x9f: {  	[tilespmem:s14], [sflag:$0x1] =	stream.indirect.gather [hbm4b:s1+s12], $0x28, s21, s12, $0xb8;
	v11 =	vperm.xlane v12, v1;
	v12 =	vperm.xlane v12, v2;
	[tilespmem:$0x1F790] =	vst v63  }
.LBB2_4:
0xa0: {  	_ =	swait.ge [sflag:s10], $0x80  }
0xa1: {  	p1 =	slt.u32 s21, $0x2;
	[sflag:s10] =	ssyncset.done $0x0  }
0xa2: {  	p2 =	seq.s32 @!p1 s21, $0x51;
	[sflag:s10] =	ssyncadd.s32 $0xFFFFFF80  }
0xa3: {  	p2 =	por p1, !p2;
	_ =	swait.ge [sflag:s10], $0x1400  }
.Ltmp1:
0xa4: {  	[sflag:s10] =	ssyncset.done $0x0;
	(pc) =	sbr.rel @!p2 .LBB2_6-.Ltmp1, $4  }
0xa5: {  	s22 =	simm.s32 @!p1 $0x2;
	[sflag:s10] =	ssyncadd.s32 $0xFFFFEC00  }
0xa6: {  	_ =	swait.ge @!p1 [sflag:s22], $0x2400  }
0xa7: {  	[sflag:s22] =	ssyncset.done @!p1 $0x0  }
0xa8: {  	s19 =	sadd.s32 $0x1, s21;
	s20 =	smul.u32 $0xAB, s21;
	[sflag:s22] =	ssyncadd.s32 @!p1 $0xFFFFDC00  }
0xa9: {  	_ = 	snop  }
0xaa: {  	s22 =	sadd.s32 $0xAB, s20  }
0xab: {  	s22 =	sshrl.u32 s22, $0x9  }
0xac: {  	s22 =	sand.u32 $0x7F, s22  }
0xad: {  	s22 =	smul.u32 $0x3, s22;
	_ =	sdelay $0x1  }
0xae: {  	s23 =	sadd.s32 s8, s19;
	s22 =	ssub.s32 s19, s22  }
0xaf: {  	s23 =	sshll.u32 s23, $0x4;
	s22 =	sand.u32 $0xFF, s22  }
0xb0: {  	s23 =	sand.u32 $0x1FFFFFF0, s23;
	s22 =	sshll.u32 s22, $0x7  }
0xb1: {  	s25 =	sand.u32 $0x1, s19;
	s23 =	sadd.s32 s7, s23;
	s22 =	sadd.s32 $0x2900, s22  }
0xb2: {  	[tilespmem:s22], [sflag:$0x1] =	stream.linear.gather [hbm4b:s23+s4], $0x80, $0x38;
	[tilespmem:$0x1F790] =	vst v63  }
0xb3: {  	s26 =	sshll.u32 s19, $0x7;
	p1 =	seq.s32 s25, $0x1;
	s22 =	simm.s32 $0xDE80  }
0xb4: {  	s23 =	sand.u32 $0x3FFFFF80, s26;
	s22 =	simm.s32 @!p1 $0xCA80  }
0xb5: {  	[tilespmem:s22], [sflag:$0x1] =	stream.indirect.gather [hbm4b:s1+s12], $0x28, s23, s12, $0xb8;
	[tilespmem:$0x1F790] =	vst v63  }
.LBB2_6:
0xb6: {  	s22 =	smulhi.u32 $0xAAAAAAAB, s21;
	s23 =	simm.s32 $0x1  }
0xb7: {  	s23 =	simm.s32 @!p0 $0x0  }
0xb8: {  	s20 =	sshrl.u32 s20, $0x9;
	s22 =	sshrl.u32 s22, $0x1;
	s24 =	smul.u32 $0x5000, s23  }
0xb9: {  	s20 =	sand.u32 $0x7F, s20;
	s22 =	smul.u32 $0xFFFFFA00, s22  }
0xba: {  	s25 =	sand.u32 $0x1, s21;
	s26 =	smul.u32 $0x3, s20  }
0xbb: {  	v13 =	vmov s25;
	s25 =	smul.u32 $0x9000, s25;
	s24 =	sshrl.u32 s24, $0x2;
	s22 =	sshra.s32 s22, $0x2  }
0xbc: {  	v14 =	vmul.u32 $0x1400, v13;
	s26 =	ssub.s32 s21, s26;
	s20 =	sadd.s32 s22, s18;
	s22 =	smul.u32 $0x9000, s23  }
0xbd: {  	v16 =	vmul.u32 $0x2400, v13;
	s21 =	sadd.s32 $0xCBC0, s24;
	s24 =	sand.u32 $0xFF, s26;
	s26 =	sshrl.u32 s25, $0x2  }
0xbe: {  	v13 =	vor.u32 v3, v14;
	s25 =	simm.s32 $0x0;
	s23 =	sshll.u32 s24, $0x7;
	s22 =	sshrl.u32 s22, $0x2  }
0xbf: {  	v14 =	vor.u32 v4, v14;
	v15 =	vor.u32 v5, v16;
	v16 =	vor.u32 v6, v16;
	s24 =	sadd.s32 $0xF280, s26;
	s23 =	sadd.s32 $0x2900, s23;
	s22 =	sadd.s32 $0xF4C0, s22  }
.LBB2_7:
0xc0: {  	v17 =	vld [tilespmem:s20+$0x0];
	_ =	sdelay $0x4  }
0xc1: {  	v18 =	vperm.xlane v17, v7  }
0xc2: {  	v19 =	vor.u32 s25, v7  }
0xc3: {  	v20 =	vmul.u32 $0x28, v19;
	v18 =	vshll.u32 v18, $0x2  }
0xc4: {  	v18 =	vor.u32 v1, v18  }
0xc5: {  	v21 =	vadd.s32 v13, v20  }
0xc6: {  	v20 =	vadd.s32 v14, v20;
	_ =	sdelay $0x2  }
0xc7: {  	v18 =	vld.idx.msk [tilespmem:v18+s6+$0x0], $0xffff  }
0xc8: {  	v21 =	vld.idx.msk [tilespmem:v21+s14+$0x0], $0xffff  }
0xc9: {  	v20 =	vld.idx.msk [tilespmem:v20+s14+$0x0], $0xffff;
	_ =	sdelay $0x2  }
0xca: {  	v22 =	vunpack.i.l.bf16.f32 v18  }
0xcb: {  	v18 =	vunpack.i.u.bf16.f32 v18;
	v21 =	vadd.f32 v22, v21  }
0xcc: {  	v18 =	vadd.f32 v18, v20  }
0xcd: {  	v47 =	vmul.f32 $2.000000030e-01, v21  }
0xce: {  	v48 =	vmul.f32 $2.000000030e-01, v18  }
0xcf: {  	v20 =	vmax.f32 v21, v47  }
0xd0: {  	v18 =	vmax.f32 v18, v48;
	v20 =	vsub.f32 v20, v11  }
0xd1: {  	v18 =	vsub.f32 v18, v12  }
0xd2: {  	v20 =	vmul.f32 $1.442695020e+00, v20  }
0xd3: {  	v18 =	vmul.f32 $1.442695020e+00, v18  }
0xd4: {  	(erf) = vpow2.f32 v20  }
0xd5: {  	(erf) = vpow2.f32 v18;
	_ =	sdelay $0x1  }
0xd6: {  	v18 =	vmul.u32 $0x48, v19;
	_ =	sdelay $0x1  }
0xd7: {  	v19 =	vadd.s32 v15, v18  }
0xd8: {  	v18 =	vadd.s32 v16, v18;
	_ =	sdelay $0x2  }
0xd9: {  	v20 =	vpop (erf)  }
0xda: {  	v49 =	vpop (erf);
	[tilespmem:v19+s15+$0x0] =	vst.idx.msk $0xffff, v20  }
0xdb: {  	[tilespmem:v18+s15+$0x0] =	vst.idx.msk $0xffff, v49  }
0xdc: {  	v18 =	vld [tilespmem:s21+$0xFFFFFEC0];
	_ =	sdelay $0x3  }
0xdd: {  	v19 =	vperm.xlane v20, v7  }
0xde: {  	v50 =	vunpack.i.l.bf16.f32 v18  }
0xdf: {  	v18 =	vunpack.i.u.bf16.f32 v18;
	v22 =	vmul.f32 v19, v50  }
0xe0: {  	v18 =	vmul.f32 v19, v18  }
0xe1: {  	[tilespmem:s22+$0xFFFFFDC0] =	vst v22  }
0xe2: {  	[tilespmem:s22+$0xFFFFFDD0] =	vst v18  }
0xe3: {  	v18 =	vld [tilespmem:s21+$0xFFFFFED0];
	_ =	sdelay $0x3  }
0xe4: {  	v19 =	vperm.xlane v49, v7  }
0xe5: {  	v51 =	vunpack.i.l.bf16.f32 v18  }
0xe6: {  	v18 =	vunpack.i.u.bf16.f32 v18;
	v22 =	vmul.f32 v19, v51  }
0xe7: {  	v18 =	vmul.f32 v19, v18  }
0xe8: {  	[tilespmem:s22+$0xFFFFFDE0] =	vst v22  }
0xe9: {  	[tilespmem:s22+$0xFFFFFDF0] =	vst v18  }
0xea: {  	v18 =	vld [tilespmem:s21+$0xFFFFFEE8];
	_ =	sdelay $0x3  }
0xeb: {  	v19 =	vperm.xlane v20, v8  }
0xec: {  	v52 =	vunpack.i.l.bf16.f32 v18  }
0xed: {  	v18 =	vunpack.i.u.bf16.f32 v18;
	v22 =	vmul.f32 v19, v52  }
0xee: {  	v18 =	vmul.f32 v19, v18  }
0xef: {  	[tilespmem:s22+$0xFFFFFE08] =	vst v22  }
0xf0: {  	[tilespmem:s22+$0xFFFFFE18] =	vst v18  }
0xf1: {  	v18 =	vld [tilespmem:s21+$0xFFFFFEF8];
	_ =	sdelay $0x3  }
0xf2: {  	v19 =	vperm.xlane v49, v8  }
0xf3: {  	v53 =	vunpack.i.l.bf16.f32 v18  }
0xf4: {  	v18 =	vunpack.i.u.bf16.f32 v18;
	v22 =	vmul.f32 v19, v53  }
0xf5: {  	v18 =	vmul.f32 v19, v18  }
0xf6: {  	[tilespmem:s22+$0xFFFFFE28] =	vst v22  }
0xf7: {  	[tilespmem:s22+$0xFFFFFE38] =	vst v18  }
0xf8: {  	v18 =	vld [tilespmem:s21+$0xFFFFFF10];
	_ =	sdelay $0x3  }
0xf9: {  	v19 =	vperm.xlane v20, v9  }
0xfa: {  	v54 =	vunpack.i.l.bf16.f32 v18  }
0xfb: {  	v18 =	vunpack.i.u.bf16.f32 v18;
	v22 =	vmul.f32 v19, v54  }
0xfc: {  	v18 =	vmul.f32 v19, v18  }
0xfd: {  	[tilespmem:s22+$0xFFFFFE50] =	vst v22  }
0xfe: {  	[tilespmem:s22+$0xFFFFFE60] =	vst v18  }
0xff: {  	v18 =	vld [tilespmem:s21+$0xFFFFFF20];
	_ =	sdelay $0x3  }
0x100: {  	v19 =	vperm.xlane v49, v9  }
0x101: {  	v55 =	vunpack.i.l.bf16.f32 v18  }
0x102: {  	v18 =	vunpack.i.u.bf16.f32 v18;
	v22 =	vmul.f32 v19, v55  }
0x103: {  	v18 =	vmul.f32 v19, v18  }
0x104: {  	[tilespmem:s22+$0xFFFFFE70] =	vst v22  }
0x105: {  	[tilespmem:s22+$0xFFFFFE80] =	vst v18  }
0x106: {  	v18 =	vld [tilespmem:s21+$0xFFFFFF38];
	_ =	sdelay $0x3  }
0x107: {  	v19 =	vperm.xlane v20, v10  }
0x108: {  	v56 =	vunpack.i.l.bf16.f32 v18  }
0x109: {  	v18 =	vunpack.i.u.bf16.f32 v18;
	v20 =	vmul.f32 v19, v56  }
0x10a: {  	v18 =	vmul.f32 v19, v18  }
0x10b: {  	[tilespmem:s22+$0xFFFFFE98] =	vst v20  }
0x10c: {  	[tilespmem:s22+$0xFFFFFEA8] =	vst v18  }
0x10d: {  	v18 =	vld [tilespmem:s21+$0xFFFFFF48];
	_ =	sdelay $0x1  }
0x10e: {  	s26 =	sadd.s32 $0x4, s25;
	v19 =	vperm.xlane v17, v8  }
0x10f: {  	v57 =	vor.u32 s26, v7  }
0x110: {  	v58 =	vmul.u32 $0x28, v57;
	v21 =	vperm.xlane v49, v10;
	v19 =	vshll.u32 v19, $0x2  }
0x111: {  	v19 =	vor.u32 v1, v19;
	v23 =	vunpack.i.l.bf16.f32 v18  }
0x112: {  	v24 =	vadd.s32 v13, v58;
	v18 =	vunpack.i.u.bf16.f32 v18;
	v23 =	vmul.f32 v21, v23  }
0x113: {  	v59 =	vadd.s32 v14, v58;
	v18 =	vmul.f32 v21, v18  }
0x114: {  	[tilespmem:s22+$0xFFFFFEB8] =	vst v23  }
0x115: {  	[tilespmem:s22+$0xFFFFFEC8] =	vst v18  }
0x116: {  	v18 =	vld.idx.msk [tilespmem:v19+s6+$0x0], $0xffff  }
0x117: {  	v19 =	vld.idx.msk [tilespmem:v24+s14+$0x0], $0xffff  }
0x118: {  	v21 =	vld.idx.msk [tilespmem:v59+s14+$0x0], $0xffff;
	_ =	sdelay $0x2  }
0x119: {  	v60 =	vunpack.i.l.bf16.f32 v18  }
0x11a: {  	v18 =	vunpack.i.u.bf16.f32 v18;
	v19 =	vadd.f32 v60, v19  }
0x11b: {  	v18 =	vadd.f32 v18, v21  }
0x11c: {  	v61 =	vmul.f32 $2.000000030e-01, v19  }
0x11d: {  	v62 =	vmul.f32 $2.000000030e-01, v18  }
0x11e: {  	v19 =	vmax.f32 v19, v61  }
0x11f: {  	v18 =	vmax.f32 v18, v62;
	v19 =	vsub.f32 v19, v11  }
0x120: {  	v18 =	vsub.f32 v18, v12  }
0x121: {  	v19 =	vmul.f32 $1.442695020e+00, v19  }
0x122: {  	v18 =	vmul.f32 $1.442695020e+00, v18  }
0x123: {  	(erf) = vpow2.f32 v19  }
0x124: {  	(erf) = vpow2.f32 v18;
	_ =	sdelay $0x1  }
0x125: {  	v18 =	vmul.u32 $0x48, v57;
	_ =	sdelay $0x1  }
0x126: {  	v19 =	vadd.s32 v15, v18  }
0x127: {  	v18 =	vadd.s32 v16, v18;
	_ =	sdelay $0x2  }
0x128: {  	v63 =	vpop (erf)  }
0x129: {  	v24 =	vpop (erf);
	[tilespmem:v19+s15+$0x0] =	vst.idx.msk $0xffff, v63  }
0x12a: {  	[tilespmem:v18+s15+$0x0] =	vst.idx.msk $0xffff, v24  }
0x12b: {  	v18 =	vld [tilespmem:s21+$0xFFFFFF60];
	_ =	sdelay $0x3  }
0x12c: {  	v19 =	vperm.xlane v63, v7  }
0x12d: {  	v25 =	vunpack.i.l.bf16.f32 v18  }
0x12e: {  	v18 =	vunpack.i.u.bf16.f32 v18;
	v22 =	vmul.f32 v19, v25  }
0x12f: {  	v18 =	vmul.f32 v19, v18  }
0x130: {  	[tilespmem:s22+$0xFFFFFEE0] =	vst v22  }
0x131: {  	[tilespmem:s22+$0xFFFFFEF0] =	vst v18  }
0x132: {  	v18 =	vld [tilespmem:s21+$0xFFFFFF70];
	_ =	sdelay $0x3  }
0x133: {  	v19 =	vperm.xlane v24, v7  }
0x134: {  	v26 =	vunpack.i.l.bf16.f32 v18  }
0x135: {  	v18 =	vunpack.i.u.bf16.f32 v18;
	v22 =	vmul.f32 v19, v26  }
0x136: {  	v18 =	vmul.f32 v19, v18  }
0x137: {  	[tilespmem:s22+$0xFFFFFF00] =	vst v22  }
0x138: {  	[tilespmem:s22+$0xFFFFFF10] =	vst v18  }
0x139: {  	v18 =	vld [tilespmem:s21+$0xFFFFFF88];
	_ =	sdelay $0x3  }
0x13a: {  	v19 =	vperm.xlane v63, v8  }
0x13b: {  	v27 =	vunpack.i.l.bf16.f32 v18  }
0x13c: {  	v18 =	vunpack.i.u.bf16.f32 v18;
	v22 =	vmul.f32 v19, v27  }
0x13d: {  	v18 =	vmul.f32 v19, v18  }
0x13e: {  	[tilespmem:s22+$0xFFFFFF28] =	vst v22  }
0x13f: {  	[tilespmem:s22+$0xFFFFFF38] =	vst v18  }
0x140: {  	v18 =	vld [tilespmem:s21+$0xFFFFFF98];
	_ =	sdelay $0x3  }
0x141: {  	v19 =	vperm.xlane v24, v8  }
0x142: {  	v28 =	vunpack.i.l.bf16.f32 v18  }
0x143: {  	v18 =	vunpack.i.u.bf16.f32 v18;
	v22 =	vmul.f32 v19, v28  }
0x144: {  	v18 =	vmul.f32 v19, v18  }
0x145: {  	[tilespmem:s22+$0xFFFFFF48] =	vst v22  }
0x146: {  	[tilespmem:s22+$0xFFFFFF58] =	vst v18  }
0x147: {  	v18 =	vld [tilespmem:s21+$0xFFFFFFB0];
	_ =	sdelay $0x3  }
0x148: {  	v19 =	vperm.xlane v63, v9  }
0x149: {  	v29 =	vunpack.i.l.bf16.f32 v18  }
0x14a: {  	v18 =	vunpack.i.u.bf16.f32 v18;
	v22 =	vmul.f32 v19, v29  }
0x14b: {  	v18 =	vmul.f32 v19, v18  }
0x14c: {  	[tilespmem:s22+$0xFFFFFF70] =	vst v22  }
0x14d: {  	[tilespmem:s22+$0xFFFFFF80] =	vst v18  }
0x14e: {  	v18 =	vld [tilespmem:s21+$0xFFFFFFC0];
	_ =	sdelay $0x3  }
0x14f: {  	v19 =	vperm.xlane v24, v9  }
0x150: {  	v30 =	vunpack.i.l.bf16.f32 v18  }
0x151: {  	v18 =	vunpack.i.u.bf16.f32 v18;
	v22 =	vmul.f32 v19, v30  }
0x152: {  	v18 =	vmul.f32 v19, v18  }
0x153: {  	[tilespmem:s22+$0xFFFFFF90] =	vst v22  }
0x154: {  	[tilespmem:s22+$0xFFFFFFA0] =	vst v18  }
0x155: {  	v18 =	vld [tilespmem:s21+$0xFFFFFFD8];
	_ =	sdelay $0x3  }
0x156: {  	v19 =	vperm.xlane v63, v10  }
0x157: {  	v31 =	vunpack.i.l.bf16.f32 v18  }
0x158: {  	v18 =	vunpack.i.u.bf16.f32 v18;
	v20 =	vmul.f32 v19, v31  }
0x159: {  	v18 =	vmul.f32 v19, v18  }
0x15a: {  	[tilespmem:s22+$0xFFFFFFB8] =	vst v20  }
0x15b: {  	[tilespmem:s22+$0xFFFFFFC8] =	vst v18  }
0x15c: {  	v18 =	vld [tilespmem:s21+$0xFFFFFFE8];
	_ =	sdelay $0x1  }
0x15d: {  	s26 =	sadd.s32 $0x8, s25;
	v19 =	vperm.xlane v17, v9  }
0x15e: {  	v32 =	vor.u32 s26, v7  }
0x15f: {  	v33 =	vmul.u32 $0x28, v32;
	v21 =	vperm.xlane v24, v10;
	v19 =	vshll.u32 v19, $0x2  }
0x160: {  	v19 =	vor.u32 v1, v19;
	v34 =	vunpack.i.l.bf16.f32 v18  }
0x161: {  	v35 =	vadd.s32 v13, v33;
	v18 =	vunpack.i.u.bf16.f32 v18;
	v23 =	vmul.f32 v21, v34  }
0x162: {  	v36 =	vadd.s32 v14, v33;
	v18 =	vmul.f32 v21, v18  }
0x163: {  	[tilespmem:s22+$0xFFFFFFD8] =	vst v23  }
0x164: {  	[tilespmem:s22+$0xFFFFFFE8] =	vst v18  }
0x165: {  	v18 =	vld.idx.msk [tilespmem:v19+s6+$0x0], $0xffff  }
0x166: {  	v19 =	vld.idx.msk [tilespmem:v35+s14+$0x0], $0xffff  }
0x167: {  	v21 =	vld.idx.msk [tilespmem:v36+s14+$0x0], $0xffff;
	_ =	sdelay $0x2  }
0x168: {  	v37 =	vunpack.i.l.bf16.f32 v18  }
0x169: {  	v18 =	vunpack.i.u.bf16.f32 v18;
	v19 =	vadd.f32 v37, v19  }
0x16a: {  	v18 =	vadd.f32 v18, v21  }
0x16b: {  	v38 =	vmul.f32 $2.000000030e-01, v19  }
0x16c: {  	v39 =	vmul.f32 $2.000000030e-01, v18  }
0x16d: {  	v19 =	vmax.f32 v19, v38  }
0x16e: {  	v18 =	vmax.f32 v18, v39;
	v19 =	vsub.f32 v19, v11  }
0x16f: {  	v18 =	vsub.f32 v18, v12  }
0x170: {  	v19 =	vmul.f32 $1.442695020e+00, v19  }
0x171: {  	v18 =	vmul.f32 $1.442695020e+00, v18  }
0x172: {  	(erf) = vpow2.f32 v19  }
0x173: {  	(erf) = vpow2.f32 v18;
	_ =	sdelay $0x1  }
0x174: {  	v18 =	vmul.u32 $0x48, v32;
	_ =	sdelay $0x1  }
0x175: {  	v19 =	vadd.s32 v15, v18  }
0x176: {  	v18 =	vadd.s32 v16, v18;
	_ =	sdelay $0x2  }
0x177: {  	v40 =	vpop (erf)  }
0x178: {  	v41 =	vpop (erf);
	[tilespmem:v19+s15+$0x0] =	vst.idx.msk $0xffff, v40  }
0x179: {  	[tilespmem:v18+s15+$0x0] =	vst.idx.msk $0xffff, v41  }
0x17a: {  	v18 =	vld [tilespmem:s21+$0x0];
	_ =	sdelay $0x3  }
0x17b: {  	v19 =	vperm.xlane v40, v7  }
0x17c: {  	v42 =	vunpack.i.l.bf16.f32 v18  }
0x17d: {  	v18 =	vunpack.i.u.bf16.f32 v18;
	v22 =	vmul.f32 v19, v42  }
0x17e: {  	v18 =	vmul.f32 v19, v18  }
0x17f: {  	[tilespmem:s22+$0x0] =	vst v22  }
0x180: {  	[tilespmem:s22+$0x10] =	vst v18  }
0x181: {  	v18 =	vld [tilespmem:s21+$0x10];
	_ =	sdelay $0x3  }
0x182: {  	v19 =	vperm.xlane v41, v7  }
0x183: {  	v43 =	vunpack.i.l.bf16.f32 v18  }
0x184: {  	v18 =	vunpack.i.u.bf16.f32 v18;
	v22 =	vmul.f32 v19, v43  }
0x185: {  	v18 =	vmul.f32 v19, v18  }
0x186: {  	[tilespmem:s22+$0x20] =	vst v22  }
0x187: {  	[tilespmem:s22+$0x30] =	vst v18  }
0x188: {  	v18 =	vld [tilespmem:s21+$0x28];
	_ =	sdelay $0x3  }
0x189: {  	v19 =	vperm.xlane v40, v8  }
0x18a: {  	v44 =	vunpack.i.l.bf16.f32 v18  }
0x18b: {  	v18 =	vunpack.i.u.bf16.f32 v18;
	v22 =	vmul.f32 v19, v44  }
0x18c: {  	v18 =	vmul.f32 v19, v18  }
0x18d: {  	[tilespmem:s22+$0x48] =	vst v22  }
0x18e: {  	[tilespmem:s22+$0x58] =	vst v18  }
0x18f: {  	v18 =	vld [tilespmem:s21+$0x38];
	_ =	sdelay $0x3  }
0x190: {  	v19 =	vperm.xlane v41, v8  }
0x191: {  	v45 =	vunpack.i.l.bf16.f32 v18  }
0x192: {  	v18 =	vunpack.i.u.bf16.f32 v18;
	v22 =	vmul.f32 v19, v45  }
0x193: {  	v18 =	vmul.f32 v19, v18  }
0x194: {  	[tilespmem:s22+$0x68] =	vst v22  }
0x195: {  	[tilespmem:s22+$0x78] =	vst v18  }
0x196: {  	v18 =	vld [tilespmem:s21+$0x50];
	_ =	sdelay $0x3  }
0x197: {  	v19 =	vperm.xlane v40, v9  }
0x198: {  	v46 =	vunpack.i.l.bf16.f32 v18  }
0x199: {  	v18 =	vunpack.i.u.bf16.f32 v18;
	v22 =	vmul.f32 v19, v46  }
0x19a: {  	v18 =	vmul.f32 v19, v18  }
0x19b: {  	[tilespmem:s22+$0x90] =	vst v22  }
0x19c: {  	[tilespmem:s22+$0xA0] =	vst v18  }
0x19d: {  	v18 =	vld [tilespmem:s21+$0x60];
	_ =	sdelay $0x3  }
0x19e: {  	v19 =	vperm.xlane v41, v9  }
0x19f: {  	v47 =	vunpack.i.l.bf16.f32 v18  }
0x1a0: {  	v18 =	vunpack.i.u.bf16.f32 v18;
	v22 =	vmul.f32 v19, v47  }
0x1a1: {  	v18 =	vmul.f32 v19, v18  }
0x1a2: {  	[tilespmem:s22+$0xB0] =	vst v22  }
0x1a3: {  	[tilespmem:s22+$0xC0] =	vst v18  }
0x1a4: {  	v18 =	vld [tilespmem:s21+$0x78];
	_ =	sdelay $0x3  }
0x1a5: {  	v19 =	vperm.xlane v40, v10  }
0x1a6: {  	v48 =	vunpack.i.l.bf16.f32 v18  }
0x1a7: {  	v18 =	vunpack.i.u.bf16.f32 v18;
	v20 =	vmul.f32 v19, v48  }
0x1a8: {  	v18 =	vmul.f32 v19, v18  }
0x1a9: {  	[tilespmem:s22+$0xD8] =	vst v20  }
0x1aa: {  	[tilespmem:s22+$0xE8] =	vst v18  }
0x1ab: {  	v18 =	vld [tilespmem:s21+$0x88];
	_ =	sdelay $0x1  }
0x1ac: {  	s26 =	sadd.s32 $0xC, s25;
	v17 =	vperm.xlane v17, v10  }
0x1ad: {  	v19 =	vor.u32 s26, v7  }
0x1ae: {  	v17 =	vshll.u32 v17, $0x2;
	v49 =	vperm.xlane v41, v10;
	v50 =	vmul.u32 $0x28, v19  }
0x1af: {  	v17 =	vor.u32 v1, v17;
	v51 =	vunpack.i.l.bf16.f32 v18  }
0x1b0: {  	v52 =	vadd.s32 v13, v50;
	v18 =	vunpack.i.u.bf16.f32 v18;
	v22 =	vmul.f32 v49, v51  }
0x1b1: {  	v53 =	vadd.s32 v14, v50;
	v18 =	vmul.f32 v49, v18  }
0x1b2: {  	[tilespmem:s22+$0xF8] =	vst v22  }
0x1b3: {  	[tilespmem:s22+$0x108] =	vst v18  }
0x1b4: {  	v17 =	vld.idx.msk [tilespmem:v17+s6+$0x0], $0xffff  }
0x1b5: {  	v18 =	vld.idx.msk [tilespmem:v52+s14+$0x0], $0xffff  }
0x1b6: {  	v20 =	vld.idx.msk [tilespmem:v53+s14+$0x0], $0xffff;
	_ =	sdelay $0x2  }
0x1b7: {  	v54 =	vunpack.i.l.bf16.f32 v17  }
0x1b8: {  	v17 =	vunpack.i.u.bf16.f32 v17;
	v18 =	vadd.f32 v54, v18  }
0x1b9: {  	v17 =	vadd.f32 v17, v20  }
0x1ba: {  	v55 =	vmul.f32 $2.000000030e-01, v18  }
0x1bb: {  	v56 =	vmul.f32 $2.000000030e-01, v17  }
0x1bc: {  	v18 =	vmax.f32 v18, v55  }
0x1bd: {  	v17 =	vmax.f32 v17, v56;
	v18 =	vsub.f32 v18, v11  }
0x1be: {  	v17 =	vsub.f32 v17, v12  }
0x1bf: {  	v18 =	vmul.f32 $1.442695020e+00, v18  }
0x1c0: {  	v17 =	vmul.f32 $1.442695020e+00, v17  }
0x1c1: {  	(erf) = vpow2.f32 v18  }
0x1c2: {  	(erf) = vpow2.f32 v17;
	_ =	sdelay $0x1  }
0x1c3: {  	v17 =	vmul.u32 $0x48, v19;
	_ =	sdelay $0x1  }
0x1c4: {  	v18 =	vadd.s32 v15, v17  }
0x1c5: {  	v17 =	vadd.s32 v16, v17;
	_ =	sdelay $0x2  }
0x1c6: {  	v19 =	vpop (erf)  }
0x1c7: {  	v57 =	vpop (erf);
	[tilespmem:v18+s15+$0x0] =	vst.idx.msk $0xffff, v19  }
0x1c8: {  	[tilespmem:v17+s15+$0x0] =	vst.idx.msk $0xffff, v57  }
0x1c9: {  	v17 =	vld [tilespmem:s21+$0xA0];
	_ =	sdelay $0x3  }
0x1ca: {  	v18 =	vperm.xlane v19, v7  }
0x1cb: {  	v58 =	vunpack.i.l.bf16.f32 v17  }
0x1cc: {  	v17 =	vunpack.i.u.bf16.f32 v17;
	v21 =	vmul.f32 v18, v58  }
0x1cd: {  	v17 =	vmul.f32 v18, v17  }
0x1ce: {  	[tilespmem:s22+$0x120] =	vst v21  }
0x1cf: {  	[tilespmem:s22+$0x130] =	vst v17  }
0x1d0: {  	v17 =	vld [tilespmem:s21+$0xB0];
	_ =	sdelay $0x3  }
0x1d1: {  	v18 =	vperm.xlane v57, v7  }
0x1d2: {  	v59 =	vunpack.i.l.bf16.f32 v17  }
0x1d3: {  	v17 =	vunpack.i.u.bf16.f32 v17;
	v21 =	vmul.f32 v18, v59  }
0x1d4: {  	v17 =	vmul.f32 v18, v17  }
0x1d5: {  	[tilespmem:s22+$0x140] =	vst v21  }
0x1d6: {  	[tilespmem:s22+$0x150] =	vst v17  }
0x1d7: {  	v17 =	vld [tilespmem:s21+$0xC8];
	_ =	sdelay $0x3  }
0x1d8: {  	v18 =	vperm.xlane v19, v8  }
0x1d9: {  	v60 =	vunpack.i.l.bf16.f32 v17  }
0x1da: {  	v17 =	vunpack.i.u.bf16.f32 v17;
	v21 =	vmul.f32 v18, v60  }
0x1db: {  	v17 =	vmul.f32 v18, v17  }
0x1dc: {  	[tilespmem:s22+$0x168] =	vst v21  }
0x1dd: {  	[tilespmem:s22+$0x178] =	vst v17  }
0x1de: {  	v17 =	vld [tilespmem:s21+$0xD8];
	_ =	sdelay $0x3  }
0x1df: {  	v18 =	vperm.xlane v57, v8  }
0x1e0: {  	v61 =	vunpack.i.l.bf16.f32 v17  }
0x1e1: {  	v17 =	vunpack.i.u.bf16.f32 v17;
	v21 =	vmul.f32 v18, v61  }
0x1e2: {  	v17 =	vmul.f32 v18, v17  }
0x1e3: {  	[tilespmem:s22+$0x188] =	vst v21  }
0x1e4: {  	[tilespmem:s22+$0x198] =	vst v17  }
0x1e5: {  	v17 =	vld [tilespmem:s21+$0xF0];
	_ =	sdelay $0x3  }
0x1e6: {  	v18 =	vperm.xlane v19, v9  }
0x1e7: {  	v62 =	vunpack.i.l.bf16.f32 v17  }
0x1e8: {  	v17 =	vunpack.i.u.bf16.f32 v17;
	v21 =	vmul.f32 v18, v62  }
0x1e9: {  	v17 =	vmul.f32 v18, v17  }
0x1ea: {  	[tilespmem:s22+$0x1B0] =	vst v21  }
0x1eb: {  	[tilespmem:s22+$0x1C0] =	vst v17  }
0x1ec: {  	v17 =	vld [tilespmem:s21+$0x100];
	_ =	sdelay $0x3  }
0x1ed: {  	v18 =	vperm.xlane v57, v9  }
0x1ee: {  	v63 =	vunpack.i.l.bf16.f32 v17  }
0x1ef: {  	v17 =	vunpack.i.u.bf16.f32 v17;
	v21 =	vmul.f32 v18, v63  }
0x1f0: {  	v17 =	vmul.f32 v18, v17  }
0x1f1: {  	[tilespmem:s22+$0x1D0] =	vst v21  }
0x1f2: {  	[tilespmem:s22+$0x1E0] =	vst v17  }
0x1f3: {  	v17 =	vld [tilespmem:s21+$0x118];
	_ =	sdelay $0x3  }
0x1f4: {  	v18 =	vperm.xlane v19, v10  }
0x1f5: {  	v19 =	vunpack.i.l.bf16.f32 v17  }
0x1f6: {  	v17 =	vunpack.i.u.bf16.f32 v17;
	v19 =	vmul.f32 v18, v19  }
0x1f7: {  	v17 =	vmul.f32 v18, v17  }
0x1f8: {  	[tilespmem:s22+$0x1F8] =	vst v19  }
0x1f9: {  	[tilespmem:s22+$0x208] =	vst v17  }
0x1fa: {  	v17 =	vld [tilespmem:s21+$0x128];
	_ =	sdelay $0x3  }
0x1fb: {  	p1 =	sne.s32 s25, $0x70;
	v18 =	vperm.xlane v57, v10  }
.Ltmp2:
0x1fc: {  	v19 =	vunpack.i.l.bf16.f32 v17;
	(pc) =	sbr.rel @p1 .LBB2_7-.Ltmp2, $4  }
0x1fd: {  	v17 =	vunpack.i.u.bf16.f32 v17;
	v19 =	vmul.f32 v18, v19  }
0x1fe: {  	v17 =	vmul.f32 v18, v17  }
0x1ff: {  	s20 =	sadd.s32 $0x10, s20;
	[tilespmem:s22+$0x218] =	vst v19  }
0x200: {  	s25 =	sadd.s32 $0x10, s25;
	s21 =	sadd.s32 $0x280, s21;
	[tilespmem:s22+$0x228] =	vst v17;
	s22 =	sadd.s32 $0x480, s22  }
0x201: {  	p1 =	sne.s32 s19, $0x52  }
.Ltmp3:
0x202: {  	_ = 	snop;
	(pc) =	sbr.rel @p1 .LBB2_4-.Ltmp3, $3  }
0x203: {  	_ =	sdelay $0x1  }
0x204: {  	[spmem:s3] =	stream.indirect.scatter.add.f32 [tilespmem:s24], [sflag:$0x2], $0x48, s23, s12, $0xb8;
	[tilespmem:$0x1F790] =	vst v63  }
0x205: {  	s18 =	sadd.s32 $0x80, s18;
	p0 =	por !p0, !p0;
	s21 =	smov.u32 s19  }
0x206: {  	_ =	swait.ge [sflag:s11], $0x2400  }
0x207: {  	[sflag:s11] =	ssyncset.done $0x0  }
0x208: {  	[sflag:s11] =	ssyncadd.s32 $0xFFFFDC00  }
0x209: {  	_ =	swait.ge [sflag:s11], $0x2400  }
0x20a: {  	[sflag:s11] =	ssyncset.done $0x0  }
0x20b: {  	[sflag:s11] =	ssyncadd.s32 $0xFFFFDC00  }
0x20c: {  	s18 =	stileid.u32;
	[bflag:$0x0] =	sbarrier.arrive $0xFFFF  }
0x20d: {  	s18 =	sshll.u32 s18, $0x6;
	s19 =	rddreg [dreg:$0x8]  }
0x20e: {  	s18 =	sor.u32 $0x1C03, s18;
	s20 =	rddreg [dreg:$0x15]  }
0x20f: {  	[hbm:s19], [sflag:s18] =	dma.local [spmem:s20], $0x1680  }
0x210: {  	_ =	swait.ge [sflag:s16], $0x1680  }
0x211: {  	s17 =	sadd.s32 $0x1, s17;
	s26 =	rddreg [dreg:$0x9]  }
0x212: {  	p0 =	sne.s32 s17, s26  }
.Ltmp4:
0x213: {  	_ = 	snop;
	(pc) =	sbr.rel @p0 .LBB2_1-.Ltmp4, $3  }
0x214: {  	_ =	sdelay $0x1  }
0x215: {  	[sflag:s16] =	ssyncset.done $0x0  }
0x216: {  	[sflag:s16] =	ssyncadd.s32 $0xFFFFE980  }
0x217: {  	_ =	sfence.sel $0x180000  }
0x218: {  	[bflag:$0x0] =	sbarrier.arrive $0xFFFF  }
0x219: {  	_ =	strace $0x90000047  }
0x21a: {  	s0 =	stileid.u32;
	[bflag:$0x2] =	sbarrier.arrive $0xFFFF  }
0x21b: {  	p0 =	sne.s32 s0, $0x0;
	s0 =	rddreg [dreg:$0x3]  }
0x21c: {  	s0 =	sadd.s32 @!p0 $0x100000, s0  }
0x21d: {  	[sflag:s0] =	ssyncadd.tile.s32 @!p0 $0x1;
	_ =	shalt  }
.Lfunc_end2:
_tile_overlayer_lowered:
.L_overlay_start_2:
0x21e: {  	(tag) =	ssettag $0x2  }
0x21f: {  	s0 =	rddreg [dreg:$0x0];
	s2 =	stileid.u32  }
0x220: {  	s1 =	rddreg [dreg:$0x1];
	p0 =	sne.s32 s2, $0x0  }
0x221: {  	s3 =	rddreg [dreg:$0x2];
	[bflag:$0x3] =	sbarrier.arrive $0xFFFF;
	s2 =	simm.s32 @!p0 $0x1C03  }
0x222: {  	[timem:s3], [sflag:s2] =	dma.local @!p0 [hbm:s0], s1  }
0x223: {  	s0 =	simm.s32 @!p0 $0x3  }
0x224: {  	_ =	swait.ge @!p0 [sflag:s0], s1  }
0x225: {  	s1 =	ssub.s32 @!p0 $0x0, s1;
	[sflag:s0] =	ssyncset.done @!p0 $0x0  }
0x226: {  	[sflag:s0] =	ssyncadd.s32 @!p0 s1  }
0x227: {  	[bflag:$0x3] =	sbarrier.arrive $0xFFFF  }
0x228: {  	_ =	shalt  }

</sc_bundles>
